<compile_context>
chip_gen: v7x
topology: tpu7x:2x2x1
jax: 0.10.2.dev20260603
libtpu: 0.0.44.dev20260713+nightly
codegen_flags: <defaults>
</compile_context>

<pallas_src>
import jax
import jax.numpy as jnp
from jax import lax
from jax.experimental import pallas as pl
from jax.experimental.pallas import tpu as pltpu
from jax.experimental.pallas import tpu_sc as plsc

N = 10000
E = 160000
D = 256
NC = 2
NS = 16
L = 16
HALF = D // NC
NP = 10240
CH = 128
NG = 10
NCHUNK = NG * 8
EP = NS * NCHUNK * CH
TRASH = N

_mesh = plsc.VectorSubcoreMesh(
    core_axis_name="c", subcore_axis_name="s", num_cores=NC, num_subcores=NS
)


NG2 = (NS * NG) // (NC * NS)


def _deg_body(row_hbm, col_hbm, deg_hbm, ricb, cicb, wbuf, zbuf, deg_sh,
              semw0, semw1, semw2, semw3, semi):
    cid = lax.axis_index("c")
    sid = lax.axis_index("s")
    wid2 = cid * NS + sid
    semw = (semw0, semw1, semw2, semw3)
    zero16 = jnp.zeros((L,), jnp.float32)

    def zz(i, c):
        zbuf[pl.ds(i * L, L)] = zero16
        return c

    lax.fori_loop(0, 640 // L, zz, 0)
    pltpu.sync_copy(zbuf, deg_sh.at[pl.ds(sid * 640, 640)])
    plsc.subcore_barrier()

    def wait_w(b):
        pltpu.make_async_copy(wbuf.at[b], deg_sh.at[pl.ds(0, CH)],
                              semw[b]).wait()

    pltpu.sync_copy(row_hbm.at[wid2 * NG2], ricb.at[0])
    pltpu.sync_copy(col_hbm.at[wid2 * NG2], cicb.at[0])
    pltpu.async_copy(row_hbm.at[wid2 * NG2 + 1], ricb.at[1], semi)
    pltpu.async_copy(col_hbm.at[wid2 * NG2 + 1], cicb.at[1], semi)

    def body(t, c):
        for b in range(4):
            j = 4 * t + b
            g = j // 8
            r = j % 8
            ib = g % 2

            @pl.when(j >= 4)
            def _():
                wait_w(b)

            @pl.when(jnp.logical_and(
                r == 3, jnp.logical_and(g >= 1, g < NG2 - 1)))
            def _():
                pltpu.async_copy(row_hbm.at[wid2 * NG2 + g + 1],
                                 ricb.at[1 - ib], semi)
                pltpu.async_copy(col_hbm.at[wid2 * NG2 + g + 1],
                                 cicb.at[1 - ib], semi)

            @pl.when(jnp.logical_and(r == 6, g < NG2 - 1))
            def _():
                pltpu.make_async_copy(row_hbm.at[0], ricb.at[0], semi).wait()
                pltpu.make_async_copy(col_hbm.at[0], cicb.at[0], semi).wait()

            for i in range(CH // L):
                cc = cicb[ib, r, pl.ds(i * L, L)]
                wbuf[b, pl.ds(i * L, L)] = jnp.where(cc != TRASH, 1.0, 0.0)
            pltpu.async_copy(wbuf.at[b], deg_sh.at[ricb.at[ib, r]], semw[b],
                             add=True)
        return c

    lax.fori_loop(0, NG2 * 8 // 4, body, 0)
    for b in range(4):
        wait_w(b)
    plsc.subcore_barrier()

    pltpu.sync_copy(deg_sh.at[pl.ds(sid * 640, 640)], zbuf)
    pltpu.sync_copy(zbuf, deg_hbm.at[pl.ds(cid * NP + sid * 640, 640)])


_deg_call = pl.kernel(
    _deg_body,
    out_type=jax.ShapeDtypeStruct((NC * NP,), jnp.float32),
    mesh=_mesh,
    scratch_types=[
        pltpu.VMEM((2, 8, CH), jnp.int32),
        pltpu.VMEM((2, 8, CH), jnp.int32),
        pltpu.VMEM((4, CH), jnp.float32),
        pltpu.VMEM((640,), jnp.float32),
        pltpu.VMEM_SHARED((NP,), jnp.float32),
        pltpu.SemaphoreType.DMA,
        pltpu.SemaphoreType.DMA,
        pltpu.SemaphoreType.DMA,
        pltpu.SemaphoreType.DMA,
        pltpu.SemaphoreType.DMA,
    ],
)


_R = 640
_NB = NP // _R


def _y_body(x_ref, d0_ref, d1_ref, y_ref):
    deg = d0_ref[...] + d1_ref[...]
    y_ref[...] = x_ref[...] * lax.rsqrt(deg + 1.0)


def _y_call(x, d0, d1):
    return pl.pallas_call(
        _y_body,
        grid=(NC, _NB),
        in_specs=[
            pl.BlockSpec((_R, HALF), lambda h, b: (b, h)),
            pl.BlockSpec((_R, 1), lambda h, b: (b, 0)),
            pl.BlockSpec((_R, 1), lambda h, b: (b, 0)),
        ],
        out_specs=pl.BlockSpec((_R, HALF), lambda h, b: (h * _NB + b, 0)),
        out_shape=jax.ShapeDtypeStruct((NC * NP, HALF), jnp.float32),
    )(x, d0, d1)


CHM = 64
NGM = 20
NCHM = NGM * 8


def _main_body(y_hbm, row_hbm, col_hbm, out_hbm, ricb, cicb, gbuf, acc_sh,
               semg0, semg1, semg2, semg3, sems0, sems1, sems2, sems3, semi):
    cid = lax.axis_index("c")
    sid = lax.axis_index("s")
    wid2 = cid * NS + sid
    semg = (semg0, semg1, semg2, semg3)
    sems = (sems0, sems1, sems2, sems3)
    pltpu.sync_copy(y_hbm.at[pl.ds(cid * NP + sid * 640, 640)],
                    acc_sh.at[pl.ds(sid * 640, 640)])
    plsc.subcore_barrier()

    def wait_g(b):
        pltpu.make_async_copy(y_hbm.at[pl.ds(0, CHM)], gbuf.at[b],
                              semg[b]).wait()

    def wait_s(b):
        pltpu.make_async_copy(gbuf.at[b], acc_sh.at[pl.ds(0, CHM)],
                              sems[b]).wait()

    pltpu.sync_copy(row_hbm.at[wid2 * NGM], ricb.at[0])
    pltpu.sync_copy(col_hbm.at[sid * NGM], cicb.at[0])
    pltpu.async_copy(row_hbm.at[wid2 * NGM + 1], ricb.at[1], semi)
    pltpu.async_copy(col_hbm.at[sid * NGM + 1], cicb.at[1], semi)
    pltpu.async_copy(y_hbm.at[ricb.at[0, 0]], gbuf.at[0], semg0)
    pltpu.async_copy(y_hbm.at[ricb.at[0, 1]], gbuf.at[1], semg1)

    def body(t, c):
        for b in range(4):
            j = 4 * t + b
            g = j // 8
            r = j % 8
            ib = g % 2
            bb = (b + 2) % 4

            @pl.when(jnp.logical_and(r == 6, g < NGM - 1))
            def _():
                pltpu.make_async_copy(row_hbm.at[0], ricb.at[0], semi).wait()
                pltpu.make_async_copy(col_hbm.at[0], cicb.at[0], semi).wait()

            @pl.when(j >= 2)
            def _():
                wait_s(bb)

            @pl.when(j + 2 < NCHM)
            def _():
                j2 = j + 2
                ib2 = (j2 // 8) % 2
                r2 = j2 % 8
                pltpu.async_copy(y_hbm.at[ricb.at[ib2, r2]], gbuf.at[bb],
                                 semg[bb])

            wait_g(b)
            pltpu.async_copy(gbuf.at[b], acc_sh.at[cicb.at[ib, r]], sems[b],
                             add=True)

            @pl.when(jnp.logical_and(
                r == 2, jnp.logical_and(g >= 1, g < NGM - 1)))
            def _():
                pltpu.async_copy(row_hbm.at[wid2 * NGM + g + 1],
                                 ricb.at[1 - ib], semi)
                pltpu.async_copy(col_hbm.at[sid * NGM + g + 1],
                                 cicb.at[1 - ib], semi)
        return c

    lax.fori_loop(0, NCHM // 4, body, 0)
    wait_s(2)
    wait_s(3)
    plsc.subcore_barrier()
    pltpu.sync_copy(acc_sh.at[pl.ds(sid * 640, 640)],
                    out_hbm.at[pl.ds(cid * NP + sid * 640, 640)])


_main_call = pl.kernel(
    _main_body,
    out_type=jax.ShapeDtypeStruct((NC * NP, HALF), jnp.float32),
    mesh=_mesh,
    scratch_types=[
        pltpu.VMEM((2, 8, CHM), jnp.int32),
        pltpu.VMEM((2, 8, CHM), jnp.int32),
        pltpu.VMEM((4, CHM, HALF), jnp.float32),
        pltpu.VMEM_SHARED((NP, HALF), jnp.float32),
        pltpu.SemaphoreType.DMA,
        pltpu.SemaphoreType.DMA,
        pltpu.SemaphoreType.DMA,
        pltpu.SemaphoreType.DMA,
        pltpu.SemaphoreType.DMA,
        pltpu.SemaphoreType.DMA,
        pltpu.SemaphoreType.DMA,
        pltpu.SemaphoreType.DMA,
        pltpu.SemaphoreType.DMA,
    ],
)


def _scale_body(acc_ref, d0_ref, d1_ref, out_ref):
    deg = d0_ref[...] + d1_ref[...]
    out_ref[...] = acc_ref[...] * lax.rsqrt(deg + 1.0)


def _scale_call(acc, d0, d1):
    return pl.pallas_call(
        _scale_body,
        grid=(NC, _NB),
        in_specs=[
            pl.BlockSpec((_R, HALF), lambda h, b: (h * _NB + b, 0)),
            pl.BlockSpec((_R, 1), lambda h, b: (b, 0)),
            pl.BlockSpec((_R, 1), lambda h, b: (b, 0)),
        ],
        out_specs=pl.BlockSpec((_R, HALF), lambda h, b: (b, h)),
        out_shape=jax.ShapeDtypeStruct((N, D), jnp.float32),
    )(acc, d0, d1)


def kernel(x, edge_index):
    row = edge_index[0].astype(jnp.int32)
    col = edge_index[1].astype(jnp.int32)
    col = jnp.where(row == col, TRASH, col)
    pad = EP - E
    row_p = jnp.concatenate([row, jnp.zeros((pad,), jnp.int32)])
    col_p = jnp.concatenate([col, jnp.full((pad,), TRASH, jnp.int32)])
    row3 = row_p.reshape(NS * NG, 8, CH)
    col3 = col_p.reshape(NS * NG, 8, CH)
    col3m = col_p.reshape(NS * NGM, 8, CHM)
    row2 = (row_p[None, :]
            + (jnp.arange(NC, dtype=jnp.int32) * NP)[:, None]).reshape(
                NC * NS * NGM, 8, CHM)
    deg1 = _deg_call(row3, col3)
    d0 = deg1[:NP].reshape(NP, 1)
    d1 = deg1[NP:].reshape(NP, 1)
    y2 = _y_call(x, d0, d1)
    acc = _main_call(y2, row2, col3m)
    return _scale_call(acc, d0, d1)

# --- scband reference (transcript-rebuilt; emitter-appended) ---
"""Pipeline reference for scband-one-hop-gcnnorm-node-label-aggregator-88235808129715 (READ-ONLY COPY).

The authoritative reference and input builder live on the scoring server;
editing this copy changes nothing except your own understanding.
"""

import jax, jax.numpy as jnp
import numpy as np

N_NODES = 10000
N_EDGES = 160000
D_FEAT = 256


def setup_inputs(seed: int = 0) -> dict:
    key = jax.random.key(seed)
    k1, k2 = jax.random.split(key)
    x = jax.random.normal(k1, (N_NODES, D_FEAT), dtype=jnp.float32)
    edge_index = jax.random.randint(k2, (2, N_EDGES), 0, N_NODES, dtype=jnp.int64)
    return {"x": x, "edge_index": edge_index}


def reference(x, edge_index):
    # Faithful translation of SparseTensor.from_edge_index + gcn_norm + adj_norm.t().matmul(x)
    # gcn_norm on a SparseTensor (add_self_loops=True):
    #   1) fill_diag(adj, 1.0): existing diagonal entries are replaced by a single 1 per node
    #   2) deg = row-sum; deg_inv_sqrt = deg**-0.5 (inf -> 0)
    #   3) adj_norm[i,j] = deg_inv_sqrt[i] * adj[i,j] * deg_inv_sqrt[j]
    # Then out = adj_norm.T @ x, i.e. out[j] = sum_i adj_norm[i,j] * x[i]
    N = x.shape[0]
    row = edge_index[0]
    col = edge_index[1]
    # fill_diag semantics: zero out existing self-loop entries, then add a fresh diagonal of ones
    w = jnp.where(row == col, 0.0, 1.0).astype(x.dtype)
    self_idx = jnp.arange(N, dtype=row.dtype)
    row_full = jnp.concatenate([row, self_idx])
    col_full = jnp.concatenate([col, self_idx])
    w_full = jnp.concatenate([w, jnp.ones((N,), dtype=x.dtype)])
    deg = jax.ops.segment_sum(w_full, row_full, num_segments=N)
    deg_inv_sqrt = jnp.where(deg > 0, deg ** -0.5, 0.0)
    ew = deg_inv_sqrt[row_full] * w_full * deg_inv_sqrt[col_full]
    # adj_norm.t().matmul(x): scatter-add contributions of source features onto destination nodes
    x_neighbors = jax.ops.segment_sum(ew[:, None] * x[row_full], col_full, num_segments=N)
    return x_neighbors

if __name__ == "__main__":
    import jax
    _d = setup_inputs()
    print(jax.jit(kernel)(*tuple(_d.values())))

</pallas_src>

<mosaic_0001>
#map = affine_map<(d0, d1) -> (0, 0, 0)>
#map1 = affine_map<(d0, d1) -> (0)>
module attributes {stable_mosaic.version = 14 : i64} {
  func.func @_deg_body(%arg0: i32, %arg1: i32, %arg2: memref<160x8x128xi32, #tpu.memory_space<hbm>>, %arg3: memref<160x8x128xi32, #tpu.memory_space<hbm>>, %arg4: memref<20480xf32, #tpu.memory_space<hbm>>, %arg5: memref<2x8x128xi32, #tpu.memory_space<vmem>>, %arg6: memref<2x8x128xi32, #tpu.memory_space<vmem>>, %arg7: memref<4x128xf32, #tpu.memory_space<vmem>>, %arg8: memref<640xf32, #tpu.memory_space<vmem>>, %arg9: memref<10240xf32, #tpu.memory_space<vmem_shared>>, %arg10: memref<!tpu.dma_semaphore, #tpu.memory_space<semaphore_mem>>, %arg11: memref<!tpu.dma_semaphore, #tpu.memory_space<semaphore_mem>>, %arg12: memref<!tpu.dma_semaphore, #tpu.memory_space<semaphore_mem>>, %arg13: memref<!tpu.dma_semaphore, #tpu.memory_space<semaphore_mem>>, %arg14: memref<!tpu.dma_semaphore, #tpu.memory_space<semaphore_mem>>) attributes {dimension_semantics = [#tpu.dimension_semantics<core_parallel>, #tpu.dimension_semantics<subcore_parallel>], iteration_bounds = array<i64: 2, 16>, scalar_prefetch = 0 : i64, scratch_operands = 10 : i64, tpu.core_type = #tpu.core_type<sc_vector_subcore>, window_params = [{transform_indices = #map}, {transform_indices = #map}, {transform_indices = #map1}]} {
    %mul3A = arith.constant 16 : i32
    %mul3A_0 = arith.muli %arg0, %mul3A : i32
    %add3A = arith.addi %mul3A_0, %arg1 : i32
    %broadcast_in_dim3A = arith.constant 0.000000e+00 : f32
    %broadcast_in_dim3A_1 = vector.broadcast %broadcast_in_dim3A : f32 to vector<16xf32>
    %scan3A = arith.constant 0 : i32
    %scan3A_2 = arith.constant 0 : i32
    %scan3A_3 = arith.constant 40 : i32
    %scan3A_4 = arith.addi %scan3A_2, %scan3A_3 : i32
    %scan3A_5 = arith.constant 1 : i32
    scf.for %scan3A_112 = %scan3A_2 to %scan3A_4 step %scan3A_5  : i32 {
      %mul3A_113 = arith.constant 16 : i32
      %mul3A_114 = arith.muli %scan3A_112, %mul3A_113 : i32
      %swap3A = arith.index_cast %mul3A_114 : i32 to index
      %swap3A_115 = tpu.vector_load %arg8[%swap3A] {strides = array<i32>} : memref<640xf32, #tpu.memory_space<vmem>>, vector<16xf32>,
      %swap3A_116 = vector.shape_cast %swap3A_115 : vector<16xf32> to vector<16xf32>
      %swap3A_117 = vector.shape_cast %broadcast_in_dim3A_1 : vector<16xf32> to vector<16xf32>
      tpu.vector_store %arg8[%swap3A], %swap3A_117 {strides = array<i32>} : memref<640xf32, #tpu.memory_space<vmem>>, vector<16xf32>,
    }
    %scan3A_6 = arith.constant 40 : i32
    %mul3A_7 = arith.constant 640 : i32
    %mul3A_8 = arith.muli %arg1, %mul3A_7 : i32
    "tpu.region"() ({
      %run_scoped3A_112 = tpu.sem_alloc : memref<!tpu.dma_semaphore, #tpu.memory_space<semaphore_mem>>
      %dma_start3A_113 = tpu.memref_slice %arg9[%mul3A_8] : memref<10240xf32, #tpu.memory_space<vmem_shared>> -> memref<640xf32, #tpu.memory_space<vmem_shared>>
      %dma_start3A_114 = tpu.memref_slice %arg9[%mul3A_8] : memref<10240xf32, #tpu.memory_space<vmem_shared>> -> memref<640xf32, #tpu.memory_space<vmem_shared>>
      tpu.enqueue_dma source(%arg8 : memref<640xf32, #tpu.memory_space<vmem>>) target(%dma_start3A_114 : memref<640xf32, #tpu.memory_space<vmem_shared>>) target_semaphore(%run_scoped3A_112 : memref<!tpu.dma_semaphore, #tpu.memory_space<semaphore_mem>>)
      %dma_wait3A_115 = tpu.memref_slice %arg9[%mul3A_8] : memref<10240xf32, #tpu.memory_space<vmem_shared>> -> memref<640xf32, #tpu.memory_space<vmem_shared>>
      %dma_wait3A_116 = tpu.memref_slice %arg9[%mul3A_8] : memref<10240xf32, #tpu.memory_space<vmem_shared>> -> memref<640xf32, #tpu.memory_space<vmem_shared>>
      tpu.wait_dma2 semaphore(%run_scoped3A_112 : memref<!tpu.dma_semaphore, #tpu.memory_space<semaphore_mem>>) src(%arg8 : memref<640xf32, #tpu.memory_space<vmem>>) dst(%dma_wait3A_116 : memref<640xf32, #tpu.memory_space<vmem_shared>>)
      tpu.yield
    }) : () -> ()
    %barrier3A = arith.constant 0 : index
    tpu.barrier barrier_id(%barrier3A)
    %mul3A_9 = arith.constant 5 : i32
    %mul3A_10 = arith.muli %add3A, %mul3A_9 : i32
    %run_scoped3A = arith.constant 0 : i32
    "tpu.region"() ({
      %run_scoped3A_112 = tpu.sem_alloc : memref<!tpu.dma_semaphore, #tpu.memory_space<semaphore_mem>>
      %dma_start3A_113 = arith.constant 0 : i32
      %dma_start3A_114 = arith.constant 0 : i32
      %dma_start3A_115 = tpu.memref_slice %arg5[%run_scoped3A, %dma_start3A_113, %dma_start3A_114] : memref<2x8x128xi32, #tpu.memory_space<vmem>> -> memref<1x8x128xi32, #tpu.memory_space<vmem>>
      %dma_start3A_116 = tpu.memref_squeeze %dma_start3A_115 : memref<1x8x128xi32, #tpu.memory_space<vmem>> -> memref<8x128xi32, #tpu.memory_space<vmem>>
      %dma_start3A_117 = arith.constant 0 : i32
      %dma_start3A_118 = arith.constant 0 : i32
      %dma_start3A_119 = tpu.memref_slice %arg2[%mul3A_10, %dma_start3A_117, %dma_start3A_118] : memref<160x8x128xi32, #tpu.memory_space<hbm>> -> memref<1x8x128xi32, #tpu.memory_space<hbm>>
      %dma_start3A_120 = tpu.memref_squeeze %dma_start3A_119 : memref<1x8x128xi32, #tpu.memory_space<hbm>> -> memref<8x128xi32, #tpu.memory_space<hbm>>
      %dma_start3A_121 = arith.constant 0 : i32
      %dma_start3A_122 = arith.constant 0 : i32
      %dma_start3A_123 = tpu.memref_slice %arg5[%run_scoped3A, %dma_start3A_121, %dma_start3A_122] : memref<2x8x128xi32, #tpu.memory_space<vmem>> -> memref<1x8x128xi32, #tpu.memory_space<vmem>>
      %dma_start3A_124 = tpu.memref_squeeze %dma_start3A_123 : memref<1x8x128xi32, #tpu.memory_space<vmem>> -> memref<8x128xi32, #tpu.memory_space<vmem>>
      %dma_start3A_125 = arith.constant 0 : i32
      %dma_start3A_126 = arith.constant 0 : i32
      %dma_start3A_127 = tpu.memref_slice %arg2[%mul3A_10, %dma_start3A_125, %dma_start3A_126] : memref<160x8x128xi32, #tpu.memory_space<hbm>> -> memref<1x8x128xi32, #tpu.memory_space<hbm>>
      %dma_start3A_128 = tpu.memref_squeeze %dma_start3A_127 : memref<1x8x128xi32, #tpu.memory_space<hbm>> -> memref<8x128xi32, #tpu.memory_space<hbm>>
      tpu.enqueue_dma source(%dma_start3A_128 : memref<8x128xi32, #tpu.memory_space<hbm>>) target(%dma_start3A_124 : memref<8x128xi32, #tpu.memory_space<vmem>>) target_semaphore(%run_scoped3A_112 : memref<!tpu.dma_semaphore, #tpu.memory_space<semaphore_mem>>)
      %dma_wait3A_129 = arith.constant 0 : i32
      %dma_wait3A_130 = arith.constant 0 : i32
      %dma_wait3A_131 = tpu.memref_slice %arg5[%run_scoped3A, %dma_wait3A_129, %dma_wait3A_130] : memref<2x8x128xi32, #tpu.memory_space<vmem>> -> memref<1x8x128xi32, #tpu.memory_space<vmem>>
      %dma_wait3A_132 = tpu.memref_squeeze %dma_wait3A_131 : memref<1x8x128xi32, #tpu.memory_space<vmem>> -> memref<8x128xi32, #tpu.memory_space<vmem>>
      %dma_wait3A_133 = arith.constant 0 : i32
      %dma_wait3A_134 = arith.constant 0 : i32
      %dma_wait3A_135 = tpu.memref_slice %arg2[%mul3A_10, %dma_wait3A_133, %dma_wait3A_134] : memref<160x8x128xi32, #tpu.memory_space<hbm>> -> memref<1x8x128xi32, #tpu.memory_space<hbm>>
      %dma_wait3A_136 = tpu.memref_squeeze %dma_wait3A_135 : memref<1x8x128xi32, #tpu.memory_space<hbm>> -> memref<8x128xi32, #tpu.memory_space<hbm>>
      %dma_wait3A_137 = arith.constant 0 : i32
      %dma_wait3A_138 = arith.constant 0 : i32
      %dma_wait3A_139 = tpu.memref_slice %arg5[%run_scoped3A, %dma_wait3A_137, %dma_wait3A_138] : memref<2x8x128xi32, #tpu.memory_space<vmem>> -> memref<1x8x128xi32, #tpu.memory_space<vmem>>
      %dma_wait3A_140 = tpu.memref_squeeze %dma_wait3A_139 : memref<1x8x128xi32, #tpu.memory_space<vmem>> -> memref<8x128xi32, #tpu.memory_space<vmem>>
      %dma_wait3A_141 = arith.constant 0 : i32
      %dma_wait3A_142 = arith.constant 0 : i32
      %dma_wait3A_143 = tpu.memref_slice %arg2[%mul3A_10, %dma_wait3A_141, %dma_wait3A_142] : memref<160x8x128xi32, #tpu.memory_space<hbm>> -> memref<1x8x128xi32, #tpu.memory_space<hbm>>
      %dma_wait3A_144 = tpu.memref_squeeze %dma_wait3A_143 : memref<1x8x128xi32, #tpu.memory_space<hbm>> -> memref<8x128xi32, #tpu.memory_space<hbm>>
      tpu.wait_dma2 semaphore(%run_scoped3A_112 : memref<!tpu.dma_semaphore, #tpu.memory_space<semaphore_mem>>) src(%dma_wait3A_144 : memref<8x128xi32, #tpu.memory_space<hbm>>) dst(%dma_wait3A_140 : memref<8x128xi32, #tpu.memory_space<vmem>>)
      tpu.yield
    }) : () -> ()
    %mul3A_11 = arith.constant 5 : i32
    %mul3A_12 = arith.muli %add3A, %mul3A_11 : i32
    %run_scoped3A_13 = arith.constant 0 : i32
    "tpu.region"() ({
      %run_scoped3A_112 = tpu.sem_alloc : memref<!tpu.dma_semaphore, #tpu.memory_space<semaphore_mem>>
      %dma_start3A_113 = arith.constant 0 : i32
      %dma_start3A_114 = arith.constant 0 : i32
      %dma_start3A_115 = tpu.memref_slice %arg6[%run_scoped3A_13, %dma_start3A_113, %dma_start3A_114] : memref<2x8x128xi32, #tpu.memory_space<vmem>> -> memref<1x8x128xi32, #tpu.memory_space<vmem>>
      %dma_start3A_116 = tpu.memref_squeeze %dma_start3A_115 : memref<1x8x128xi32, #tpu.memory_space<vmem>> -> memref<8x128xi32, #tpu.memory_space<vmem>>
      %dma_start3A_117 = arith.constant 0 : i32
      %dma_start3A_118 = arith.constant 0 : i32
      %dma_start3A_119 = tpu.memref_slice %arg3[%mul3A_12, %dma_start3A_117, %dma_start3A_118] : memref<160x8x128xi32, #tpu.memory_space<hbm>> -> memref<1x8x128xi32, #tpu.memory_space<hbm>>
      %dma_start3A_120 = tpu.memref_squeeze %dma_start3A_119 : memref<1x8x128xi32, #tpu.memory_space<hbm>> -> memref<8x128xi32, #tpu.memory_space<hbm>>
      %dma_start3A_121 = arith.constant 0 : i32
      %dma_start3A_122 = arith.constant 0 : i32
      %dma_start3A_123 = tpu.memref_slice %arg6[%run_scoped3A_13, %dma_start3A_121, %dma_start3A_122] : memref<2x8x128xi32, #tpu.memory_space<vmem>> -> memref<1x8x128xi32, #tpu.memory_space<vmem>>
      %dma_start3A_124 = tpu.memref_squeeze %dma_start3A_123 : memref<1x8x128xi32, #tpu.memory_space<vmem>> -> memref<8x128xi32, #tpu.memory_space<vmem>>
      %dma_start3A_125 = arith.constant 0 : i32
      %dma_start3A_126 = arith.constant 0 : i32
      %dma_start3A_127 = tpu.memref_slice %arg3[%mul3A_12, %dma_start3A_125, %dma_start3A_126] : memref<160x8x128xi32, #tpu.memory_space<hbm>> -> memref<1x8x128xi32, #tpu.memory_space<hbm>>
      %dma_start3A_128 = tpu.memref_squeeze %dma_start3A_127 : memref<1x8x128xi32, #tpu.memory_space<hbm>> -> memref<8x128xi32, #tpu.memory_space<hbm>>
      tpu.enqueue_dma source(%dma_start3A_128 : memref<8x128xi32, #tpu.memory_space<hbm>>) target(%dma_start3A_124 : memref<8x128xi32, #tpu.memory_space<vmem>>) target_semaphore(%run_scoped3A_112 : memref<!tpu.dma_semaphore, #tpu.memory_space<semaphore_mem>>)
      %dma_wait3A_129 = arith.constant 0 : i32
      %dma_wait3A_130 = arith.constant 0 : i32
      %dma_wait3A_131 = tpu.memref_slice %arg6[%run_scoped3A_13, %dma_wait3A_129, %dma_wait3A_130] : memref<2x8x128xi32, #tpu.memory_space<vmem>> -> memref<1x8x128xi32, #tpu.memory_space<vmem>>
      %dma_wait3A_132 = tpu.memref_squeeze %dma_wait3A_131 : memref<1x8x128xi32, #tpu.memory_space<vmem>> -> memref<8x128xi32, #tpu.memory_space<vmem>>
      %dma_wait3A_133 = arith.constant 0 : i32
      %dma_wait3A_134 = arith.constant 0 : i32
      %dma_wait3A_135 = tpu.memref_slice %arg3[%mul3A_12, %dma_wait3A_133, %dma_wait3A_134] : memref<160x8x128xi32, #tpu.memory_space<hbm>> -> memref<1x8x128xi32, #tpu.memory_space<hbm>>
      %dma_wait3A_136 = tpu.memref_squeeze %dma_wait3A_135 : memref<1x8x128xi32, #tpu.memory_space<hbm>> -> memref<8x128xi32, #tpu.memory_space<hbm>>
      %dma_wait3A_137 = arith.constant 0 : i32
      %dma_wait3A_138 = arith.constant 0 : i32
      %dma_wait3A_139 = tpu.memref_slice %arg6[%run_scoped3A_13, %dma_wait3A_137, %dma_wait3A_138] : memref<2x8x128xi32, #tpu.memory_space<vmem>> -> memref<1x8x128xi32, #tpu.memory_space<vmem>>
      %dma_wait3A_140 = tpu.memref_squeeze %dma_wait3A_139 : memref<1x8x128xi32, #tpu.memory_space<vmem>> -> memref<8x128xi32, #tpu.memory_space<vmem>>
      %dma_wait3A_141 = arith.constant 0 : i32
      %dma_wait3A_142 = arith.constant 0 : i32
      %dma_wait3A_143 = tpu.memref_slice %arg3[%mul3A_12, %dma_wait3A_141, %dma_wait3A_142] : memref<160x8x128xi32, #tpu.memory_space<hbm>> -> memref<1x8x128xi32, #tpu.memory_space<hbm>>
      %dma_wait3A_144 = tpu.memref_squeeze %dma_wait3A_143 : memref<1x8x128xi32, #tpu.memory_space<hbm>> -> memref<8x128xi32, #tpu.memory_space<hbm>>
      tpu.wait_dma2 semaphore(%run_scoped3A_112 : memref<!tpu.dma_semaphore, #tpu.memory_space<semaphore_mem>>) src(%dma_wait3A_144 : memref<8x128xi32, #tpu.memory_space<hbm>>) dst(%dma_wait3A_140 : memref<8x128xi32, #tpu.memory_space<vmem>>)
      tpu.yield
    }) : () -> ()
    %mul3A_14 = arith.constant 5 : i32
    %mul3A_15 = arith.muli %add3A, %mul3A_14 : i32
    %add3A_16 = arith.constant 1 : i32
    %add3A_17 = arith.addi %mul3A_15, %add3A_16 : i32
    %dma_start3A = arith.constant 1 : i32
    %dma_start3A_18 = arith.constant 0 : i32
    %dma_start3A_19 = arith.constant 0 : i32
    %dma_start3A_20 = tpu.memref_slice %arg5[%dma_start3A, %dma_start3A_18, %dma_start3A_19] : memref<2x8x128xi32, #tpu.memory_space<vmem>> -> memref<1x8x128xi32, #tpu.memory_space<vmem>>
    %dma_start3A_21 = tpu.memref_squeeze %dma_start3A_20 : memref<1x8x128xi32, #tpu.memory_space<vmem>> -> memref<8x128xi32, #tpu.memory_space<vmem>>
    %dma_start3A_22 = arith.constant 0 : i32
    %dma_start3A_23 = arith.constant 0 : i32
    %dma_start3A_24 = tpu.memref_slice %arg2[%add3A_17, %dma_start3A_22, %dma_start3A_23] : memref<160x8x128xi32, #tpu.memory_space<hbm>> -> memref<1x8x128xi32, #tpu.memory_space<hbm>>
    %dma_start3A_25 = tpu.memref_squeeze %dma_start3A_24 : memref<1x8x128xi32, #tpu.memory_space<hbm>> -> memref<8x128xi32, #tpu.memory_space<hbm>>
    %dma_start3A_26 = arith.constant 0 : i32
    %dma_start3A_27 = arith.constant 0 : i32
    %dma_start3A_28 = tpu.memref_slice %arg5[%dma_start3A, %dma_start3A_26, %dma_start3A_27] : memref<2x8x128xi32, #tpu.memory_space<vmem>> -> memref<1x8x128xi32, #tpu.memory_space<vmem>>
    %dma_start3A_29 = tpu.memref_squeeze %dma_start3A_28 : memref<1x8x128xi32, #tpu.memory_space<vmem>> -> memref<8x128xi32, #tpu.memory_space<vmem>>
    %dma_start3A_30 = arith.constant 0 : i32
    %dma_start3A_31 = arith.constant 0 : i32
    %dma_start3A_32 = tpu.memref_slice %arg2[%add3A_17, %dma_start3A_30, %dma_start3A_31] : memref<160x8x128xi32, #tpu.memory_space<hbm>> -> memref<1x8x128xi32, #tpu.memory_space<hbm>>
    %dma_start3A_33 = tpu.memref_squeeze %dma_start3A_32 : memref<1x8x128xi32, #tpu.memory_space<hbm>> -> memref<8x128xi32, #tpu.memory_space<hbm>>
    tpu.enqueue_dma source(%dma_start3A_33 : memref<8x128xi32, #tpu.memory_space<hbm>>) target(%dma_start3A_29 : memref<8x128xi32, #tpu.memory_space<vmem>>) target_semaphore(%arg14 : memref<!tpu.dma_semaphore, #tpu.memory_space<semaphore_mem>>)
    %mul3A_34 = arith.constant 5 : i32
    %mul3A_35 = arith.muli %add3A, %mul3A_34 : i32
    %add3A_36 = arith.constant 1 : i32
    %add3A_37 = arith.addi %mul3A_35, %add3A_36 : i32
    %dma_start3A_38 = arith.constant 1 : i32
    %dma_start3A_39 = arith.constant 0 : i32
    %dma_start3A_40 = arith.constant 0 : i32
    %dma_start3A_41 = tpu.memref_slice %arg6[%dma_start3A_38, %dma_start3A_39, %dma_start3A_40] : memref<2x8x128xi32, #tpu.memory_space<vmem>> -> memref<1x8x128xi32, #tpu.memory_space<vmem>>
    %dma_start3A_42 = tpu.memref_squeeze %dma_start3A_41 : memref<1x8x128xi32, #tpu.memory_space<vmem>> -> memref<8x128xi32, #tpu.memory_space<vmem>>
    %dma_start3A_43 = arith.constant 0 : i32
    %dma_start3A_44 = arith.constant 0 : i32
    %dma_start3A_45 = tpu.memref_slice %arg3[%add3A_37, %dma_start3A_43, %dma_start3A_44] : memref<160x8x128xi32, #tpu.memory_space<hbm>> -> memref<1x8x128xi32, #tpu.memory_space<hbm>>
    %dma_start3A_46 = tpu.memref_squeeze %dma_start3A_45 : memref<1x8x128xi32, #tpu.memory_space<hbm>> -> memref<8x128xi32, #tpu.memory_space<hbm>>
    %dma_start3A_47 = arith.constant 0 : i32
    %dma_start3A_48 = arith.constant 0 : i32
    %dma_start3A_49 = tpu.memref_slice %arg6[%dma_start3A_38, %dma_start3A_47, %dma_start3A_48] : memref<2x8x128xi32, #tpu.memory_space<vmem>> -> memref<1x8x128xi32, #tpu.memory_space<vmem>>
    %dma_start3A_50 = tpu.memref_squeeze %dma_start3A_49 : memref<1x8x128xi32, #tpu.memory_space<vmem>> -> memref<8x128xi32, #tpu.memory_space<vmem>>
    %dma_start3A_51 = arith.constant 0 : i32
    %dma_start3A_52 = arith.constant 0 : i32
    %dma_start3A_53 = tpu.memref_slice %arg3[%add3A_37, %dma_start3A_51, %dma_start3A_52] : memref<160x8x128xi32, #tpu.memory_space<hbm>> -> memref<1x8x128xi32, #tpu.memory_space<hbm>>
    %dma_start3A_54 = tpu.memref_squeeze %dma_start3A_53 : memref<1x8x128xi32, #tpu.memory_space<hbm>> -> memref<8x128xi32, #tpu.memory_space<hbm>>
    tpu.enqueue_dma source(%dma_start3A_54 : memref<8x128xi32, #tpu.memory_space<hbm>>) target(%dma_start3A_50 : memref<8x128xi32, #tpu.memory_space<vmem>>) target_semaphore(%arg14 : memref<!tpu.dma_semaphore, #tpu.memory_space<semaphore_mem>>)
    %scan3A_55 = arith.constant 0 : i32
    %scan3A_56 = arith.constant 0 : i32
    %scan3A_57 = arith.constant 10 : i32
    %scan3A_58 = arith.addi %scan3A_56, %scan3A_57 : i32
    %scan3A_59 = arith.constant 1 : i32
    scf.for %scan3A_112 = %scan3A_56 to %scan3A_58 step %scan3A_59  : i32 {
      %mul3A_113 = arith.constant 4 : i32
      %mul3A_114 = arith.muli %mul3A_113, %scan3A_112 : i32
      %add3A_115 = arith.constant 0 : i32
      %add3A_116 = arith.addi %mul3A_114, %add3A_115 : i32
      %jit3A = arith.constant 8 : i32
      %div3A = arith.divsi %add3A_116, %jit3A : i32
      %sign3A = arith.constant 0 : i32
      %sign3A_117 = arith.cmpi sgt, %add3A_116, %sign3A : i32
      %sign3A_118 = arith.extui %sign3A_117 : i1 to i32
      %sign3A_119 = arith.constant 0 : i32
      %sign3A_120 = arith.cmpi slt, %add3A_116, %sign3A_119 : i32
      %sign3A_121 = arith.extui %sign3A_120 : i1 to i32
      %sign3A_122 = arith.subi %sign3A_118, %sign3A_121 : i32
      %sign3A_123 = arith.constant 0 : i32
      %sign3A_124 = arith.cmpi sgt, %jit3A, %sign3A_123 : i32
      %sign3A_125 = arith.extui %sign3A_124 : i1 to i32
      %sign3A_126 = arith.constant 0 : i32
      %sign3A_127 = arith.cmpi slt, %jit3A, %sign3A_126 : i32
      %sign3A_128 = arith.extui %sign3A_127 : i1 to i32
      %sign3A_129 = arith.subi %sign3A_125, %sign3A_128 : i32
      %ne3A = arith.cmpi ne, %sign3A_122, %sign3A_129 : i32
      %rem3A = arith.remsi %add3A_116, %jit3A : i32
      %ne3A_130 = arith.constant 0 : i32
      %ne3A_131 = arith.cmpi ne, %rem3A, %ne3A_130 : i32
      %and3A = arith.andi %ne3A, %ne3A_131 : i1
      %sub3A = arith.constant 1 : i32
      %sub3A_132 = arith.subi %div3A, %sub3A : i32
      %select_n3A = arith.select %and3A, %sub3A_132, %div3A : i32
      %jit3A_133 = arith.constant 8 : i32
      %eq3A = arith.constant 0 : i32
      %eq3A_134 = arith.cmpi eq, %jit3A_133, %eq3A : i32
      %jit3A_135 = arith.constant 1 : i32
      %select_n3A_136 = arith.select %eq3A_134, %jit3A_135, %jit3A_133 : i32
      %rem3A_137 = arith.remsi %add3A_116, %select_n3A_136 : i32
      %ne3A_138 = arith.constant 0 : i32
      %ne3A_139 = arith.cmpi ne, %rem3A_137, %ne3A_138 : i32
      %lt3A = arith.constant 0 : i32
      %lt3A_140 = arith.cmpi slt, %rem3A_137, %lt3A : i32
      %lt3A_141 = arith.constant 0 : i32
      %lt3A_142 = arith.cmpi slt, %select_n3A_136, %lt3A_141 : i32
      %ne3A_143 = arith.xori %lt3A_140, %lt3A_142 : i1
      %and3A_144 = arith.andi %ne3A_143, %ne3A_139 : i1
      %add3A_145 = arith.addi %rem3A_137, %select_n3A_136 : i32
      %select_n3A_146 = arith.select %and3A_144, %add3A_145, %rem3A_137 : i32
      %jit3A_147 = arith.constant 2 : i32
      %eq3A_148 = arith.constant 0 : i32
      %eq3A_149 = arith.cmpi eq, %jit3A_147, %eq3A_148 : i32
      %jit3A_150 = arith.constant 1 : i32
      %select_n3A_151 = arith.select %eq3A_149, %jit3A_150, %jit3A_147 : i32
      %rem3A_152 = arith.remsi %select_n3A, %select_n3A_151 : i32
      %ne3A_153 = arith.constant 0 : i32
      %ne3A_154 = arith.cmpi ne, %rem3A_152, %ne3A_153 : i32
      %lt3A_155 = arith.constant 0 : i32
      %lt3A_156 = arith.cmpi slt, %rem3A_152, %lt3A_155 : i32
      %lt3A_157 = arith.constant 0 : i32
      %lt3A_158 = arith.cmpi slt, %select_n3A_151, %lt3A_157 : i32
      %ne3A_159 = arith.xori %lt3A_156, %lt3A_158 : i1
      %and3A_160 = arith.andi %ne3A_159, %ne3A_154 : i1
      %add3A_161 = arith.addi %rem3A_152, %select_n3A_151 : i32
      %select_n3A_162 = arith.select %and3A_160, %add3A_161, %rem3A_152 : i32
      %ge3A = arith.constant 4 : i32
      %ge3A_163 = arith.cmpi sge, %add3A_116, %ge3A : i32
      %convert_element_type3A = arith.extui %ge3A_163 : i1 to i32
      %cond3A = arith.constant 0 : i32
      %cond3A_164 = arith.cmpi ne, %convert_element_type3A, %cond3A : i32
      scf.if %cond3A_164 {
        %dma_wait3A_1078 = arith.constant 0 : i32
        %dma_wait3A_1079 = arith.constant 0 : i32
        %dma_wait3A_1080 = tpu.memref_slice %arg7[%dma_wait3A_1078, %dma_wait3A_1079] : memref<4x128xf32, #tpu.memory_space<vmem>> -> memref<1x128xf32, #tpu.memory_space<vmem>>
        %dma_wait3A_1081 = tpu.memref_squeeze %dma_wait3A_1080 : memref<1x128xf32, #tpu.memory_space<vmem>> -> memref<128xf32, #tpu.memory_space<vmem>>
        %dma_wait3A_1082 = arith.constant 0 : i32
        %dma_wait3A_1083 = tpu.memref_slice %arg9[%dma_wait3A_1082] : memref<10240xf32, #tpu.memory_space<vmem_shared>> -> memref<128xf32, #tpu.memory_space<vmem_shared>>
        %dma_wait3A_1084 = arith.constant 0 : i32
        %dma_wait3A_1085 = tpu.memref_slice %arg9[%dma_wait3A_1084] : memref<10240xf32, #tpu.memory_space<vmem_shared>> -> memref<128xf32, #tpu.memory_space<vmem_shared>>
        %dma_wait3A_1086 = arith.constant 0 : i32
        %dma_wait3A_1087 = tpu.memref_slice %arg7[%dma_wait3A_1078, %dma_wait3A_1086] : memref<4x128xf32, #tpu.memory_space<vmem>> -> memref<1x128xf32, #tpu.memory_space<vmem>>
        %dma_wait3A_1088 = tpu.memref_squeeze %dma_wait3A_1087 : memref<1x128xf32, #tpu.memory_space<vmem>> -> memref<128xf32, #tpu.memory_space<vmem>>
        tpu.wait_dma2 semaphore(%arg10 : memref<!tpu.dma_semaphore, #tpu.memory_space<semaphore_mem>>) src(%dma_wait3A_1088 : memref<128xf32, #tpu.memory_space<vmem>>) dst(%dma_wait3A_1085 : memref<128xf32, #tpu.memory_space<vmem_shared>>)
      } else {
      }
      %eq3A_165 = arith.constant 3 : i32
      %eq3A_166 = arith.cmpi eq, %select_n3A_146, %eq3A_165 : i32
      %ge3A_167 = arith.constant 1 : i32
      %ge3A_168 = arith.cmpi sge, %select_n3A, %ge3A_167 : i32
      %lt3A_169 = arith.constant 4 : i32
      %lt3A_170 = arith.cmpi slt, %select_n3A, %lt3A_169 : i32
      %and3A_171 = arith.andi %ge3A_168, %lt3A_170 : i1
      %and3A_172 = arith.andi %eq3A_166, %and3A_171 : i1
      %convert_element_type3A_173 = arith.extui %and3A_172 : i1 to i32
      %cond3A_174 = arith.constant 0 : i32
      %cond3A_175 = arith.cmpi ne, %convert_element_type3A_173, %cond3A_174 : i32
      scf.if %cond3A_175 {
        %mul3A_1078 = arith.constant 5 : i32
        %mul3A_1079 = arith.muli %add3A, %mul3A_1078 : i32
        %add3A_1080 = arith.addi %mul3A_1079, %select_n3A : i32
        %add3A_1081 = arith.constant 1 : i32
        %add3A_1082 = arith.addi %add3A_1080, %add3A_1081 : i32
        %sub3A_1083 = arith.constant 1 : i32
        %sub3A_1084 = arith.subi %sub3A_1083, %select_n3A_162 : i32
        %dma_start3A_1085 = arith.constant 0 : i32
        %dma_start3A_1086 = arith.constant 0 : i32
        %dma_start3A_1087 = tpu.memref_slice %arg5[%sub3A_1084, %dma_start3A_1085, %dma_start3A_1086] : memref<2x8x128xi32, #tpu.memory_space<vmem>> -> memref<1x8x128xi32, #tpu.memory_space<vmem>>
        %dma_start3A_1088 = tpu.memref_squeeze %dma_start3A_1087 : memref<1x8x128xi32, #tpu.memory_space<vmem>> -> memref<8x128xi32, #tpu.memory_space<vmem>>
        %dma_start3A_1089 = arith.constant 0 : i32
        %dma_start3A_1090 = arith.constant 0 : i32
        %dma_start3A_1091 = tpu.memref_slice %arg2[%add3A_1082, %dma_start3A_1089, %dma_start3A_1090] : memref<160x8x128xi32, #tpu.memory_space<hbm>> -> memref<1x8x128xi32, #tpu.memory_space<hbm>>
        %dma_start3A_1092 = tpu.memref_squeeze %dma_start3A_1091 : memref<1x8x128xi32, #tpu.memory_space<hbm>> -> memref<8x128xi32, #tpu.memory_space<hbm>>
        %dma_start3A_1093 = arith.constant 0 : i32
        %dma_start3A_1094 = arith.constant 0 : i32
        %dma_start3A_1095 = tpu.memref_slice %arg5[%sub3A_1084, %dma_start3A_1093, %dma_start3A_1094] : memref<2x8x128xi32, #tpu.memory_space<vmem>> -> memref<1x8x128xi32, #tpu.memory_space<vmem>>
        %dma_start3A_1096 = tpu.memref_squeeze %dma_start3A_1095 : memref<1x8x128xi32, #tpu.memory_space<vmem>> -> memref<8x128xi32, #tpu.memory_space<vmem>>
        %dma_start3A_1097 = arith.constant 0 : i32
        %dma_start3A_1098 = arith.constant 0 : i32
        %dma_start3A_1099 = tpu.memref_slice %arg2[%add3A_1082, %dma_start3A_1097, %dma_start3A_1098] : memref<160x8x128xi32, #tpu.memory_space<hbm>> -> memref<1x8x128xi32, #tpu.memory_space<hbm>>
        %dma_start3A_1100 = tpu.memref_squeeze %dma_start3A_1099 : memref<1x8x128xi32, #tpu.memory_space<hbm>> -> memref<8x128xi32, #tpu.memory_space<hbm>>
        tpu.enqueue_dma source(%dma_start3A_1100 : memref<8x128xi32, #tpu.memory_space<hbm>>) target(%dma_start3A_1096 : memref<8x128xi32, #tpu.memory_space<vmem>>) target_semaphore(%arg14 : memref<!tpu.dma_semaphore, #tpu.memory_space<semaphore_mem>>)
        %mul3A_1101 = arith.constant 5 : i32
        %mul3A_1102 = arith.muli %add3A, %mul3A_1101 : i32
        %add3A_1103 = arith.addi %mul3A_1102, %select_n3A : i32
        %add3A_1104 = arith.constant 1 : i32
        %add3A_1105 = arith.addi %add3A_1103, %add3A_1104 : i32
        %sub3A_1106 = arith.constant 1 : i32
        %sub3A_1107 = arith.subi %sub3A_1106, %select_n3A_162 : i32
        %dma_start3A_1108 = arith.constant 0 : i32
        %dma_start3A_1109 = arith.constant 0 : i32
        %dma_start3A_1110 = tpu.memref_slice %arg6[%sub3A_1107, %dma_start3A_1108, %dma_start3A_1109] : memref<2x8x128xi32, #tpu.memory_space<vmem>> -> memref<1x8x128xi32, #tpu.memory_space<vmem>>
        %dma_start3A_1111 = tpu.memref_squeeze %dma_start3A_1110 : memref<1x8x128xi32, #tpu.memory_space<vmem>> -> memref<8x128xi32, #tpu.memory_space<vmem>>
        %dma_start3A_1112 = arith.constant 0 : i32
        %dma_start3A_1113 = arith.constant 0 : i32
        %dma_start3A_1114 = tpu.memref_slice %arg3[%add3A_1105, %dma_start3A_1112, %dma_start3A_1113] : memref<160x8x128xi32, #tpu.memory_space<hbm>> -> memref<1x8x128xi32, #tpu.memory_space<hbm>>
        %dma_start3A_1115 = tpu.memref_squeeze %dma_start3A_1114 : memref<1x8x128xi32, #tpu.memory_space<hbm>> -> memref<8x128xi32, #tpu.memory_space<hbm>>
        %dma_start3A_1116 = arith.constant 0 : i32
        %dma_start3A_1117 = arith.constant 0 : i32
        %dma_start3A_1118 = tpu.memref_slice %arg6[%sub3A_1107, %dma_start3A_1116, %dma_start3A_1117] : memref<2x8x128xi32, #tpu.memory_space<vmem>> -> memref<1x8x128xi32, #tpu.memory_space<vmem>>
        %dma_start3A_1119 = tpu.memref_squeeze %dma_start3A_1118 : memref<1x8x128xi32, #tpu.memory_space<vmem>> -> memref<8x128xi32, #tpu.memory_space<vmem>>
        %dma_start3A_1120 = arith.constant 0 : i32
        %dma_start3A_1121 = arith.constant 0 : i32
        %dma_start3A_1122 = tpu.memref_slice %arg3[%add3A_1105, %dma_start3A_1120, %dma_start3A_1121] : memref<160x8x128xi32, #tpu.memory_space<hbm>> -> memref<1x8x128xi32, #tpu.memory_space<hbm>>
        %dma_start3A_1123 = tpu.memref_squeeze %dma_start3A_1122 : memref<1x8x128xi32, #tpu.memory_space<hbm>> -> memref<8x128xi32, #tpu.memory_space<hbm>>
        tpu.enqueue_dma source(%dma_start3A_1123 : memref<8x128xi32, #tpu.memory_space<hbm>>) target(%dma_start3A_1119 : memref<8x128xi32, #tpu.memory_space<vmem>>) target_semaphore(%arg14 : memref<!tpu.dma_semaphore, #tpu.memory_space<semaphore_mem>>)
      } else {
      }
      %eq3A_176 = arith.constant 6 : i32
      %eq3A_177 = arith.cmpi eq, %select_n3A_146, %eq3A_176 : i32
      %lt3A_178 = arith.constant 4 : i32
      %lt3A_179 = arith.cmpi slt, %select_n3A, %lt3A_178 : i32
      %and3A_180 = arith.andi %eq3A_177, %lt3A_179 : i1
      %convert_element_type3A_181 = arith.extui %and3A_180 : i1 to i32
      %cond3A_182 = arith.constant 0 : i32
      %cond3A_183 = arith.cmpi ne, %convert_element_type3A_181, %cond3A_182 : i32
      scf.if %cond3A_183 {
        %dma_wait3A_1078 = arith.constant 0 : i32
        %dma_wait3A_1079 = arith.constant 0 : i32
        %dma_wait3A_1080 = arith.constant 0 : i32
        %dma_wait3A_1081 = arith.constant 0 : i32
        %dma_wait3A_1082 = tpu.memref_slice %arg5[%dma_wait3A_1079, %dma_wait3A_1080, %dma_wait3A_1081] : memref<2x8x128xi32, #tpu.memory_space<vmem>> -> memref<1x8x128xi32, #tpu.memory_space<vmem>>
        %dma_wait3A_1083 = tpu.memref_squeeze %dma_wait3A_1082 : memref<1x8x128xi32, #tpu.memory_space<vmem>> -> memref<8x128xi32, #tpu.memory_space<vmem>>
        %dma_wait3A_1084 = arith.constant 0 : i32
        %dma_wait3A_1085 = arith.constant 0 : i32
        %dma_wait3A_1086 = tpu.memref_slice %arg2[%dma_wait3A_1078, %dma_wait3A_1084, %dma_wait3A_1085] : memref<160x8x128xi32, #tpu.memory_space<hbm>> -> memref<1x8x128xi32, #tpu.memory_space<hbm>>
        %dma_wait3A_1087 = tpu.memref_squeeze %dma_wait3A_1086 : memref<1x8x128xi32, #tpu.memory_space<hbm>> -> memref<8x128xi32, #tpu.memory_space<hbm>>
        %dma_wait3A_1088 = arith.constant 0 : i32
        %dma_wait3A_1089 = arith.constant 0 : i32
        %dma_wait3A_1090 = tpu.memref_slice %arg5[%dma_wait3A_1079, %dma_wait3A_1088, %dma_wait3A_1089] : memref<2x8x128xi32, #tpu.memory_space<vmem>> -> memref<1x8x128xi32, #tpu.memory_space<vmem>>
        %dma_wait3A_1091 = tpu.memref_squeeze %dma_wait3A_1090 : memref<1x8x128xi32, #tpu.memory_space<vmem>> -> memref<8x128xi32, #tpu.memory_space<vmem>>
        %dma_wait3A_1092 = arith.constant 0 : i32
        %dma_wait3A_1093 = arith.constant 0 : i32
        %dma_wait3A_1094 = tpu.memref_slice %arg2[%dma_wait3A_1078, %dma_wait3A_1092, %dma_wait3A_1093] : memref<160x8x128xi32, #tpu.memory_space<hbm>> -> memref<1x8x128xi32, #tpu.memory_space<hbm>>
        %dma_wait3A_1095 = tpu.memref_squeeze %dma_wait3A_1094 : memref<1x8x128xi32, #tpu.memory_space<hbm>> -> memref<8x128xi32, #tpu.memory_space<hbm>>
        tpu.wait_dma2 semaphore(%arg14 : memref<!tpu.dma_semaphore, #tpu.memory_space<semaphore_mem>>) src(%dma_wait3A_1095 : memref<8x128xi32, #tpu.memory_space<hbm>>) dst(%dma_wait3A_1091 : memref<8x128xi32, #tpu.memory_space<vmem>>)
        %dma_wait3A_1096 = arith.constant 0 : i32
        %dma_wait3A_1097 = arith.constant 0 : i32
        %dma_wait3A_1098 = arith.constant 0 : i32
        %dma_wait3A_1099 = arith.constant 0 : i32
        %dma_wait3A_1100 = tpu.memref_slice %arg6[%dma_wait3A_1097, %dma_wait3A_1098, %dma_wait3A_1099] : memref<2x8x128xi32, #tpu.memory_space<vmem>> -> memref<1x8x128xi32, #tpu.memory_space<vmem>>
        %dma_wait3A_1101 = tpu.memref_squeeze %dma_wait3A_1100 : memref<1x8x128xi32, #tpu.memory_space<vmem>> -> memref<8x128xi32, #tpu.memory_space<vmem>>
        %dma_wait3A_1102 = arith.constant 0 : i32
        %dma_wait3A_1103 = arith.constant 0 : i32
        %dma_wait3A_1104 = tpu.memref_slice %arg3[%dma_wait3A_1096, %dma_wait3A_1102, %dma_wait3A_1103] : memref<160x8x128xi32, #tpu.memory_space<hbm>> -> memref<1x8x128xi32, #tpu.memory_space<hbm>>
        %dma_wait3A_1105 = tpu.memref_squeeze %dma_wait3A_1104 : memref<1x8x128xi32, #tpu.memory_space<hbm>> -> memref<8x128xi32, #tpu.memory_space<hbm>>
        %dma_wait3A_1106 = arith.constant 0 : i32
        %dma_wait3A_1107 = arith.constant 0 : i32
        %dma_wait3A_1108 = tpu.memref_slice %arg6[%dma_wait3A_1097, %dma_wait3A_1106, %dma_wait3A_1107] : memref<2x8x128xi32, #tpu.memory_space<vmem>> -> memref<1x8x128xi32, #tpu.memory_space<vmem>>
        %dma_wait3A_1109 = tpu.memref_squeeze %dma_wait3A_1108 : memref<1x8x128xi32, #tpu.memory_space<vmem>> -> memref<8x128xi32, #tpu.memory_space<vmem>>
        %dma_wait3A_1110 = arith.constant 0 : i32
        %dma_wait3A_1111 = arith.constant 0 : i32
        %dma_wait3A_1112 = tpu.memref_slice %arg3[%dma_wait3A_1096, %dma_wait3A_1110, %dma_wait3A_1111] : memref<160x8x128xi32, #tpu.memory_space<hbm>> -> memref<1x8x128xi32, #tpu.memory_space<hbm>>
        %dma_wait3A_1113 = tpu.memref_squeeze %dma_wait3A_1112 : memref<1x8x128xi32, #tpu.memory_space<hbm>> -> memref<8x128xi32, #tpu.memory_space<hbm>>
        tpu.wait_dma2 semaphore(%arg14 : memref<!tpu.dma_semaphore, #tpu.memory_space<semaphore_mem>>) src(%dma_wait3A_1113 : memref<8x128xi32, #tpu.memory_space<hbm>>) dst(%dma_wait3A_1109 : memref<8x128xi32, #tpu.memory_space<vmem>>)
      } else {
      }
      %get3A = arith.index_cast %select_n3A_162 : i32 to index
      %get3A_184 = arith.index_cast %select_n3A_146 : i32 to index
      %get3A_185 = arith.constant 0 : index
      %get3A_186 = tpu.vector_load %arg6[%get3A, %get3A_184, %get3A_185] {strides = array<i32>} : memref<2x8x128xi32, #tpu.memory_space<vmem>>, vector<1x1x16xi32>,
      %get3A_187 = vector.shape_cast %get3A_186 : vector<1x1x16xi32> to vector<16xi32>
      %ne3A_188 = arith.constant 10000 : i32
      %ne3A_189 = vector.broadcast %ne3A_188 : i32 to vector<16xi32>
      %ne3A_190 = arith.cmpi ne, %get3A_187, %ne3A_189 : vector<16xi32>
      %jit3A_191 = arith.constant 1.000000e+00 : f32
      %jit3A_192 = arith.constant 0.000000e+00 : f32
      %broadcast_in_dim3A_193 = vector.broadcast %jit3A_191 : f32 to vector<16xf32>
      %broadcast_in_dim3A_194 = vector.broadcast %jit3A_192 : f32 to vector<16xf32>
      %select_n3A_195 = arith.select %ne3A_190, %broadcast_in_dim3A_193, %broadcast_in_dim3A_194 : vector<16xi1>, vector<16xf32>
      %swap3A = arith.constant 0 : i32
      %swap3A_196 = arith.index_cast %swap3A : i32 to index
      %swap3A_197 = arith.constant 0 : index
      %swap3A_198 = tpu.vector_load %arg7[%swap3A_196, %swap3A_197] {strides = array<i32>} : memref<4x128xf32, #tpu.memory_space<vmem>>, vector<1x16xf32>,
      %swap3A_199 = vector.shape_cast %swap3A_198 : vector<1x16xf32> to vector<16xf32>
      %swap3A_200 = vector.shape_cast %select_n3A_195 : vector<16xf32> to vector<1x16xf32>
      tpu.vector_store %arg7[%swap3A_196, %swap3A_197], %swap3A_200 {strides = array<i32>} : memref<4x128xf32, #tpu.memory_space<vmem>>, vector<1x16xf32>,
      %get3A_201 = arith.index_cast %select_n3A_162 : i32 to index
      %get3A_202 = arith.index_cast %select_n3A_146 : i32 to index
      %get3A_203 = arith.constant 16 : index
      %get3A_204 = tpu.vector_load %arg6[%get3A_201, %get3A_202, %get3A_203] {strides = array<i32>} : memref<2x8x128xi32, #tpu.memory_space<vmem>>, vector<1x1x16xi32>,
      %get3A_205 = vector.shape_cast %get3A_204 : vector<1x1x16xi32> to vector<16xi32>
      %ne3A_206 = arith.constant 10000 : i32
      %ne3A_207 = vector.broadcast %ne3A_206 : i32 to vector<16xi32>
      %ne3A_208 = arith.cmpi ne, %get3A_205, %ne3A_207 : vector<16xi32>
      %jit3A_209 = arith.constant 1.000000e+00 : f32
      %jit3A_210 = arith.constant 0.000000e+00 : f32
      %broadcast_in_dim3A_211 = vector.broadcast %jit3A_209 : f32 to vector<16xf32>
      %broadcast_in_dim3A_212 = vector.broadcast %jit3A_210 : f32 to vector<16xf32>
      %select_n3A_213 = arith.select %ne3A_208, %broadcast_in_dim3A_211, %broadcast_in_dim3A_212 : vector<16xi1>, vector<16xf32>
      %swap3A_214 = arith.constant 0 : i32
      %swap3A_215 = arith.index_cast %swap3A_214 : i32 to index
      %swap3A_216 = arith.constant 16 : index
      %swap3A_217 = tpu.vector_load %arg7[%swap3A_215, %swap3A_216] {strides = array<i32>} : memref<4x128xf32, #tpu.memory_space<vmem>>, vector<1x16xf32>,
      %swap3A_218 = vector.shape_cast %swap3A_217 : vector<1x16xf32> to vector<16xf32>
      %swap3A_219 = vector.shape_cast %select_n3A_213 : vector<16xf32> to vector<1x16xf32>
      tpu.vector_store %arg7[%swap3A_215, %swap3A_216], %swap3A_219 {strides = array<i32>} : memref<4x128xf32, #tpu.memory_space<vmem>>, vector<1x16xf32>,
      %get3A_220 = arith.index_cast %select_n3A_162 : i32 to index
      %get3A_221 = arith.index_cast %select_n3A_146 : i32 to index
      %get3A_222 = arith.constant 32 : index
      %get3A_223 = tpu.vector_load %arg6[%get3A_220, %get3A_221, %get3A_222] {strides = array<i32>} : memref<2x8x128xi32, #tpu.memory_space<vmem>>, vector<1x1x16xi32>,
      %get3A_224 = vector.shape_cast %get3A_223 : vector<1x1x16xi32> to vector<16xi32>
      %ne3A_225 = arith.constant 10000 : i32
      %ne3A_226 = vector.broadcast %ne3A_225 : i32 to vector<16xi32>
      %ne3A_227 = arith.cmpi ne, %get3A_224, %ne3A_226 : vector<16xi32>
      %jit3A_228 = arith.constant 1.000000e+00 : f32
      %jit3A_229 = arith.constant 0.000000e+00 : f32
      %broadcast_in_dim3A_230 = vector.broadcast %jit3A_228 : f32 to vector<16xf32>
      %broadcast_in_dim3A_231 = vector.broadcast %jit3A_229 : f32 to vector<16xf32>
      %select_n3A_232 = arith.select %ne3A_227, %broadcast_in_dim3A_230, %broadcast_in_dim3A_231 : vector<16xi1>, vector<16xf32>
      %swap3A_233 = arith.constant 0 : i32
      %swap3A_234 = arith.index_cast %swap3A_233 : i32 to index
      %swap3A_235 = arith.constant 32 : index
      %swap3A_236 = tpu.vector_load %arg7[%swap3A_234, %swap3A_235] {strides = array<i32>} : memref<4x128xf32, #tpu.memory_space<vmem>>, vector<1x16xf32>,
      %swap3A_237 = vector.shape_cast %swap3A_236 : vector<1x16xf32> to vector<16xf32>
      %swap3A_238 = vector.shape_cast %select_n3A_232 : vector<16xf32> to vector<1x16xf32>
      tpu.vector_store %arg7[%swap3A_234, %swap3A_235], %swap3A_238 {strides = array<i32>} : memref<4x128xf32, #tpu.memory_space<vmem>>, vector<1x16xf32>,
      %get3A_239 = arith.index_cast %select_n3A_162 : i32 to index
      %get3A_240 = arith.index_cast %select_n3A_146 : i32 to index
      %get3A_241 = arith.constant 48 : index
      %get3A_242 = tpu.vector_load %arg6[%get3A_239, %get3A_240, %get3A_241] {strides = array<i32>} : memref<2x8x128xi32, #tpu.memory_space<vmem>>, vector<1x1x16xi32>,
      %get3A_243 = vector.shape_cast %get3A_242 : vector<1x1x16xi32> to vector<16xi32>
      %ne3A_244 = arith.constant 10000 : i32
      %ne3A_245 = vector.broadcast %ne3A_244 : i32 to vector<16xi32>
      %ne3A_246 = arith.cmpi ne, %get3A_243, %ne3A_245 : vector<16xi32>
      %jit3A_247 = arith.constant 1.000000e+00 : f32
      %jit3A_248 = arith.constant 0.000000e+00 : f32
      %broadcast_in_dim3A_249 = vector.broadcast %jit3A_247 : f32 to vector<16xf32>
      %broadcast_in_dim3A_250 = vector.broadcast %jit3A_248 : f32 to vector<16xf32>
      %select_n3A_251 = arith.select %ne3A_246, %broadcast_in_dim3A_249, %broadcast_in_dim3A_250 : vector<16xi1>, vector<16xf32>
      %swap3A_252 = arith.constant 0 : i32
      %swap3A_253 = arith.index_cast %swap3A_252 : i32 to index
      %swap3A_254 = arith.constant 48 : index
      %swap3A_255 = tpu.vector_load %arg7[%swap3A_253, %swap3A_254] {strides = array<i32>} : memref<4x128xf32, #tpu.memory_space<vmem>>, vector<1x16xf32>,
      %swap3A_256 = vector.shape_cast %swap3A_255 : vector<1x16xf32> to vector<16xf32>
      %swap3A_257 = vector.shape_cast %select_n3A_251 : vector<16xf32> to vector<1x16xf32>
      tpu.vector_store %arg7[%swap3A_253, %swap3A_254], %swap3A_257 {strides = array<i32>} : memref<4x128xf32, #tpu.memory_space<vmem>>, vector<1x16xf32>,
      %get3A_258 = arith.index_cast %select_n3A_162 : i32 to index
      %get3A_259 = arith.index_cast %select_n3A_146 : i32 to index
      %get3A_260 = arith.constant 64 : index
      %get3A_261 = tpu.vector_load %arg6[%get3A_258, %get3A_259, %get3A_260] {strides = array<i32>} : memref<2x8x128xi32, #tpu.memory_space<vmem>>, vector<1x1x16xi32>,
      %get3A_262 = vector.shape_cast %get3A_261 : vector<1x1x16xi32> to vector<16xi32>
      %ne3A_263 = arith.constant 10000 : i32
      %ne3A_264 = vector.broadcast %ne3A_263 : i32 to vector<16xi32>
      %ne3A_265 = arith.cmpi ne, %get3A_262, %ne3A_264 : vector<16xi32>
      %jit3A_266 = arith.constant 1.000000e+00 : f32
      %jit3A_267 = arith.constant 0.000000e+00 : f32
      %broadcast_in_dim3A_268 = vector.broadcast %jit3A_266 : f32 to vector<16xf32>
      %broadcast_in_dim3A_269 = vector.broadcast %jit3A_267 : f32 to vector<16xf32>
      %select_n3A_270 = arith.select %ne3A_265, %broadcast_in_dim3A_268, %broadcast_in_dim3A_269 : vector<16xi1>, vector<16xf32>
      %swap3A_271 = arith.constant 0 : i32
      %swap3A_272 = arith.index_cast %swap3A_271 : i32 to index
      %swap3A_273 = arith.constant 64 : index
      %swap3A_274 = tpu.vector_load %arg7[%swap3A_272, %swap3A_273] {strides = array<i32>} : memref<4x128xf32, #tpu.memory_space<vmem>>, vector<1x16xf32>,
      %swap3A_275 = vector.shape_cast %swap3A_274 : vector<1x16xf32> to vector<16xf32>
      %swap3A_276 = vector.shape_cast %select_n3A_270 : vector<16xf32> to vector<1x16xf32>
      tpu.vector_store %arg7[%swap3A_272, %swap3A_273], %swap3A_276 {strides = array<i32>} : memref<4x128xf32, #tpu.memory_space<vmem>>, vector<1x16xf32>,
      %get3A_277 = arith.index_cast %select_n3A_162 : i32 to index
      %get3A_278 = arith.index_cast %select_n3A_146 : i32 to index
      %get3A_279 = arith.constant 80 : index
      %get3A_280 = tpu.vector_load %arg6[%get3A_277, %get3A_278, %get3A_279] {strides = array<i32>} : memref<2x8x128xi32, #tpu.memory_space<vmem>>, vector<1x1x16xi32>,
      %get3A_281 = vector.shape_cast %get3A_280 : vector<1x1x16xi32> to vector<16xi32>
      %ne3A_282 = arith.constant 10000 : i32
      %ne3A_283 = vector.broadcast %ne3A_282 : i32 to vector<16xi32>
      %ne3A_284 = arith.cmpi ne, %get3A_281, %ne3A_283 : vector<16xi32>
      %jit3A_285 = arith.constant 1.000000e+00 : f32
      %jit3A_286 = arith.constant 0.000000e+00 : f32
      %broadcast_in_dim3A_287 = vector.broadcast %jit3A_285 : f32 to vector<16xf32>
      %broadcast_in_dim3A_288 = vector.broadcast %jit3A_286 : f32 to vector<16xf32>
      %select_n3A_289 = arith.select %ne3A_284, %broadcast_in_dim3A_287, %broadcast_in_dim3A_288 : vector<16xi1>, vector<16xf32>
      %swap3A_290 = arith.constant 0 : i32
      %swap3A_291 = arith.index_cast %swap3A_290 : i32 to index
      %swap3A_292 = arith.constant 80 : index
      %swap3A_293 = tpu.vector_load %arg7[%swap3A_291, %swap3A_292] {strides = array<i32>} : memref<4x128xf32, #tpu.memory_space<vmem>>, vector<1x16xf32>,
      %swap3A_294 = vector.shape_cast %swap3A_293 : vector<1x16xf32> to vector<16xf32>
      %swap3A_295 = vector.shape_cast %select_n3A_289 : vector<16xf32> to vector<1x16xf32>
      tpu.vector_store %arg7[%swap3A_291, %swap3A_292], %swap3A_295 {strides = array<i32>} : memref<4x128xf32, #tpu.memory_space<vmem>>, vector<1x16xf32>,
      %get3A_296 = arith.index_cast %select_n3A_162 : i32 to index
      %get3A_297 = arith.index_cast %select_n3A_146 : i32 to index
      %get3A_298 = arith.constant 96 : index
      %get3A_299 = tpu.vector_load %arg6[%get3A_296, %get3A_297, %get3A_298] {strides = array<i32>} : memref<2x8x128xi32, #tpu.memory_space<vmem>>, vector<1x1x16xi32>,
      %get3A_300 = vector.shape_cast %get3A_299 : vector<1x1x16xi32> to vector<16xi32>
      %ne3A_301 = arith.constant 10000 : i32
      %ne3A_302 = vector.broadcast %ne3A_301 : i32 to vector<16xi32>
      %ne3A_303 = arith.cmpi ne, %get3A_300, %ne3A_302 : vector<16xi32>
      %jit3A_304 = arith.constant 1.000000e+00 : f32
      %jit3A_305 = arith.constant 0.000000e+00 : f32
      %broadcast_in_dim3A_306 = vector.broadcast %jit3A_304 : f32 to vector<16xf32>
      %broadcast_in_dim3A_307 = vector.broadcast %jit3A_305 : f32 to vector<16xf32>
      %select_n3A_308 = arith.select %ne3A_303, %broadcast_in_dim3A_306, %broadcast_in_dim3A_307 : vector<16xi1>, vector<16xf32>
      %swap3A_309 = arith.constant 0 : i32
      %swap3A_310 = arith.index_cast %swap3A_309 : i32 to index
      %swap3A_311 = arith.constant 96 : index
      %swap3A_312 = tpu.vector_load %arg7[%swap3A_310, %swap3A_311] {strides = array<i32>} : memref<4x128xf32, #tpu.memory_space<vmem>>, vector<1x16xf32>,
      %swap3A_313 = vector.shape_cast %swap3A_312 : vector<1x16xf32> to vector<16xf32>
      %swap3A_314 = vector.shape_cast %select_n3A_308 : vector<16xf32> to vector<1x16xf32>
      tpu.vector_store %arg7[%swap3A_310, %swap3A_311], %swap3A_314 {strides = array<i32>} : memref<4x128xf32, #tpu.memory_space<vmem>>, vector<1x16xf32>,
      %get3A_315 = arith.index_cast %select_n3A_162 : i32 to index
      %get3A_316 = arith.index_cast %select_n3A_146 : i32 to index
      %get3A_317 = arith.constant 112 : index
      %get3A_318 = tpu.vector_load %arg6[%get3A_315, %get3A_316, %get3A_317] {strides = array<i32>} : memref<2x8x128xi32, #tpu.memory_space<vmem>>, vector<1x1x16xi32>,
      %get3A_319 = vector.shape_cast %get3A_318 : vector<1x1x16xi32> to vector<16xi32>
      %ne3A_320 = arith.constant 10000 : i32
      %ne3A_321 = vector.broadcast %ne3A_320 : i32 to vector<16xi32>
      %ne3A_322 = arith.cmpi ne, %get3A_319, %ne3A_321 : vector<16xi32>
      %jit3A_323 = arith.constant 1.000000e+00 : f32
      %jit3A_324 = arith.constant 0.000000e+00 : f32
      %broadcast_in_dim3A_325 = vector.broadcast %jit3A_323 : f32 to vector<16xf32>
      %broadcast_in_dim3A_326 = vector.broadcast %jit3A_324 : f32 to vector<16xf32>
      %select_n3A_327 = arith.select %ne3A_322, %broadcast_in_dim3A_325, %broadcast_in_dim3A_326 : vector<16xi1>, vector<16xf32>
      %swap3A_328 = arith.constant 0 : i32
      %swap3A_329 = arith.index_cast %swap3A_328 : i32 to index
      %swap3A_330 = arith.constant 112 : index
      %swap3A_331 = tpu.vector_load %arg7[%swap3A_329, %swap3A_330] {strides = array<i32>} : memref<4x128xf32, #tpu.memory_space<vmem>>, vector<1x16xf32>,
      %swap3A_332 = vector.shape_cast %swap3A_331 : vector<1x16xf32> to vector<16xf32>
      %swap3A_333 = vector.shape_cast %select_n3A_327 : vector<16xf32> to vector<1x16xf32>
      tpu.vector_store %arg7[%swap3A_329, %swap3A_330], %swap3A_333 {strides = array<i32>} : memref<4x128xf32, #tpu.memory_space<vmem>>, vector<1x16xf32>,
      %dma_start3A_334 = arith.constant 0 : i32
      %dma_start3A_335 = arith.constant 0 : i32
      %dma_start3A_336 = tpu.memref_slice %arg7[%dma_start3A_334, %dma_start3A_335] : memref<4x128xf32, #tpu.memory_space<vmem>> -> memref<1x128xf32, #tpu.memory_space<vmem>>
      %dma_start3A_337 = tpu.memref_squeeze %dma_start3A_336 : memref<1x128xf32, #tpu.memory_space<vmem>> -> memref<128xf32, #tpu.memory_space<vmem>>
      %dma_start3A_338 = arith.constant 0 : i32
      %dma_start3A_339 = tpu.memref_slice %arg5[%select_n3A_162, %select_n3A_146, %dma_start3A_338] : memref<2x8x128xi32, #tpu.memory_space<vmem>> -> memref<1x1x128xi32, #tpu.memory_space<vmem>>
      %dma_start3A_340 = tpu.memref_squeeze %dma_start3A_339 : memref<1x1x128xi32, #tpu.memory_space<vmem>> -> memref<128xi32, #tpu.memory_space<vmem>>
      %dma_start3A_341 = arith.constant 0 : i32
      %dma_start3A_342 = tpu.memref_slice %arg9[%dma_start3A_341] : memref<10240xf32, #tpu.memory_space<vmem_shared>> -> memref<10240xf32, #tpu.memory_space<vmem_shared>>
      tpu.enqueue_indirect_dma source(%dma_start3A_337 : memref<128xf32, #tpu.memory_space<vmem>>) target(%dma_start3A_342 : memref<10240xf32, #tpu.memory_space<vmem_shared>>) offsets(%dma_start3A_340 : memref<128xi32, #tpu.memory_space<vmem>>) semaphore(%arg10 : memref<!tpu.dma_semaphore, #tpu.memory_space<semaphore_mem>>) {add = true}
      %mul3A_343 = arith.constant 4 : i32
      %mul3A_344 = arith.muli %mul3A_343, %scan3A_112 : i32
      %add3A_345 = arith.constant 1 : i32
      %add3A_346 = arith.addi %mul3A_344, %add3A_345 : i32
      %jit3A_347 = arith.constant 8 : i32
      %div3A_348 = arith.divsi %add3A_346, %jit3A_347 : i32
      %sign3A_349 = arith.constant 0 : i32
      %sign3A_350 = arith.cmpi sgt, %add3A_346, %sign3A_349 : i32
      %sign3A_351 = arith.extui %sign3A_350 : i1 to i32
      %sign3A_352 = arith.constant 0 : i32
      %sign3A_353 = arith.cmpi slt, %add3A_346, %sign3A_352 : i32
      %sign3A_354 = arith.extui %sign3A_353 : i1 to i32
      %sign3A_355 = arith.subi %sign3A_351, %sign3A_354 : i32
      %sign3A_356 = arith.constant 0 : i32
      %sign3A_357 = arith.cmpi sgt, %jit3A_347, %sign3A_356 : i32
      %sign3A_358 = arith.extui %sign3A_357 : i1 to i32
      %sign3A_359 = arith.constant 0 : i32
      %sign3A_360 = arith.cmpi slt, %jit3A_347, %sign3A_359 : i32
      %sign3A_361 = arith.extui %sign3A_360 : i1 to i32
      %sign3A_362 = arith.subi %sign3A_358, %sign3A_361 : i32
      %ne3A_363 = arith.cmpi ne, %sign3A_355, %sign3A_362 : i32
      %rem3A_364 = arith.remsi %add3A_346, %jit3A_347 : i32
      %ne3A_365 = arith.constant 0 : i32
      %ne3A_366 = arith.cmpi ne, %rem3A_364, %ne3A_365 : i32
      %and3A_367 = arith.andi %ne3A_363, %ne3A_366 : i1
      %sub3A_368 = arith.constant 1 : i32
      %sub3A_369 = arith.subi %div3A_348, %sub3A_368 : i32
      %select_n3A_370 = arith.select %and3A_367, %sub3A_369, %div3A_348 : i32
      %jit3A_371 = arith.constant 8 : i32
      %eq3A_372 = arith.constant 0 : i32
      %eq3A_373 = arith.cmpi eq, %jit3A_371, %eq3A_372 : i32
      %jit3A_374 = arith.constant 1 : i32
      %select_n3A_375 = arith.select %eq3A_373, %jit3A_374, %jit3A_371 : i32
      %rem3A_376 = arith.remsi %add3A_346, %select_n3A_375 : i32
      %ne3A_377 = arith.constant 0 : i32
      %ne3A_378 = arith.cmpi ne, %rem3A_376, %ne3A_377 : i32
      %lt3A_379 = arith.constant 0 : i32
      %lt3A_380 = arith.cmpi slt, %rem3A_376, %lt3A_379 : i32
      %lt3A_381 = arith.constant 0 : i32
      %lt3A_382 = arith.cmpi slt, %select_n3A_375, %lt3A_381 : i32
      %ne3A_383 = arith.xori %lt3A_380, %lt3A_382 : i1
      %and3A_384 = arith.andi %ne3A_383, %ne3A_378 : i1
      %add3A_385 = arith.addi %rem3A_376, %select_n3A_375 : i32
      %select_n3A_386 = arith.select %and3A_384, %add3A_385, %rem3A_376 : i32
      %jit3A_387 = arith.constant 2 : i32
      %eq3A_388 = arith.constant 0 : i32
      %eq3A_389 = arith.cmpi eq, %jit3A_387, %eq3A_388 : i32
      %jit3A_390 = arith.constant 1 : i32
      %select_n3A_391 = arith.select %eq3A_389, %jit3A_390, %jit3A_387 : i32
      %rem3A_392 = arith.remsi %select_n3A_370, %select_n3A_391 : i32
      %ne3A_393 = arith.constant 0 : i32
      %ne3A_394 = arith.cmpi ne, %rem3A_392, %ne3A_393 : i32
      %lt3A_395 = arith.constant 0 : i32
      %lt3A_396 = arith.cmpi slt, %rem3A_392, %lt3A_395 : i32
      %lt3A_397 = arith.constant 0 : i32
      %lt3A_398 = arith.cmpi slt, %select_n3A_391, %lt3A_397 : i32
      %ne3A_399 = arith.xori %lt3A_396, %lt3A_398 : i1
      %and3A_400 = arith.andi %ne3A_399, %ne3A_394 : i1
      %add3A_401 = arith.addi %rem3A_392, %select_n3A_391 : i32
      %select_n3A_402 = arith.select %and3A_400, %add3A_401, %rem3A_392 : i32
      %ge3A_403 = arith.constant 4 : i32
      %ge3A_404 = arith.cmpi sge, %add3A_346, %ge3A_403 : i32
      %convert_element_type3A_405 = arith.extui %ge3A_404 : i1 to i32
      %cond3A_406 = arith.constant 0 : i32
      %cond3A_407 = arith.cmpi ne, %convert_element_type3A_405, %cond3A_406 : i32
      scf.if %cond3A_407 {
        %dma_wait3A_1078 = arith.constant 1 : i32
        %dma_wait3A_1079 = arith.constant 0 : i32
        %dma_wait3A_1080 = tpu.memref_slice %arg7[%dma_wait3A_1078, %dma_wait3A_1079] : memref<4x128xf32, #tpu.memory_space<vmem>> -> memref<1x128xf32, #tpu.memory_space<vmem>>
        %dma_wait3A_1081 = tpu.memref_squeeze %dma_wait3A_1080 : memref<1x128xf32, #tpu.memory_space<vmem>> -> memref<128xf32, #tpu.memory_space<vmem>>
        %dma_wait3A_1082 = arith.constant 0 : i32
        %dma_wait3A_1083 = tpu.memref_slice %arg9[%dma_wait3A_1082] : memref<10240xf32, #tpu.memory_space<vmem_shared>> -> memref<128xf32, #tpu.memory_space<vmem_shared>>
        %dma_wait3A_1084 = arith.constant 0 : i32
        %dma_wait3A_1085 = tpu.memref_slice %arg9[%dma_wait3A_1084] : memref<10240xf32, #tpu.memory_space<vmem_shared>> -> memref<128xf32, #tpu.memory_space<vmem_shared>>
        %dma_wait3A_1086 = arith.constant 0 : i32
        %dma_wait3A_1087 = tpu.memref_slice %arg7[%dma_wait3A_1078, %dma_wait3A_1086] : memref<4x128xf32, #tpu.memory_space<vmem>> -> memref<1x128xf32, #tpu.memory_space<vmem>>
        %dma_wait3A_1088 = tpu.memref_squeeze %dma_wait3A_1087 : memref<1x128xf32, #tpu.memory_space<vmem>> -> memref<128xf32, #tpu.memory_space<vmem>>
        tpu.wait_dma2 semaphore(%arg11 : memref<!tpu.dma_semaphore, #tpu.memory_space<semaphore_mem>>) src(%dma_wait3A_1088 : memref<128xf32, #tpu.memory_space<vmem>>) dst(%dma_wait3A_1085 : memref<128xf32, #tpu.memory_space<vmem_shared>>)
      } else {
      }
      %eq3A_408 = arith.constant 3 : i32
      %eq3A_409 = arith.cmpi eq, %select_n3A_386, %eq3A_408 : i32
      %ge3A_410 = arith.constant 1 : i32
      %ge3A_411 = arith.cmpi sge, %select_n3A_370, %ge3A_410 : i32
      %lt3A_412 = arith.constant 4 : i32
      %lt3A_413 = arith.cmpi slt, %select_n3A_370, %lt3A_412 : i32
      %and3A_414 = arith.andi %ge3A_411, %lt3A_413 : i1
      %and3A_415 = arith.andi %eq3A_409, %and3A_414 : i1
      %convert_element_type3A_416 = arith.extui %and3A_415 : i1 to i32
      %cond3A_417 = arith.constant 0 : i32
      %cond3A_418 = arith.cmpi ne, %convert_element_type3A_416, %cond3A_417 : i32
      scf.if %cond3A_418 {
        %mul3A_1078 = arith.constant 5 : i32
        %mul3A_1079 = arith.muli %add3A, %mul3A_1078 : i32
        %add3A_1080 = arith.addi %mul3A_1079, %select_n3A_370 : i32
        %add3A_1081 = arith.constant 1 : i32
        %add3A_1082 = arith.addi %add3A_1080, %add3A_1081 : i32
        %sub3A_1083 = arith.constant 1 : i32
        %sub3A_1084 = arith.subi %sub3A_1083, %select_n3A_402 : i32
        %dma_start3A_1085 = arith.constant 0 : i32
        %dma_start3A_1086 = arith.constant 0 : i32
        %dma_start3A_1087 = tpu.memref_slice %arg5[%sub3A_1084, %dma_start3A_1085, %dma_start3A_1086] : memref<2x8x128xi32, #tpu.memory_space<vmem>> -> memref<1x8x128xi32, #tpu.memory_space<vmem>>
        %dma_start3A_1088 = tpu.memref_squeeze %dma_start3A_1087 : memref<1x8x128xi32, #tpu.memory_space<vmem>> -> memref<8x128xi32, #tpu.memory_space<vmem>>
        %dma_start3A_1089 = arith.constant 0 : i32
        %dma_start3A_1090 = arith.constant 0 : i32
        %dma_start3A_1091 = tpu.memref_slice %arg2[%add3A_1082, %dma_start3A_1089, %dma_start3A_1090] : memref<160x8x128xi32, #tpu.memory_space<hbm>> -> memref<1x8x128xi32, #tpu.memory_space<hbm>>
        %dma_start3A_1092 = tpu.memref_squeeze %dma_start3A_1091 : memref<1x8x128xi32, #tpu.memory_space<hbm>> -> memref<8x128xi32, #tpu.memory_space<hbm>>
        %dma_start3A_1093 = arith.constant 0 : i32
        %dma_start3A_1094 = arith.constant 0 : i32
        %dma_start3A_1095 = tpu.memref_slice %arg5[%sub3A_1084, %dma_start3A_1093, %dma_start3A_1094] : memref<2x8x128xi32, #tpu.memory_space<vmem>> -> memref<1x8x128xi32, #tpu.memory_space<vmem>>
        %dma_start3A_1096 = tpu.memref_squeeze %dma_start3A_1095 : memref<1x8x128xi32, #tpu.memory_space<vmem>> -> memref<8x128xi32, #tpu.memory_space<vmem>>
        %dma_start3A_1097 = arith.constant 0 : i32
        %dma_start3A_1098 = arith.constant 0 : i32
        %dma_start3A_1099 = tpu.memref_slice %arg2[%add3A_1082, %dma_start3A_1097, %dma_start3A_1098] : memref<160x8x128xi32, #tpu.memory_space<hbm>> -> memref<1x8x128xi32, #tpu.memory_space<hbm>>
        %dma_start3A_1100 = tpu.memref_squeeze %dma_start3A_1099 : memref<1x8x128xi32, #tpu.memory_space<hbm>> -> memref<8x128xi32, #tpu.memory_space<hbm>>
        tpu.enqueue_dma source(%dma_start3A_1100 : memref<8x128xi32, #tpu.memory_space<hbm>>) target(%dma_start3A_1096 : memref<8x128xi32, #tpu.memory_space<vmem>>) target_semaphore(%arg14 : memref<!tpu.dma_semaphore, #tpu.memory_space<semaphore_mem>>)
        %mul3A_1101 = arith.constant 5 : i32
        %mul3A_1102 = arith.muli %add3A, %mul3A_1101 : i32
        %add3A_1103 = arith.addi %mul3A_1102, %select_n3A_370 : i32
        %add3A_1104 = arith.constant 1 : i32
        %add3A_1105 = arith.addi %add3A_1103, %add3A_1104 : i32
        %sub3A_1106 = arith.constant 1 : i32
        %sub3A_1107 = arith.subi %sub3A_1106, %select_n3A_402 : i32
        %dma_start3A_1108 = arith.constant 0 : i32
        %dma_start3A_1109 = arith.constant 0 : i32
        %dma_start3A_1110 = tpu.memref_slice %arg6[%sub3A_1107, %dma_start3A_1108, %dma_start3A_1109] : memref<2x8x128xi32, #tpu.memory_space<vmem>> -> memref<1x8x128xi32, #tpu.memory_space<vmem>>
        %dma_start3A_1111 = tpu.memref_squeeze %dma_start3A_1110 : memref<1x8x128xi32, #tpu.memory_space<vmem>> -> memref<8x128xi32, #tpu.memory_space<vmem>>
        %dma_start3A_1112 = arith.constant 0 : i32
        %dma_start3A_1113 = arith.constant 0 : i32
        %dma_start3A_1114 = tpu.memref_slice %arg3[%add3A_1105, %dma_start3A_1112, %dma_start3A_1113] : memref<160x8x128xi32, #tpu.memory_space<hbm>> -> memref<1x8x128xi32, #tpu.memory_space<hbm>>
        %dma_start3A_1115 = tpu.memref_squeeze %dma_start3A_1114 : memref<1x8x128xi32, #tpu.memory_space<hbm>> -> memref<8x128xi32, #tpu.memory_space<hbm>>
        %dma_start3A_1116 = arith.constant 0 : i32
        %dma_start3A_1117 = arith.constant 0 : i32
        %dma_start3A_1118 = tpu.memref_slice %arg6[%sub3A_1107, %dma_start3A_1116, %dma_start3A_1117] : memref<2x8x128xi32, #tpu.memory_space<vmem>> -> memref<1x8x128xi32, #tpu.memory_space<vmem>>
        %dma_start3A_1119 = tpu.memref_squeeze %dma_start3A_1118 : memref<1x8x128xi32, #tpu.memory_space<vmem>> -> memref<8x128xi32, #tpu.memory_space<vmem>>
        %dma_start3A_1120 = arith.constant 0 : i32
        %dma_start3A_1121 = arith.constant 0 : i32
        %dma_start3A_1122 = tpu.memref_slice %arg3[%add3A_1105, %dma_start3A_1120, %dma_start3A_1121] : memref<160x8x128xi32, #tpu.memory_space<hbm>> -> memref<1x8x128xi32, #tpu.memory_space<hbm>>
        %dma_start3A_1123 = tpu.memref_squeeze %dma_start3A_1122 : memref<1x8x128xi32, #tpu.memory_space<hbm>> -> memref<8x128xi32, #tpu.memory_space<hbm>>
        tpu.enqueue_dma source(%dma_start3A_1123 : memref<8x128xi32, #tpu.memory_space<hbm>>) target(%dma_start3A_1119 : memref<8x128xi32, #tpu.memory_space<vmem>>) target_semaphore(%arg14 : memref<!tpu.dma_semaphore, #tpu.memory_space<semaphore_mem>>)
      } else {
      }
      %eq3A_419 = arith.constant 6 : i32
      %eq3A_420 = arith.cmpi eq, %select_n3A_386, %eq3A_419 : i32
      %lt3A_421 = arith.constant 4 : i32
      %lt3A_422 = arith.cmpi slt, %select_n3A_370, %lt3A_421 : i32
      %and3A_423 = arith.andi %eq3A_420, %lt3A_422 : i1
      %convert_element_type3A_424 = arith.extui %and3A_423 : i1 to i32
      %cond3A_425 = arith.constant 0 : i32
      %cond3A_426 = arith.cmpi ne, %convert_element_type3A_424, %cond3A_425 : i32
      scf.if %cond3A_426 {
        %dma_wait3A_1078 = arith.constant 0 : i32
        %dma_wait3A_1079 = arith.constant 0 : i32
        %dma_wait3A_1080 = arith.constant 0 : i32
        %dma_wait3A_1081 = arith.constant 0 : i32
        %dma_wait3A_1082 = tpu.memref_slice %arg5[%dma_wait3A_1079, %dma_wait3A_1080, %dma_wait3A_1081] : memref<2x8x128xi32, #tpu.memory_space<vmem>> -> memref<1x8x128xi32, #tpu.memory_space<vmem>>
        %dma_wait3A_1083 = tpu.memref_squeeze %dma_wait3A_1082 : memref<1x8x128xi32, #tpu.memory_space<vmem>> -> memref<8x128xi32, #tpu.memory_space<vmem>>
        %dma_wait3A_1084 = arith.constant 0 : i32
        %dma_wait3A_1085 = arith.constant 0 : i32
        %dma_wait3A_1086 = tpu.memref_slice %arg2[%dma_wait3A_1078, %dma_wait3A_1084, %dma_wait3A_1085] : memref<160x8x128xi32, #tpu.memory_space<hbm>> -> memref<1x8x128xi32, #tpu.memory_space<hbm>>
        %dma_wait3A_1087 = tpu.memref_squeeze %dma_wait3A_1086 : memref<1x8x128xi32, #tpu.memory_space<hbm>> -> memref<8x128xi32, #tpu.memory_space<hbm>>
        %dma_wait3A_1088 = arith.constant 0 : i32
        %dma_wait3A_1089 = arith.constant 0 : i32
        %dma_wait3A_1090 = tpu.memref_slice %arg5[%dma_wait3A_1079, %dma_wait3A_1088, %dma_wait3A_1089] : memref<2x8x128xi32, #tpu.memory_space<vmem>> -> memref<1x8x128xi32, #tpu.memory_space<vmem>>
        %dma_wait3A_1091 = tpu.memref_squeeze %dma_wait3A_1090 : memref<1x8x128xi32, #tpu.memory_space<vmem>> -> memref<8x128xi32, #tpu.memory_space<vmem>>
        %dma_wait3A_1092 = arith.constant 0 : i32
        %dma_wait3A_1093 = arith.constant 0 : i32
        %dma_wait3A_1094 = tpu.memref_slice %arg2[%dma_wait3A_1078, %dma_wait3A_1092, %dma_wait3A_1093] : memref<160x8x128xi32, #tpu.memory_space<hbm>> -> memref<1x8x128xi32, #tpu.memory_space<hbm>>
        %dma_wait3A_1095 = tpu.memref_squeeze %dma_wait3A_1094 : memref<1x8x128xi32, #tpu.memory_space<hbm>> -> memref<8x128xi32, #tpu.memory_space<hbm>>
        tpu.wait_dma2 semaphore(%arg14 : memref<!tpu.dma_semaphore, #tpu.memory_space<semaphore_mem>>) src(%dma_wait3A_1095 : memref<8x128xi32, #tpu.memory_space<hbm>>) dst(%dma_wait3A_1091 : memref<8x128xi32, #tpu.memory_space<vmem>>)
        %dma_wait3A_1096 = arith.constant 0 : i32
        %dma_wait3A_1097 = arith.constant 0 : i32
        %dma_wait3A_1098 = arith.constant 0 : i32
        %dma_wait3A_1099 = arith.constant 0 : i32
        %dma_wait3A_1100 = tpu.memref_slice %arg6[%dma_wait3A_1097, %dma_wait3A_1098, %dma_wait3A_1099] : memref<2x8x128xi32, #tpu.memory_space<vmem>> -> memref<1x8x128xi32, #tpu.memory_space<vmem>>
        %dma_wait3A_1101 = tpu.memref_squeeze %dma_wait3A_1100 : memref<1x8x128xi32, #tpu.memory_space<vmem>> -> memref<8x128xi32, #tpu.memory_space<vmem>>
        %dma_wait3A_1102 = arith.constant 0 : i32
        %dma_wait3A_1103 = arith.constant 0 : i32
        %dma_wait3A_1104 = tpu.memref_slice %arg3[%dma_wait3A_1096, %dma_wait3A_1102, %dma_wait3A_1103] : memref<160x8x128xi32, #tpu.memory_space<hbm>> -> memref<1x8x128xi32, #tpu.memory_space<hbm>>
        %dma_wait3A_1105 = tpu.memref_squeeze %dma_wait3A_1104 : memref<1x8x128xi32, #tpu.memory_space<hbm>> -> memref<8x128xi32, #tpu.memory_space<hbm>>
        %dma_wait3A_1106 = arith.constant 0 : i32
        %dma_wait3A_1107 = arith.constant 0 : i32
        %dma_wait3A_1108 = tpu.memref_slice %arg6[%dma_wait3A_1097, %dma_wait3A_1106, %dma_wait3A_1107] : memref<2x8x128xi32, #tpu.memory_space<vmem>> -> memref<1x8x128xi32, #tpu.memory_space<vmem>>
        %dma_wait3A_1109 = tpu.memref_squeeze %dma_wait3A_1108 : memref<1x8x128xi32, #tpu.memory_space<vmem>> -> memref<8x128xi32, #tpu.memory_space<vmem>>
        %dma_wait3A_1110 = arith.constant 0 : i32
        %dma_wait3A_1111 = arith.constant 0 : i32
        %dma_wait3A_1112 = tpu.memref_slice %arg3[%dma_wait3A_1096, %dma_wait3A_1110, %dma_wait3A_1111] : memref<160x8x128xi32, #tpu.memory_space<hbm>> -> memref<1x8x128xi32, #tpu.memory_space<hbm>>
        %dma_wait3A_1113 = tpu.memref_squeeze %dma_wait3A_1112 : memref<1x8x128xi32, #tpu.memory_space<hbm>> -> memref<8x128xi32, #tpu.memory_space<hbm>>
        tpu.wait_dma2 semaphore(%arg14 : memref<!tpu.dma_semaphore, #tpu.memory_space<semaphore_mem>>) src(%dma_wait3A_1113 : memref<8x128xi32, #tpu.memory_space<hbm>>) dst(%dma_wait3A_1109 : memref<8x128xi32, #tpu.memory_space<vmem>>)
      } else {
      }
      %get3A_427 = arith.index_cast %select_n3A_402 : i32 to index
      %get3A_428 = arith.index_cast %select_n3A_386 : i32 to index
      %get3A_429 = arith.constant 0 : index
      %get3A_430 = tpu.vector_load %arg6[%get3A_427, %get3A_428, %get3A_429] {strides = array<i32>} : memref<2x8x128xi32, #tpu.memory_space<vmem>>, vector<1x1x16xi32>,
      %get3A_431 = vector.shape_cast %get3A_430 : vector<1x1x16xi32> to vector<16xi32>
      %ne3A_432 = arith.constant 10000 : i32
      %ne3A_433 = vector.broadcast %ne3A_432 : i32 to vector<16xi32>
      %ne3A_434 = arith.cmpi ne, %get3A_431, %ne3A_433 : vector<16xi32>
      %jit3A_435 = arith.constant 1.000000e+00 : f32
      %jit3A_436 = arith.constant 0.000000e+00 : f32
      %broadcast_in_dim3A_437 = vector.broadcast %jit3A_435 : f32 to vector<16xf32>
      %broadcast_in_dim3A_438 = vector.broadcast %jit3A_436 : f32 to vector<16xf32>
      %select_n3A_439 = arith.select %ne3A_434, %broadcast_in_dim3A_437, %broadcast_in_dim3A_438 : vector<16xi1>, vector<16xf32>
      %swap3A_440 = arith.constant 1 : i32
      %swap3A_441 = arith.index_cast %swap3A_440 : i32 to index
      %swap3A_442 = arith.constant 0 : index
      %swap3A_443 = tpu.vector_load %arg7[%swap3A_441, %swap3A_442] {strides = array<i32>} : memref<4x128xf32, #tpu.memory_space<vmem>>, vector<1x16xf32>,
      %swap3A_444 = vector.shape_cast %swap3A_443 : vector<1x16xf32> to vector<16xf32>
      %swap3A_445 = vector.shape_cast %select_n3A_439 : vector<16xf32> to vector<1x16xf32>
      tpu.vector_store %arg7[%swap3A_441, %swap3A_442], %swap3A_445 {strides = array<i32>} : memref<4x128xf32, #tpu.memory_space<vmem>>, vector<1x16xf32>,
      %get3A_446 = arith.index_cast %select_n3A_402 : i32 to index
      %get3A_447 = arith.index_cast %select_n3A_386 : i32 to index
      %get3A_448 = arith.constant 16 : index
      %get3A_449 = tpu.vector_load %arg6[%get3A_446, %get3A_447, %get3A_448] {strides = array<i32>} : memref<2x8x128xi32, #tpu.memory_space<vmem>>, vector<1x1x16xi32>,
      %get3A_450 = vector.shape_cast %get3A_449 : vector<1x1x16xi32> to vector<16xi32>
      %ne3A_451 = arith.constant 10000 : i32
      %ne3A_452 = vector.broadcast %ne3A_451 : i32 to vector<16xi32>
      %ne3A_453 = arith.cmpi ne, %get3A_450, %ne3A_452 : vector<16xi32>
      %jit3A_454 = arith.constant 1.000000e+00 : f32
      %jit3A_455 = arith.constant 0.000000e+00 : f32
      %broadcast_in_dim3A_456 = vector.broadcast %jit3A_454 : f32 to vector<16xf32>
      %broadcast_in_dim3A_457 = vector.broadcast %jit3A_455 : f32 to vector<16xf32>
      %select_n3A_458 = arith.select %ne3A_453, %broadcast_in_dim3A_456, %broadcast_in_dim3A_457 : vector<16xi1>, vector<16xf32>
      %swap3A_459 = arith.constant 1 : i32
      %swap3A_460 = arith.index_cast %swap3A_459 : i32 to index
      %swap3A_461 = arith.constant 16 : index
      %swap3A_462 = tpu.vector_load %arg7[%swap3A_460, %swap3A_461] {strides = array<i32>} : memref<4x128xf32, #tpu.memory_space<vmem>>, vector<1x16xf32>,
      %swap3A_463 = vector.shape_cast %swap3A_462 : vector<1x16xf32> to vector<16xf32>
      %swap3A_464 = vector.shape_cast %select_n3A_458 : vector<16xf32> to vector<1x16xf32>
      tpu.vector_store %arg7[%swap3A_460, %swap3A_461], %swap3A_464 {strides = array<i32>} : memref<4x128xf32, #tpu.memory_space<vmem>>, vector<1x16xf32>,
      %get3A_465 = arith.index_cast %select_n3A_402 : i32 to index
      %get3A_466 = arith.index_cast %select_n3A_386 : i32 to index
      %get3A_467 = arith.constant 32 : index
      %get3A_468 = tpu.vector_load %arg6[%get3A_465, %get3A_466, %get3A_467] {strides = array<i32>} : memref<2x8x128xi32, #tpu.memory_space<vmem>>, vector<1x1x16xi32>,
      %get3A_469 = vector.shape_cast %get3A_468 : vector<1x1x16xi32> to vector<16xi32>
      %ne3A_470 = arith.constant 10000 : i32
      %ne3A_471 = vector.broadcast %ne3A_470 : i32 to vector<16xi32>
      %ne3A_472 = arith.cmpi ne, %get3A_469, %ne3A_471 : vector<16xi32>
      %jit3A_473 = arith.constant 1.000000e+00 : f32
      %jit3A_474 = arith.constant 0.000000e+00 : f32
      %broadcast_in_dim3A_475 = vector.broadcast %jit3A_473 : f32 to vector<16xf32>
      %broadcast_in_dim3A_476 = vector.broadcast %jit3A_474 : f32 to vector<16xf32>
      %select_n3A_477 = arith.select %ne3A_472, %broadcast_in_dim3A_475, %broadcast_in_dim3A_476 : vector<16xi1>, vector<16xf32>
      %swap3A_478 = arith.constant 1 : i32
      %swap3A_479 = arith.index_cast %swap3A_478 : i32 to index
      %swap3A_480 = arith.constant 32 : index
      %swap3A_481 = tpu.vector_load %arg7[%swap3A_479, %swap3A_480] {strides = array<i32>} : memref<4x128xf32, #tpu.memory_space<vmem>>, vector<1x16xf32>,
      %swap3A_482 = vector.shape_cast %swap3A_481 : vector<1x16xf32> to vector<16xf32>
      %swap3A_483 = vector.shape_cast %select_n3A_477 : vector<16xf32> to vector<1x16xf32>
      tpu.vector_store %arg7[%swap3A_479, %swap3A_480], %swap3A_483 {strides = array<i32>} : memref<4x128xf32, #tpu.memory_space<vmem>>, vector<1x16xf32>,
      %get3A_484 = arith.index_cast %select_n3A_402 : i32 to index
      %get3A_485 = arith.index_cast %select_n3A_386 : i32 to index
      %get3A_486 = arith.constant 48 : index
      %get3A_487 = tpu.vector_load %arg6[%get3A_484, %get3A_485, %get3A_486] {strides = array<i32>} : memref<2x8x128xi32, #tpu.memory_space<vmem>>, vector<1x1x16xi32>,
      %get3A_488 = vector.shape_cast %get3A_487 : vector<1x1x16xi32> to vector<16xi32>
      %ne3A_489 = arith.constant 10000 : i32
      %ne3A_490 = vector.broadcast %ne3A_489 : i32 to vector<16xi32>
      %ne3A_491 = arith.cmpi ne, %get3A_488, %ne3A_490 : vector<16xi32>
      %jit3A_492 = arith.constant 1.000000e+00 : f32
      %jit3A_493 = arith.constant 0.000000e+00 : f32
      %broadcast_in_dim3A_494 = vector.broadcast %jit3A_492 : f32 to vector<16xf32>
      %broadcast_in_dim3A_495 = vector.broadcast %jit3A_493 : f32 to vector<16xf32>
      %select_n3A_496 = arith.select %ne3A_491, %broadcast_in_dim3A_494, %broadcast_in_dim3A_495 : vector<16xi1>, vector<16xf32>
      %swap3A_497 = arith.constant 1 : i32
      %swap3A_498 = arith.index_cast %swap3A_497 : i32 to index
      %swap3A_499 = arith.constant 48 : index
      %swap3A_500 = tpu.vector_load %arg7[%swap3A_498, %swap3A_499] {strides = array<i32>} : memref<4x128xf32, #tpu.memory_space<vmem>>, vector<1x16xf32>,
      %swap3A_501 = vector.shape_cast %swap3A_500 : vector<1x16xf32> to vector<16xf32>
      %swap3A_502 = vector.shape_cast %select_n3A_496 : vector<16xf32> to vector<1x16xf32>
      tpu.vector_store %arg7[%swap3A_498, %swap3A_499], %swap3A_502 {strides = array<i32>} : memref<4x128xf32, #tpu.memory_space<vmem>>, vector<1x16xf32>,
      %get3A_503 = arith.index_cast %select_n3A_402 : i32 to index
      %get3A_504 = arith.index_cast %select_n3A_386 : i32 to index
      %get3A_505 = arith.constant 64 : index
      %get3A_506 = tpu.vector_load %arg6[%get3A_503, %get3A_504, %get3A_505] {strides = array<i32>} : memref<2x8x128xi32, #tpu.memory_space<vmem>>, vector<1x1x16xi32>,
      %get3A_507 = vector.shape_cast %get3A_506 : vector<1x1x16xi32> to vector<16xi32>
      %ne3A_508 = arith.constant 10000 : i32
      %ne3A_509 = vector.broadcast %ne3A_508 : i32 to vector<16xi32>
      %ne3A_510 = arith.cmpi ne, %get3A_507, %ne3A_509 : vector<16xi32>
      %jit3A_511 = arith.constant 1.000000e+00 : f32
      %jit3A_512 = arith.constant 0.000000e+00 : f32
      %broadcast_in_dim3A_513 = vector.broadcast %jit3A_511 : f32 to vector<16xf32>
      %broadcast_in_dim3A_514 = vector.broadcast %jit3A_512 : f32 to vector<16xf32>
      %select_n3A_515 = arith.select %ne3A_510, %broadcast_in_dim3A_513, %broadcast_in_dim3A_514 : vector<16xi1>, vector<16xf32>
      %swap3A_516 = arith.constant 1 : i32
      %swap3A_517 = arith.index_cast %swap3A_516 : i32 to index
      %swap3A_518 = arith.constant 64 : index
      %swap3A_519 = tpu.vector_load %arg7[%swap3A_517, %swap3A_518] {strides = array<i32>} : memref<4x128xf32, #tpu.memory_space<vmem>>, vector<1x16xf32>,
      %swap3A_520 = vector.shape_cast %swap3A_519 : vector<1x16xf32> to vector<16xf32>
      %swap3A_521 = vector.shape_cast %select_n3A_515 : vector<16xf32> to vector<1x16xf32>
      tpu.vector_store %arg7[%swap3A_517, %swap3A_518], %swap3A_521 {strides = array<i32>} : memref<4x128xf32, #tpu.memory_space<vmem>>, vector<1x16xf32>,
      %get3A_522 = arith.index_cast %select_n3A_402 : i32 to index
      %get3A_523 = arith.index_cast %select_n3A_386 : i32 to index
      %get3A_524 = arith.constant 80 : index
      %get3A_525 = tpu.vector_load %arg6[%get3A_522, %get3A_523, %get3A_524] {strides = array<i32>} : memref<2x8x128xi32, #tpu.memory_space<vmem>>, vector<1x1x16xi32>,
      %get3A_526 = vector.shape_cast %get3A_525 : vector<1x1x16xi32> to vector<16xi32>
      %ne3A_527 = arith.constant 10000 : i32
      %ne3A_528 = vector.broadcast %ne3A_527 : i32 to vector<16xi32>
      %ne3A_529 = arith.cmpi ne, %get3A_526, %ne3A_528 : vector<16xi32>
      %jit3A_530 = arith.constant 1.000000e+00 : f32
      %jit3A_531 = arith.constant 0.000000e+00 : f32
      %broadcast_in_dim3A_532 = vector.broadcast %jit3A_530 : f32 to vector<16xf32>
      %broadcast_in_dim3A_533 = vector.broadcast %jit3A_531 : f32 to vector<16xf32>
      %select_n3A_534 = arith.select %ne3A_529, %broadcast_in_dim3A_532, %broadcast_in_dim3A_533 : vector<16xi1>, vector<16xf32>
      %swap3A_535 = arith.constant 1 : i32
      %swap3A_536 = arith.index_cast %swap3A_535 : i32 to index
      %swap3A_537 = arith.constant 80 : index
      %swap3A_538 = tpu.vector_load %arg7[%swap3A_536, %swap3A_537] {strides = array<i32>} : memref<4x128xf32, #tpu.memory_space<vmem>>, vector<1x16xf32>,
      %swap3A_539 = vector.shape_cast %swap3A_538 : vector<1x16xf32> to vector<16xf32>
      %swap3A_540 = vector.shape_cast %select_n3A_534 : vector<16xf32> to vector<1x16xf32>
      tpu.vector_store %arg7[%swap3A_536, %swap3A_537], %swap3A_540 {strides = array<i32>} : memref<4x128xf32, #tpu.memory_space<vmem>>, vector<1x16xf32>,
      %get3A_541 = arith.index_cast %select_n3A_402 : i32 to index
      %get3A_542 = arith.index_cast %select_n3A_386 : i32 to index
      %get3A_543 = arith.constant 96 : index
      %get3A_544 = tpu.vector_load %arg6[%get3A_541, %get3A_542, %get3A_543] {strides = array<i32>} : memref<2x8x128xi32, #tpu.memory_space<vmem>>, vector<1x1x16xi32>,
      %get3A_545 = vector.shape_cast %get3A_544 : vector<1x1x16xi32> to vector<16xi32>
      %ne3A_546 = arith.constant 10000 : i32
      %ne3A_547 = vector.broadcast %ne3A_546 : i32 to vector<16xi32>
      %ne3A_548 = arith.cmpi ne, %get3A_545, %ne3A_547 : vector<16xi32>
      %jit3A_549 = arith.constant 1.000000e+00 : f32
      %jit3A_550 = arith.constant 0.000000e+00 : f32
      %broadcast_in_dim3A_551 = vector.broadcast %jit3A_549 : f32 to vector<16xf32>
      %broadcast_in_dim3A_552 = vector.broadcast %jit3A_550 : f32 to vector<16xf32>
      %select_n3A_553 = arith.select %ne3A_548, %broadcast_in_dim3A_551, %broadcast_in_dim3A_552 : vector<16xi1>, vector<16xf32>
      %swap3A_554 = arith.constant 1 : i32
      %swap3A_555 = arith.index_cast %swap3A_554 : i32 to index
      %swap3A_556 = arith.constant 96 : index
      %swap3A_557 = tpu.vector_load %arg7[%swap3A_555, %swap3A_556] {strides = array<i32>} : memref<4x128xf32, #tpu.memory_space<vmem>>, vector<1x16xf32>,
      %swap3A_558 = vector.shape_cast %swap3A_557 : vector<1x16xf32> to vector<16xf32>
      %swap3A_559 = vector.shape_cast %select_n3A_553 : vector<16xf32> to vector<1x16xf32>
      tpu.vector_store %arg7[%swap3A_555, %swap3A_556], %swap3A_559 {strides = array<i32>} : memref<4x128xf32, #tpu.memory_space<vmem>>, vector<1x16xf32>,
      %get3A_560 = arith.index_cast %select_n3A_402 : i32 to index
      %get3A_561 = arith.index_cast %select_n3A_386 : i32 to index
      %get3A_562 = arith.constant 112 : index
      %get3A_563 = tpu.vector_load %arg6[%get3A_560, %get3A_561, %get3A_562] {strides = array<i32>} : memref<2x8x128xi32, #tpu.memory_space<vmem>>, vector<1x1x16xi32>,
      %get3A_564 = vector.shape_cast %get3A_563 : vector<1x1x16xi32> to vector<16xi32>
      %ne3A_565 = arith.constant 10000 : i32
      %ne3A_566 = vector.broadcast %ne3A_565 : i32 to vector<16xi32>
      %ne3A_567 = arith.cmpi ne, %get3A_564, %ne3A_566 : vector<16xi32>
      %jit3A_568 = arith.constant 1.000000e+00 : f32
      %jit3A_569 = arith.constant 0.000000e+00 : f32
      %broadcast_in_dim3A_570 = vector.broadcast %jit3A_568 : f32 to vector<16xf32>
      %broadcast_in_dim3A_571 = vector.broadcast %jit3A_569 : f32 to vector<16xf32>
      %select_n3A_572 = arith.select %ne3A_567, %broadcast_in_dim3A_570, %broadcast_in_dim3A_571 : vector<16xi1>, vector<16xf32>
      %swap3A_573 = arith.constant 1 : i32
      %swap3A_574 = arith.index_cast %swap3A_573 : i32 to index
      %swap3A_575 = arith.constant 112 : index
      %swap3A_576 = tpu.vector_load %arg7[%swap3A_574, %swap3A_575] {strides = array<i32>} : memref<4x128xf32, #tpu.memory_space<vmem>>, vector<1x16xf32>,
      %swap3A_577 = vector.shape_cast %swap3A_576 : vector<1x16xf32> to vector<16xf32>
      %swap3A_578 = vector.shape_cast %select_n3A_572 : vector<16xf32> to vector<1x16xf32>
      tpu.vector_store %arg7[%swap3A_574, %swap3A_575], %swap3A_578 {strides = array<i32>} : memref<4x128xf32, #tpu.memory_space<vmem>>, vector<1x16xf32>,
      %dma_start3A_579 = arith.constant 1 : i32
      %dma_start3A_580 = arith.constant 0 : i32
      %dma_start3A_581 = tpu.memref_slice %arg7[%dma_start3A_579, %dma_start3A_580] : memref<4x128xf32, #tpu.memory_space<vmem>> -> memref<1x128xf32, #tpu.memory_space<vmem>>
      %dma_start3A_582 = tpu.memref_squeeze %dma_start3A_581 : memref<1x128xf32, #tpu.memory_space<vmem>> -> memref<128xf32, #tpu.memory_space<vmem>>
      %dma_start3A_583 = arith.constant 0 : i32
      %dma_start3A_584 = tpu.memref_slice %arg5[%select_n3A_402, %select_n3A_386, %dma_start3A_583] : memref<2x8x128xi32, #tpu.memory_space<vmem>> -> memref<1x1x128xi32, #tpu.memory_space<vmem>>
      %dma_start3A_585 = tpu.memref_squeeze %dma_start3A_584 : memref<1x1x128xi32, #tpu.memory_space<vmem>> -> memref<128xi32, #tpu.memory_space<vmem>>
      %dma_start3A_586 = arith.constant 0 : i32
      %dma_start3A_587 = tpu.memref_slice %arg9[%dma_start3A_586] : memref<10240xf32, #tpu.memory_space<vmem_shared>> -> memref<10240xf32, #tpu.memory_space<vmem_shared>>
      tpu.enqueue_indirect_dma source(%dma_start3A_582 : memref<128xf32, #tpu.memory_space<vmem>>) target(%dma_start3A_587 : memref<10240xf32, #tpu.memory_space<vmem_shared>>) offsets(%dma_start3A_585 : memref<128xi32, #tpu.memory_space<vmem>>) semaphore(%arg11 : memref<!tpu.dma_semaphore, #tpu.memory_space<semaphore_mem>>) {add = true}
      %mul3A_588 = arith.constant 4 : i32
      %mul3A_589 = arith.muli %mul3A_588, %scan3A_112 : i32
      %add3A_590 = arith.constant 2 : i32
      %add3A_591 = arith.addi %mul3A_589, %add3A_590 : i32
      %jit3A_592 = arith.constant 8 : i32
      %div3A_593 = arith.divsi %add3A_591, %jit3A_592 : i32
      %sign3A_594 = arith.constant 0 : i32
      %sign3A_595 = arith.cmpi sgt, %add3A_591, %sign3A_594 : i32
      %sign3A_596 = arith.extui %sign3A_595 : i1 to i32
      %sign3A_597 = arith.constant 0 : i32
      %sign3A_598 = arith.cmpi slt, %add3A_591, %sign3A_597 : i32
      %sign3A_599 = arith.extui %sign3A_598 : i1 to i32
      %sign3A_600 = arith.subi %sign3A_596, %sign3A_599 : i32
      %sign3A_601 = arith.constant 0 : i32
      %sign3A_602 = arith.cmpi sgt, %jit3A_592, %sign3A_601 : i32
      %sign3A_603 = arith.extui %sign3A_602 : i1 to i32
      %sign3A_604 = arith.constant 0 : i32
      %sign3A_605 = arith.cmpi slt, %jit3A_592, %sign3A_604 : i32
      %sign3A_606 = arith.extui %sign3A_605 : i1 to i32
      %sign3A_607 = arith.subi %sign3A_603, %sign3A_606 : i32
      %ne3A_608 = arith.cmpi ne, %sign3A_600, %sign3A_607 : i32
      %rem3A_609 = arith.remsi %add3A_591, %jit3A_592 : i32
      %ne3A_610 = arith.constant 0 : i32
      %ne3A_611 = arith.cmpi ne, %rem3A_609, %ne3A_610 : i32
      %and3A_612 = arith.andi %ne3A_608, %ne3A_611 : i1
      %sub3A_613 = arith.constant 1 : i32
      %sub3A_614 = arith.subi %div3A_593, %sub3A_613 : i32
      %select_n3A_615 = arith.select %and3A_612, %sub3A_614, %div3A_593 : i32
      %jit3A_616 = arith.constant 8 : i32
      %eq3A_617 = arith.constant 0 : i32
      %eq3A_618 = arith.cmpi eq, %jit3A_616, %eq3A_617 : i32
      %jit3A_619 = arith.constant 1 : i32
      %select_n3A_620 = arith.select %eq3A_618, %jit3A_619, %jit3A_616 : i32
      %rem3A_621 = arith.remsi %add3A_591, %select_n3A_620 : i32
      %ne3A_622 = arith.constant 0 : i32
      %ne3A_623 = arith.cmpi ne, %rem3A_621, %ne3A_622 : i32
      %lt3A_624 = arith.constant 0 : i32
      %lt3A_625 = arith.cmpi slt, %rem3A_621, %lt3A_624 : i32
      %lt3A_626 = arith.constant 0 : i32
      %lt3A_627 = arith.cmpi slt, %select_n3A_620, %lt3A_626 : i32
      %ne3A_628 = arith.xori %lt3A_625, %lt3A_627 : i1
      %and3A_629 = arith.andi %ne3A_628, %ne3A_623 : i1
      %add3A_630 = arith.addi %rem3A_621, %select_n3A_620 : i32
      %select_n3A_631 = arith.select %and3A_629, %add3A_630, %rem3A_621 : i32
      %jit3A_632 = arith.constant 2 : i32
      %eq3A_633 = arith.constant 0 : i32
      %eq3A_634 = arith.cmpi eq, %jit3A_632, %eq3A_633 : i32
      %jit3A_635 = arith.constant 1 : i32
      %select_n3A_636 = arith.select %eq3A_634, %jit3A_635, %jit3A_632 : i32
      %rem3A_637 = arith.remsi %select_n3A_615, %select_n3A_636 : i32
      %ne3A_638 = arith.constant 0 : i32
      %ne3A_639 = arith.cmpi ne, %rem3A_637, %ne3A_638 : i32
      %lt3A_640 = arith.constant 0 : i32
      %lt3A_641 = arith.cmpi slt, %rem3A_637, %lt3A_640 : i32
      %lt3A_642 = arith.constant 0 : i32
      %lt3A_643 = arith.cmpi slt, %select_n3A_636, %lt3A_642 : i32
      %ne3A_644 = arith.xori %lt3A_641, %lt3A_643 : i1
      %and3A_645 = arith.andi %ne3A_644, %ne3A_639 : i1
      %add3A_646 = arith.addi %rem3A_637, %select_n3A_636 : i32
      %select_n3A_647 = arith.select %and3A_645, %add3A_646, %rem3A_637 : i32
      %ge3A_648 = arith.constant 4 : i32
      %ge3A_649 = arith.cmpi sge, %add3A_591, %ge3A_648 : i32
      %convert_element_type3A_650 = arith.extui %ge3A_649 : i1 to i32
      %cond3A_651 = arith.constant 0 : i32
      %cond3A_652 = arith.cmpi ne, %convert_element_type3A_650, %cond3A_651 : i32
      scf.if %cond3A_652 {
        %dma_wait3A_1078 = arith.constant 2 : i32
        %dma_wait3A_1079 = arith.constant 0 : i32
        %dma_wait3A_1080 = tpu.memref_slice %arg7[%dma_wait3A_1078, %dma_wait3A_1079] : memref<4x128xf32, #tpu.memory_space<vmem>> -> memref<1x128xf32, #tpu.memory_space<vmem>>
        %dma_wait3A_1081 = tpu.memref_squeeze %dma_wait3A_1080 : memref<1x128xf32, #tpu.memory_space<vmem>> -> memref<128xf32, #tpu.memory_space<vmem>>
        %dma_wait3A_1082 = arith.constant 0 : i32
        %dma_wait3A_1083 = tpu.memref_slice %arg9[%dma_wait3A_1082] : memref<10240xf32, #tpu.memory_space<vmem_shared>> -> memref<128xf32, #tpu.memory_space<vmem_shared>>
        %dma_wait3A_1084 = arith.constant 0 : i32
        %dma_wait3A_1085 = tpu.memref_slice %arg9[%dma_wait3A_1084] : memref<10240xf32, #tpu.memory_space<vmem_shared>> -> memref<128xf32, #tpu.memory_space<vmem_shared>>
        %dma_wait3A_1086 = arith.constant 0 : i32
        %dma_wait3A_1087 = tpu.memref_slice %arg7[%dma_wait3A_1078, %dma_wait3A_1086] : memref<4x128xf32, #tpu.memory_space<vmem>> -> memref<1x128xf32, #tpu.memory_space<vmem>>
        %dma_wait3A_1088 = tpu.memref_squeeze %dma_wait3A_1087 : memref<1x128xf32, #tpu.memory_space<vmem>> -> memref<128xf32, #tpu.memory_space<vmem>>
        tpu.wait_dma2 semaphore(%arg12 : memref<!tpu.dma_semaphore, #tpu.memory_space<semaphore_mem>>) src(%dma_wait3A_1088 : memref<128xf32, #tpu.memory_space<vmem>>) dst(%dma_wait3A_1085 : memref<128xf32, #tpu.memory_space<vmem_shared>>)
      } else {
      }
      %eq3A_653 = arith.constant 3 : i32
      %eq3A_654 = arith.cmpi eq, %select_n3A_631, %eq3A_653 : i32
      %ge3A_655 = arith.constant 1 : i32
      %ge3A_656 = arith.cmpi sge, %select_n3A_615, %ge3A_655 : i32
      %lt3A_657 = arith.constant 4 : i32
      %lt3A_658 = arith.cmpi slt, %select_n3A_615, %lt3A_657 : i32
      %and3A_659 = arith.andi %ge3A_656, %lt3A_658 : i1
      %and3A_660 = arith.andi %eq3A_654, %and3A_659 : i1
      %convert_element_type3A_661 = arith.extui %and3A_660 : i1 to i32
      %cond3A_662 = arith.constant 0 : i32
      %cond3A_663 = arith.cmpi ne, %convert_element_type3A_661, %cond3A_662 : i32
      scf.if %cond3A_663 {
        %mul3A_1078 = arith.constant 5 : i32
        %mul3A_1079 = arith.muli %add3A, %mul3A_1078 : i32
        %add3A_1080 = arith.addi %mul3A_1079, %select_n3A_615 : i32
        %add3A_1081 = arith.constant 1 : i32
        %add3A_1082 = arith.addi %add3A_1080, %add3A_1081 : i32
        %sub3A_1083 = arith.constant 1 : i32
        %sub3A_1084 = arith.subi %sub3A_1083, %select_n3A_647 : i32
        %dma_start3A_1085 = arith.constant 0 : i32
        %dma_start3A_1086 = arith.constant 0 : i32
        %dma_start3A_1087 = tpu.memref_slice %arg5[%sub3A_1084, %dma_start3A_1085, %dma_start3A_1086] : memref<2x8x128xi32, #tpu.memory_space<vmem>> -> memref<1x8x128xi32, #tpu.memory_space<vmem>>
        %dma_start3A_1088 = tpu.memref_squeeze %dma_start3A_1087 : memref<1x8x128xi32, #tpu.memory_space<vmem>> -> memref<8x128xi32, #tpu.memory_space<vmem>>
        %dma_start3A_1089 = arith.constant 0 : i32
        %dma_start3A_1090 = arith.constant 0 : i32
        %dma_start3A_1091 = tpu.memref_slice %arg2[%add3A_1082, %dma_start3A_1089, %dma_start3A_1090] : memref<160x8x128xi32, #tpu.memory_space<hbm>> -> memref<1x8x128xi32, #tpu.memory_space<hbm>>
        %dma_start3A_1092 = tpu.memref_squeeze %dma_start3A_1091 : memref<1x8x128xi32, #tpu.memory_space<hbm>> -> memref<8x128xi32, #tpu.memory_space<hbm>>
        %dma_start3A_1093 = arith.constant 0 : i32
        %dma_start3A_1094 = arith.constant 0 : i32
        %dma_start3A_1095 = tpu.memref_slice %arg5[%sub3A_1084, %dma_start3A_1093, %dma_start3A_1094] : memref<2x8x128xi32, #tpu.memory_space<vmem>> -> memref<1x8x128xi32, #tpu.memory_space<vmem>>
        %dma_start3A_1096 = tpu.memref_squeeze %dma_start3A_1095 : memref<1x8x128xi32, #tpu.memory_space<vmem>> -> memref<8x128xi32, #tpu.memory_space<vmem>>
        %dma_start3A_1097 = arith.constant 0 : i32
        %dma_start3A_1098 = arith.constant 0 : i32
        %dma_start3A_1099 = tpu.memref_slice %arg2[%add3A_1082, %dma_start3A_1097, %dma_start3A_1098] : memref<160x8x128xi32, #tpu.memory_space<hbm>> -> memref<1x8x128xi32, #tpu.memory_space<hbm>>
        %dma_start3A_1100 = tpu.memref_squeeze %dma_start3A_1099 : memref<1x8x128xi32, #tpu.memory_space<hbm>> -> memref<8x128xi32, #tpu.memory_space<hbm>>
        tpu.enqueue_dma source(%dma_start3A_1100 : memref<8x128xi32, #tpu.memory_space<hbm>>) target(%dma_start3A_1096 : memref<8x128xi32, #tpu.memory_space<vmem>>) target_semaphore(%arg14 : memref<!tpu.dma_semaphore, #tpu.memory_space<semaphore_mem>>)
        %mul3A_1101 = arith.constant 5 : i32
        %mul3A_1102 = arith.muli %add3A, %mul3A_1101 : i32
        %add3A_1103 = arith.addi %mul3A_1102, %select_n3A_615 : i32
        %add3A_1104 = arith.constant 1 : i32
        %add3A_1105 = arith.addi %add3A_1103, %add3A_1104 : i32
        %sub3A_1106 = arith.constant 1 : i32
        %sub3A_1107 = arith.subi %sub3A_1106, %select_n3A_647 : i32
        %dma_start3A_1108 = arith.constant 0 : i32
        %dma_start3A_1109 = arith.constant 0 : i32
        %dma_start3A_1110 = tpu.memref_slice %arg6[%sub3A_1107, %dma_start3A_1108, %dma_start3A_1109] : memref<2x8x128xi32, #tpu.memory_space<vmem>> -> memref<1x8x128xi32, #tpu.memory_space<vmem>>
        %dma_start3A_1111 = tpu.memref_squeeze %dma_start3A_1110 : memref<1x8x128xi32, #tpu.memory_space<vmem>> -> memref<8x128xi32, #tpu.memory_space<vmem>>
        %dma_start3A_1112 = arith.constant 0 : i32
        %dma_start3A_1113 = arith.constant 0 : i32
        %dma_start3A_1114 = tpu.memref_slice %arg3[%add3A_1105, %dma_start3A_1112, %dma_start3A_1113] : memref<160x8x128xi32, #tpu.memory_space<hbm>> -> memref<1x8x128xi32, #tpu.memory_space<hbm>>
        %dma_start3A_1115 = tpu.memref_squeeze %dma_start3A_1114 : memref<1x8x128xi32, #tpu.memory_space<hbm>> -> memref<8x128xi32, #tpu.memory_space<hbm>>
        %dma_start3A_1116 = arith.constant 0 : i32
        %dma_start3A_1117 = arith.constant 0 : i32
        %dma_start3A_1118 = tpu.memref_slice %arg6[%sub3A_1107, %dma_start3A_1116, %dma_start3A_1117] : memref<2x8x128xi32, #tpu.memory_space<vmem>> -> memref<1x8x128xi32, #tpu.memory_space<vmem>>
        %dma_start3A_1119 = tpu.memref_squeeze %dma_start3A_1118 : memref<1x8x128xi32, #tpu.memory_space<vmem>> -> memref<8x128xi32, #tpu.memory_space<vmem>>
        %dma_start3A_1120 = arith.constant 0 : i32
        %dma_start3A_1121 = arith.constant 0 : i32
        %dma_start3A_1122 = tpu.memref_slice %arg3[%add3A_1105, %dma_start3A_1120, %dma_start3A_1121] : memref<160x8x128xi32, #tpu.memory_space<hbm>> -> memref<1x8x128xi32, #tpu.memory_space<hbm>>
        %dma_start3A_1123 = tpu.memref_squeeze %dma_start3A_1122 : memref<1x8x128xi32, #tpu.memory_space<hbm>> -> memref<8x128xi32, #tpu.memory_space<hbm>>
        tpu.enqueue_dma source(%dma_start3A_1123 : memref<8x128xi32, #tpu.memory_space<hbm>>) target(%dma_start3A_1119 : memref<8x128xi32, #tpu.memory_space<vmem>>) target_semaphore(%arg14 : memref<!tpu.dma_semaphore, #tpu.memory_space<semaphore_mem>>)
      } else {
      }
      %eq3A_664 = arith.constant 6 : i32
      %eq3A_665 = arith.cmpi eq, %select_n3A_631, %eq3A_664 : i32
      %lt3A_666 = arith.constant 4 : i32
      %lt3A_667 = arith.cmpi slt, %select_n3A_615, %lt3A_666 : i32
      %and3A_668 = arith.andi %eq3A_665, %lt3A_667 : i1
      %convert_element_type3A_669 = arith.extui %and3A_668 : i1 to i32
      %cond3A_670 = arith.constant 0 : i32
      %cond3A_671 = arith.cmpi ne, %convert_element_type3A_669, %cond3A_670 : i32
      scf.if %cond3A_671 {
        %dma_wait3A_1078 = arith.constant 0 : i32
        %dma_wait3A_1079 = arith.constant 0 : i32
        %dma_wait3A_1080 = arith.constant 0 : i32
        %dma_wait3A_1081 = arith.constant 0 : i32
        %dma_wait3A_1082 = tpu.memref_slice %arg5[%dma_wait3A_1079, %dma_wait3A_1080, %dma_wait3A_1081] : memref<2x8x128xi32, #tpu.memory_space<vmem>> -> memref<1x8x128xi32, #tpu.memory_space<vmem>>
        %dma_wait3A_1083 = tpu.memref_squeeze %dma_wait3A_1082 : memref<1x8x128xi32, #tpu.memory_space<vmem>> -> memref<8x128xi32, #tpu.memory_space<vmem>>
        %dma_wait3A_1084 = arith.constant 0 : i32
        %dma_wait3A_1085 = arith.constant 0 : i32
        %dma_wait3A_1086 = tpu.memref_slice %arg2[%dma_wait3A_1078, %dma_wait3A_1084, %dma_wait3A_1085] : memref<160x8x128xi32, #tpu.memory_space<hbm>> -> memref<1x8x128xi32, #tpu.memory_space<hbm>>
        %dma_wait3A_1087 = tpu.memref_squeeze %dma_wait3A_1086 : memref<1x8x128xi32, #tpu.memory_space<hbm>> -> memref<8x128xi32, #tpu.memory_space<hbm>>
        %dma_wait3A_1088 = arith.constant 0 : i32
        %dma_wait3A_1089 = arith.constant 0 : i32
        %dma_wait3A_1090 = tpu.memref_slice %arg5[%dma_wait3A_1079, %dma_wait3A_1088, %dma_wait3A_1089] : memref<2x8x128xi32, #tpu.memory_space<vmem>> -> memref<1x8x128xi32, #tpu.memory_space<vmem>>
        %dma_wait3A_1091 = tpu.memref_squeeze %dma_wait3A_1090 : memref<1x8x128xi32, #tpu.memory_space<vmem>> -> memref<8x128xi32, #tpu.memory_space<vmem>>
        %dma_wait3A_1092 = arith.constant 0 : i32
        %dma_wait3A_1093 = arith.constant 0 : i32
        %dma_wait3A_1094 = tpu.memref_slice %arg2[%dma_wait3A_1078, %dma_wait3A_1092, %dma_wait3A_1093] : memref<160x8x128xi32, #tpu.memory_space<hbm>> -> memref<1x8x128xi32, #tpu.memory_space<hbm>>
        %dma_wait3A_1095 = tpu.memref_squeeze %dma_wait3A_1094 : memref<1x8x128xi32, #tpu.memory_space<hbm>> -> memref<8x128xi32, #tpu.memory_space<hbm>>
        tpu.wait_dma2 semaphore(%arg14 : memref<!tpu.dma_semaphore, #tpu.memory_space<semaphore_mem>>) src(%dma_wait3A_1095 : memref<8x128xi32, #tpu.memory_space<hbm>>) dst(%dma_wait3A_1091 : memref<8x128xi32, #tpu.memory_space<vmem>>)
        %dma_wait3A_1096 = arith.constant 0 : i32
        %dma_wait3A_1097 = arith.constant 0 : i32
        %dma_wait3A_1098 = arith.constant 0 : i32
        %dma_wait3A_1099 = arith.constant 0 : i32
        %dma_wait3A_1100 = tpu.memref_slice %arg6[%dma_wait3A_1097, %dma_wait3A_1098, %dma_wait3A_1099] : memref<2x8x128xi32, #tpu.memory_space<vmem>> -> memref<1x8x128xi32, #tpu.memory_space<vmem>>
        %dma_wait3A_1101 = tpu.memref_squeeze %dma_wait3A_1100 : memref<1x8x128xi32, #tpu.memory_space<vmem>> -> memref<8x128xi32, #tpu.memory_space<vmem>>
        %dma_wait3A_1102 = arith.constant 0 : i32
        %dma_wait3A_1103 = arith.constant 0 : i32
        %dma_wait3A_1104 = tpu.memref_slice %arg3[%dma_wait3A_1096, %dma_wait3A_1102, %dma_wait3A_1103] : memref<160x8x128xi32, #tpu.memory_space<hbm>> -> memref<1x8x128xi32, #tpu.memory_space<hbm>>
        %dma_wait3A_1105 = tpu.memref_squeeze %dma_wait3A_1104 : memref<1x8x128xi32, #tpu.memory_space<hbm>> -> memref<8x128xi32, #tpu.memory_space<hbm>>
        %dma_wait3A_1106 = arith.constant 0 : i32
        %dma_wait3A_1107 = arith.constant 0 : i32
        %dma_wait3A_1108 = tpu.memref_slice %arg6[%dma_wait3A_1097, %dma_wait3A_1106, %dma_wait3A_1107] : memref<2x8x128xi32, #tpu.memory_space<vmem>> -> memref<1x8x128xi32, #tpu.memory_space<vmem>>
        %dma_wait3A_1109 = tpu.memref_squeeze %dma_wait3A_1108 : memref<1x8x128xi32, #tpu.memory_space<vmem>> -> memref<8x128xi32, #tpu.memory_space<vmem>>
        %dma_wait3A_1110 = arith.constant 0 : i32
        %dma_wait3A_1111 = arith.constant 0 : i32
        %dma_wait3A_1112 = tpu.memref_slice %arg3[%dma_wait3A_1096, %dma_wait3A_1110, %dma_wait3A_1111] : memref<160x8x128xi32, #tpu.memory_space<hbm>> -> memref<1x8x128xi32, #tpu.memory_space<hbm>>
        %dma_wait3A_1113 = tpu.memref_squeeze %dma_wait3A_1112 : memref<1x8x128xi32, #tpu.memory_space<hbm>> -> memref<8x128xi32, #tpu.memory_space<hbm>>
        tpu.wait_dma2 semaphore(%arg14 : memref<!tpu.dma_semaphore, #tpu.memory_space<semaphore_mem>>) src(%dma_wait3A_1113 : memref<8x128xi32, #tpu.memory_space<hbm>>) dst(%dma_wait3A_1109 : memref<8x128xi32, #tpu.memory_space<vmem>>)
      } else {
      }
      %get3A_672 = arith.index_cast %select_n3A_647 : i32 to index
      %get3A_673 = arith.index_cast %select_n3A_631 : i32 to index
      %get3A_674 = arith.constant 0 : index
      %get3A_675 = tpu.vector_load %arg6[%get3A_672, %get3A_673, %get3A_674] {strides = array<i32>} : memref<2x8x128xi32, #tpu.memory_space<vmem>>, vector<1x1x16xi32>,
      %get3A_676 = vector.shape_cast %get3A_675 : vector<1x1x16xi32> to vector<16xi32>
      %ne3A_677 = arith.constant 10000 : i32
      %ne3A_678 = vector.broadcast %ne3A_677 : i32 to vector<16xi32>
      %ne3A_679 = arith.cmpi ne, %get3A_676, %ne3A_678 : vector<16xi32>
      %jit3A_680 = arith.constant 1.000000e+00 : f32
      %jit3A_681 = arith.constant 0.000000e+00 : f32
      %broadcast_in_dim3A_682 = vector.broadcast %jit3A_680 : f32 to vector<16xf32>
      %broadcast_in_dim3A_683 = vector.broadcast %jit3A_681 : f32 to vector<16xf32>
      %select_n3A_684 = arith.select %ne3A_679, %broadcast_in_dim3A_682, %broadcast_in_dim3A_683 : vector<16xi1>, vector<16xf32>
      %swap3A_685 = arith.constant 2 : i32
      %swap3A_686 = arith.index_cast %swap3A_685 : i32 to index
      %swap3A_687 = arith.constant 0 : index
      %swap3A_688 = tpu.vector_load %arg7[%swap3A_686, %swap3A_687] {strides = array<i32>} : memref<4x128xf32, #tpu.memory_space<vmem>>, vector<1x16xf32>,
      %swap3A_689 = vector.shape_cast %swap3A_688 : vector<1x16xf32> to vector<16xf32>
      %swap3A_690 = vector.shape_cast %select_n3A_684 : vector<16xf32> to vector<1x16xf32>
      tpu.vector_store %arg7[%swap3A_686, %swap3A_687], %swap3A_690 {strides = array<i32>} : memref<4x128xf32, #tpu.memory_space<vmem>>, vector<1x16xf32>,
      %get3A_691 = arith.index_cast %select_n3A_647 : i32 to index
      %get3A_692 = arith.index_cast %select_n3A_631 : i32 to index
      %get3A_693 = arith.constant 16 : index
      %get3A_694 = tpu.vector_load %arg6[%get3A_691, %get3A_692, %get3A_693] {strides = array<i32>} : memref<2x8x128xi32, #tpu.memory_space<vmem>>, vector<1x1x16xi32>,
      %get3A_695 = vector.shape_cast %get3A_694 : vector<1x1x16xi32> to vector<16xi32>
      %ne3A_696 = arith.constant 10000 : i32
      %ne3A_697 = vector.broadcast %ne3A_696 : i32 to vector<16xi32>
      %ne3A_698 = arith.cmpi ne, %get3A_695, %ne3A_697 : vector<16xi32>
      %jit3A_699 = arith.constant 1.000000e+00 : f32
      %jit3A_700 = arith.constant 0.000000e+00 : f32
      %broadcast_in_dim3A_701 = vector.broadcast %jit3A_699 : f32 to vector<16xf32>
      %broadcast_in_dim3A_702 = vector.broadcast %jit3A_700 : f32 to vector<16xf32>
      %select_n3A_703 = arith.select %ne3A_698, %broadcast_in_dim3A_701, %broadcast_in_dim3A_702 : vector<16xi1>, vector<16xf32>
      %swap3A_704 = arith.constant 2 : i32
      %swap3A_705 = arith.index_cast %swap3A_704 : i32 to index
      %swap3A_706 = arith.constant 16 : index
      %swap3A_707 = tpu.vector_load %arg7[%swap3A_705, %swap3A_706] {strides = array<i32>} : memref<4x128xf32, #tpu.memory_space<vmem>>, vector<1x16xf32>,
      %swap3A_708 = vector.shape_cast %swap3A_707 : vector<1x16xf32> to vector<16xf32>
      %swap3A_709 = vector.shape_cast %select_n3A_703 : vector<16xf32> to vector<1x16xf32>
      tpu.vector_store %arg7[%swap3A_705, %swap3A_706], %swap3A_709 {strides = array<i32>} : memref<4x128xf32, #tpu.memory_space<vmem>>, vector<1x16xf32>,
      %get3A_710 = arith.index_cast %select_n3A_647 : i32 to index
      %get3A_711 = arith.index_cast %select_n3A_631 : i32 to index
      %get3A_712 = arith.constant 32 : index
      %get3A_713 = tpu.vector_load %arg6[%get3A_710, %get3A_711, %get3A_712] {strides = array<i32>} : memref<2x8x128xi32, #tpu.memory_space<vmem>>, vector<1x1x16xi32>,
      %get3A_714 = vector.shape_cast %get3A_713 : vector<1x1x16xi32> to vector<16xi32>
      %ne3A_715 = arith.constant 10000 : i32
      %ne3A_716 = vector.broadcast %ne3A_715 : i32 to vector<16xi32>
      %ne3A_717 = arith.cmpi ne, %get3A_714, %ne3A_716 : vector<16xi32>
      %jit3A_718 = arith.constant 1.000000e+00 : f32
      %jit3A_719 = arith.constant 0.000000e+00 : f32
      %broadcast_in_dim3A_720 = vector.broadcast %jit3A_718 : f32 to vector<16xf32>
      %broadcast_in_dim3A_721 = vector.broadcast %jit3A_719 : f32 to vector<16xf32>
      %select_n3A_722 = arith.select %ne3A_717, %broadcast_in_dim3A_720, %broadcast_in_dim3A_721 : vector<16xi1>, vector<16xf32>
      %swap3A_723 = arith.constant 2 : i32
      %swap3A_724 = arith.index_cast %swap3A_723 : i32 to index
      %swap3A_725 = arith.constant 32 : index
      %swap3A_726 = tpu.vector_load %arg7[%swap3A_724, %swap3A_725] {strides = array<i32>} : memref<4x128xf32, #tpu.memory_space<vmem>>, vector<1x16xf32>,
      %swap3A_727 = vector.shape_cast %swap3A_726 : vector<1x16xf32> to vector<16xf32>
      %swap3A_728 = vector.shape_cast %select_n3A_722 : vector<16xf32> to vector<1x16xf32>
      tpu.vector_store %arg7[%swap3A_724, %swap3A_725], %swap3A_728 {strides = array<i32>} : memref<4x128xf32, #tpu.memory_space<vmem>>, vector<1x16xf32>,
      %get3A_729 = arith.index_cast %select_n3A_647 : i32 to index
      %get3A_730 = arith.index_cast %select_n3A_631 : i32 to index
      %get3A_731 = arith.constant 48 : index
      %get3A_732 = tpu.vector_load %arg6[%get3A_729, %get3A_730, %get3A_731] {strides = array<i32>} : memref<2x8x128xi32, #tpu.memory_space<vmem>>, vector<1x1x16xi32>,
      %get3A_733 = vector.shape_cast %get3A_732 : vector<1x1x16xi32> to vector<16xi32>
      %ne3A_734 = arith.constant 10000 : i32
      %ne3A_735 = vector.broadcast %ne3A_734 : i32 to vector<16xi32>
      %ne3A_736 = arith.cmpi ne, %get3A_733, %ne3A_735 : vector<16xi32>
      %jit3A_737 = arith.constant 1.000000e+00 : f32
      %jit3A_738 = arith.constant 0.000000e+00 : f32
      %broadcast_in_dim3A_739 = vector.broadcast %jit3A_737 : f32 to vector<16xf32>
      %broadcast_in_dim3A_740 = vector.broadcast %jit3A_738 : f32 to vector<16xf32>
      %select_n3A_741 = arith.select %ne3A_736, %broadcast_in_dim3A_739, %broadcast_in_dim3A_740 : vector<16xi1>, vector<16xf32>
      %swap3A_742 = arith.constant 2 : i32
      %swap3A_743 = arith.index_cast %swap3A_742 : i32 to index
      %swap3A_744 = arith.constant 48 : index
      %swap3A_745 = tpu.vector_load %arg7[%swap3A_743, %swap3A_744] {strides = array<i32>} : memref<4x128xf32, #tpu.memory_space<vmem>>, vector<1x16xf32>,
      %swap3A_746 = vector.shape_cast %swap3A_745 : vector<1x16xf32> to vector<16xf32>
      %swap3A_747 = vector.shape_cast %select_n3A_741 : vector<16xf32> to vector<1x16xf32>
      tpu.vector_store %arg7[%swap3A_743, %swap3A_744], %swap3A_747 {strides = array<i32>} : memref<4x128xf32, #tpu.memory_space<vmem>>, vector<1x16xf32>,
      %get3A_748 = arith.index_cast %select_n3A_647 : i32 to index
      %get3A_749 = arith.index_cast %select_n3A_631 : i32 to index
      %get3A_750 = arith.constant 64 : index
      %get3A_751 = tpu.vector_load %arg6[%get3A_748, %get3A_749, %get3A_750] {strides = array<i32>} : memref<2x8x128xi32, #tpu.memory_space<vmem>>, vector<1x1x16xi32>,
      %get3A_752 = vector.shape_cast %get3A_751 : vector<1x1x16xi32> to vector<16xi32>
      %ne3A_753 = arith.constant 10000 : i32
      %ne3A_754 = vector.broadcast %ne3A_753 : i32 to vector<16xi32>
      %ne3A_755 = arith.cmpi ne, %get3A_752, %ne3A_754 : vector<16xi32>
      %jit3A_756 = arith.constant 1.000000e+00 : f32
      %jit3A_757 = arith.constant 0.000000e+00 : f32
      %broadcast_in_dim3A_758 = vector.broadcast %jit3A_756 : f32 to vector<16xf32>
      %broadcast_in_dim3A_759 = vector.broadcast %jit3A_757 : f32 to vector<16xf32>
      %select_n3A_760 = arith.select %ne3A_755, %broadcast_in_dim3A_758, %broadcast_in_dim3A_759 : vector<16xi1>, vector<16xf32>
      %swap3A_761 = arith.constant 2 : i32
      %swap3A_762 = arith.index_cast %swap3A_761 : i32 to index
      %swap3A_763 = arith.constant 64 : index
      %swap3A_764 = tpu.vector_load %arg7[%swap3A_762, %swap3A_763] {strides = array<i32>} : memref<4x128xf32, #tpu.memory_space<vmem>>, vector<1x16xf32>,
      %swap3A_765 = vector.shape_cast %swap3A_764 : vector<1x16xf32> to vector<16xf32>
      %swap3A_766 = vector.shape_cast %select_n3A_760 : vector<16xf32> to vector<1x16xf32>
      tpu.vector_store %arg7[%swap3A_762, %swap3A_763], %swap3A_766 {strides = array<i32>} : memref<4x128xf32, #tpu.memory_space<vmem>>, vector<1x16xf32>,
      %get3A_767 = arith.index_cast %select_n3A_647 : i32 to index
      %get3A_768 = arith.index_cast %select_n3A_631 : i32 to index
      %get3A_769 = arith.constant 80 : index
      %get3A_770 = tpu.vector_load %arg6[%get3A_767, %get3A_768, %get3A_769] {strides = array<i32>} : memref<2x8x128xi32, #tpu.memory_space<vmem>>, vector<1x1x16xi32>,
      %get3A_771 = vector.shape_cast %get3A_770 : vector<1x1x16xi32> to vector<16xi32>
      %ne3A_772 = arith.constant 10000 : i32
      %ne3A_773 = vector.broadcast %ne3A_772 : i32 to vector<16xi32>
      %ne3A_774 = arith.cmpi ne, %get3A_771, %ne3A_773 : vector<16xi32>
      %jit3A_775 = arith.constant 1.000000e+00 : f32
      %jit3A_776 = arith.constant 0.000000e+00 : f32
      %broadcast_in_dim3A_777 = vector.broadcast %jit3A_775 : f32 to vector<16xf32>
      %broadcast_in_dim3A_778 = vector.broadcast %jit3A_776 : f32 to vector<16xf32>
      %select_n3A_779 = arith.select %ne3A_774, %broadcast_in_dim3A_777, %broadcast_in_dim3A_778 : vector<16xi1>, vector<16xf32>
      %swap3A_780 = arith.constant 2 : i32
      %swap3A_781 = arith.index_cast %swap3A_780 : i32 to index
      %swap3A_782 = arith.constant 80 : index
      %swap3A_783 = tpu.vector_load %arg7[%swap3A_781, %swap3A_782] {strides = array<i32>} : memref<4x128xf32, #tpu.memory_space<vmem>>, vector<1x16xf32>,
      %swap3A_784 = vector.shape_cast %swap3A_783 : vector<1x16xf32> to vector<16xf32>
      %swap3A_785 = vector.shape_cast %select_n3A_779 : vector<16xf32> to vector<1x16xf32>
      tpu.vector_store %arg7[%swap3A_781, %swap3A_782], %swap3A_785 {strides = array<i32>} : memref<4x128xf32, #tpu.memory_space<vmem>>, vector<1x16xf32>,
      %get3A_786 = arith.index_cast %select_n3A_647 : i32 to index
      %get3A_787 = arith.index_cast %select_n3A_631 : i32 to index
      %get3A_788 = arith.constant 96 : index
      %get3A_789 = tpu.vector_load %arg6[%get3A_786, %get3A_787, %get3A_788] {strides = array<i32>} : memref<2x8x128xi32, #tpu.memory_space<vmem>>, vector<1x1x16xi32>,
      %get3A_790 = vector.shape_cast %get3A_789 : vector<1x1x16xi32> to vector<16xi32>
      %ne3A_791 = arith.constant 10000 : i32
      %ne3A_792 = vector.broadcast %ne3A_791 : i32 to vector<16xi32>
      %ne3A_793 = arith.cmpi ne, %get3A_790, %ne3A_792 : vector<16xi32>
      %jit3A_794 = arith.constant 1.000000e+00 : f32
      %jit3A_795 = arith.constant 0.000000e+00 : f32
      %broadcast_in_dim3A_796 = vector.broadcast %jit3A_794 : f32 to vector<16xf32>
      %broadcast_in_dim3A_797 = vector.broadcast %jit3A_795 : f32 to vector<16xf32>
      %select_n3A_798 = arith.select %ne3A_793, %broadcast_in_dim3A_796, %broadcast_in_dim3A_797 : vector<16xi1>, vector<16xf32>
      %swap3A_799 = arith.constant 2 : i32
      %swap3A_800 = arith.index_cast %swap3A_799 : i32 to index
      %swap3A_801 = arith.constant 96 : index
      %swap3A_802 = tpu.vector_load %arg7[%swap3A_800, %swap3A_801] {strides = array<i32>} : memref<4x128xf32, #tpu.memory_space<vmem>>, vector<1x16xf32>,
      %swap3A_803 = vector.shape_cast %swap3A_802 : vector<1x16xf32> to vector<16xf32>
      %swap3A_804 = vector.shape_cast %select_n3A_798 : vector<16xf32> to vector<1x16xf32>
      tpu.vector_store %arg7[%swap3A_800, %swap3A_801], %swap3A_804 {strides = array<i32>} : memref<4x128xf32, #tpu.memory_space<vmem>>, vector<1x16xf32>,
      %get3A_805 = arith.index_cast %select_n3A_647 : i32 to index
      %get3A_806 = arith.index_cast %select_n3A_631 : i32 to index
      %get3A_807 = arith.constant 112 : index
      %get3A_808 = tpu.vector_load %arg6[%get3A_805, %get3A_806, %get3A_807] {strides = array<i32>} : memref<2x8x128xi32, #tpu.memory_space<vmem>>, vector<1x1x16xi32>,
      %get3A_809 = vector.shape_cast %get3A_808 : vector<1x1x16xi32> to vector<16xi32>
      %ne3A_810 = arith.constant 10000 : i32
      %ne3A_811 = vector.broadcast %ne3A_810 : i32 to vector<16xi32>
      %ne3A_812 = arith.cmpi ne, %get3A_809, %ne3A_811 : vector<16xi32>
      %jit3A_813 = arith.constant 1.000000e+00 : f32
      %jit3A_814 = arith.constant 0.000000e+00 : f32
      %broadcast_in_dim3A_815 = vector.broadcast %jit3A_813 : f32 to vector<16xf32>
      %broadcast_in_dim3A_816 = vector.broadcast %jit3A_814 : f32 to vector<16xf32>
      %select_n3A_817 = arith.select %ne3A_812, %broadcast_in_dim3A_815, %broadcast_in_dim3A_816 : vector<16xi1>, vector<16xf32>
      %swap3A_818 = arith.constant 2 : i32
      %swap3A_819 = arith.index_cast %swap3A_818 : i32 to index
      %swap3A_820 = arith.constant 112 : index
      %swap3A_821 = tpu.vector_load %arg7[%swap3A_819, %swap3A_820] {strides = array<i32>} : memref<4x128xf32, #tpu.memory_space<vmem>>, vector<1x16xf32>,
      %swap3A_822 = vector.shape_cast %swap3A_821 : vector<1x16xf32> to vector<16xf32>
      %swap3A_823 = vector.shape_cast %select_n3A_817 : vector<16xf32> to vector<1x16xf32>
      tpu.vector_store %arg7[%swap3A_819, %swap3A_820], %swap3A_823 {strides = array<i32>} : memref<4x128xf32, #tpu.memory_space<vmem>>, vector<1x16xf32>,
      %dma_start3A_824 = arith.constant 2 : i32
      %dma_start3A_825 = arith.constant 0 : i32
      %dma_start3A_826 = tpu.memref_slice %arg7[%dma_start3A_824, %dma_start3A_825] : memref<4x128xf32, #tpu.memory_space<vmem>> -> memref<1x128xf32, #tpu.memory_space<vmem>>
      %dma_start3A_827 = tpu.memref_squeeze %dma_start3A_826 : memref<1x128xf32, #tpu.memory_space<vmem>> -> memref<128xf32, #tpu.memory_space<vmem>>
      %dma_start3A_828 = arith.constant 0 : i32
      %dma_start3A_829 = tpu.memref_slice %arg5[%select_n3A_647, %select_n3A_631, %dma_start3A_828] : memref<2x8x128xi32, #tpu.memory_space<vmem>> -> memref<1x1x128xi32, #tpu.memory_space<vmem>>
      %dma_start3A_830 = tpu.memref_squeeze %dma_start3A_829 : memref<1x1x128xi32, #tpu.memory_space<vmem>> -> memref<128xi32, #tpu.memory_space<vmem>>
      %dma_start3A_831 = arith.constant 0 : i32
      %dma_start3A_832 = tpu.memref_slice %arg9[%dma_start3A_831] : memref<10240xf32, #tpu.memory_space<vmem_shared>> -> memref<10240xf32, #tpu.memory_space<vmem_shared>>
      tpu.enqueue_indirect_dma source(%dma_start3A_827 : memref<128xf32, #tpu.memory_space<vmem>>) target(%dma_start3A_832 : memref<10240xf32, #tpu.memory_space<vmem_shared>>) offsets(%dma_start3A_830 : memref<128xi32, #tpu.memory_space<vmem>>) semaphore(%arg12 : memref<!tpu.dma_semaphore, #tpu.memory_space<semaphore_mem>>) {add = true}
      %mul3A_833 = arith.constant 4 : i32
      %mul3A_834 = arith.muli %mul3A_833, %scan3A_112 : i32
      %add3A_835 = arith.constant 3 : i32
      %add3A_836 = arith.addi %mul3A_834, %add3A_835 : i32
      %jit3A_837 = arith.constant 8 : i32
      %div3A_838 = arith.divsi %add3A_836, %jit3A_837 : i32
      %sign3A_839 = arith.constant 0 : i32
      %sign3A_840 = arith.cmpi sgt, %add3A_836, %sign3A_839 : i32
      %sign3A_841 = arith.extui %sign3A_840 : i1 to i32
      %sign3A_842 = arith.constant 0 : i32
      %sign3A_843 = arith.cmpi slt, %add3A_836, %sign3A_842 : i32
      %sign3A_844 = arith.extui %sign3A_843 : i1 to i32
      %sign3A_845 = arith.subi %sign3A_841, %sign3A_844 : i32
      %sign3A_846 = arith.constant 0 : i32
      %sign3A_847 = arith.cmpi sgt, %jit3A_837, %sign3A_846 : i32
      %sign3A_848 = arith.extui %sign3A_847 : i1 to i32
      %sign3A_849 = arith.constant 0 : i32
      %sign3A_850 = arith.cmpi slt, %jit3A_837, %sign3A_849 : i32
      %sign3A_851 = arith.extui %sign3A_850 : i1 to i32
      %sign3A_852 = arith.subi %sign3A_848, %sign3A_851 : i32
      %ne3A_853 = arith.cmpi ne, %sign3A_845, %sign3A_852 : i32
      %rem3A_854 = arith.remsi %add3A_836, %jit3A_837 : i32
      %ne3A_855 = arith.constant 0 : i32
      %ne3A_856 = arith.cmpi ne, %rem3A_854, %ne3A_855 : i32
      %and3A_857 = arith.andi %ne3A_853, %ne3A_856 : i1
      %sub3A_858 = arith.constant 1 : i32
      %sub3A_859 = arith.subi %div3A_838, %sub3A_858 : i32
      %select_n3A_860 = arith.select %and3A_857, %sub3A_859, %div3A_838 : i32
      %jit3A_861 = arith.constant 8 : i32
      %eq3A_862 = arith.constant 0 : i32
      %eq3A_863 = arith.cmpi eq, %jit3A_861, %eq3A_862 : i32
      %jit3A_864 = arith.constant 1 : i32
      %select_n3A_865 = arith.select %eq3A_863, %jit3A_864, %jit3A_861 : i32
      %rem3A_866 = arith.remsi %add3A_836, %select_n3A_865 : i32
      %ne3A_867 = arith.constant 0 : i32
      %ne3A_868 = arith.cmpi ne, %rem3A_866, %ne3A_867 : i32
      %lt3A_869 = arith.constant 0 : i32
      %lt3A_870 = arith.cmpi slt, %rem3A_866, %lt3A_869 : i32
      %lt3A_871 = arith.constant 0 : i32
      %lt3A_872 = arith.cmpi slt, %select_n3A_865, %lt3A_871 : i32
      %ne3A_873 = arith.xori %lt3A_870, %lt3A_872 : i1
      %and3A_874 = arith.andi %ne3A_873, %ne3A_868 : i1
      %add3A_875 = arith.addi %rem3A_866, %select_n3A_865 : i32
      %select_n3A_876 = arith.select %and3A_874, %add3A_875, %rem3A_866 : i32
      %jit3A_877 = arith.constant 2 : i32
      %eq3A_878 = arith.constant 0 : i32
      %eq3A_879 = arith.cmpi eq, %jit3A_877, %eq3A_878 : i32
      %jit3A_880 = arith.constant 1 : i32
      %select_n3A_881 = arith.select %eq3A_879, %jit3A_880, %jit3A_877 : i32
      %rem3A_882 = arith.remsi %select_n3A_860, %select_n3A_881 : i32
      %ne3A_883 = arith.constant 0 : i32
      %ne3A_884 = arith.cmpi ne, %rem3A_882, %ne3A_883 : i32
      %lt3A_885 = arith.constant 0 : i32
      %lt3A_886 = arith.cmpi slt, %rem3A_882, %lt3A_885 : i32
      %lt3A_887 = arith.constant 0 : i32
      %lt3A_888 = arith.cmpi slt, %select_n3A_881, %lt3A_887 : i32
      %ne3A_889 = arith.xori %lt3A_886, %lt3A_888 : i1
      %and3A_890 = arith.andi %ne3A_889, %ne3A_884 : i1
      %add3A_891 = arith.addi %rem3A_882, %select_n3A_881 : i32
      %select_n3A_892 = arith.select %and3A_890, %add3A_891, %rem3A_882 : i32
      %ge3A_893 = arith.constant 4 : i32
      %ge3A_894 = arith.cmpi sge, %add3A_836, %ge3A_893 : i32
      %convert_element_type3A_895 = arith.extui %ge3A_894 : i1 to i32
      %cond3A_896 = arith.constant 0 : i32
      %cond3A_897 = arith.cmpi ne, %convert_element_type3A_895, %cond3A_896 : i32
      scf.if %cond3A_897 {
        %dma_wait3A_1078 = arith.constant 3 : i32
        %dma_wait3A_1079 = arith.constant 0 : i32
        %dma_wait3A_1080 = tpu.memref_slice %arg7[%dma_wait3A_1078, %dma_wait3A_1079] : memref<4x128xf32, #tpu.memory_space<vmem>> -> memref<1x128xf32, #tpu.memory_space<vmem>>
        %dma_wait3A_1081 = tpu.memref_squeeze %dma_wait3A_1080 : memref<1x128xf32, #tpu.memory_space<vmem>> -> memref<128xf32, #tpu.memory_space<vmem>>
        %dma_wait3A_1082 = arith.constant 0 : i32
        %dma_wait3A_1083 = tpu.memref_slice %arg9[%dma_wait3A_1082] : memref<10240xf32, #tpu.memory_space<vmem_shared>> -> memref<128xf32, #tpu.memory_space<vmem_shared>>
        %dma_wait3A_1084 = arith.constant 0 : i32
        %dma_wait3A_1085 = tpu.memref_slice %arg9[%dma_wait3A_1084] : memref<10240xf32, #tpu.memory_space<vmem_shared>> -> memref<128xf32, #tpu.memory_space<vmem_shared>>
        %dma_wait3A_1086 = arith.constant 0 : i32
        %dma_wait3A_1087 = tpu.memref_slice %arg7[%dma_wait3A_1078, %dma_wait3A_1086] : memref<4x128xf32, #tpu.memory_space<vmem>> -> memref<1x128xf32, #tpu.memory_space<vmem>>
        %dma_wait3A_1088 = tpu.memref_squeeze %dma_wait3A_1087 : memref<1x128xf32, #tpu.memory_space<vmem>> -> memref<128xf32, #tpu.memory_space<vmem>>
        tpu.wait_dma2 semaphore(%arg13 : memref<!tpu.dma_semaphore, #tpu.memory_space<semaphore_mem>>) src(%dma_wait3A_1088 : memref<128xf32, #tpu.memory_space<vmem>>) dst(%dma_wait3A_1085 : memref<128xf32, #tpu.memory_space<vmem_shared>>)
      } else {
      }
      %eq3A_898 = arith.constant 3 : i32
      %eq3A_899 = arith.cmpi eq, %select_n3A_876, %eq3A_898 : i32
      %ge3A_900 = arith.constant 1 : i32
      %ge3A_901 = arith.cmpi sge, %select_n3A_860, %ge3A_900 : i32
      %lt3A_902 = arith.constant 4 : i32
      %lt3A_903 = arith.cmpi slt, %select_n3A_860, %lt3A_902 : i32
      %and3A_904 = arith.andi %ge3A_901, %lt3A_903 : i1
      %and3A_905 = arith.andi %eq3A_899, %and3A_904 : i1
      %convert_element_type3A_906 = arith.extui %and3A_905 : i1 to i32
      %cond3A_907 = arith.constant 0 : i32
      %cond3A_908 = arith.cmpi ne, %convert_element_type3A_906, %cond3A_907 : i32
      scf.if %cond3A_908 {
        %mul3A_1078 = arith.constant 5 : i32
        %mul3A_1079 = arith.muli %add3A, %mul3A_1078 : i32
        %add3A_1080 = arith.addi %mul3A_1079, %select_n3A_860 : i32
        %add3A_1081 = arith.constant 1 : i32
        %add3A_1082 = arith.addi %add3A_1080, %add3A_1081 : i32
        %sub3A_1083 = arith.constant 1 : i32
        %sub3A_1084 = arith.subi %sub3A_1083, %select_n3A_892 : i32
        %dma_start3A_1085 = arith.constant 0 : i32
        %dma_start3A_1086 = arith.constant 0 : i32
        %dma_start3A_1087 = tpu.memref_slice %arg5[%sub3A_1084, %dma_start3A_1085, %dma_start3A_1086] : memref<2x8x128xi32, #tpu.memory_space<vmem>> -> memref<1x8x128xi32, #tpu.memory_space<vmem>>
        %dma_start3A_1088 = tpu.memref_squeeze %dma_start3A_1087 : memref<1x8x128xi32, #tpu.memory_space<vmem>> -> memref<8x128xi32, #tpu.memory_space<vmem>>
        %dma_start3A_1089 = arith.constant 0 : i32
        %dma_start3A_1090 = arith.constant 0 : i32
        %dma_start3A_1091 = tpu.memref_slice %arg2[%add3A_1082, %dma_start3A_1089, %dma_start3A_1090] : memref<160x8x128xi32, #tpu.memory_space<hbm>> -> memref<1x8x128xi32, #tpu.memory_space<hbm>>
        %dma_start3A_1092 = tpu.memref_squeeze %dma_start3A_1091 : memref<1x8x128xi32, #tpu.memory_space<hbm>> -> memref<8x128xi32, #tpu.memory_space<hbm>>
        %dma_start3A_1093 = arith.constant 0 : i32
        %dma_start3A_1094 = arith.constant 0 : i32
        %dma_start3A_1095 = tpu.memref_slice %arg5[%sub3A_1084, %dma_start3A_1093, %dma_start3A_1094] : memref<2x8x128xi32, #tpu.memory_space<vmem>> -> memref<1x8x128xi32, #tpu.memory_space<vmem>>
        %dma_start3A_1096 = tpu.memref_squeeze %dma_start3A_1095 : memref<1x8x128xi32, #tpu.memory_space<vmem>> -> memref<8x128xi32, #tpu.memory_space<vmem>>
        %dma_start3A_1097 = arith.constant 0 : i32
        %dma_start3A_1098 = arith.constant 0 : i32
        %dma_start3A_1099 = tpu.memref_slice %arg2[%add3A_1082, %dma_start3A_1097, %dma_start3A_1098] : memref<160x8x128xi32, #tpu.memory_space<hbm>> -> memref<1x8x128xi32, #tpu.memory_space<hbm>>
        %dma_start3A_1100 = tpu.memref_squeeze %dma_start3A_1099 : memref<1x8x128xi32, #tpu.memory_space<hbm>> -> memref<8x128xi32, #tpu.memory_space<hbm>>
        tpu.enqueue_dma source(%dma_start3A_1100 : memref<8x128xi32, #tpu.memory_space<hbm>>) target(%dma_start3A_1096 : memref<8x128xi32, #tpu.memory_space<vmem>>) target_semaphore(%arg14 : memref<!tpu.dma_semaphore, #tpu.memory_space<semaphore_mem>>)
        %mul3A_1101 = arith.constant 5 : i32
        %mul3A_1102 = arith.muli %add3A, %mul3A_1101 : i32
        %add3A_1103 = arith.addi %mul3A_1102, %select_n3A_860 : i32
        %add3A_1104 = arith.constant 1 : i32
        %add3A_1105 = arith.addi %add3A_1103, %add3A_1104 : i32
        %sub3A_1106 = arith.constant 1 : i32
        %sub3A_1107 = arith.subi %sub3A_1106, %select_n3A_892 : i32
        %dma_start3A_1108 = arith.constant 0 : i32
        %dma_start3A_1109 = arith.constant 0 : i32
        %dma_start3A_1110 = tpu.memref_slice %arg6[%sub3A_1107, %dma_start3A_1108, %dma_start3A_1109] : memref<2x8x128xi32, #tpu.memory_space<vmem>> -> memref<1x8x128xi32, #tpu.memory_space<vmem>>
        %dma_start3A_1111 = tpu.memref_squeeze %dma_start3A_1110 : memref<1x8x128xi32, #tpu.memory_space<vmem>> -> memref<8x128xi32, #tpu.memory_space<vmem>>
        %dma_start3A_1112 = arith.constant 0 : i32
        %dma_start3A_1113 = arith.constant 0 : i32
        %dma_start3A_1114 = tpu.memref_slice %arg3[%add3A_1105, %dma_start3A_1112, %dma_start3A_1113] : memref<160x8x128xi32, #tpu.memory_space<hbm>> -> memref<1x8x128xi32, #tpu.memory_space<hbm>>
        %dma_start3A_1115 = tpu.memref_squeeze %dma_start3A_1114 : memref<1x8x128xi32, #tpu.memory_space<hbm>> -> memref<8x128xi32, #tpu.memory_space<hbm>>
        %dma_start3A_1116 = arith.constant 0 : i32
        %dma_start3A_1117 = arith.constant 0 : i32
        %dma_start3A_1118 = tpu.memref_slice %arg6[%sub3A_1107, %dma_start3A_1116, %dma_start3A_1117] : memref<2x8x128xi32, #tpu.memory_space<vmem>> -> memref<1x8x128xi32, #tpu.memory_space<vmem>>
        %dma_start3A_1119 = tpu.memref_squeeze %dma_start3A_1118 : memref<1x8x128xi32, #tpu.memory_space<vmem>> -> memref<8x128xi32, #tpu.memory_space<vmem>>
        %dma_start3A_1120 = arith.constant 0 : i32
        %dma_start3A_1121 = arith.constant 0 : i32
        %dma_start3A_1122 = tpu.memref_slice %arg3[%add3A_1105, %dma_start3A_1120, %dma_start3A_1121] : memref<160x8x128xi32, #tpu.memory_space<hbm>> -> memref<1x8x128xi32, #tpu.memory_space<hbm>>
        %dma_start3A_1123 = tpu.memref_squeeze %dma_start3A_1122 : memref<1x8x128xi32, #tpu.memory_space<hbm>> -> memref<8x128xi32, #tpu.memory_space<hbm>>
        tpu.enqueue_dma source(%dma_start3A_1123 : memref<8x128xi32, #tpu.memory_space<hbm>>) target(%dma_start3A_1119 : memref<8x128xi32, #tpu.memory_space<vmem>>) target_semaphore(%arg14 : memref<!tpu.dma_semaphore, #tpu.memory_space<semaphore_mem>>)
      } else {
      }
      %eq3A_909 = arith.constant 6 : i32
      %eq3A_910 = arith.cmpi eq, %select_n3A_876, %eq3A_909 : i32
      %lt3A_911 = arith.constant 4 : i32
      %lt3A_912 = arith.cmpi slt, %select_n3A_860, %lt3A_911 : i32
      %and3A_913 = arith.andi %eq3A_910, %lt3A_912 : i1
      %convert_element_type3A_914 = arith.extui %and3A_913 : i1 to i32
      %cond3A_915 = arith.constant 0 : i32
      %cond3A_916 = arith.cmpi ne, %convert_element_type3A_914, %cond3A_915 : i32
      scf.if %cond3A_916 {
        %dma_wait3A_1078 = arith.constant 0 : i32
        %dma_wait3A_1079 = arith.constant 0 : i32
        %dma_wait3A_1080 = arith.constant 0 : i32
        %dma_wait3A_1081 = arith.constant 0 : i32
        %dma_wait3A_1082 = tpu.memref_slice %arg5[%dma_wait3A_1079, %dma_wait3A_1080, %dma_wait3A_1081] : memref<2x8x128xi32, #tpu.memory_space<vmem>> -> memref<1x8x128xi32, #tpu.memory_space<vmem>>
        %dma_wait3A_1083 = tpu.memref_squeeze %dma_wait3A_1082 : memref<1x8x128xi32, #tpu.memory_space<vmem>> -> memref<8x128xi32, #tpu.memory_space<vmem>>
        %dma_wait3A_1084 = arith.constant 0 : i32
        %dma_wait3A_1085 = arith.constant 0 : i32
        %dma_wait3A_1086 = tpu.memref_slice %arg2[%dma_wait3A_1078, %dma_wait3A_1084, %dma_wait3A_1085] : memref<160x8x128xi32, #tpu.memory_space<hbm>> -> memref<1x8x128xi32, #tpu.memory_space<hbm>>
        %dma_wait3A_1087 = tpu.memref_squeeze %dma_wait3A_1086 : memref<1x8x128xi32, #tpu.memory_space<hbm>> -> memref<8x128xi32, #tpu.memory_space<hbm>>
        %dma_wait3A_1088 = arith.constant 0 : i32
        %dma_wait3A_1089 = arith.constant 0 : i32
        %dma_wait3A_1090 = tpu.memref_slice %arg5[%dma_wait3A_1079, %dma_wait3A_1088, %dma_wait3A_1089] : memref<2x8x128xi32, #tpu.memory_space<vmem>> -> memref<1x8x128xi32, #tpu.memory_space<vmem>>
        %dma_wait3A_1091 = tpu.memref_squeeze %dma_wait3A_1090 : memref<1x8x128xi32, #tpu.memory_space<vmem>> -> memref<8x128xi32, #tpu.memory_space<vmem>>
        %dma_wait3A_1092 = arith.constant 0 : i32
        %dma_wait3A_1093 = arith.constant 0 : i32
        %dma_wait3A_1094 = tpu.memref_slice %arg2[%dma_wait3A_1078, %dma_wait3A_1092, %dma_wait3A_1093] : memref<160x8x128xi32, #tpu.memory_space<hbm>> -> memref<1x8x128xi32, #tpu.memory_space<hbm>>
        %dma_wait3A_1095 = tpu.memref_squeeze %dma_wait3A_1094 : memref<1x8x128xi32, #tpu.memory_space<hbm>> -> memref<8x128xi32, #tpu.memory_space<hbm>>
        tpu.wait_dma2 semaphore(%arg14 : memref<!tpu.dma_semaphore, #tpu.memory_space<semaphore_mem>>) src(%dma_wait3A_1095 : memref<8x128xi32, #tpu.memory_space<hbm>>) dst(%dma_wait3A_1091 : memref<8x128xi32, #tpu.memory_space<vmem>>)
        %dma_wait3A_1096 = arith.constant 0 : i32
        %dma_wait3A_1097 = arith.constant 0 : i32
        %dma_wait3A_1098 = arith.constant 0 : i32
        %dma_wait3A_1099 = arith.constant 0 : i32
        %dma_wait3A_1100 = tpu.memref_slice %arg6[%dma_wait3A_1097, %dma_wait3A_1098, %dma_wait3A_1099] : memref<2x8x128xi32, #tpu.memory_space<vmem>> -> memref<1x8x128xi32, #tpu.memory_space<vmem>>
        %dma_wait3A_1101 = tpu.memref_squeeze %dma_wait3A_1100 : memref<1x8x128xi32, #tpu.memory_space<vmem>> -> memref<8x128xi32, #tpu.memory_space<vmem>>
        %dma_wait3A_1102 = arith.constant 0 : i32
        %dma_wait3A_1103 = arith.constant 0 : i32
        %dma_wait3A_1104 = tpu.memref_slice %arg3[%dma_wait3A_1096, %dma_wait3A_1102, %dma_wait3A_1103] : memref<160x8x128xi32, #tpu.memory_space<hbm>> -> memref<1x8x128xi32, #tpu.memory_space<hbm>>
        %dma_wait3A_1105 = tpu.memref_squeeze %dma_wait3A_1104 : memref<1x8x128xi32, #tpu.memory_space<hbm>> -> memref<8x128xi32, #tpu.memory_space<hbm>>
        %dma_wait3A_1106 = arith.constant 0 : i32
        %dma_wait3A_1107 = arith.constant 0 : i32
        %dma_wait3A_1108 = tpu.memref_slice %arg6[%dma_wait3A_1097, %dma_wait3A_1106, %dma_wait3A_1107] : memref<2x8x128xi32, #tpu.memory_space<vmem>> -> memref<1x8x128xi32, #tpu.memory_space<vmem>>
        %dma_wait3A_1109 = tpu.memref_squeeze %dma_wait3A_1108 : memref<1x8x128xi32, #tpu.memory_space<vmem>> -> memref<8x128xi32, #tpu.memory_space<vmem>>
        %dma_wait3A_1110 = arith.constant 0 : i32
        %dma_wait3A_1111 = arith.constant 0 : i32
        %dma_wait3A_1112 = tpu.memref_slice %arg3[%dma_wait3A_1096, %dma_wait3A_1110, %dma_wait3A_1111] : memref<160x8x128xi32, #tpu.memory_space<hbm>> -> memref<1x8x128xi32, #tpu.memory_space<hbm>>
        %dma_wait3A_1113 = tpu.memref_squeeze %dma_wait3A_1112 : memref<1x8x128xi32, #tpu.memory_space<hbm>> -> memref<8x128xi32, #tpu.memory_space<hbm>>
        tpu.wait_dma2 semaphore(%arg14 : memref<!tpu.dma_semaphore, #tpu.memory_space<semaphore_mem>>) src(%dma_wait3A_1113 : memref<8x128xi32, #tpu.memory_space<hbm>>) dst(%dma_wait3A_1109 : memref<8x128xi32, #tpu.memory_space<vmem>>)
      } else {
      }
      %get3A_917 = arith.index_cast %select_n3A_892 : i32 to index
      %get3A_918 = arith.index_cast %select_n3A_876 : i32 to index
      %get3A_919 = arith.constant 0 : index
      %get3A_920 = tpu.vector_load %arg6[%get3A_917, %get3A_918, %get3A_919] {strides = array<i32>} : memref<2x8x128xi32, #tpu.memory_space<vmem>>, vector<1x1x16xi32>,
      %get3A_921 = vector.shape_cast %get3A_920 : vector<1x1x16xi32> to vector<16xi32>
      %ne3A_922 = arith.constant 10000 : i32
      %ne3A_923 = vector.broadcast %ne3A_922 : i32 to vector<16xi32>
      %ne3A_924 = arith.cmpi ne, %get3A_921, %ne3A_923 : vector<16xi32>
      %jit3A_925 = arith.constant 1.000000e+00 : f32
      %jit3A_926 = arith.constant 0.000000e+00 : f32
      %broadcast_in_dim3A_927 = vector.broadcast %jit3A_925 : f32 to vector<16xf32>
      %broadcast_in_dim3A_928 = vector.broadcast %jit3A_926 : f32 to vector<16xf32>
      %select_n3A_929 = arith.select %ne3A_924, %broadcast_in_dim3A_927, %broadcast_in_dim3A_928 : vector<16xi1>, vector<16xf32>
      %swap3A_930 = arith.constant 3 : i32
      %swap3A_931 = arith.index_cast %swap3A_930 : i32 to index
      %swap3A_932 = arith.constant 0 : index
      %swap3A_933 = tpu.vector_load %arg7[%swap3A_931, %swap3A_932] {strides = array<i32>} : memref<4x128xf32, #tpu.memory_space<vmem>>, vector<1x16xf32>,
      %swap3A_934 = vector.shape_cast %swap3A_933 : vector<1x16xf32> to vector<16xf32>
      %swap3A_935 = vector.shape_cast %select_n3A_929 : vector<16xf32> to vector<1x16xf32>
      tpu.vector_store %arg7[%swap3A_931, %swap3A_932], %swap3A_935 {strides = array<i32>} : memref<4x128xf32, #tpu.memory_space<vmem>>, vector<1x16xf32>,
      %get3A_936 = arith.index_cast %select_n3A_892 : i32 to index
      %get3A_937 = arith.index_cast %select_n3A_876 : i32 to index
      %get3A_938 = arith.constant 16 : index
      %get3A_939 = tpu.vector_load %arg6[%get3A_936, %get3A_937, %get3A_938] {strides = array<i32>} : memref<2x8x128xi32, #tpu.memory_space<vmem>>, vector<1x1x16xi32>,
      %get3A_940 = vector.shape_cast %get3A_939 : vector<1x1x16xi32> to vector<16xi32>
      %ne3A_941 = arith.constant 10000 : i32
      %ne3A_942 = vector.broadcast %ne3A_941 : i32 to vector<16xi32>
      %ne3A_943 = arith.cmpi ne, %get3A_940, %ne3A_942 : vector<16xi32>
      %jit3A_944 = arith.constant 1.000000e+00 : f32
      %jit3A_945 = arith.constant 0.000000e+00 : f32
      %broadcast_in_dim3A_946 = vector.broadcast %jit3A_944 : f32 to vector<16xf32>
      %broadcast_in_dim3A_947 = vector.broadcast %jit3A_945 : f32 to vector<16xf32>
      %select_n3A_948 = arith.select %ne3A_943, %broadcast_in_dim3A_946, %broadcast_in_dim3A_947 : vector<16xi1>, vector<16xf32>
      %swap3A_949 = arith.constant 3 : i32
      %swap3A_950 = arith.index_cast %swap3A_949 : i32 to index
      %swap3A_951 = arith.constant 16 : index
      %swap3A_952 = tpu.vector_load %arg7[%swap3A_950, %swap3A_951] {strides = array<i32>} : memref<4x128xf32, #tpu.memory_space<vmem>>, vector<1x16xf32>,
      %swap3A_953 = vector.shape_cast %swap3A_952 : vector<1x16xf32> to vector<16xf32>
      %swap3A_954 = vector.shape_cast %select_n3A_948 : vector<16xf32> to vector<1x16xf32>
      tpu.vector_store %arg7[%swap3A_950, %swap3A_951], %swap3A_954 {strides = array<i32>} : memref<4x128xf32, #tpu.memory_space<vmem>>, vector<1x16xf32>,
      %get3A_955 = arith.index_cast %select_n3A_892 : i32 to index
      %get3A_956 = arith.index_cast %select_n3A_876 : i32 to index
      %get3A_957 = arith.constant 32 : index
      %get3A_958 = tpu.vector_load %arg6[%get3A_955, %get3A_956, %get3A_957] {strides = array<i32>} : memref<2x8x128xi32, #tpu.memory_space<vmem>>, vector<1x1x16xi32>,
      %get3A_959 = vector.shape_cast %get3A_958 : vector<1x1x16xi32> to vector<16xi32>
      %ne3A_960 = arith.constant 10000 : i32
      %ne3A_961 = vector.broadcast %ne3A_960 : i32 to vector<16xi32>
      %ne3A_962 = arith.cmpi ne, %get3A_959, %ne3A_961 : vector<16xi32>
      %jit3A_963 = arith.constant 1.000000e+00 : f32
      %jit3A_964 = arith.constant 0.000000e+00 : f32
      %broadcast_in_dim3A_965 = vector.broadcast %jit3A_963 : f32 to vector<16xf32>
      %broadcast_in_dim3A_966 = vector.broadcast %jit3A_964 : f32 to vector<16xf32>
      %select_n3A_967 = arith.select %ne3A_962, %broadcast_in_dim3A_965, %broadcast_in_dim3A_966 : vector<16xi1>, vector<16xf32>
      %swap3A_968 = arith.constant 3 : i32
      %swap3A_969 = arith.index_cast %swap3A_968 : i32 to index
      %swap3A_970 = arith.constant 32 : index
      %swap3A_971 = tpu.vector_load %arg7[%swap3A_969, %swap3A_970] {strides = array<i32>} : memref<4x128xf32, #tpu.memory_space<vmem>>, vector<1x16xf32>,
      %swap3A_972 = vector.shape_cast %swap3A_971 : vector<1x16xf32> to vector<16xf32>
      %swap3A_973 = vector.shape_cast %select_n3A_967 : vector<16xf32> to vector<1x16xf32>
      tpu.vector_store %arg7[%swap3A_969, %swap3A_970], %swap3A_973 {strides = array<i32>} : memref<4x128xf32, #tpu.memory_space<vmem>>, vector<1x16xf32>,
      %get3A_974 = arith.index_cast %select_n3A_892 : i32 to index
      %get3A_975 = arith.index_cast %select_n3A_876 : i32 to index
      %get3A_976 = arith.constant 48 : index
      %get3A_977 = tpu.vector_load %arg6[%get3A_974, %get3A_975, %get3A_976] {strides = array<i32>} : memref<2x8x128xi32, #tpu.memory_space<vmem>>, vector<1x1x16xi32>,
      %get3A_978 = vector.shape_cast %get3A_977 : vector<1x1x16xi32> to vector<16xi32>
      %ne3A_979 = arith.constant 10000 : i32
      %ne3A_980 = vector.broadcast %ne3A_979 : i32 to vector<16xi32>
      %ne3A_981 = arith.cmpi ne, %get3A_978, %ne3A_980 : vector<16xi32>
      %jit3A_982 = arith.constant 1.000000e+00 : f32
      %jit3A_983 = arith.constant 0.000000e+00 : f32
      %broadcast_in_dim3A_984 = vector.broadcast %jit3A_982 : f32 to vector<16xf32>
      %broadcast_in_dim3A_985 = vector.broadcast %jit3A_983 : f32 to vector<16xf32>
      %select_n3A_986 = arith.select %ne3A_981, %broadcast_in_dim3A_984, %broadcast_in_dim3A_985 : vector<16xi1>, vector<16xf32>
      %swap3A_987 = arith.constant 3 : i32
      %swap3A_988 = arith.index_cast %swap3A_987 : i32 to index
      %swap3A_989 = arith.constant 48 : index
      %swap3A_990 = tpu.vector_load %arg7[%swap3A_988, %swap3A_989] {strides = array<i32>} : memref<4x128xf32, #tpu.memory_space<vmem>>, vector<1x16xf32>,
      %swap3A_991 = vector.shape_cast %swap3A_990 : vector<1x16xf32> to vector<16xf32>
      %swap3A_992 = vector.shape_cast %select_n3A_986 : vector<16xf32> to vector<1x16xf32>
      tpu.vector_store %arg7[%swap3A_988, %swap3A_989], %swap3A_992 {strides = array<i32>} : memref<4x128xf32, #tpu.memory_space<vmem>>, vector<1x16xf32>,
      %get3A_993 = arith.index_cast %select_n3A_892 : i32 to index
      %get3A_994 = arith.index_cast %select_n3A_876 : i32 to index
      %get3A_995 = arith.constant 64 : index
      %get3A_996 = tpu.vector_load %arg6[%get3A_993, %get3A_994, %get3A_995] {strides = array<i32>} : memref<2x8x128xi32, #tpu.memory_space<vmem>>, vector<1x1x16xi32>,
      %get3A_997 = vector.shape_cast %get3A_996 : vector<1x1x16xi32> to vector<16xi32>
      %ne3A_998 = arith.constant 10000 : i32
      %ne3A_999 = vector.broadcast %ne3A_998 : i32 to vector<16xi32>
      %ne3A_1000 = arith.cmpi ne, %get3A_997, %ne3A_999 : vector<16xi32>
      %jit3A_1001 = arith.constant 1.000000e+00 : f32
      %jit3A_1002 = arith.constant 0.000000e+00 : f32
      %broadcast_in_dim3A_1003 = vector.broadcast %jit3A_1001 : f32 to vector<16xf32>
      %broadcast_in_dim3A_1004 = vector.broadcast %jit3A_1002 : f32 to vector<16xf32>
      %select_n3A_1005 = arith.select %ne3A_1000, %broadcast_in_dim3A_1003, %broadcast_in_dim3A_1004 : vector<16xi1>, vector<16xf32>
      %swap3A_1006 = arith.constant 3 : i32
      %swap3A_1007 = arith.index_cast %swap3A_1006 : i32 to index
      %swap3A_1008 = arith.constant 64 : index
      %swap3A_1009 = tpu.vector_load %arg7[%swap3A_1007, %swap3A_1008] {strides = array<i32>} : memref<4x128xf32, #tpu.memory_space<vmem>>, vector<1x16xf32>,
      %swap3A_1010 = vector.shape_cast %swap3A_1009 : vector<1x16xf32> to vector<16xf32>
      %swap3A_1011 = vector.shape_cast %select_n3A_1005 : vector<16xf32> to vector<1x16xf32>
      tpu.vector_store %arg7[%swap3A_1007, %swap3A_1008], %swap3A_1011 {strides = array<i32>} : memref<4x128xf32, #tpu.memory_space<vmem>>, vector<1x16xf32>,
      %get3A_1012 = arith.index_cast %select_n3A_892 : i32 to index
      %get3A_1013 = arith.index_cast %select_n3A_876 : i32 to index
      %get3A_1014 = arith.constant 80 : index
      %get3A_1015 = tpu.vector_load %arg6[%get3A_1012, %get3A_1013, %get3A_1014] {strides = array<i32>} : memref<2x8x128xi32, #tpu.memory_space<vmem>>, vector<1x1x16xi32>,
      %get3A_1016 = vector.shape_cast %get3A_1015 : vector<1x1x16xi32> to vector<16xi32>
      %ne3A_1017 = arith.constant 10000 : i32
      %ne3A_1018 = vector.broadcast %ne3A_1017 : i32 to vector<16xi32>
      %ne3A_1019 = arith.cmpi ne, %get3A_1016, %ne3A_1018 : vector<16xi32>
      %jit3A_1020 = arith.constant 1.000000e+00 : f32
      %jit3A_1021 = arith.constant 0.000000e+00 : f32
      %broadcast_in_dim3A_1022 = vector.broadcast %jit3A_1020 : f32 to vector<16xf32>
      %broadcast_in_dim3A_1023 = vector.broadcast %jit3A_1021 : f32 to vector<16xf32>
      %select_n3A_1024 = arith.select %ne3A_1019, %broadcast_in_dim3A_1022, %broadcast_in_dim3A_1023 : vector<16xi1>, vector<16xf32>
      %swap3A_1025 = arith.constant 3 : i32
      %swap3A_1026 = arith.index_cast %swap3A_1025 : i32 to index
      %swap3A_1027 = arith.constant 80 : index
      %swap3A_1028 = tpu.vector_load %arg7[%swap3A_1026, %swap3A_1027] {strides = array<i32>} : memref<4x128xf32, #tpu.memory_space<vmem>>, vector<1x16xf32>,
      %swap3A_1029 = vector.shape_cast %swap3A_1028 : vector<1x16xf32> to vector<16xf32>
      %swap3A_1030 = vector.shape_cast %select_n3A_1024 : vector<16xf32> to vector<1x16xf32>
      tpu.vector_store %arg7[%swap3A_1026, %swap3A_1027], %swap3A_1030 {strides = array<i32>} : memref<4x128xf32, #tpu.memory_space<vmem>>, vector<1x16xf32>,
      %get3A_1031 = arith.index_cast %select_n3A_892 : i32 to index
      %get3A_1032 = arith.index_cast %select_n3A_876 : i32 to index
      %get3A_1033 = arith.constant 96 : index
      %get3A_1034 = tpu.vector_load %arg6[%get3A_1031, %get3A_1032, %get3A_1033] {strides = array<i32>} : memref<2x8x128xi32, #tpu.memory_space<vmem>>, vector<1x1x16xi32>,
      %get3A_1035 = vector.shape_cast %get3A_1034 : vector<1x1x16xi32> to vector<16xi32>
      %ne3A_1036 = arith.constant 10000 : i32
      %ne3A_1037 = vector.broadcast %ne3A_1036 : i32 to vector<16xi32>
      %ne3A_1038 = arith.cmpi ne, %get3A_1035, %ne3A_1037 : vector<16xi32>
      %jit3A_1039 = arith.constant 1.000000e+00 : f32
      %jit3A_1040 = arith.constant 0.000000e+00 : f32
      %broadcast_in_dim3A_1041 = vector.broadcast %jit3A_1039 : f32 to vector<16xf32>
      %broadcast_in_dim3A_1042 = vector.broadcast %jit3A_1040 : f32 to vector<16xf32>
      %select_n3A_1043 = arith.select %ne3A_1038, %broadcast_in_dim3A_1041, %broadcast_in_dim3A_1042 : vector<16xi1>, vector<16xf32>
      %swap3A_1044 = arith.constant 3 : i32
      %swap3A_1045 = arith.index_cast %swap3A_1044 : i32 to index
      %swap3A_1046 = arith.constant 96 : index
      %swap3A_1047 = tpu.vector_load %arg7[%swap3A_1045, %swap3A_1046] {strides = array<i32>} : memref<4x128xf32, #tpu.memory_space<vmem>>, vector<1x16xf32>,
      %swap3A_1048 = vector.shape_cast %swap3A_1047 : vector<1x16xf32> to vector<16xf32>
      %swap3A_1049 = vector.shape_cast %select_n3A_1043 : vector<16xf32> to vector<1x16xf32>
      tpu.vector_store %arg7[%swap3A_1045, %swap3A_1046], %swap3A_1049 {strides = array<i32>} : memref<4x128xf32, #tpu.memory_space<vmem>>, vector<1x16xf32>,
      %get3A_1050 = arith.index_cast %select_n3A_892 : i32 to index
      %get3A_1051 = arith.index_cast %select_n3A_876 : i32 to index
      %get3A_1052 = arith.constant 112 : index
      %get3A_1053 = tpu.vector_load %arg6[%get3A_1050, %get3A_1051, %get3A_1052] {strides = array<i32>} : memref<2x8x128xi32, #tpu.memory_space<vmem>>, vector<1x1x16xi32>,
      %get3A_1054 = vector.shape_cast %get3A_1053 : vector<1x1x16xi32> to vector<16xi32>
      %ne3A_1055 = arith.constant 10000 : i32
      %ne3A_1056 = vector.broadcast %ne3A_1055 : i32 to vector<16xi32>
      %ne3A_1057 = arith.cmpi ne, %get3A_1054, %ne3A_1056 : vector<16xi32>
      %jit3A_1058 = arith.constant 1.000000e+00 : f32
      %jit3A_1059 = arith.constant 0.000000e+00 : f32
      %broadcast_in_dim3A_1060 = vector.broadcast %jit3A_1058 : f32 to vector<16xf32>
      %broadcast_in_dim3A_1061 = vector.broadcast %jit3A_1059 : f32 to vector<16xf32>
      %select_n3A_1062 = arith.select %ne3A_1057, %broadcast_in_dim3A_1060, %broadcast_in_dim3A_1061 : vector<16xi1>, vector<16xf32>
      %swap3A_1063 = arith.constant 3 : i32
      %swap3A_1064 = arith.index_cast %swap3A_1063 : i32 to index
      %swap3A_1065 = arith.constant 112 : index
      %swap3A_1066 = tpu.vector_load %arg7[%swap3A_1064, %swap3A_1065] {strides = array<i32>} : memref<4x128xf32, #tpu.memory_space<vmem>>, vector<1x16xf32>,
      %swap3A_1067 = vector.shape_cast %swap3A_1066 : vector<1x16xf32> to vector<16xf32>
      %swap3A_1068 = vector.shape_cast %select_n3A_1062 : vector<16xf32> to vector<1x16xf32>
      tpu.vector_store %arg7[%swap3A_1064, %swap3A_1065], %swap3A_1068 {strides = array<i32>} : memref<4x128xf32, #tpu.memory_space<vmem>>, vector<1x16xf32>,
      %dma_start3A_1069 = arith.constant 3 : i32
      %dma_start3A_1070 = arith.constant 0 : i32
      %dma_start3A_1071 = tpu.memref_slice %arg7[%dma_start3A_1069, %dma_start3A_1070] : memref<4x128xf32, #tpu.memory_space<vmem>> -> memref<1x128xf32, #tpu.memory_space<vmem>>
      %dma_start3A_1072 = tpu.memref_squeeze %dma_start3A_1071 : memref<1x128xf32, #tpu.memory_space<vmem>> -> memref<128xf32, #tpu.memory_space<vmem>>
      %dma_start3A_1073 = arith.constant 0 : i32
      %dma_start3A_1074 = tpu.memref_slice %arg5[%select_n3A_892, %select_n3A_876, %dma_start3A_1073] : memref<2x8x128xi32, #tpu.memory_space<vmem>> -> memref<1x1x128xi32, #tpu.memory_space<vmem>>
      %dma_start3A_1075 = tpu.memref_squeeze %dma_start3A_1074 : memref<1x1x128xi32, #tpu.memory_space<vmem>> -> memref<128xi32, #tpu.memory_space<vmem>>
      %dma_start3A_1076 = arith.constant 0 : i32
      %dma_start3A_1077 = tpu.memref_slice %arg9[%dma_start3A_1076] : memref<10240xf32, #tpu.memory_space<vmem_shared>> -> memref<10240xf32, #tpu.memory_space<vmem_shared>>
      tpu.enqueue_indirect_dma source(%dma_start3A_1072 : memref<128xf32, #tpu.memory_space<vmem>>) target(%dma_start3A_1077 : memref<10240xf32, #tpu.memory_space<vmem_shared>>) offsets(%dma_start3A_1075 : memref<128xi32, #tpu.memory_space<vmem>>) semaphore(%arg13 : memref<!tpu.dma_semaphore, #tpu.memory_space<semaphore_mem>>) {add = true}
    }
    %scan3A_60 = arith.constant 10 : i32
    %dma_wait3A = arith.constant 0 : i32
    %dma_wait3A_61 = arith.constant 0 : i32
    %dma_wait3A_62 = tpu.memref_slice %arg7[%dma_wait3A, %dma_wait3A_61] : memref<4x128xf32, #tpu.memory_space<vmem>> -> memref<1x128xf32, #tpu.memory_space<vmem>>
    %dma_wait3A_63 = tpu.memref_squeeze %dma_wait3A_62 : memref<1x128xf32, #tpu.memory_space<vmem>> -> memref<128xf32, #tpu.memory_space<vmem>>
    %dma_wait3A_64 = arith.constant 0 : i32
    %dma_wait3A_65 = tpu.memref_slice %arg9[%dma_wait3A_64] : memref<10240xf32, #tpu.memory_space<vmem_shared>> -> memref<128xf32, #tpu.memory_space<vmem_shared>>
    %dma_wait3A_66 = arith.constant 0 : i32
    %dma_wait3A_67 = tpu.memref_slice %arg9[%dma_wait3A_66] : memref<10240xf32, #tpu.memory_space<vmem_shared>> -> memref<128xf32, #tpu.memory_space<vmem_shared>>
    %dma_wait3A_68 = arith.constant 0 : i32
    %dma_wait3A_69 = tpu.memref_slice %arg7[%dma_wait3A, %dma_wait3A_68] : memref<4x128xf32, #tpu.memory_space<vmem>> -> memref<1x128xf32, #tpu.memory_space<vmem>>
    %dma_wait3A_70 = tpu.memref_squeeze %dma_wait3A_69 : memref<1x128xf32, #tpu.memory_space<vmem>> -> memref<128xf32, #tpu.memory_space<vmem>>
    tpu.wait_dma2 semaphore(%arg10 : memref<!tpu.dma_semaphore, #tpu.memory_space<semaphore_mem>>) src(%dma_wait3A_70 : memref<128xf32, #tpu.memory_space<vmem>>) dst(%dma_wait3A_67 : memref<128xf32, #tpu.memory_space<vmem_shared>>)
    %dma_wait3A_71 = arith.constant 1 : i32
    %dma_wait3A_72 = arith.constant 0 : i32
    %dma_wait3A_73 = tpu.memref_slice %arg7[%dma_wait3A_71, %dma_wait3A_72] : memref<4x128xf32, #tpu.memory_space<vmem>> -> memref<1x128xf32, #tpu.memory_space<vmem>>
    %dma_wait3A_74 = tpu.memref_squeeze %dma_wait3A_73 : memref<1x128xf32, #tpu.memory_space<vmem>> -> memref<128xf32, #tpu.memory_space<vmem>>
    %dma_wait3A_75 = arith.constant 0 : i32
    %dma_wait3A_76 = tpu.memref_slice %arg9[%dma_wait3A_75] : memref<10240xf32, #tpu.memory_space<vmem_shared>> -> memref<128xf32, #tpu.memory_space<vmem_shared>>
    %dma_wait3A_77 = arith.constant 0 : i32
    %dma_wait3A_78 = tpu.memref_slice %arg9[%dma_wait3A_77] : memref<10240xf32, #tpu.memory_space<vmem_shared>> -> memref<128xf32, #tpu.memory_space<vmem_shared>>
    %dma_wait3A_79 = arith.constant 0 : i32
    %dma_wait3A_80 = tpu.memref_slice %arg7[%dma_wait3A_71, %dma_wait3A_79] : memref<4x128xf32, #tpu.memory_space<vmem>> -> memref<1x128xf32, #tpu.memory_space<vmem>>
    %dma_wait3A_81 = tpu.memref_squeeze %dma_wait3A_80 : memref<1x128xf32, #tpu.memory_space<vmem>> -> memref<128xf32, #tpu.memory_space<vmem>>
    tpu.wait_dma2 semaphore(%arg11 : memref<!tpu.dma_semaphore, #tpu.memory_space<semaphore_mem>>) src(%dma_wait3A_81 : memref<128xf32, #tpu.memory_space<vmem>>) dst(%dma_wait3A_78 : memref<128xf32, #tpu.memory_space<vmem_shared>>)
    %dma_wait3A_82 = arith.constant 2 : i32
    %dma_wait3A_83 = arith.constant 0 : i32
    %dma_wait3A_84 = tpu.memref_slice %arg7[%dma_wait3A_82, %dma_wait3A_83] : memref<4x128xf32, #tpu.memory_space<vmem>> -> memref<1x128xf32, #tpu.memory_space<vmem>>
    %dma_wait3A_85 = tpu.memref_squeeze %dma_wait3A_84 : memref<1x128xf32, #tpu.memory_space<vmem>> -> memref<128xf32, #tpu.memory_space<vmem>>
    %dma_wait3A_86 = arith.constant 0 : i32
    %dma_wait3A_87 = tpu.memref_slice %arg9[%dma_wait3A_86] : memref<10240xf32, #tpu.memory_space<vmem_shared>> -> memref<128xf32, #tpu.memory_space<vmem_shared>>
    %dma_wait3A_88 = arith.constant 0 : i32
    %dma_wait3A_89 = tpu.memref_slice %arg9[%dma_wait3A_88] : memref<10240xf32, #tpu.memory_space<vmem_shared>> -> memref<128xf32, #tpu.memory_space<vmem_shared>>
    %dma_wait3A_90 = arith.constant 0 : i32
    %dma_wait3A_91 = tpu.memref_slice %arg7[%dma_wait3A_82, %dma_wait3A_90] : memref<4x128xf32, #tpu.memory_space<vmem>> -> memref<1x128xf32, #tpu.memory_space<vmem>>
    %dma_wait3A_92 = tpu.memref_squeeze %dma_wait3A_91 : memref<1x128xf32, #tpu.memory_space<vmem>> -> memref<128xf32, #tpu.memory_space<vmem>>
    tpu.wait_dma2 semaphore(%arg12 : memref<!tpu.dma_semaphore, #tpu.memory_space<semaphore_mem>>) src(%dma_wait3A_92 : memref<128xf32, #tpu.memory_space<vmem>>) dst(%dma_wait3A_89 : memref<128xf32, #tpu.memory_space<vmem_shared>>)
    %dma_wait3A_93 = arith.constant 3 : i32
    %dma_wait3A_94 = arith.constant 0 : i32
    %dma_wait3A_95 = tpu.memref_slice %arg7[%dma_wait3A_93, %dma_wait3A_94] : memref<4x128xf32, #tpu.memory_space<vmem>> -> memref<1x128xf32, #tpu.memory_space<vmem>>
    %dma_wait3A_96 = tpu.memref_squeeze %dma_wait3A_95 : memref<1x128xf32, #tpu.memory_space<vmem>> -> memref<128xf32, #tpu.memory_space<vmem>>
    %dma_wait3A_97 = arith.constant 0 : i32
    %dma_wait3A_98 = tpu.memref_slice %arg9[%dma_wait3A_97] : memref<10240xf32, #tpu.memory_space<vmem_shared>> -> memref<128xf32, #tpu.memory_space<vmem_shared>>
    %dma_wait3A_99 = arith.constant 0 : i32
    %dma_wait3A_100 = tpu.memref_slice %arg9[%dma_wait3A_99] : memref<10240xf32, #tpu.memory_space<vmem_shared>> -> memref<128xf32, #tpu.memory_space<vmem_shared>>
    %dma_wait3A_101 = arith.constant 0 : i32
    %dma_wait3A_102 = tpu.memref_slice %arg7[%dma_wait3A_93, %dma_wait3A_101] : memref<4x128xf32, #tpu.memory_space<vmem>> -> memref<1x128xf32, #tpu.memory_space<vmem>>
    %dma_wait3A_103 = tpu.memref_squeeze %dma_wait3A_102 : memref<1x128xf32, #tpu.memory_space<vmem>> -> memref<128xf32, #tpu.memory_space<vmem>>
    tpu.wait_dma2 semaphore(%arg13 : memref<!tpu.dma_semaphore, #tpu.memory_space<semaphore_mem>>) src(%dma_wait3A_103 : memref<128xf32, #tpu.memory_space<vmem>>) dst(%dma_wait3A_100 : memref<128xf32, #tpu.memory_space<vmem_shared>>)
    %barrier3A_104 = arith.constant 0 : index
    tpu.barrier barrier_id(%barrier3A_104)
    %mul3A_105 = arith.constant 640 : i32
    %mul3A_106 = arith.muli %arg1, %mul3A_105 : i32
    "tpu.region"() ({
      %run_scoped3A_112 = tpu.sem_alloc : memref<!tpu.dma_semaphore, #tpu.memory_space<semaphore_mem>>
      %dma_start3A_113 = tpu.memref_slice %arg9[%mul3A_106] : memref<10240xf32, #tpu.memory_space<vmem_shared>> -> memref<640xf32, #tpu.memory_space<vmem_shared>>
      %dma_start3A_114 = tpu.memref_slice %arg9[%mul3A_106] : memref<10240xf32, #tpu.memory_space<vmem_shared>> -> memref<640xf32, #tpu.memory_space<vmem_shared>>
      tpu.enqueue_dma source(%dma_start3A_114 : memref<640xf32, #tpu.memory_space<vmem_shared>>) target(%arg8 : memref<640xf32, #tpu.memory_space<vmem>>) target_semaphore(%run_scoped3A_112 : memref<!tpu.dma_semaphore, #tpu.memory_space<semaphore_mem>>)
      %dma_wait3A_115 = tpu.memref_slice %arg9[%mul3A_106] : memref<10240xf32, #tpu.memory_space<vmem_shared>> -> memref<640xf32, #tpu.memory_space<vmem_shared>>
      %dma_wait3A_116 = tpu.memref_slice %arg9[%mul3A_106] : memref<10240xf32, #tpu.memory_space<vmem_shared>> -> memref<640xf32, #tpu.memory_space<vmem_shared>>
      tpu.wait_dma2 semaphore(%run_scoped3A_112 : memref<!tpu.dma_semaphore, #tpu.memory_space<semaphore_mem>>) src(%dma_wait3A_116 : memref<640xf32, #tpu.memory_space<vmem_shared>>) dst(%arg8 : memref<640xf32, #tpu.memory_space<vmem>>)
      tpu.yield
    }) : () -> ()
    %mul3A_107 = arith.constant 10240 : i32
    %mul3A_108 = arith.muli %arg0, %mul3A_107 : i32
    %mul3A_109 = arith.constant 640 : i32
    %mul3A_110 = arith.muli %arg1, %mul3A_109 : i32
    %add3A_111 = arith.addi %mul3A_108, %mul3A_110 : i32
    "tpu.region"() ({
      %run_scoped3A_112 = tpu.sem_alloc : memref<!tpu.dma_semaphore, #tpu.memory_space<semaphore_mem>>
      %dma_start3A_113 = tpu.memref_slice %arg4[%add3A_111] : memref<20480xf32, #tpu.memory_space<hbm>> -> memref<640xf32, #tpu.memory_space<hbm>>
      %dma_start3A_114 = tpu.memref_slice %arg4[%add3A_111] : memref<20480xf32, #tpu.memory_space<hbm>> -> memref<640xf32, #tpu.memory_space<hbm>>
      tpu.enqueue_dma source(%arg8 : memref<640xf32, #tpu.memory_space<vmem>>) target(%dma_start3A_114 : memref<640xf32, #tpu.memory_space<hbm>>) target_semaphore(%run_scoped3A_112 : memref<!tpu.dma_semaphore, #tpu.memory_space<semaphore_mem>>)
      %dma_wait3A_115 = tpu.memref_slice %arg4[%add3A_111] : memref<20480xf32, #tpu.memory_space<hbm>> -> memref<640xf32, #tpu.memory_space<hbm>>
      %dma_wait3A_116 = tpu.memref_slice %arg4[%add3A_111] : memref<20480xf32, #tpu.memory_space<hbm>> -> memref<640xf32, #tpu.memory_space<hbm>>
      tpu.wait_dma2 semaphore(%run_scoped3A_112 : memref<!tpu.dma_semaphore, #tpu.memory_space<semaphore_mem>>) src(%arg8 : memref<640xf32, #tpu.memory_space<vmem>>) dst(%dma_wait3A_116 : memref<640xf32, #tpu.memory_space<hbm>>)
      tpu.yield
    }) : () -> ()
    return
  }
}

#map = affine_map<(d0, d1) -> (0, 0)>
#map1 = affine_map<(d0, d1) -> (0, 0, 0)>
module attributes {stable_mosaic.version = 14 : i64} {
  func.func @_main_body(%arg0: i32, %arg1: i32, %arg2: memref<20480x128xf32, #tpu.memory_space<hbm>>, %arg3: memref<640x8x64xi32, #tpu.memory_space<hbm>>, %arg4: memref<320x8x64xi32, #tpu.memory_space<hbm>>, %arg5: memref<20480x128xf32, #tpu.memory_space<hbm>>, %arg6: memref<2x8x64xi32, #tpu.memory_space<vmem>>, %arg7: memref<2x8x64xi32, #tpu.memory_space<vmem>>, %arg8: memref<4x64x128xf32, #tpu.memory_space<vmem>>, %arg9: memref<10240x128xf32, #tpu.memory_space<vmem_shared>>, %arg10: memref<!tpu.dma_semaphore, #tpu.memory_space<semaphore_mem>>, %arg11: memref<!tpu.dma_semaphore, #tpu.memory_space<semaphore_mem>>, %arg12: memref<!tpu.dma_semaphore, #tpu.memory_space<semaphore_mem>>, %arg13: memref<!tpu.dma_semaphore, #tpu.memory_space<semaphore_mem>>, %arg14: memref<!tpu.dma_semaphore, #tpu.memory_space<semaphore_mem>>, %arg15: memref<!tpu.dma_semaphore, #tpu.memory_space<semaphore_mem>>, %arg16: memref<!tpu.dma_semaphore, #tpu.memory_space<semaphore_mem>>, %arg17: memref<!tpu.dma_semaphore, #tpu.memory_space<semaphore_mem>>, %arg18: memref<!tpu.dma_semaphore, #tpu.memory_space<semaphore_mem>>) attributes {dimension_semantics = [#tpu.dimension_semantics<core_parallel>, #tpu.dimension_semantics<subcore_parallel>], iteration_bounds = array<i64: 2, 16>, scalar_prefetch = 0 : i64, scratch_operands = 13 : i64, tpu.core_type = #tpu.core_type<sc_vector_subcore>, window_params = [{transform_indices = #map}, {transform_indices = #map1}, {transform_indices = #map1}, {transform_indices = #map}]} {
    %mul3A = arith.constant 16 : i32
    %mul3A_0 = arith.muli %arg0, %mul3A : i32
    %add3A = arith.addi %mul3A_0, %arg1 : i32
    %mul3A_1 = arith.constant 10240 : i32
    %mul3A_2 = arith.muli %arg0, %mul3A_1 : i32
    %mul3A_3 = arith.constant 640 : i32
    %mul3A_4 = arith.muli %arg1, %mul3A_3 : i32
    %add3A_5 = arith.addi %mul3A_2, %mul3A_4 : i32
    %mul3A_6 = arith.constant 640 : i32
    %mul3A_7 = arith.muli %arg1, %mul3A_6 : i32
    "tpu.region"() ({
      %run_scoped3A_122 = tpu.sem_alloc : memref<!tpu.dma_semaphore, #tpu.memory_space<semaphore_mem>>
      %dma_start3A_123 = arith.constant 0 : i32
      %dma_start3A_124 = tpu.memref_slice %arg9[%mul3A_7, %dma_start3A_123] : memref<10240x128xf32, #tpu.memory_space<vmem_shared>> -> memref<640x128xf32, #tpu.memory_space<vmem_shared>>
      %dma_start3A_125 = arith.constant 0 : i32
      %dma_start3A_126 = tpu.memref_slice %arg2[%add3A_5, %dma_start3A_125] : memref<20480x128xf32, #tpu.memory_space<hbm>> -> memref<640x128xf32, #tpu.memory_space<hbm>>
      tpu.enqueue_dma source(%dma_start3A_126 : memref<640x128xf32, #tpu.memory_space<hbm>>) target(%dma_start3A_124 : memref<640x128xf32, #tpu.memory_space<vmem_shared>>) target_semaphore(%run_scoped3A_122 : memref<!tpu.dma_semaphore, #tpu.memory_space<semaphore_mem>>)
      %dma_wait3A_127 = arith.constant 0 : i32
      %dma_wait3A_128 = tpu.memref_slice %arg9[%mul3A_7, %dma_wait3A_127] : memref<10240x128xf32, #tpu.memory_space<vmem_shared>> -> memref<640x128xf32, #tpu.memory_space<vmem_shared>>
      %dma_wait3A_129 = arith.constant 0 : i32
      %dma_wait3A_130 = tpu.memref_slice %arg2[%add3A_5, %dma_wait3A_129] : memref<20480x128xf32, #tpu.memory_space<hbm>> -> memref<640x128xf32, #tpu.memory_space<hbm>>
      tpu.wait_dma2 semaphore(%run_scoped3A_122 : memref<!tpu.dma_semaphore, #tpu.memory_space<semaphore_mem>>) src(%dma_wait3A_130 : memref<640x128xf32, #tpu.memory_space<hbm>>) dst(%dma_wait3A_128 : memref<640x128xf32, #tpu.memory_space<vmem_shared>>)
      tpu.yield
    }) : () -> ()
    %barrier3A = arith.constant 0 : index
    tpu.barrier barrier_id(%barrier3A)
    %mul3A_8 = arith.constant 20 : i32
    %mul3A_9 = arith.muli %add3A, %mul3A_8 : i32
    %run_scoped3A = arith.constant 0 : i32
    "tpu.region"() ({
      %run_scoped3A_122 = tpu.sem_alloc : memref<!tpu.dma_semaphore, #tpu.memory_space<semaphore_mem>>
      %dma_start3A_123 = arith.constant 0 : i32
      %dma_start3A_124 = arith.constant 0 : i32
      %dma_start3A_125 = tpu.memref_slice %arg6[%run_scoped3A, %dma_start3A_123, %dma_start3A_124] : memref<2x8x64xi32, #tpu.memory_space<vmem>> -> memref<1x8x64xi32, #tpu.memory_space<vmem>>
      %dma_start3A_126 = tpu.memref_squeeze %dma_start3A_125 : memref<1x8x64xi32, #tpu.memory_space<vmem>> -> memref<8x64xi32, #tpu.memory_space<vmem>>
      %dma_start3A_127 = arith.constant 0 : i32
      %dma_start3A_128 = arith.constant 0 : i32
      %dma_start3A_129 = tpu.memref_slice %arg3[%mul3A_9, %dma_start3A_127, %dma_start3A_128] : memref<640x8x64xi32, #tpu.memory_space<hbm>> -> memref<1x8x64xi32, #tpu.memory_space<hbm>>
      %dma_start3A_130 = tpu.memref_squeeze %dma_start3A_129 : memref<1x8x64xi32, #tpu.memory_space<hbm>> -> memref<8x64xi32, #tpu.memory_space<hbm>>
      %dma_start3A_131 = arith.constant 0 : i32
      %dma_start3A_132 = arith.constant 0 : i32
      %dma_start3A_133 = tpu.memref_slice %arg6[%run_scoped3A, %dma_start3A_131, %dma_start3A_132] : memref<2x8x64xi32, #tpu.memory_space<vmem>> -> memref<1x8x64xi32, #tpu.memory_space<vmem>>
      %dma_start3A_134 = tpu.memref_squeeze %dma_start3A_133 : memref<1x8x64xi32, #tpu.memory_space<vmem>> -> memref<8x64xi32, #tpu.memory_space<vmem>>
      %dma_start3A_135 = arith.constant 0 : i32
      %dma_start3A_136 = arith.constant 0 : i32
      %dma_start3A_137 = tpu.memref_slice %arg3[%mul3A_9, %dma_start3A_135, %dma_start3A_136] : memref<640x8x64xi32, #tpu.memory_space<hbm>> -> memref<1x8x64xi32, #tpu.memory_space<hbm>>
      %dma_start3A_138 = tpu.memref_squeeze %dma_start3A_137 : memref<1x8x64xi32, #tpu.memory_space<hbm>> -> memref<8x64xi32, #tpu.memory_space<hbm>>
      tpu.enqueue_dma source(%dma_start3A_138 : memref<8x64xi32, #tpu.memory_space<hbm>>) target(%dma_start3A_134 : memref<8x64xi32, #tpu.memory_space<vmem>>) target_semaphore(%run_scoped3A_122 : memref<!tpu.dma_semaphore, #tpu.memory_space<semaphore_mem>>)
      %dma_wait3A_139 = arith.constant 0 : i32
      %dma_wait3A_140 = arith.constant 0 : i32
      %dma_wait3A_141 = tpu.memref_slice %arg6[%run_scoped3A, %dma_wait3A_139, %dma_wait3A_140] : memref<2x8x64xi32, #tpu.memory_space<vmem>> -> memref<1x8x64xi32, #tpu.memory_space<vmem>>
      %dma_wait3A_142 = tpu.memref_squeeze %dma_wait3A_141 : memref<1x8x64xi32, #tpu.memory_space<vmem>> -> memref<8x64xi32, #tpu.memory_space<vmem>>
      %dma_wait3A_143 = arith.constant 0 : i32
      %dma_wait3A_144 = arith.constant 0 : i32
      %dma_wait3A_145 = tpu.memref_slice %arg3[%mul3A_9, %dma_wait3A_143, %dma_wait3A_144] : memref<640x8x64xi32, #tpu.memory_space<hbm>> -> memref<1x8x64xi32, #tpu.memory_space<hbm>>
      %dma_wait3A_146 = tpu.memref_squeeze %dma_wait3A_145 : memref<1x8x64xi32, #tpu.memory_space<hbm>> -> memref<8x64xi32, #tpu.memory_space<hbm>>
      %dma_wait3A_147 = arith.constant 0 : i32
      %dma_wait3A_148 = arith.constant 0 : i32
      %dma_wait3A_149 = tpu.memref_slice %arg6[%run_scoped3A, %dma_wait3A_147, %dma_wait3A_148] : memref<2x8x64xi32, #tpu.memory_space<vmem>> -> memref<1x8x64xi32, #tpu.memory_space<vmem>>
      %dma_wait3A_150 = tpu.memref_squeeze %dma_wait3A_149 : memref<1x8x64xi32, #tpu.memory_space<vmem>> -> memref<8x64xi32, #tpu.memory_space<vmem>>
      %dma_wait3A_151 = arith.constant 0 : i32
      %dma_wait3A_152 = arith.constant 0 : i32
      %dma_wait3A_153 = tpu.memref_slice %arg3[%mul3A_9, %dma_wait3A_151, %dma_wait3A_152] : memref<640x8x64xi32, #tpu.memory_space<hbm>> -> memref<1x8x64xi32, #tpu.memory_space<hbm>>
      %dma_wait3A_154 = tpu.memref_squeeze %dma_wait3A_153 : memref<1x8x64xi32, #tpu.memory_space<hbm>> -> memref<8x64xi32, #tpu.memory_space<hbm>>
      tpu.wait_dma2 semaphore(%run_scoped3A_122 : memref<!tpu.dma_semaphore, #tpu.memory_space<semaphore_mem>>) src(%dma_wait3A_154 : memref<8x64xi32, #tpu.memory_space<hbm>>) dst(%dma_wait3A_150 : memref<8x64xi32, #tpu.memory_space<vmem>>)
      tpu.yield
    }) : () -> ()
    %mul3A_10 = arith.constant 20 : i32
    %mul3A_11 = arith.muli %arg1, %mul3A_10 : i32
    %run_scoped3A_12 = arith.constant 0 : i32
    "tpu.region"() ({
      %run_scoped3A_122 = tpu.sem_alloc : memref<!tpu.dma_semaphore, #tpu.memory_space<semaphore_mem>>
      %dma_start3A_123 = arith.constant 0 : i32
      %dma_start3A_124 = arith.constant 0 : i32
      %dma_start3A_125 = tpu.memref_slice %arg7[%run_scoped3A_12, %dma_start3A_123, %dma_start3A_124] : memref<2x8x64xi32, #tpu.memory_space<vmem>> -> memref<1x8x64xi32, #tpu.memory_space<vmem>>
      %dma_start3A_126 = tpu.memref_squeeze %dma_start3A_125 : memref<1x8x64xi32, #tpu.memory_space<vmem>> -> memref<8x64xi32, #tpu.memory_space<vmem>>
      %dma_start3A_127 = arith.constant 0 : i32
      %dma_start3A_128 = arith.constant 0 : i32
      %dma_start3A_129 = tpu.memref_slice %arg4[%mul3A_11, %dma_start3A_127, %dma_start3A_128] : memref<320x8x64xi32, #tpu.memory_space<hbm>> -> memref<1x8x64xi32, #tpu.memory_space<hbm>>
      %dma_start3A_130 = tpu.memref_squeeze %dma_start3A_129 : memref<1x8x64xi32, #tpu.memory_space<hbm>> -> memref<8x64xi32, #tpu.memory_space<hbm>>
      %dma_start3A_131 = arith.constant 0 : i32
      %dma_start3A_132 = arith.constant 0 : i32
      %dma_start3A_133 = tpu.memref_slice %arg7[%run_scoped3A_12, %dma_start3A_131, %dma_start3A_132] : memref<2x8x64xi32, #tpu.memory_space<vmem>> -> memref<1x8x64xi32, #tpu.memory_space<vmem>>
      %dma_start3A_134 = tpu.memref_squeeze %dma_start3A_133 : memref<1x8x64xi32, #tpu.memory_space<vmem>> -> memref<8x64xi32, #tpu.memory_space<vmem>>
      %dma_start3A_135 = arith.constant 0 : i32
      %dma_start3A_136 = arith.constant 0 : i32
      %dma_start3A_137 = tpu.memref_slice %arg4[%mul3A_11, %dma_start3A_135, %dma_start3A_136] : memref<320x8x64xi32, #tpu.memory_space<hbm>> -> memref<1x8x64xi32, #tpu.memory_space<hbm>>
      %dma_start3A_138 = tpu.memref_squeeze %dma_start3A_137 : memref<1x8x64xi32, #tpu.memory_space<hbm>> -> memref<8x64xi32, #tpu.memory_space<hbm>>
      tpu.enqueue_dma source(%dma_start3A_138 : memref<8x64xi32, #tpu.memory_space<hbm>>) target(%dma_start3A_134 : memref<8x64xi32, #tpu.memory_space<vmem>>) target_semaphore(%run_scoped3A_122 : memref<!tpu.dma_semaphore, #tpu.memory_space<semaphore_mem>>)
      %dma_wait3A_139 = arith.constant 0 : i32
      %dma_wait3A_140 = arith.constant 0 : i32
      %dma_wait3A_141 = tpu.memref_slice %arg7[%run_scoped3A_12, %dma_wait3A_139, %dma_wait3A_140] : memref<2x8x64xi32, #tpu.memory_space<vmem>> -> memref<1x8x64xi32, #tpu.memory_space<vmem>>
      %dma_wait3A_142 = tpu.memref_squeeze %dma_wait3A_141 : memref<1x8x64xi32, #tpu.memory_space<vmem>> -> memref<8x64xi32, #tpu.memory_space<vmem>>
      %dma_wait3A_143 = arith.constant 0 : i32
      %dma_wait3A_144 = arith.constant 0 : i32
      %dma_wait3A_145 = tpu.memref_slice %arg4[%mul3A_11, %dma_wait3A_143, %dma_wait3A_144] : memref<320x8x64xi32, #tpu.memory_space<hbm>> -> memref<1x8x64xi32, #tpu.memory_space<hbm>>
      %dma_wait3A_146 = tpu.memref_squeeze %dma_wait3A_145 : memref<1x8x64xi32, #tpu.memory_space<hbm>> -> memref<8x64xi32, #tpu.memory_space<hbm>>
      %dma_wait3A_147 = arith.constant 0 : i32
      %dma_wait3A_148 = arith.constant 0 : i32
      %dma_wait3A_149 = tpu.memref_slice %arg7[%run_scoped3A_12, %dma_wait3A_147, %dma_wait3A_148] : memref<2x8x64xi32, #tpu.memory_space<vmem>> -> memref<1x8x64xi32, #tpu.memory_space<vmem>>
      %dma_wait3A_150 = tpu.memref_squeeze %dma_wait3A_149 : memref<1x8x64xi32, #tpu.memory_space<vmem>> -> memref<8x64xi32, #tpu.memory_space<vmem>>
      %dma_wait3A_151 = arith.constant 0 : i32
      %dma_wait3A_152 = arith.constant 0 : i32
      %dma_wait3A_153 = tpu.memref_slice %arg4[%mul3A_11, %dma_wait3A_151, %dma_wait3A_152] : memref<320x8x64xi32, #tpu.memory_space<hbm>> -> memref<1x8x64xi32, #tpu.memory_space<hbm>>
      %dma_wait3A_154 = tpu.memref_squeeze %dma_wait3A_153 : memref<1x8x64xi32, #tpu.memory_space<hbm>> -> memref<8x64xi32, #tpu.memory_space<hbm>>
      tpu.wait_dma2 semaphore(%run_scoped3A_122 : memref<!tpu.dma_semaphore, #tpu.memory_space<semaphore_mem>>) src(%dma_wait3A_154 : memref<8x64xi32, #tpu.memory_space<hbm>>) dst(%dma_wait3A_150 : memref<8x64xi32, #tpu.memory_space<vmem>>)
      tpu.yield
    }) : () -> ()
    %mul3A_13 = arith.constant 20 : i32
    %mul3A_14 = arith.muli %add3A, %mul3A_13 : i32
    %add3A_15 = arith.constant 1 : i32
    %add3A_16 = arith.addi %mul3A_14, %add3A_15 : i32
    %dma_start3A = arith.constant 1 : i32
    %dma_start3A_17 = arith.constant 0 : i32
    %dma_start3A_18 = arith.constant 0 : i32
    %dma_start3A_19 = tpu.memref_slice %arg6[%dma_start3A, %dma_start3A_17, %dma_start3A_18] : memref<2x8x64xi32, #tpu.memory_space<vmem>> -> memref<1x8x64xi32, #tpu.memory_space<vmem>>
    %dma_start3A_20 = tpu.memref_squeeze %dma_start3A_19 : memref<1x8x64xi32, #tpu.memory_space<vmem>> -> memref<8x64xi32, #tpu.memory_space<vmem>>
    %dma_start3A_21 = arith.constant 0 : i32
    %dma_start3A_22 = arith.constant 0 : i32
    %dma_start3A_23 = tpu.memref_slice %arg3[%add3A_16, %dma_start3A_21, %dma_start3A_22] : memref<640x8x64xi32, #tpu.memory_space<hbm>> -> memref<1x8x64xi32, #tpu.memory_space<hbm>>
    %dma_start3A_24 = tpu.memref_squeeze %dma_start3A_23 : memref<1x8x64xi32, #tpu.memory_space<hbm>> -> memref<8x64xi32, #tpu.memory_space<hbm>>
    %dma_start3A_25 = arith.constant 0 : i32
    %dma_start3A_26 = arith.constant 0 : i32
    %dma_start3A_27 = tpu.memref_slice %arg6[%dma_start3A, %dma_start3A_25, %dma_start3A_26] : memref<2x8x64xi32, #tpu.memory_space<vmem>> -> memref<1x8x64xi32, #tpu.memory_space<vmem>>
    %dma_start3A_28 = tpu.memref_squeeze %dma_start3A_27 : memref<1x8x64xi32, #tpu.memory_space<vmem>> -> memref<8x64xi32, #tpu.memory_space<vmem>>
    %dma_start3A_29 = arith.constant 0 : i32
    %dma_start3A_30 = arith.constant 0 : i32
    %dma_start3A_31 = tpu.memref_slice %arg3[%add3A_16, %dma_start3A_29, %dma_start3A_30] : memref<640x8x64xi32, #tpu.memory_space<hbm>> -> memref<1x8x64xi32, #tpu.memory_space<hbm>>
    %dma_start3A_32 = tpu.memref_squeeze %dma_start3A_31 : memref<1x8x64xi32, #tpu.memory_space<hbm>> -> memref<8x64xi32, #tpu.memory_space<hbm>>
    tpu.enqueue_dma source(%dma_start3A_32 : memref<8x64xi32, #tpu.memory_space<hbm>>) target(%dma_start3A_28 : memref<8x64xi32, #tpu.memory_space<vmem>>) target_semaphore(%arg18 : memref<!tpu.dma_semaphore, #tpu.memory_space<semaphore_mem>>)
    %mul3A_33 = arith.constant 20 : i32
    %mul3A_34 = arith.muli %arg1, %mul3A_33 : i32
    %add3A_35 = arith.constant 1 : i32
    %add3A_36 = arith.addi %mul3A_34, %add3A_35 : i32
    %dma_start3A_37 = arith.constant 1 : i32
    %dma_start3A_38 = arith.constant 0 : i32
    %dma_start3A_39 = arith.constant 0 : i32
    %dma_start3A_40 = tpu.memref_slice %arg7[%dma_start3A_37, %dma_start3A_38, %dma_start3A_39] : memref<2x8x64xi32, #tpu.memory_space<vmem>> -> memref<1x8x64xi32, #tpu.memory_space<vmem>>
    %dma_start3A_41 = tpu.memref_squeeze %dma_start3A_40 : memref<1x8x64xi32, #tpu.memory_space<vmem>> -> memref<8x64xi32, #tpu.memory_space<vmem>>
    %dma_start3A_42 = arith.constant 0 : i32
    %dma_start3A_43 = arith.constant 0 : i32
    %dma_start3A_44 = tpu.memref_slice %arg4[%add3A_36, %dma_start3A_42, %dma_start3A_43] : memref<320x8x64xi32, #tpu.memory_space<hbm>> -> memref<1x8x64xi32, #tpu.memory_space<hbm>>
    %dma_start3A_45 = tpu.memref_squeeze %dma_start3A_44 : memref<1x8x64xi32, #tpu.memory_space<hbm>> -> memref<8x64xi32, #tpu.memory_space<hbm>>
    %dma_start3A_46 = arith.constant 0 : i32
    %dma_start3A_47 = arith.constant 0 : i32
    %dma_start3A_48 = tpu.memref_slice %arg7[%dma_start3A_37, %dma_start3A_46, %dma_start3A_47] : memref<2x8x64xi32, #tpu.memory_space<vmem>> -> memref<1x8x64xi32, #tpu.memory_space<vmem>>
    %dma_start3A_49 = tpu.memref_squeeze %dma_start3A_48 : memref<1x8x64xi32, #tpu.memory_space<vmem>> -> memref<8x64xi32, #tpu.memory_space<vmem>>
    %dma_start3A_50 = arith.constant 0 : i32
    %dma_start3A_51 = arith.constant 0 : i32
    %dma_start3A_52 = tpu.memref_slice %arg4[%add3A_36, %dma_start3A_50, %dma_start3A_51] : memref<320x8x64xi32, #tpu.memory_space<hbm>> -> memref<1x8x64xi32, #tpu.memory_space<hbm>>
    %dma_start3A_53 = tpu.memref_squeeze %dma_start3A_52 : memref<1x8x64xi32, #tpu.memory_space<hbm>> -> memref<8x64xi32, #tpu.memory_space<hbm>>
    tpu.enqueue_dma source(%dma_start3A_53 : memref<8x64xi32, #tpu.memory_space<hbm>>) target(%dma_start3A_49 : memref<8x64xi32, #tpu.memory_space<vmem>>) target_semaphore(%arg18 : memref<!tpu.dma_semaphore, #tpu.memory_space<semaphore_mem>>)
    %dma_start3A_54 = arith.constant 0 : i32
    %dma_start3A_55 = arith.constant 0 : i32
    %dma_start3A_56 = arith.constant 0 : i32
    %dma_start3A_57 = arith.constant 0 : i32
    %dma_start3A_58 = arith.constant 0 : i32
    %dma_start3A_59 = tpu.memref_slice %arg8[%dma_start3A_56, %dma_start3A_57, %dma_start3A_58] : memref<4x64x128xf32, #tpu.memory_space<vmem>> -> memref<1x64x128xf32, #tpu.memory_space<vmem>>
    %dma_start3A_60 = tpu.memref_squeeze %dma_start3A_59 : memref<1x64x128xf32, #tpu.memory_space<vmem>> -> memref<64x128xf32, #tpu.memory_space<vmem>>
    %dma_start3A_61 = arith.constant 0 : i32
    %dma_start3A_62 = tpu.memref_slice %arg6[%dma_start3A_54, %dma_start3A_55, %dma_start3A_61] : memref<2x8x64xi32, #tpu.memory_space<vmem>> -> memref<1x1x64xi32, #tpu.memory_space<vmem>>
    %dma_start3A_63 = tpu.memref_squeeze %dma_start3A_62 : memref<1x1x64xi32, #tpu.memory_space<vmem>> -> memref<64xi32, #tpu.memory_space<vmem>>
    %dma_start3A_64 = arith.constant 0 : i32
    %dma_start3A_65 = arith.constant 0 : i32
    %dma_start3A_66 = tpu.memref_slice %arg2[%dma_start3A_64, %dma_start3A_65] : memref<20480x128xf32, #tpu.memory_space<hbm>> -> memref<20480x128xf32, #tpu.memory_space<hbm>>
    tpu.enqueue_indirect_dma source(%dma_start3A_66 : memref<20480x128xf32, #tpu.memory_space<hbm>>) target(%dma_start3A_60 : memref<64x128xf32, #tpu.memory_space<vmem>>) offsets(%dma_start3A_63 : memref<64xi32, #tpu.memory_space<vmem>>) semaphore(%arg10 : memref<!tpu.dma_semaphore, #tpu.memory_space<semaphore_mem>>)
    %dma_start3A_67 = arith.constant 0 : i32
    %dma_start3A_68 = arith.constant 1 : i32
    %dma_start3A_69 = arith.constant 1 : i32
    %dma_start3A_70 = arith.constant 0 : i32
    %dma_start3A_71 = arith.constant 0 : i32
    %dma_start3A_72 = tpu.memref_slice %arg8[%dma_start3A_69, %dma_start3A_70, %dma_start3A_71] : memref<4x64x128xf32, #tpu.memory_space<vmem>> -> memref<1x64x128xf32, #tpu.memory_space<vmem>>
    %dma_start3A_73 = tpu.memref_squeeze %dma_start3A_72 : memref<1x64x128xf32, #tpu.memory_space<vmem>> -> memref<64x128xf32, #tpu.memory_space<vmem>>
    %dma_start3A_74 = arith.constant 0 : i32
    %dma_start3A_75 = tpu.memref_slice %arg6[%dma_start3A_67, %dma_start3A_68, %dma_start3A_74] : memref<2x8x64xi32, #tpu.memory_space<vmem>> -> memref<1x1x64xi32, #tpu.memory_space<vmem>>
    %dma_start3A_76 = tpu.memref_squeeze %dma_start3A_75 : memref<1x1x64xi32, #tpu.memory_space<vmem>> -> memref<64xi32, #tpu.memory_space<vmem>>
    %dma_start3A_77 = arith.constant 0 : i32
    %dma_start3A_78 = arith.constant 0 : i32
    %dma_start3A_79 = tpu.memref_slice %arg2[%dma_start3A_77, %dma_start3A_78] : memref<20480x128xf32, #tpu.memory_space<hbm>> -> memref<20480x128xf32, #tpu.memory_space<hbm>>
    tpu.enqueue_indirect_dma source(%dma_start3A_79 : memref<20480x128xf32, #tpu.memory_space<hbm>>) target(%dma_start3A_73 : memref<64x128xf32, #tpu.memory_space<vmem>>) offsets(%dma_start3A_76 : memref<64xi32, #tpu.memory_space<vmem>>) semaphore(%arg11 : memref<!tpu.dma_semaphore, #tpu.memory_space<semaphore_mem>>)
    %scan3A = arith.constant 0 : i32
    %scan3A_80 = arith.constant 0 : i32
    %scan3A_81 = arith.constant 40 : i32
    %scan3A_82 = arith.addi %scan3A_80, %scan3A_81 : i32
    %scan3A_83 = arith.constant 1 : i32
    scf.for %scan3A_122 = %scan3A_80 to %scan3A_82 step %scan3A_83  : i32 {
      %mul3A_123 = arith.constant 4 : i32
      %mul3A_124 = arith.muli %mul3A_123, %scan3A_122 : i32
      %add3A_125 = arith.constant 0 : i32
      %add3A_126 = arith.addi %mul3A_124, %add3A_125 : i32
      %jit3A = arith.constant 8 : i32
      %div3A = arith.divsi %add3A_126, %jit3A : i32
      %sign3A = arith.constant 0 : i32
      %sign3A_127 = arith.cmpi sgt, %add3A_126, %sign3A : i32
      %sign3A_128 = arith.extui %sign3A_127 : i1 to i32
      %sign3A_129 = arith.constant 0 : i32
      %sign3A_130 = arith.cmpi slt, %add3A_126, %sign3A_129 : i32
      %sign3A_131 = arith.extui %sign3A_130 : i1 to i32
      %sign3A_132 = arith.subi %sign3A_128, %sign3A_131 : i32
      %sign3A_133 = arith.constant 0 : i32
      %sign3A_134 = arith.cmpi sgt, %jit3A, %sign3A_133 : i32
      %sign3A_135 = arith.extui %sign3A_134 : i1 to i32
      %sign3A_136 = arith.constant 0 : i32
      %sign3A_137 = arith.cmpi slt, %jit3A, %sign3A_136 : i32
      %sign3A_138 = arith.extui %sign3A_137 : i1 to i32
      %sign3A_139 = arith.subi %sign3A_135, %sign3A_138 : i32
      %ne3A = arith.cmpi ne, %sign3A_132, %sign3A_139 : i32
      %rem3A = arith.remsi %add3A_126, %jit3A : i32
      %ne3A_140 = arith.constant 0 : i32
      %ne3A_141 = arith.cmpi ne, %rem3A, %ne3A_140 : i32
      %and3A = arith.andi %ne3A, %ne3A_141 : i1
      %sub3A = arith.constant 1 : i32
      %sub3A_142 = arith.subi %div3A, %sub3A : i32
      %select_n3A = arith.select %and3A, %sub3A_142, %div3A : i32
      %jit3A_143 = arith.constant 8 : i32
      %eq3A = arith.constant 0 : i32
      %eq3A_144 = arith.cmpi eq, %jit3A_143, %eq3A : i32
      %jit3A_145 = arith.constant 1 : i32
      %select_n3A_146 = arith.select %eq3A_144, %jit3A_145, %jit3A_143 : i32
      %rem3A_147 = arith.remsi %add3A_126, %select_n3A_146 : i32
      %ne3A_148 = arith.constant 0 : i32
      %ne3A_149 = arith.cmpi ne, %rem3A_147, %ne3A_148 : i32
      %lt3A = arith.constant 0 : i32
      %lt3A_150 = arith.cmpi slt, %rem3A_147, %lt3A : i32
      %lt3A_151 = arith.constant 0 : i32
      %lt3A_152 = arith.cmpi slt, %select_n3A_146, %lt3A_151 : i32
      %ne3A_153 = arith.xori %lt3A_150, %lt3A_152 : i1
      %and3A_154 = arith.andi %ne3A_153, %ne3A_149 : i1
      %add3A_155 = arith.addi %rem3A_147, %select_n3A_146 : i32
      %select_n3A_156 = arith.select %and3A_154, %add3A_155, %rem3A_147 : i32
      %jit3A_157 = arith.constant 2 : i32
      %eq3A_158 = arith.constant 0 : i32
      %eq3A_159 = arith.cmpi eq, %jit3A_157, %eq3A_158 : i32
      %jit3A_160 = arith.constant 1 : i32
      %select_n3A_161 = arith.select %eq3A_159, %jit3A_160, %jit3A_157 : i32
      %rem3A_162 = arith.remsi %select_n3A, %select_n3A_161 : i32
      %ne3A_163 = arith.constant 0 : i32
      %ne3A_164 = arith.cmpi ne, %rem3A_162, %ne3A_163 : i32
      %lt3A_165 = arith.constant 0 : i32
      %lt3A_166 = arith.cmpi slt, %rem3A_162, %lt3A_165 : i32
      %lt3A_167 = arith.constant 0 : i32
      %lt3A_168 = arith.cmpi slt, %select_n3A_161, %lt3A_167 : i32
      %ne3A_169 = arith.xori %lt3A_166, %lt3A_168 : i1
      %and3A_170 = arith.andi %ne3A_169, %ne3A_164 : i1
      %add3A_171 = arith.addi %rem3A_162, %select_n3A_161 : i32
      %select_n3A_172 = arith.select %and3A_170, %add3A_171, %rem3A_162 : i32
      %eq3A_173 = arith.constant 6 : i32
      %eq3A_174 = arith.cmpi eq, %select_n3A_156, %eq3A_173 : i32
      %lt3A_175 = arith.constant 19 : i32
      %lt3A_176 = arith.cmpi slt, %select_n3A, %lt3A_175 : i32
      %and3A_177 = arith.andi %eq3A_174, %lt3A_176 : i1
      %convert_element_type3A = arith.extui %and3A_177 : i1 to i32
      %cond3A = arith.constant 0 : i32
      %cond3A_178 = arith.cmpi ne, %convert_element_type3A, %cond3A : i32
      scf.if %cond3A_178 {
        %dma_wait3A_578 = arith.constant 0 : i32
        %dma_wait3A_579 = arith.constant 0 : i32
        %dma_wait3A_580 = arith.constant 0 : i32
        %dma_wait3A_581 = arith.constant 0 : i32
        %dma_wait3A_582 = tpu.memref_slice %arg6[%dma_wait3A_579, %dma_wait3A_580, %dma_wait3A_581] : memref<2x8x64xi32, #tpu.memory_space<vmem>> -> memref<1x8x64xi32, #tpu.memory_space<vmem>>
        %dma_wait3A_583 = tpu.memref_squeeze %dma_wait3A_582 : memref<1x8x64xi32, #tpu.memory_space<vmem>> -> memref<8x64xi32, #tpu.memory_space<vmem>>
        %dma_wait3A_584 = arith.constant 0 : i32
        %dma_wait3A_585 = arith.constant 0 : i32
        %dma_wait3A_586 = tpu.memref_slice %arg3[%dma_wait3A_578, %dma_wait3A_584, %dma_wait3A_585] : memref<640x8x64xi32, #tpu.memory_space<hbm>> -> memref<1x8x64xi32, #tpu.memory_space<hbm>>
        %dma_wait3A_587 = tpu.memref_squeeze %dma_wait3A_586 : memref<1x8x64xi32, #tpu.memory_space<hbm>> -> memref<8x64xi32, #tpu.memory_space<hbm>>
        %dma_wait3A_588 = arith.constant 0 : i32
        %dma_wait3A_589 = arith.constant 0 : i32
        %dma_wait3A_590 = tpu.memref_slice %arg6[%dma_wait3A_579, %dma_wait3A_588, %dma_wait3A_589] : memref<2x8x64xi32, #tpu.memory_space<vmem>> -> memref<1x8x64xi32, #tpu.memory_space<vmem>>
        %dma_wait3A_591 = tpu.memref_squeeze %dma_wait3A_590 : memref<1x8x64xi32, #tpu.memory_space<vmem>> -> memref<8x64xi32, #tpu.memory_space<vmem>>
        %dma_wait3A_592 = arith.constant 0 : i32
        %dma_wait3A_593 = arith.constant 0 : i32
        %dma_wait3A_594 = tpu.memref_slice %arg3[%dma_wait3A_578, %dma_wait3A_592, %dma_wait3A_593] : memref<640x8x64xi32, #tpu.memory_space<hbm>> -> memref<1x8x64xi32, #tpu.memory_space<hbm>>
        %dma_wait3A_595 = tpu.memref_squeeze %dma_wait3A_594 : memref<1x8x64xi32, #tpu.memory_space<hbm>> -> memref<8x64xi32, #tpu.memory_space<hbm>>
        tpu.wait_dma2 semaphore(%arg18 : memref<!tpu.dma_semaphore, #tpu.memory_space<semaphore_mem>>) src(%dma_wait3A_595 : memref<8x64xi32, #tpu.memory_space<hbm>>) dst(%dma_wait3A_591 : memref<8x64xi32, #tpu.memory_space<vmem>>)
        %dma_wait3A_596 = arith.constant 0 : i32
        %dma_wait3A_597 = arith.constant 0 : i32
        %dma_wait3A_598 = arith.constant 0 : i32
        %dma_wait3A_599 = arith.constant 0 : i32
        %dma_wait3A_600 = tpu.memref_slice %arg7[%dma_wait3A_597, %dma_wait3A_598, %dma_wait3A_599] : memref<2x8x64xi32, #tpu.memory_space<vmem>> -> memref<1x8x64xi32, #tpu.memory_space<vmem>>
        %dma_wait3A_601 = tpu.memref_squeeze %dma_wait3A_600 : memref<1x8x64xi32, #tpu.memory_space<vmem>> -> memref<8x64xi32, #tpu.memory_space<vmem>>
        %dma_wait3A_602 = arith.constant 0 : i32
        %dma_wait3A_603 = arith.constant 0 : i32
        %dma_wait3A_604 = tpu.memref_slice %arg4[%dma_wait3A_596, %dma_wait3A_602, %dma_wait3A_603] : memref<320x8x64xi32, #tpu.memory_space<hbm>> -> memref<1x8x64xi32, #tpu.memory_space<hbm>>
        %dma_wait3A_605 = tpu.memref_squeeze %dma_wait3A_604 : memref<1x8x64xi32, #tpu.memory_space<hbm>> -> memref<8x64xi32, #tpu.memory_space<hbm>>
        %dma_wait3A_606 = arith.constant 0 : i32
        %dma_wait3A_607 = arith.constant 0 : i32
        %dma_wait3A_608 = tpu.memref_slice %arg7[%dma_wait3A_597, %dma_wait3A_606, %dma_wait3A_607] : memref<2x8x64xi32, #tpu.memory_space<vmem>> -> memref<1x8x64xi32, #tpu.memory_space<vmem>>
        %dma_wait3A_609 = tpu.memref_squeeze %dma_wait3A_608 : memref<1x8x64xi32, #tpu.memory_space<vmem>> -> memref<8x64xi32, #tpu.memory_space<vmem>>
        %dma_wait3A_610 = arith.constant 0 : i32
        %dma_wait3A_611 = arith.constant 0 : i32
        %dma_wait3A_612 = tpu.memref_slice %arg4[%dma_wait3A_596, %dma_wait3A_610, %dma_wait3A_611] : memref<320x8x64xi32, #tpu.memory_space<hbm>> -> memref<1x8x64xi32, #tpu.memory_space<hbm>>
        %dma_wait3A_613 = tpu.memref_squeeze %dma_wait3A_612 : memref<1x8x64xi32, #tpu.memory_space<hbm>> -> memref<8x64xi32, #tpu.memory_space<hbm>>
        tpu.wait_dma2 semaphore(%arg18 : memref<!tpu.dma_semaphore, #tpu.memory_space<semaphore_mem>>) src(%dma_wait3A_613 : memref<8x64xi32, #tpu.memory_space<hbm>>) dst(%dma_wait3A_609 : memref<8x64xi32, #tpu.memory_space<vmem>>)
      } else {
      }
      %ge3A = arith.constant 2 : i32
      %ge3A_179 = arith.cmpi sge, %add3A_126, %ge3A : i32
      %convert_element_type3A_180 = arith.extui %ge3A_179 : i1 to i32
      %cond3A_181 = arith.constant 0 : i32
      %cond3A_182 = arith.cmpi ne, %convert_element_type3A_180, %cond3A_181 : i32
      scf.if %cond3A_182 {
        %dma_wait3A_578 = arith.constant 2 : i32
        %dma_wait3A_579 = arith.constant 0 : i32
        %dma_wait3A_580 = arith.constant 0 : i32
        %dma_wait3A_581 = tpu.memref_slice %arg8[%dma_wait3A_578, %dma_wait3A_579, %dma_wait3A_580] : memref<4x64x128xf32, #tpu.memory_space<vmem>> -> memref<1x64x128xf32, #tpu.memory_space<vmem>>
        %dma_wait3A_582 = tpu.memref_squeeze %dma_wait3A_581 : memref<1x64x128xf32, #tpu.memory_space<vmem>> -> memref<64x128xf32, #tpu.memory_space<vmem>>
        %dma_wait3A_583 = arith.constant 0 : i32
        %dma_wait3A_584 = arith.constant 0 : i32
        %dma_wait3A_585 = tpu.memref_slice %arg9[%dma_wait3A_583, %dma_wait3A_584] : memref<10240x128xf32, #tpu.memory_space<vmem_shared>> -> memref<64x128xf32, #tpu.memory_space<vmem_shared>>
        %dma_wait3A_586 = arith.constant 0 : i32
        %dma_wait3A_587 = arith.constant 0 : i32
        %dma_wait3A_588 = tpu.memref_slice %arg9[%dma_wait3A_586, %dma_wait3A_587] : memref<10240x128xf32, #tpu.memory_space<vmem_shared>> -> memref<64x128xf32, #tpu.memory_space<vmem_shared>>
        %dma_wait3A_589 = arith.constant 0 : i32
        %dma_wait3A_590 = arith.constant 0 : i32
        %dma_wait3A_591 = tpu.memref_slice %arg8[%dma_wait3A_578, %dma_wait3A_589, %dma_wait3A_590] : memref<4x64x128xf32, #tpu.memory_space<vmem>> -> memref<1x64x128xf32, #tpu.memory_space<vmem>>
        %dma_wait3A_592 = tpu.memref_squeeze %dma_wait3A_591 : memref<1x64x128xf32, #tpu.memory_space<vmem>> -> memref<64x128xf32, #tpu.memory_space<vmem>>
        tpu.wait_dma2 semaphore(%arg16 : memref<!tpu.dma_semaphore, #tpu.memory_space<semaphore_mem>>) src(%dma_wait3A_592 : memref<64x128xf32, #tpu.memory_space<vmem>>) dst(%dma_wait3A_588 : memref<64x128xf32, #tpu.memory_space<vmem_shared>>)
      } else {
      }
      %add3A_183 = arith.constant 2 : i32
      %add3A_184 = arith.addi %add3A_126, %add3A_183 : i32
      %lt3A_185 = arith.constant 160 : i32
      %lt3A_186 = arith.cmpi slt, %add3A_184, %lt3A_185 : i32
      %convert_element_type3A_187 = arith.extui %lt3A_186 : i1 to i32
      %cond3A_188 = arith.constant 0 : i32
      %cond3A_189 = arith.cmpi ne, %convert_element_type3A_187, %cond3A_188 : i32
      scf.if %cond3A_189 {
        %add3A_578 = arith.constant 2 : i32
        %add3A_579 = arith.addi %add3A_126, %add3A_578 : i32
        %jit3A_580 = arith.constant 8 : i32
        %div3A_581 = arith.divsi %add3A_579, %jit3A_580 : i32
        %sign3A_582 = arith.constant 0 : i32
        %sign3A_583 = arith.cmpi sgt, %add3A_579, %sign3A_582 : i32
        %sign3A_584 = arith.extui %sign3A_583 : i1 to i32
        %sign3A_585 = arith.constant 0 : i32
        %sign3A_586 = arith.cmpi slt, %add3A_579, %sign3A_585 : i32
        %sign3A_587 = arith.extui %sign3A_586 : i1 to i32
        %sign3A_588 = arith.subi %sign3A_584, %sign3A_587 : i32
        %sign3A_589 = arith.constant 0 : i32
        %sign3A_590 = arith.cmpi sgt, %jit3A_580, %sign3A_589 : i32
        %sign3A_591 = arith.extui %sign3A_590 : i1 to i32
        %sign3A_592 = arith.constant 0 : i32
        %sign3A_593 = arith.cmpi slt, %jit3A_580, %sign3A_592 : i32
        %sign3A_594 = arith.extui %sign3A_593 : i1 to i32
        %sign3A_595 = arith.subi %sign3A_591, %sign3A_594 : i32
        %ne3A_596 = arith.cmpi ne, %sign3A_588, %sign3A_595 : i32
        %rem3A_597 = arith.remsi %add3A_579, %jit3A_580 : i32
        %ne3A_598 = arith.constant 0 : i32
        %ne3A_599 = arith.cmpi ne, %rem3A_597, %ne3A_598 : i32
        %and3A_600 = arith.andi %ne3A_596, %ne3A_599 : i1
        %sub3A_601 = arith.constant 1 : i32
        %sub3A_602 = arith.subi %div3A_581, %sub3A_601 : i32
        %select_n3A_603 = arith.select %and3A_600, %sub3A_602, %div3A_581 : i32
        %jit3A_604 = arith.constant 2 : i32
        %eq3A_605 = arith.constant 0 : i32
        %eq3A_606 = arith.cmpi eq, %jit3A_604, %eq3A_605 : i32
        %jit3A_607 = arith.constant 1 : i32
        %select_n3A_608 = arith.select %eq3A_606, %jit3A_607, %jit3A_604 : i32
        %rem3A_609 = arith.remsi %select_n3A_603, %select_n3A_608 : i32
        %ne3A_610 = arith.constant 0 : i32
        %ne3A_611 = arith.cmpi ne, %rem3A_609, %ne3A_610 : i32
        %lt3A_612 = arith.constant 0 : i32
        %lt3A_613 = arith.cmpi slt, %rem3A_609, %lt3A_612 : i32
        %lt3A_614 = arith.constant 0 : i32
        %lt3A_615 = arith.cmpi slt, %select_n3A_608, %lt3A_614 : i32
        %ne3A_616 = arith.xori %lt3A_613, %lt3A_615 : i1
        %and3A_617 = arith.andi %ne3A_616, %ne3A_611 : i1
        %add3A_618 = arith.addi %rem3A_609, %select_n3A_608 : i32
        %select_n3A_619 = arith.select %and3A_617, %add3A_618, %rem3A_609 : i32
        %jit3A_620 = arith.constant 8 : i32
        %eq3A_621 = arith.constant 0 : i32
        %eq3A_622 = arith.cmpi eq, %jit3A_620, %eq3A_621 : i32
        %jit3A_623 = arith.constant 1 : i32
        %select_n3A_624 = arith.select %eq3A_622, %jit3A_623, %jit3A_620 : i32
        %rem3A_625 = arith.remsi %add3A_579, %select_n3A_624 : i32
        %ne3A_626 = arith.constant 0 : i32
        %ne3A_627 = arith.cmpi ne, %rem3A_625, %ne3A_626 : i32
        %lt3A_628 = arith.constant 0 : i32
        %lt3A_629 = arith.cmpi slt, %rem3A_625, %lt3A_628 : i32
        %lt3A_630 = arith.constant 0 : i32
        %lt3A_631 = arith.cmpi slt, %select_n3A_624, %lt3A_630 : i32
        %ne3A_632 = arith.xori %lt3A_629, %lt3A_631 : i1
        %and3A_633 = arith.andi %ne3A_632, %ne3A_627 : i1
        %add3A_634 = arith.addi %rem3A_625, %select_n3A_624 : i32
        %select_n3A_635 = arith.select %and3A_633, %add3A_634, %rem3A_625 : i32
        %dma_start3A_636 = arith.constant 2 : i32
        %dma_start3A_637 = arith.constant 0 : i32
        %dma_start3A_638 = arith.constant 0 : i32
        %dma_start3A_639 = tpu.memref_slice %arg8[%dma_start3A_636, %dma_start3A_637, %dma_start3A_638] : memref<4x64x128xf32, #tpu.memory_space<vmem>> -> memref<1x64x128xf32, #tpu.memory_space<vmem>>
        %dma_start3A_640 = tpu.memref_squeeze %dma_start3A_639 : memref<1x64x128xf32, #tpu.memory_space<vmem>> -> memref<64x128xf32, #tpu.memory_space<vmem>>
        %dma_start3A_641 = arith.constant 0 : i32
        %dma_start3A_642 = tpu.memref_slice %arg6[%select_n3A_619, %select_n3A_635, %dma_start3A_641] : memref<2x8x64xi32, #tpu.memory_space<vmem>> -> memref<1x1x64xi32, #tpu.memory_space<vmem>>
        %dma_start3A_643 = tpu.memref_squeeze %dma_start3A_642 : memref<1x1x64xi32, #tpu.memory_space<vmem>> -> memref<64xi32, #tpu.memory_space<vmem>>
        %dma_start3A_644 = arith.constant 0 : i32
        %dma_start3A_645 = arith.constant 0 : i32
        %dma_start3A_646 = tpu.memref_slice %arg2[%dma_start3A_644, %dma_start3A_645] : memref<20480x128xf32, #tpu.memory_space<hbm>> -> memref<20480x128xf32, #tpu.memory_space<hbm>>
        tpu.enqueue_indirect_dma source(%dma_start3A_646 : memref<20480x128xf32, #tpu.memory_space<hbm>>) target(%dma_start3A_640 : memref<64x128xf32, #tpu.memory_space<vmem>>) offsets(%dma_start3A_643 : memref<64xi32, #tpu.memory_space<vmem>>) semaphore(%arg12 : memref<!tpu.dma_semaphore, #tpu.memory_space<semaphore_mem>>)
      } else {
      }
      %dma_wait3A_190 = arith.constant 0 : i32
      %dma_wait3A_191 = arith.constant 0 : i32
      %dma_wait3A_192 = arith.constant 0 : i32
      %dma_wait3A_193 = tpu.memref_slice %arg8[%dma_wait3A_190, %dma_wait3A_191, %dma_wait3A_192] : memref<4x64x128xf32, #tpu.memory_space<vmem>> -> memref<1x64x128xf32, #tpu.memory_space<vmem>>
      %dma_wait3A_194 = tpu.memref_squeeze %dma_wait3A_193 : memref<1x64x128xf32, #tpu.memory_space<vmem>> -> memref<64x128xf32, #tpu.memory_space<vmem>>
      %dma_wait3A_195 = arith.constant 0 : i32
      %dma_wait3A_196 = arith.constant 0 : i32
      %dma_wait3A_197 = tpu.memref_slice %arg2[%dma_wait3A_195, %dma_wait3A_196] : memref<20480x128xf32, #tpu.memory_space<hbm>> -> memref<64x128xf32, #tpu.memory_space<hbm>>
      %dma_wait3A_198 = arith.constant 0 : i32
      %dma_wait3A_199 = arith.constant 0 : i32
      %dma_wait3A_200 = tpu.memref_slice %arg8[%dma_wait3A_190, %dma_wait3A_198, %dma_wait3A_199] : memref<4x64x128xf32, #tpu.memory_space<vmem>> -> memref<1x64x128xf32, #tpu.memory_space<vmem>>
      %dma_wait3A_201 = tpu.memref_squeeze %dma_wait3A_200 : memref<1x64x128xf32, #tpu.memory_space<vmem>> -> memref<64x128xf32, #tpu.memory_space<vmem>>
      %dma_wait3A_202 = arith.constant 0 : i32
      %dma_wait3A_203 = arith.constant 0 : i32
      %dma_wait3A_204 = tpu.memref_slice %arg2[%dma_wait3A_202, %dma_wait3A_203] : memref<20480x128xf32, #tpu.memory_space<hbm>> -> memref<64x128xf32, #tpu.memory_space<hbm>>
      tpu.wait_dma2 semaphore(%arg10 : memref<!tpu.dma_semaphore, #tpu.memory_space<semaphore_mem>>) src(%dma_wait3A_204 : memref<64x128xf32, #tpu.memory_space<hbm>>) dst(%dma_wait3A_201 : memref<64x128xf32, #tpu.memory_space<vmem>>)
      %dma_start3A_205 = arith.constant 0 : i32
      %dma_start3A_206 = arith.constant 0 : i32
      %dma_start3A_207 = arith.constant 0 : i32
      %dma_start3A_208 = tpu.memref_slice %arg8[%dma_start3A_205, %dma_start3A_206, %dma_start3A_207] : memref<4x64x128xf32, #tpu.memory_space<vmem>> -> memref<1x64x128xf32, #tpu.memory_space<vmem>>
      %dma_start3A_209 = tpu.memref_squeeze %dma_start3A_208 : memref<1x64x128xf32, #tpu.memory_space<vmem>> -> memref<64x128xf32, #tpu.memory_space<vmem>>
      %dma_start3A_210 = arith.constant 0 : i32
      %dma_start3A_211 = tpu.memref_slice %arg7[%select_n3A_172, %select_n3A_156, %dma_start3A_210] : memref<2x8x64xi32, #tpu.memory_space<vmem>> -> memref<1x1x64xi32, #tpu.memory_space<vmem>>
      %dma_start3A_212 = tpu.memref_squeeze %dma_start3A_211 : memref<1x1x64xi32, #tpu.memory_space<vmem>> -> memref<64xi32, #tpu.memory_space<vmem>>
      %dma_start3A_213 = arith.constant 0 : i32
      %dma_start3A_214 = arith.constant 0 : i32
      %dma_start3A_215 = tpu.memref_slice %arg9[%dma_start3A_213, %dma_start3A_214] : memref<10240x128xf32, #tpu.memory_space<vmem_shared>> -> memref<10240x128xf32, #tpu.memory_space<vmem_shared>>
      tpu.enqueue_indirect_dma source(%dma_start3A_209 : memref<64x128xf32, #tpu.memory_space<vmem>>) target(%dma_start3A_215 : memref<10240x128xf32, #tpu.memory_space<vmem_shared>>) offsets(%dma_start3A_212 : memref<64xi32, #tpu.memory_space<vmem>>) semaphore(%arg14 : memref<!tpu.dma_semaphore, #tpu.memory_space<semaphore_mem>>) {add = true}
      %eq3A_216 = arith.constant 2 : i32
      %eq3A_217 = arith.cmpi eq, %select_n3A_156, %eq3A_216 : i32
      %ge3A_218 = arith.constant 1 : i32
      %ge3A_219 = arith.cmpi sge, %select_n3A, %ge3A_218 : i32
      %lt3A_220 = arith.constant 19 : i32
      %lt3A_221 = arith.cmpi slt, %select_n3A, %lt3A_220 : i32
      %and3A_222 = arith.andi %ge3A_219, %lt3A_221 : i1
      %and3A_223 = arith.andi %eq3A_217, %and3A_222 : i1
      %convert_element_type3A_224 = arith.extui %and3A_223 : i1 to i32
      %cond3A_225 = arith.constant 0 : i32
      %cond3A_226 = arith.cmpi ne, %convert_element_type3A_224, %cond3A_225 : i32
      scf.if %cond3A_226 {
        %mul3A_578 = arith.constant 20 : i32
        %mul3A_579 = arith.muli %add3A, %mul3A_578 : i32
        %add3A_580 = arith.addi %mul3A_579, %select_n3A : i32
        %add3A_581 = arith.constant 1 : i32
        %add3A_582 = arith.addi %add3A_580, %add3A_581 : i32
        %sub3A_583 = arith.constant 1 : i32
        %sub3A_584 = arith.subi %sub3A_583, %select_n3A_172 : i32
        %dma_start3A_585 = arith.constant 0 : i32
        %dma_start3A_586 = arith.constant 0 : i32
        %dma_start3A_587 = tpu.memref_slice %arg6[%sub3A_584, %dma_start3A_585, %dma_start3A_586] : memref<2x8x64xi32, #tpu.memory_space<vmem>> -> memref<1x8x64xi32, #tpu.memory_space<vmem>>
        %dma_start3A_588 = tpu.memref_squeeze %dma_start3A_587 : memref<1x8x64xi32, #tpu.memory_space<vmem>> -> memref<8x64xi32, #tpu.memory_space<vmem>>
        %dma_start3A_589 = arith.constant 0 : i32
        %dma_start3A_590 = arith.constant 0 : i32
        %dma_start3A_591 = tpu.memref_slice %arg3[%add3A_582, %dma_start3A_589, %dma_start3A_590] : memref<640x8x64xi32, #tpu.memory_space<hbm>> -> memref<1x8x64xi32, #tpu.memory_space<hbm>>
        %dma_start3A_592 = tpu.memref_squeeze %dma_start3A_591 : memref<1x8x64xi32, #tpu.memory_space<hbm>> -> memref<8x64xi32, #tpu.memory_space<hbm>>
        %dma_start3A_593 = arith.constant 0 : i32
        %dma_start3A_594 = arith.constant 0 : i32
        %dma_start3A_595 = tpu.memref_slice %arg6[%sub3A_584, %dma_start3A_593, %dma_start3A_594] : memref<2x8x64xi32, #tpu.memory_space<vmem>> -> memref<1x8x64xi32, #tpu.memory_space<vmem>>
        %dma_start3A_596 = tpu.memref_squeeze %dma_start3A_595 : memref<1x8x64xi32, #tpu.memory_space<vmem>> -> memref<8x64xi32, #tpu.memory_space<vmem>>
        %dma_start3A_597 = arith.constant 0 : i32
        %dma_start3A_598 = arith.constant 0 : i32
        %dma_start3A_599 = tpu.memref_slice %arg3[%add3A_582, %dma_start3A_597, %dma_start3A_598] : memref<640x8x64xi32, #tpu.memory_space<hbm>> -> memref<1x8x64xi32, #tpu.memory_space<hbm>>
        %dma_start3A_600 = tpu.memref_squeeze %dma_start3A_599 : memref<1x8x64xi32, #tpu.memory_space<hbm>> -> memref<8x64xi32, #tpu.memory_space<hbm>>
        tpu.enqueue_dma source(%dma_start3A_600 : memref<8x64xi32, #tpu.memory_space<hbm>>) target(%dma_start3A_596 : memref<8x64xi32, #tpu.memory_space<vmem>>) target_semaphore(%arg18 : memref<!tpu.dma_semaphore, #tpu.memory_space<semaphore_mem>>)
        %mul3A_601 = arith.constant 20 : i32
        %mul3A_602 = arith.muli %arg1, %mul3A_601 : i32
        %add3A_603 = arith.addi %mul3A_602, %select_n3A : i32
        %add3A_604 = arith.constant 1 : i32
        %add3A_605 = arith.addi %add3A_603, %add3A_604 : i32
        %sub3A_606 = arith.constant 1 : i32
        %sub3A_607 = arith.subi %sub3A_606, %select_n3A_172 : i32
        %dma_start3A_608 = arith.constant 0 : i32
        %dma_start3A_609 = arith.constant 0 : i32
        %dma_start3A_610 = tpu.memref_slice %arg7[%sub3A_607, %dma_start3A_608, %dma_start3A_609] : memref<2x8x64xi32, #tpu.memory_space<vmem>> -> memref<1x8x64xi32, #tpu.memory_space<vmem>>
        %dma_start3A_611 = tpu.memref_squeeze %dma_start3A_610 : memref<1x8x64xi32, #tpu.memory_space<vmem>> -> memref<8x64xi32, #tpu.memory_space<vmem>>
        %dma_start3A_612 = arith.constant 0 : i32
        %dma_start3A_613 = arith.constant 0 : i32
        %dma_start3A_614 = tpu.memref_slice %arg4[%add3A_605, %dma_start3A_612, %dma_start3A_613] : memref<320x8x64xi32, #tpu.memory_space<hbm>> -> memref<1x8x64xi32, #tpu.memory_space<hbm>>
        %dma_start3A_615 = tpu.memref_squeeze %dma_start3A_614 : memref<1x8x64xi32, #tpu.memory_space<hbm>> -> memref<8x64xi32, #tpu.memory_space<hbm>>
        %dma_start3A_616 = arith.constant 0 : i32
        %dma_start3A_617 = arith.constant 0 : i32
        %dma_start3A_618 = tpu.memref_slice %arg7[%sub3A_607, %dma_start3A_616, %dma_start3A_617] : memref<2x8x64xi32, #tpu.memory_space<vmem>> -> memref<1x8x64xi32, #tpu.memory_space<vmem>>
        %dma_start3A_619 = tpu.memref_squeeze %dma_start3A_618 : memref<1x8x64xi32, #tpu.memory_space<vmem>> -> memref<8x64xi32, #tpu.memory_space<vmem>>
        %dma_start3A_620 = arith.constant 0 : i32
        %dma_start3A_621 = arith.constant 0 : i32
        %dma_start3A_622 = tpu.memref_slice %arg4[%add3A_605, %dma_start3A_620, %dma_start3A_621] : memref<320x8x64xi32, #tpu.memory_space<hbm>> -> memref<1x8x64xi32, #tpu.memory_space<hbm>>
        %dma_start3A_623 = tpu.memref_squeeze %dma_start3A_622 : memref<1x8x64xi32, #tpu.memory_space<hbm>> -> memref<8x64xi32, #tpu.memory_space<hbm>>
        tpu.enqueue_dma source(%dma_start3A_623 : memref<8x64xi32, #tpu.memory_space<hbm>>) target(%dma_start3A_619 : memref<8x64xi32, #tpu.memory_space<vmem>>) target_semaphore(%arg18 : memref<!tpu.dma_semaphore, #tpu.memory_space<semaphore_mem>>)
      } else {
      }
      %mul3A_227 = arith.constant 4 : i32
      %mul3A_228 = arith.muli %mul3A_227, %scan3A_122 : i32
      %add3A_229 = arith.constant 1 : i32
      %add3A_230 = arith.addi %mul3A_228, %add3A_229 : i32
      %jit3A_231 = arith.constant 8 : i32
      %div3A_232 = arith.divsi %add3A_230, %jit3A_231 : i32
      %sign3A_233 = arith.constant 0 : i32
      %sign3A_234 = arith.cmpi sgt, %add3A_230, %sign3A_233 : i32
      %sign3A_235 = arith.extui %sign3A_234 : i1 to i32
      %sign3A_236 = arith.constant 0 : i32
      %sign3A_237 = arith.cmpi slt, %add3A_230, %sign3A_236 : i32
      %sign3A_238 = arith.extui %sign3A_237 : i1 to i32
      %sign3A_239 = arith.subi %sign3A_235, %sign3A_238 : i32
      %sign3A_240 = arith.constant 0 : i32
      %sign3A_241 = arith.cmpi sgt, %jit3A_231, %sign3A_240 : i32
      %sign3A_242 = arith.extui %sign3A_241 : i1 to i32
      %sign3A_243 = arith.constant 0 : i32
      %sign3A_244 = arith.cmpi slt, %jit3A_231, %sign3A_243 : i32
      %sign3A_245 = arith.extui %sign3A_244 : i1 to i32
      %sign3A_246 = arith.subi %sign3A_242, %sign3A_245 : i32
      %ne3A_247 = arith.cmpi ne, %sign3A_239, %sign3A_246 : i32
      %rem3A_248 = arith.remsi %add3A_230, %jit3A_231 : i32
      %ne3A_249 = arith.constant 0 : i32
      %ne3A_250 = arith.cmpi ne, %rem3A_248, %ne3A_249 : i32
      %and3A_251 = arith.andi %ne3A_247, %ne3A_250 : i1
      %sub3A_252 = arith.constant 1 : i32
      %sub3A_253 = arith.subi %div3A_232, %sub3A_252 : i32
      %select_n3A_254 = arith.select %and3A_251, %sub3A_253, %div3A_232 : i32
      %jit3A_255 = arith.constant 8 : i32
      %eq3A_256 = arith.constant 0 : i32
      %eq3A_257 = arith.cmpi eq, %jit3A_255, %eq3A_256 : i32
      %jit3A_258 = arith.constant 1 : i32
      %select_n3A_259 = arith.select %eq3A_257, %jit3A_258, %jit3A_255 : i32
      %rem3A_260 = arith.remsi %add3A_230, %select_n3A_259 : i32
      %ne3A_261 = arith.constant 0 : i32
      %ne3A_262 = arith.cmpi ne, %rem3A_260, %ne3A_261 : i32
      %lt3A_263 = arith.constant 0 : i32
      %lt3A_264 = arith.cmpi slt, %rem3A_260, %lt3A_263 : i32
      %lt3A_265 = arith.constant 0 : i32
      %lt3A_266 = arith.cmpi slt, %select_n3A_259, %lt3A_265 : i32
      %ne3A_267 = arith.xori %lt3A_264, %lt3A_266 : i1
      %and3A_268 = arith.andi %ne3A_267, %ne3A_262 : i1
      %add3A_269 = arith.addi %rem3A_260, %select_n3A_259 : i32
      %select_n3A_270 = arith.select %and3A_268, %add3A_269, %rem3A_260 : i32
      %jit3A_271 = arith.constant 2 : i32
      %eq3A_272 = arith.constant 0 : i32
      %eq3A_273 = arith.cmpi eq, %jit3A_271, %eq3A_272 : i32
      %jit3A_274 = arith.constant 1 : i32
      %select_n3A_275 = arith.select %eq3A_273, %jit3A_274, %jit3A_271 : i32
      %rem3A_276 = arith.remsi %select_n3A_254, %select_n3A_275 : i32
      %ne3A_277 = arith.constant 0 : i32
      %ne3A_278 = arith.cmpi ne, %rem3A_276, %ne3A_277 : i32
      %lt3A_279 = arith.constant 0 : i32
      %lt3A_280 = arith.cmpi slt, %rem3A_276, %lt3A_279 : i32
      %lt3A_281 = arith.constant 0 : i32
      %lt3A_282 = arith.cmpi slt, %select_n3A_275, %lt3A_281 : i32
      %ne3A_283 = arith.xori %lt3A_280, %lt3A_282 : i1
      %and3A_284 = arith.andi %ne3A_283, %ne3A_278 : i1
      %add3A_285 = arith.addi %rem3A_276, %select_n3A_275 : i32
      %select_n3A_286 = arith.select %and3A_284, %add3A_285, %rem3A_276 : i32
      %eq3A_287 = arith.constant 6 : i32
      %eq3A_288 = arith.cmpi eq, %select_n3A_270, %eq3A_287 : i32
      %lt3A_289 = arith.constant 19 : i32
      %lt3A_290 = arith.cmpi slt, %select_n3A_254, %lt3A_289 : i32
      %and3A_291 = arith.andi %eq3A_288, %lt3A_290 : i1
      %convert_element_type3A_292 = arith.extui %and3A_291 : i1 to i32
      %cond3A_293 = arith.constant 0 : i32
      %cond3A_294 = arith.cmpi ne, %convert_element_type3A_292, %cond3A_293 : i32
      scf.if %cond3A_294 {
        %dma_wait3A_578 = arith.constant 0 : i32
        %dma_wait3A_579 = arith.constant 0 : i32
        %dma_wait3A_580 = arith.constant 0 : i32
        %dma_wait3A_581 = arith.constant 0 : i32
        %dma_wait3A_582 = tpu.memref_slice %arg6[%dma_wait3A_579, %dma_wait3A_580, %dma_wait3A_581] : memref<2x8x64xi32, #tpu.memory_space<vmem>> -> memref<1x8x64xi32, #tpu.memory_space<vmem>>
        %dma_wait3A_583 = tpu.memref_squeeze %dma_wait3A_582 : memref<1x8x64xi32, #tpu.memory_space<vmem>> -> memref<8x64xi32, #tpu.memory_space<vmem>>
        %dma_wait3A_584 = arith.constant 0 : i32
        %dma_wait3A_585 = arith.constant 0 : i32
        %dma_wait3A_586 = tpu.memref_slice %arg3[%dma_wait3A_578, %dma_wait3A_584, %dma_wait3A_585] : memref<640x8x64xi32, #tpu.memory_space<hbm>> -> memref<1x8x64xi32, #tpu.memory_space<hbm>>
        %dma_wait3A_587 = tpu.memref_squeeze %dma_wait3A_586 : memref<1x8x64xi32, #tpu.memory_space<hbm>> -> memref<8x64xi32, #tpu.memory_space<hbm>>
        %dma_wait3A_588 = arith.constant 0 : i32
        %dma_wait3A_589 = arith.constant 0 : i32
        %dma_wait3A_590 = tpu.memref_slice %arg6[%dma_wait3A_579, %dma_wait3A_588, %dma_wait3A_589] : memref<2x8x64xi32, #tpu.memory_space<vmem>> -> memref<1x8x64xi32, #tpu.memory_space<vmem>>
        %dma_wait3A_591 = tpu.memref_squeeze %dma_wait3A_590 : memref<1x8x64xi32, #tpu.memory_space<vmem>> -> memref<8x64xi32, #tpu.memory_space<vmem>>
        %dma_wait3A_592 = arith.constant 0 : i32
        %dma_wait3A_593 = arith.constant 0 : i32
        %dma_wait3A_594 = tpu.memref_slice %arg3[%dma_wait3A_578, %dma_wait3A_592, %dma_wait3A_593] : memref<640x8x64xi32, #tpu.memory_space<hbm>> -> memref<1x8x64xi32, #tpu.memory_space<hbm>>
        %dma_wait3A_595 = tpu.memref_squeeze %dma_wait3A_594 : memref<1x8x64xi32, #tpu.memory_space<hbm>> -> memref<8x64xi32, #tpu.memory_space<hbm>>
        tpu.wait_dma2 semaphore(%arg18 : memref<!tpu.dma_semaphore, #tpu.memory_space<semaphore_mem>>) src(%dma_wait3A_595 : memref<8x64xi32, #tpu.memory_space<hbm>>) dst(%dma_wait3A_591 : memref<8x64xi32, #tpu.memory_space<vmem>>)
        %dma_wait3A_596 = arith.constant 0 : i32
        %dma_wait3A_597 = arith.constant 0 : i32
        %dma_wait3A_598 = arith.constant 0 : i32
        %dma_wait3A_599 = arith.constant 0 : i32
        %dma_wait3A_600 = tpu.memref_slice %arg7[%dma_wait3A_597, %dma_wait3A_598, %dma_wait3A_599] : memref<2x8x64xi32, #tpu.memory_space<vmem>> -> memref<1x8x64xi32, #tpu.memory_space<vmem>>
        %dma_wait3A_601 = tpu.memref_squeeze %dma_wait3A_600 : memref<1x8x64xi32, #tpu.memory_space<vmem>> -> memref<8x64xi32, #tpu.memory_space<vmem>>
        %dma_wait3A_602 = arith.constant 0 : i32
        %dma_wait3A_603 = arith.constant 0 : i32
        %dma_wait3A_604 = tpu.memref_slice %arg4[%dma_wait3A_596, %dma_wait3A_602, %dma_wait3A_603] : memref<320x8x64xi32, #tpu.memory_space<hbm>> -> memref<1x8x64xi32, #tpu.memory_space<hbm>>
        %dma_wait3A_605 = tpu.memref_squeeze %dma_wait3A_604 : memref<1x8x64xi32, #tpu.memory_space<hbm>> -> memref<8x64xi32, #tpu.memory_space<hbm>>
        %dma_wait3A_606 = arith.constant 0 : i32
        %dma_wait3A_607 = arith.constant 0 : i32
        %dma_wait3A_608 = tpu.memref_slice %arg7[%dma_wait3A_597, %dma_wait3A_606, %dma_wait3A_607] : memref<2x8x64xi32, #tpu.memory_space<vmem>> -> memref<1x8x64xi32, #tpu.memory_space<vmem>>
        %dma_wait3A_609 = tpu.memref_squeeze %dma_wait3A_608 : memref<1x8x64xi32, #tpu.memory_space<vmem>> -> memref<8x64xi32, #tpu.memory_space<vmem>>
        %dma_wait3A_610 = arith.constant 0 : i32
        %dma_wait3A_611 = arith.constant 0 : i32
        %dma_wait3A_612 = tpu.memref_slice %arg4[%dma_wait3A_596, %dma_wait3A_610, %dma_wait3A_611] : memref<320x8x64xi32, #tpu.memory_space<hbm>> -> memref<1x8x64xi32, #tpu.memory_space<hbm>>
        %dma_wait3A_613 = tpu.memref_squeeze %dma_wait3A_612 : memref<1x8x64xi32, #tpu.memory_space<hbm>> -> memref<8x64xi32, #tpu.memory_space<hbm>>
        tpu.wait_dma2 semaphore(%arg18 : memref<!tpu.dma_semaphore, #tpu.memory_space<semaphore_mem>>) src(%dma_wait3A_613 : memref<8x64xi32, #tpu.memory_space<hbm>>) dst(%dma_wait3A_609 : memref<8x64xi32, #tpu.memory_space<vmem>>)
      } else {
      }
      %ge3A_295 = arith.constant 2 : i32
      %ge3A_296 = arith.cmpi sge, %add3A_230, %ge3A_295 : i32
      %convert_element_type3A_297 = arith.extui %ge3A_296 : i1 to i32
      %cond3A_298 = arith.constant 0 : i32
      %cond3A_299 = arith.cmpi ne, %convert_element_type3A_297, %cond3A_298 : i32
      scf.if %cond3A_299 {
        %dma_wait3A_578 = arith.constant 3 : i32
        %dma_wait3A_579 = arith.constant 0 : i32
        %dma_wait3A_580 = arith.constant 0 : i32
        %dma_wait3A_581 = tpu.memref_slice %arg8[%dma_wait3A_578, %dma_wait3A_579, %dma_wait3A_580] : memref<4x64x128xf32, #tpu.memory_space<vmem>> -> memref<1x64x128xf32, #tpu.memory_space<vmem>>
        %dma_wait3A_582 = tpu.memref_squeeze %dma_wait3A_581 : memref<1x64x128xf32, #tpu.memory_space<vmem>> -> memref<64x128xf32, #tpu.memory_space<vmem>>
        %dma_wait3A_583 = arith.constant 0 : i32
        %dma_wait3A_584 = arith.constant 0 : i32
        %dma_wait3A_585 = tpu.memref_slice %arg9[%dma_wait3A_583, %dma_wait3A_584] : memref<10240x128xf32, #tpu.memory_space<vmem_shared>> -> memref<64x128xf32, #tpu.memory_space<vmem_shared>>
        %dma_wait3A_586 = arith.constant 0 : i32
        %dma_wait3A_587 = arith.constant 0 : i32
        %dma_wait3A_588 = tpu.memref_slice %arg9[%dma_wait3A_586, %dma_wait3A_587] : memref<10240x128xf32, #tpu.memory_space<vmem_shared>> -> memref<64x128xf32, #tpu.memory_space<vmem_shared>>
        %dma_wait3A_589 = arith.constant 0 : i32
        %dma_wait3A_590 = arith.constant 0 : i32
        %dma_wait3A_591 = tpu.memref_slice %arg8[%dma_wait3A_578, %dma_wait3A_589, %dma_wait3A_590] : memref<4x64x128xf32, #tpu.memory_space<vmem>> -> memref<1x64x128xf32, #tpu.memory_space<vmem>>
        %dma_wait3A_592 = tpu.memref_squeeze %dma_wait3A_591 : memref<1x64x128xf32, #tpu.memory_space<vmem>> -> memref<64x128xf32, #tpu.memory_space<vmem>>
        tpu.wait_dma2 semaphore(%arg17 : memref<!tpu.dma_semaphore, #tpu.memory_space<semaphore_mem>>) src(%dma_wait3A_592 : memref<64x128xf32, #tpu.memory_space<vmem>>) dst(%dma_wait3A_588 : memref<64x128xf32, #tpu.memory_space<vmem_shared>>)
      } else {
      }
      %add3A_300 = arith.constant 2 : i32
      %add3A_301 = arith.addi %add3A_230, %add3A_300 : i32
      %lt3A_302 = arith.constant 160 : i32
      %lt3A_303 = arith.cmpi slt, %add3A_301, %lt3A_302 : i32
      %convert_element_type3A_304 = arith.extui %lt3A_303 : i1 to i32
      %cond3A_305 = arith.constant 0 : i32
      %cond3A_306 = arith.cmpi ne, %convert_element_type3A_304, %cond3A_305 : i32
      scf.if %cond3A_306 {
        %add3A_578 = arith.constant 2 : i32
        %add3A_579 = arith.addi %add3A_230, %add3A_578 : i32
        %jit3A_580 = arith.constant 8 : i32
        %div3A_581 = arith.divsi %add3A_579, %jit3A_580 : i32
        %sign3A_582 = arith.constant 0 : i32
        %sign3A_583 = arith.cmpi sgt, %add3A_579, %sign3A_582 : i32
        %sign3A_584 = arith.extui %sign3A_583 : i1 to i32
        %sign3A_585 = arith.constant 0 : i32
        %sign3A_586 = arith.cmpi slt, %add3A_579, %sign3A_585 : i32
        %sign3A_587 = arith.extui %sign3A_586 : i1 to i32
        %sign3A_588 = arith.subi %sign3A_584, %sign3A_587 : i32
        %sign3A_589 = arith.constant 0 : i32
        %sign3A_590 = arith.cmpi sgt, %jit3A_580, %sign3A_589 : i32
        %sign3A_591 = arith.extui %sign3A_590 : i1 to i32
        %sign3A_592 = arith.constant 0 : i32
        %sign3A_593 = arith.cmpi slt, %jit3A_580, %sign3A_592 : i32
        %sign3A_594 = arith.extui %sign3A_593 : i1 to i32
        %sign3A_595 = arith.subi %sign3A_591, %sign3A_594 : i32
        %ne3A_596 = arith.cmpi ne, %sign3A_588, %sign3A_595 : i32
        %rem3A_597 = arith.remsi %add3A_579, %jit3A_580 : i32
        %ne3A_598 = arith.constant 0 : i32
        %ne3A_599 = arith.cmpi ne, %rem3A_597, %ne3A_598 : i32
        %and3A_600 = arith.andi %ne3A_596, %ne3A_599 : i1
        %sub3A_601 = arith.constant 1 : i32
        %sub3A_602 = arith.subi %div3A_581, %sub3A_601 : i32
        %select_n3A_603 = arith.select %and3A_600, %sub3A_602, %div3A_581 : i32
        %jit3A_604 = arith.constant 2 : i32
        %eq3A_605 = arith.constant 0 : i32
        %eq3A_606 = arith.cmpi eq, %jit3A_604, %eq3A_605 : i32
        %jit3A_607 = arith.constant 1 : i32
        %select_n3A_608 = arith.select %eq3A_606, %jit3A_607, %jit3A_604 : i32
        %rem3A_609 = arith.remsi %select_n3A_603, %select_n3A_608 : i32
        %ne3A_610 = arith.constant 0 : i32
        %ne3A_611 = arith.cmpi ne, %rem3A_609, %ne3A_610 : i32
        %lt3A_612 = arith.constant 0 : i32
        %lt3A_613 = arith.cmpi slt, %rem3A_609, %lt3A_612 : i32
        %lt3A_614 = arith.constant 0 : i32
        %lt3A_615 = arith.cmpi slt, %select_n3A_608, %lt3A_614 : i32
        %ne3A_616 = arith.xori %lt3A_613, %lt3A_615 : i1
        %and3A_617 = arith.andi %ne3A_616, %ne3A_611 : i1
        %add3A_618 = arith.addi %rem3A_609, %select_n3A_608 : i32
        %select_n3A_619 = arith.select %and3A_617, %add3A_618, %rem3A_609 : i32
        %jit3A_620 = arith.constant 8 : i32
        %eq3A_621 = arith.constant 0 : i32
        %eq3A_622 = arith.cmpi eq, %jit3A_620, %eq3A_621 : i32
        %jit3A_623 = arith.constant 1 : i32
        %select_n3A_624 = arith.select %eq3A_622, %jit3A_623, %jit3A_620 : i32
        %rem3A_625 = arith.remsi %add3A_579, %select_n3A_624 : i32
        %ne3A_626 = arith.constant 0 : i32
        %ne3A_627 = arith.cmpi ne, %rem3A_625, %ne3A_626 : i32
        %lt3A_628 = arith.constant 0 : i32
        %lt3A_629 = arith.cmpi slt, %rem3A_625, %lt3A_628 : i32
        %lt3A_630 = arith.constant 0 : i32
        %lt3A_631 = arith.cmpi slt, %select_n3A_624, %lt3A_630 : i32
        %ne3A_632 = arith.xori %lt3A_629, %lt3A_631 : i1
        %and3A_633 = arith.andi %ne3A_632, %ne3A_627 : i1
        %add3A_634 = arith.addi %rem3A_625, %select_n3A_624 : i32
        %select_n3A_635 = arith.select %and3A_633, %add3A_634, %rem3A_625 : i32
        %dma_start3A_636 = arith.constant 3 : i32
        %dma_start3A_637 = arith.constant 0 : i32
        %dma_start3A_638 = arith.constant 0 : i32
        %dma_start3A_639 = tpu.memref_slice %arg8[%dma_start3A_636, %dma_start3A_637, %dma_start3A_638] : memref<4x64x128xf32, #tpu.memory_space<vmem>> -> memref<1x64x128xf32, #tpu.memory_space<vmem>>
        %dma_start3A_640 = tpu.memref_squeeze %dma_start3A_639 : memref<1x64x128xf32, #tpu.memory_space<vmem>> -> memref<64x128xf32, #tpu.memory_space<vmem>>
        %dma_start3A_641 = arith.constant 0 : i32
        %dma_start3A_642 = tpu.memref_slice %arg6[%select_n3A_619, %select_n3A_635, %dma_start3A_641] : memref<2x8x64xi32, #tpu.memory_space<vmem>> -> memref<1x1x64xi32, #tpu.memory_space<vmem>>
        %dma_start3A_643 = tpu.memref_squeeze %dma_start3A_642 : memref<1x1x64xi32, #tpu.memory_space<vmem>> -> memref<64xi32, #tpu.memory_space<vmem>>
        %dma_start3A_644 = arith.constant 0 : i32
        %dma_start3A_645 = arith.constant 0 : i32
        %dma_start3A_646 = tpu.memref_slice %arg2[%dma_start3A_644, %dma_start3A_645] : memref<20480x128xf32, #tpu.memory_space<hbm>> -> memref<20480x128xf32, #tpu.memory_space<hbm>>
        tpu.enqueue_indirect_dma source(%dma_start3A_646 : memref<20480x128xf32, #tpu.memory_space<hbm>>) target(%dma_start3A_640 : memref<64x128xf32, #tpu.memory_space<vmem>>) offsets(%dma_start3A_643 : memref<64xi32, #tpu.memory_space<vmem>>) semaphore(%arg13 : memref<!tpu.dma_semaphore, #tpu.memory_space<semaphore_mem>>)
      } else {
      }
      %dma_wait3A_307 = arith.constant 1 : i32
      %dma_wait3A_308 = arith.constant 0 : i32
      %dma_wait3A_309 = arith.constant 0 : i32
      %dma_wait3A_310 = tpu.memref_slice %arg8[%dma_wait3A_307, %dma_wait3A_308, %dma_wait3A_309] : memref<4x64x128xf32, #tpu.memory_space<vmem>> -> memref<1x64x128xf32, #tpu.memory_space<vmem>>
      %dma_wait3A_311 = tpu.memref_squeeze %dma_wait3A_310 : memref<1x64x128xf32, #tpu.memory_space<vmem>> -> memref<64x128xf32, #tpu.memory_space<vmem>>
      %dma_wait3A_312 = arith.constant 0 : i32
      %dma_wait3A_313 = arith.constant 0 : i32
      %dma_wait3A_314 = tpu.memref_slice %arg2[%dma_wait3A_312, %dma_wait3A_313] : memref<20480x128xf32, #tpu.memory_space<hbm>> -> memref<64x128xf32, #tpu.memory_space<hbm>>
      %dma_wait3A_315 = arith.constant 0 : i32
      %dma_wait3A_316 = arith.constant 0 : i32
      %dma_wait3A_317 = tpu.memref_slice %arg8[%dma_wait3A_307, %dma_wait3A_315, %dma_wait3A_316] : memref<4x64x128xf32, #tpu.memory_space<vmem>> -> memref<1x64x128xf32, #tpu.memory_space<vmem>>
      %dma_wait3A_318 = tpu.memref_squeeze %dma_wait3A_317 : memref<1x64x128xf32, #tpu.memory_space<vmem>> -> memref<64x128xf32, #tpu.memory_space<vmem>>
      %dma_wait3A_319 = arith.constant 0 : i32
      %dma_wait3A_320 = arith.constant 0 : i32
      %dma_wait3A_321 = tpu.memref_slice %arg2[%dma_wait3A_319, %dma_wait3A_320] : memref<20480x128xf32, #tpu.memory_space<hbm>> -> memref<64x128xf32, #tpu.memory_space<hbm>>
      tpu.wait_dma2 semaphore(%arg11 : memref<!tpu.dma_semaphore, #tpu.memory_space<semaphore_mem>>) src(%dma_wait3A_321 : memref<64x128xf32, #tpu.memory_space<hbm>>) dst(%dma_wait3A_318 : memref<64x128xf32, #tpu.memory_space<vmem>>)
      %dma_start3A_322 = arith.constant 1 : i32
      %dma_start3A_323 = arith.constant 0 : i32
      %dma_start3A_324 = arith.constant 0 : i32
      %dma_start3A_325 = tpu.memref_slice %arg8[%dma_start3A_322, %dma_start3A_323, %dma_start3A_324] : memref<4x64x128xf32, #tpu.memory_space<vmem>> -> memref<1x64x128xf32, #tpu.memory_space<vmem>>
      %dma_start3A_326 = tpu.memref_squeeze %dma_start3A_325 : memref<1x64x128xf32, #tpu.memory_space<vmem>> -> memref<64x128xf32, #tpu.memory_space<vmem>>
      %dma_start3A_327 = arith.constant 0 : i32
      %dma_start3A_328 = tpu.memref_slice %arg7[%select_n3A_286, %select_n3A_270, %dma_start3A_327] : memref<2x8x64xi32, #tpu.memory_space<vmem>> -> memref<1x1x64xi32, #tpu.memory_space<vmem>>
      %dma_start3A_329 = tpu.memref_squeeze %dma_start3A_328 : memref<1x1x64xi32, #tpu.memory_space<vmem>> -> memref<64xi32, #tpu.memory_space<vmem>>
      %dma_start3A_330 = arith.constant 0 : i32
      %dma_start3A_331 = arith.constant 0 : i32
      %dma_start3A_332 = tpu.memref_slice %arg9[%dma_start3A_330, %dma_start3A_331] : memref<10240x128xf32, #tpu.memory_space<vmem_shared>> -> memref<10240x128xf32, #tpu.memory_space<vmem_shared>>
      tpu.enqueue_indirect_dma source(%dma_start3A_326 : memref<64x128xf32, #tpu.memory_space<vmem>>) target(%dma_start3A_332 : memref<10240x128xf32, #tpu.memory_space<vmem_shared>>) offsets(%dma_start3A_329 : memref<64xi32, #tpu.memory_space<vmem>>) semaphore(%arg15 : memref<!tpu.dma_semaphore, #tpu.memory_space<semaphore_mem>>) {add = true}
      %eq3A_333 = arith.constant 2 : i32
      %eq3A_334 = arith.cmpi eq, %select_n3A_270, %eq3A_333 : i32
      %ge3A_335 = arith.constant 1 : i32
      %ge3A_336 = arith.cmpi sge, %select_n3A_254, %ge3A_335 : i32
      %lt3A_337 = arith.constant 19 : i32
      %lt3A_338 = arith.cmpi slt, %select_n3A_254, %lt3A_337 : i32
      %and3A_339 = arith.andi %ge3A_336, %lt3A_338 : i1
      %and3A_340 = arith.andi %eq3A_334, %and3A_339 : i1
      %convert_element_type3A_341 = arith.extui %and3A_340 : i1 to i32
      %cond3A_342 = arith.constant 0 : i32
      %cond3A_343 = arith.cmpi ne, %convert_element_type3A_341, %cond3A_342 : i32
      scf.if %cond3A_343 {
        %mul3A_578 = arith.constant 20 : i32
        %mul3A_579 = arith.muli %add3A, %mul3A_578 : i32
        %add3A_580 = arith.addi %mul3A_579, %select_n3A_254 : i32
        %add3A_581 = arith.constant 1 : i32
        %add3A_582 = arith.addi %add3A_580, %add3A_581 : i32
        %sub3A_583 = arith.constant 1 : i32
        %sub3A_584 = arith.subi %sub3A_583, %select_n3A_286 : i32
        %dma_start3A_585 = arith.constant 0 : i32
        %dma_start3A_586 = arith.constant 0 : i32
        %dma_start3A_587 = tpu.memref_slice %arg6[%sub3A_584, %dma_start3A_585, %dma_start3A_586] : memref<2x8x64xi32, #tpu.memory_space<vmem>> -> memref<1x8x64xi32, #tpu.memory_space<vmem>>
        %dma_start3A_588 = tpu.memref_squeeze %dma_start3A_587 : memref<1x8x64xi32, #tpu.memory_space<vmem>> -> memref<8x64xi32, #tpu.memory_space<vmem>>
        %dma_start3A_589 = arith.constant 0 : i32
        %dma_start3A_590 = arith.constant 0 : i32
        %dma_start3A_591 = tpu.memref_slice %arg3[%add3A_582, %dma_start3A_589, %dma_start3A_590] : memref<640x8x64xi32, #tpu.memory_space<hbm>> -> memref<1x8x64xi32, #tpu.memory_space<hbm>>
        %dma_start3A_592 = tpu.memref_squeeze %dma_start3A_591 : memref<1x8x64xi32, #tpu.memory_space<hbm>> -> memref<8x64xi32, #tpu.memory_space<hbm>>
        %dma_start3A_593 = arith.constant 0 : i32
        %dma_start3A_594 = arith.constant 0 : i32
        %dma_start3A_595 = tpu.memref_slice %arg6[%sub3A_584, %dma_start3A_593, %dma_start3A_594] : memref<2x8x64xi32, #tpu.memory_space<vmem>> -> memref<1x8x64xi32, #tpu.memory_space<vmem>>
        %dma_start3A_596 = tpu.memref_squeeze %dma_start3A_595 : memref<1x8x64xi32, #tpu.memory_space<vmem>> -> memref<8x64xi32, #tpu.memory_space<vmem>>
        %dma_start3A_597 = arith.constant 0 : i32
        %dma_start3A_598 = arith.constant 0 : i32
        %dma_start3A_599 = tpu.memref_slice %arg3[%add3A_582, %dma_start3A_597, %dma_start3A_598] : memref<640x8x64xi32, #tpu.memory_space<hbm>> -> memref<1x8x64xi32, #tpu.memory_space<hbm>>
        %dma_start3A_600 = tpu.memref_squeeze %dma_start3A_599 : memref<1x8x64xi32, #tpu.memory_space<hbm>> -> memref<8x64xi32, #tpu.memory_space<hbm>>
        tpu.enqueue_dma source(%dma_start3A_600 : memref<8x64xi32, #tpu.memory_space<hbm>>) target(%dma_start3A_596 : memref<8x64xi32, #tpu.memory_space<vmem>>) target_semaphore(%arg18 : memref<!tpu.dma_semaphore, #tpu.memory_space<semaphore_mem>>)
        %mul3A_601 = arith.constant 20 : i32
        %mul3A_602 = arith.muli %arg1, %mul3A_601 : i32
        %add3A_603 = arith.addi %mul3A_602, %select_n3A_254 : i32
        %add3A_604 = arith.constant 1 : i32
        %add3A_605 = arith.addi %add3A_603, %add3A_604 : i32
        %sub3A_606 = arith.constant 1 : i32
        %sub3A_607 = arith.subi %sub3A_606, %select_n3A_286 : i32
        %dma_start3A_608 = arith.constant 0 : i32
        %dma_start3A_609 = arith.constant 0 : i32
        %dma_start3A_610 = tpu.memref_slice %arg7[%sub3A_607, %dma_start3A_608, %dma_start3A_609] : memref<2x8x64xi32, #tpu.memory_space<vmem>> -> memref<1x8x64xi32, #tpu.memory_space<vmem>>
        %dma_start3A_611 = tpu.memref_squeeze %dma_start3A_610 : memref<1x8x64xi32, #tpu.memory_space<vmem>> -> memref<8x64xi32, #tpu.memory_space<vmem>>
        %dma_start3A_612 = arith.constant 0 : i32
        %dma_start3A_613 = arith.constant 0 : i32
        %dma_start3A_614 = tpu.memref_slice %arg4[%add3A_605, %dma_start3A_612, %dma_start3A_613] : memref<320x8x64xi32, #tpu.memory_space<hbm>> -> memref<1x8x64xi32, #tpu.memory_space<hbm>>
        %dma_start3A_615 = tpu.memref_squeeze %dma_start3A_614 : memref<1x8x64xi32, #tpu.memory_space<hbm>> -> memref<8x64xi32, #tpu.memory_space<hbm>>
        %dma_start3A_616 = arith.constant 0 : i32
        %dma_start3A_617 = arith.constant 0 : i32
        %dma_start3A_618 = tpu.memref_slice %arg7[%sub3A_607, %dma_start3A_616, %dma_start3A_617] : memref<2x8x64xi32, #tpu.memory_space<vmem>> -> memref<1x8x64xi32, #tpu.memory_space<vmem>>
        %dma_start3A_619 = tpu.memref_squeeze %dma_start3A_618 : memref<1x8x64xi32, #tpu.memory_space<vmem>> -> memref<8x64xi32, #tpu.memory_space<vmem>>
        %dma_start3A_620 = arith.constant 0 : i32
        %dma_start3A_621 = arith.constant 0 : i32
        %dma_start3A_622 = tpu.memref_slice %arg4[%add3A_605, %dma_start3A_620, %dma_start3A_621] : memref<320x8x64xi32, #tpu.memory_space<hbm>> -> memref<1x8x64xi32, #tpu.memory_space<hbm>>
        %dma_start3A_623 = tpu.memref_squeeze %dma_start3A_622 : memref<1x8x64xi32, #tpu.memory_space<hbm>> -> memref<8x64xi32, #tpu.memory_space<hbm>>
        tpu.enqueue_dma source(%dma_start3A_623 : memref<8x64xi32, #tpu.memory_space<hbm>>) target(%dma_start3A_619 : memref<8x64xi32, #tpu.memory_space<vmem>>) target_semaphore(%arg18 : memref<!tpu.dma_semaphore, #tpu.memory_space<semaphore_mem>>)
      } else {
      }
      %mul3A_344 = arith.constant 4 : i32
      %mul3A_345 = arith.muli %mul3A_344, %scan3A_122 : i32
      %add3A_346 = arith.constant 2 : i32
      %add3A_347 = arith.addi %mul3A_345, %add3A_346 : i32
      %jit3A_348 = arith.constant 8 : i32
      %div3A_349 = arith.divsi %add3A_347, %jit3A_348 : i32
      %sign3A_350 = arith.constant 0 : i32
      %sign3A_351 = arith.cmpi sgt, %add3A_347, %sign3A_350 : i32
      %sign3A_352 = arith.extui %sign3A_351 : i1 to i32
      %sign3A_353 = arith.constant 0 : i32
      %sign3A_354 = arith.cmpi slt, %add3A_347, %sign3A_353 : i32
      %sign3A_355 = arith.extui %sign3A_354 : i1 to i32
      %sign3A_356 = arith.subi %sign3A_352, %sign3A_355 : i32
      %sign3A_357 = arith.constant 0 : i32
      %sign3A_358 = arith.cmpi sgt, %jit3A_348, %sign3A_357 : i32
      %sign3A_359 = arith.extui %sign3A_358 : i1 to i32
      %sign3A_360 = arith.constant 0 : i32
      %sign3A_361 = arith.cmpi slt, %jit3A_348, %sign3A_360 : i32
      %sign3A_362 = arith.extui %sign3A_361 : i1 to i32
      %sign3A_363 = arith.subi %sign3A_359, %sign3A_362 : i32
      %ne3A_364 = arith.cmpi ne, %sign3A_356, %sign3A_363 : i32
      %rem3A_365 = arith.remsi %add3A_347, %jit3A_348 : i32
      %ne3A_366 = arith.constant 0 : i32
      %ne3A_367 = arith.cmpi ne, %rem3A_365, %ne3A_366 : i32
      %and3A_368 = arith.andi %ne3A_364, %ne3A_367 : i1
      %sub3A_369 = arith.constant 1 : i32
      %sub3A_370 = arith.subi %div3A_349, %sub3A_369 : i32
      %select_n3A_371 = arith.select %and3A_368, %sub3A_370, %div3A_349 : i32
      %jit3A_372 = arith.constant 8 : i32
      %eq3A_373 = arith.constant 0 : i32
      %eq3A_374 = arith.cmpi eq, %jit3A_372, %eq3A_373 : i32
      %jit3A_375 = arith.constant 1 : i32
      %select_n3A_376 = arith.select %eq3A_374, %jit3A_375, %jit3A_372 : i32
      %rem3A_377 = arith.remsi %add3A_347, %select_n3A_376 : i32
      %ne3A_378 = arith.constant 0 : i32
      %ne3A_379 = arith.cmpi ne, %rem3A_377, %ne3A_378 : i32
      %lt3A_380 = arith.constant 0 : i32
      %lt3A_381 = arith.cmpi slt, %rem3A_377, %lt3A_380 : i32
      %lt3A_382 = arith.constant 0 : i32
      %lt3A_383 = arith.cmpi slt, %select_n3A_376, %lt3A_382 : i32
      %ne3A_384 = arith.xori %lt3A_381, %lt3A_383 : i1
      %and3A_385 = arith.andi %ne3A_384, %ne3A_379 : i1
      %add3A_386 = arith.addi %rem3A_377, %select_n3A_376 : i32
      %select_n3A_387 = arith.select %and3A_385, %add3A_386, %rem3A_377 : i32
      %jit3A_388 = arith.constant 2 : i32
      %eq3A_389 = arith.constant 0 : i32
      %eq3A_390 = arith.cmpi eq, %jit3A_388, %eq3A_389 : i32
      %jit3A_391 = arith.constant 1 : i32
      %select_n3A_392 = arith.select %eq3A_390, %jit3A_391, %jit3A_388 : i32
      %rem3A_393 = arith.remsi %select_n3A_371, %select_n3A_392 : i32
      %ne3A_394 = arith.constant 0 : i32
      %ne3A_395 = arith.cmpi ne, %rem3A_393, %ne3A_394 : i32
      %lt3A_396 = arith.constant 0 : i32
      %lt3A_397 = arith.cmpi slt, %rem3A_393, %lt3A_396 : i32
      %lt3A_398 = arith.constant 0 : i32
      %lt3A_399 = arith.cmpi slt, %select_n3A_392, %lt3A_398 : i32
      %ne3A_400 = arith.xori %lt3A_397, %lt3A_399 : i1
      %and3A_401 = arith.andi %ne3A_400, %ne3A_395 : i1
      %add3A_402 = arith.addi %rem3A_393, %select_n3A_392 : i32
      %select_n3A_403 = arith.select %and3A_401, %add3A_402, %rem3A_393 : i32
      %eq3A_404 = arith.constant 6 : i32
      %eq3A_405 = arith.cmpi eq, %select_n3A_387, %eq3A_404 : i32
      %lt3A_406 = arith.constant 19 : i32
      %lt3A_407 = arith.cmpi slt, %select_n3A_371, %lt3A_406 : i32
      %and3A_408 = arith.andi %eq3A_405, %lt3A_407 : i1
      %convert_element_type3A_409 = arith.extui %and3A_408 : i1 to i32
      %cond3A_410 = arith.constant 0 : i32
      %cond3A_411 = arith.cmpi ne, %convert_element_type3A_409, %cond3A_410 : i32
      scf.if %cond3A_411 {
        %dma_wait3A_578 = arith.constant 0 : i32
        %dma_wait3A_579 = arith.constant 0 : i32
        %dma_wait3A_580 = arith.constant 0 : i32
        %dma_wait3A_581 = arith.constant 0 : i32
        %dma_wait3A_582 = tpu.memref_slice %arg6[%dma_wait3A_579, %dma_wait3A_580, %dma_wait3A_581] : memref<2x8x64xi32, #tpu.memory_space<vmem>> -> memref<1x8x64xi32, #tpu.memory_space<vmem>>
        %dma_wait3A_583 = tpu.memref_squeeze %dma_wait3A_582 : memref<1x8x64xi32, #tpu.memory_space<vmem>> -> memref<8x64xi32, #tpu.memory_space<vmem>>
        %dma_wait3A_584 = arith.constant 0 : i32
        %dma_wait3A_585 = arith.constant 0 : i32
        %dma_wait3A_586 = tpu.memref_slice %arg3[%dma_wait3A_578, %dma_wait3A_584, %dma_wait3A_585] : memref<640x8x64xi32, #tpu.memory_space<hbm>> -> memref<1x8x64xi32, #tpu.memory_space<hbm>>
        %dma_wait3A_587 = tpu.memref_squeeze %dma_wait3A_586 : memref<1x8x64xi32, #tpu.memory_space<hbm>> -> memref<8x64xi32, #tpu.memory_space<hbm>>
        %dma_wait3A_588 = arith.constant 0 : i32
        %dma_wait3A_589 = arith.constant 0 : i32
        %dma_wait3A_590 = tpu.memref_slice %arg6[%dma_wait3A_579, %dma_wait3A_588, %dma_wait3A_589] : memref<2x8x64xi32, #tpu.memory_space<vmem>> -> memref<1x8x64xi32, #tpu.memory_space<vmem>>
        %dma_wait3A_591 = tpu.memref_squeeze %dma_wait3A_590 : memref<1x8x64xi32, #tpu.memory_space<vmem>> -> memref<8x64xi32, #tpu.memory_space<vmem>>
        %dma_wait3A_592 = arith.constant 0 : i32
        %dma_wait3A_593 = arith.constant 0 : i32
        %dma_wait3A_594 = tpu.memref_slice %arg3[%dma_wait3A_578, %dma_wait3A_592, %dma_wait3A_593] : memref<640x8x64xi32, #tpu.memory_space<hbm>> -> memref<1x8x64xi32, #tpu.memory_space<hbm>>
        %dma_wait3A_595 = tpu.memref_squeeze %dma_wait3A_594 : memref<1x8x64xi32, #tpu.memory_space<hbm>> -> memref<8x64xi32, #tpu.memory_space<hbm>>
        tpu.wait_dma2 semaphore(%arg18 : memref<!tpu.dma_semaphore, #tpu.memory_space<semaphore_mem>>) src(%dma_wait3A_595 : memref<8x64xi32, #tpu.memory_space<hbm>>) dst(%dma_wait3A_591 : memref<8x64xi32, #tpu.memory_space<vmem>>)
        %dma_wait3A_596 = arith.constant 0 : i32
        %dma_wait3A_597 = arith.constant 0 : i32
        %dma_wait3A_598 = arith.constant 0 : i32
        %dma_wait3A_599 = arith.constant 0 : i32
        %dma_wait3A_600 = tpu.memref_slice %arg7[%dma_wait3A_597, %dma_wait3A_598, %dma_wait3A_599] : memref<2x8x64xi32, #tpu.memory_space<vmem>> -> memref<1x8x64xi32, #tpu.memory_space<vmem>>
        %dma_wait3A_601 = tpu.memref_squeeze %dma_wait3A_600 : memref<1x8x64xi32, #tpu.memory_space<vmem>> -> memref<8x64xi32, #tpu.memory_space<vmem>>
        %dma_wait3A_602 = arith.constant 0 : i32
        %dma_wait3A_603 = arith.constant 0 : i32
        %dma_wait3A_604 = tpu.memref_slice %arg4[%dma_wait3A_596, %dma_wait3A_602, %dma_wait3A_603] : memref<320x8x64xi32, #tpu.memory_space<hbm>> -> memref<1x8x64xi32, #tpu.memory_space<hbm>>
        %dma_wait3A_605 = tpu.memref_squeeze %dma_wait3A_604 : memref<1x8x64xi32, #tpu.memory_space<hbm>> -> memref<8x64xi32, #tpu.memory_space<hbm>>
        %dma_wait3A_606 = arith.constant 0 : i32
        %dma_wait3A_607 = arith.constant 0 : i32
        %dma_wait3A_608 = tpu.memref_slice %arg7[%dma_wait3A_597, %dma_wait3A_606, %dma_wait3A_607] : memref<2x8x64xi32, #tpu.memory_space<vmem>> -> memref<1x8x64xi32, #tpu.memory_space<vmem>>
        %dma_wait3A_609 = tpu.memref_squeeze %dma_wait3A_608 : memref<1x8x64xi32, #tpu.memory_space<vmem>> -> memref<8x64xi32, #tpu.memory_space<vmem>>
        %dma_wait3A_610 = arith.constant 0 : i32
        %dma_wait3A_611 = arith.constant 0 : i32
        %dma_wait3A_612 = tpu.memref_slice %arg4[%dma_wait3A_596, %dma_wait3A_610, %dma_wait3A_611] : memref<320x8x64xi32, #tpu.memory_space<hbm>> -> memref<1x8x64xi32, #tpu.memory_space<hbm>>
        %dma_wait3A_613 = tpu.memref_squeeze %dma_wait3A_612 : memref<1x8x64xi32, #tpu.memory_space<hbm>> -> memref<8x64xi32, #tpu.memory_space<hbm>>
        tpu.wait_dma2 semaphore(%arg18 : memref<!tpu.dma_semaphore, #tpu.memory_space<semaphore_mem>>) src(%dma_wait3A_613 : memref<8x64xi32, #tpu.memory_space<hbm>>) dst(%dma_wait3A_609 : memref<8x64xi32, #tpu.memory_space<vmem>>)
      } else {
      }
      %ge3A_412 = arith.constant 2 : i32
      %ge3A_413 = arith.cmpi sge, %add3A_347, %ge3A_412 : i32
      %convert_element_type3A_414 = arith.extui %ge3A_413 : i1 to i32
      %cond3A_415 = arith.constant 0 : i32
      %cond3A_416 = arith.cmpi ne, %convert_element_type3A_414, %cond3A_415 : i32
      scf.if %cond3A_416 {
        %dma_wait3A_578 = arith.constant 0 : i32
        %dma_wait3A_579 = arith.constant 0 : i32
        %dma_wait3A_580 = arith.constant 0 : i32
        %dma_wait3A_581 = tpu.memref_slice %arg8[%dma_wait3A_578, %dma_wait3A_579, %dma_wait3A_580] : memref<4x64x128xf32, #tpu.memory_space<vmem>> -> memref<1x64x128xf32, #tpu.memory_space<vmem>>
        %dma_wait3A_582 = tpu.memref_squeeze %dma_wait3A_581 : memref<1x64x128xf32, #tpu.memory_space<vmem>> -> memref<64x128xf32, #tpu.memory_space<vmem>>
        %dma_wait3A_583 = arith.constant 0 : i32
        %dma_wait3A_584 = arith.constant 0 : i32
        %dma_wait3A_585 = tpu.memref_slice %arg9[%dma_wait3A_583, %dma_wait3A_584] : memref<10240x128xf32, #tpu.memory_space<vmem_shared>> -> memref<64x128xf32, #tpu.memory_space<vmem_shared>>
        %dma_wait3A_586 = arith.constant 0 : i32
        %dma_wait3A_587 = arith.constant 0 : i32
        %dma_wait3A_588 = tpu.memref_slice %arg9[%dma_wait3A_586, %dma_wait3A_587] : memref<10240x128xf32, #tpu.memory_space<vmem_shared>> -> memref<64x128xf32, #tpu.memory_space<vmem_shared>>
        %dma_wait3A_589 = arith.constant 0 : i32
        %dma_wait3A_590 = arith.constant 0 : i32
        %dma_wait3A_591 = tpu.memref_slice %arg8[%dma_wait3A_578, %dma_wait3A_589, %dma_wait3A_590] : memref<4x64x128xf32, #tpu.memory_space<vmem>> -> memref<1x64x128xf32, #tpu.memory_space<vmem>>
        %dma_wait3A_592 = tpu.memref_squeeze %dma_wait3A_591 : memref<1x64x128xf32, #tpu.memory_space<vmem>> -> memref<64x128xf32, #tpu.memory_space<vmem>>
        tpu.wait_dma2 semaphore(%arg14 : memref<!tpu.dma_semaphore, #tpu.memory_space<semaphore_mem>>) src(%dma_wait3A_592 : memref<64x128xf32, #tpu.memory_space<vmem>>) dst(%dma_wait3A_588 : memref<64x128xf32, #tpu.memory_space<vmem_shared>>)
      } else {
      }
      %add3A_417 = arith.constant 2 : i32
      %add3A_418 = arith.addi %add3A_347, %add3A_417 : i32
      %lt3A_419 = arith.constant 160 : i32
      %lt3A_420 = arith.cmpi slt, %add3A_418, %lt3A_419 : i32
      %convert_element_type3A_421 = arith.extui %lt3A_420 : i1 to i32
      %cond3A_422 = arith.constant 0 : i32
      %cond3A_423 = arith.cmpi ne, %convert_element_type3A_421, %cond3A_422 : i32
      scf.if %cond3A_423 {
        %add3A_578 = arith.constant 2 : i32
        %add3A_579 = arith.addi %add3A_347, %add3A_578 : i32
        %jit3A_580 = arith.constant 8 : i32
        %div3A_581 = arith.divsi %add3A_579, %jit3A_580 : i32
        %sign3A_582 = arith.constant 0 : i32
        %sign3A_583 = arith.cmpi sgt, %add3A_579, %sign3A_582 : i32
        %sign3A_584 = arith.extui %sign3A_583 : i1 to i32
        %sign3A_585 = arith.constant 0 : i32
        %sign3A_586 = arith.cmpi slt, %add3A_579, %sign3A_585 : i32
        %sign3A_587 = arith.extui %sign3A_586 : i1 to i32
        %sign3A_588 = arith.subi %sign3A_584, %sign3A_587 : i32
        %sign3A_589 = arith.constant 0 : i32
        %sign3A_590 = arith.cmpi sgt, %jit3A_580, %sign3A_589 : i32
        %sign3A_591 = arith.extui %sign3A_590 : i1 to i32
        %sign3A_592 = arith.constant 0 : i32
        %sign3A_593 = arith.cmpi slt, %jit3A_580, %sign3A_592 : i32
        %sign3A_594 = arith.extui %sign3A_593 : i1 to i32
        %sign3A_595 = arith.subi %sign3A_591, %sign3A_594 : i32
        %ne3A_596 = arith.cmpi ne, %sign3A_588, %sign3A_595 : i32
        %rem3A_597 = arith.remsi %add3A_579, %jit3A_580 : i32
        %ne3A_598 = arith.constant 0 : i32
        %ne3A_599 = arith.cmpi ne, %rem3A_597, %ne3A_598 : i32
        %and3A_600 = arith.andi %ne3A_596, %ne3A_599 : i1
        %sub3A_601 = arith.constant 1 : i32
        %sub3A_602 = arith.subi %div3A_581, %sub3A_601 : i32
        %select_n3A_603 = arith.select %and3A_600, %sub3A_602, %div3A_581 : i32
        %jit3A_604 = arith.constant 2 : i32
        %eq3A_605 = arith.constant 0 : i32
        %eq3A_606 = arith.cmpi eq, %jit3A_604, %eq3A_605 : i32
        %jit3A_607 = arith.constant 1 : i32
        %select_n3A_608 = arith.select %eq3A_606, %jit3A_607, %jit3A_604 : i32
        %rem3A_609 = arith.remsi %select_n3A_603, %select_n3A_608 : i32
        %ne3A_610 = arith.constant 0 : i32
        %ne3A_611 = arith.cmpi ne, %rem3A_609, %ne3A_610 : i32
        %lt3A_612 = arith.constant 0 : i32
        %lt3A_613 = arith.cmpi slt, %rem3A_609, %lt3A_612 : i32
        %lt3A_614 = arith.constant 0 : i32
        %lt3A_615 = arith.cmpi slt, %select_n3A_608, %lt3A_614 : i32
        %ne3A_616 = arith.xori %lt3A_613, %lt3A_615 : i1
        %and3A_617 = arith.andi %ne3A_616, %ne3A_611 : i1
        %add3A_618 = arith.addi %rem3A_609, %select_n3A_608 : i32
        %select_n3A_619 = arith.select %and3A_617, %add3A_618, %rem3A_609 : i32
        %jit3A_620 = arith.constant 8 : i32
        %eq3A_621 = arith.constant 0 : i32
        %eq3A_622 = arith.cmpi eq, %jit3A_620, %eq3A_621 : i32
        %jit3A_623 = arith.constant 1 : i32
        %select_n3A_624 = arith.select %eq3A_622, %jit3A_623, %jit3A_620 : i32
        %rem3A_625 = arith.remsi %add3A_579, %select_n3A_624 : i32
        %ne3A_626 = arith.constant 0 : i32
        %ne3A_627 = arith.cmpi ne, %rem3A_625, %ne3A_626 : i32
        %lt3A_628 = arith.constant 0 : i32
        %lt3A_629 = arith.cmpi slt, %rem3A_625, %lt3A_628 : i32
        %lt3A_630 = arith.constant 0 : i32
        %lt3A_631 = arith.cmpi slt, %select_n3A_624, %lt3A_630 : i32
        %ne3A_632 = arith.xori %lt3A_629, %lt3A_631 : i1
        %and3A_633 = arith.andi %ne3A_632, %ne3A_627 : i1
        %add3A_634 = arith.addi %rem3A_625, %select_n3A_624 : i32
        %select_n3A_635 = arith.select %and3A_633, %add3A_634, %rem3A_625 : i32
        %dma_start3A_636 = arith.constant 0 : i32
        %dma_start3A_637 = arith.constant 0 : i32
        %dma_start3A_638 = arith.constant 0 : i32
        %dma_start3A_639 = tpu.memref_slice %arg8[%dma_start3A_636, %dma_start3A_637, %dma_start3A_638] : memref<4x64x128xf32, #tpu.memory_space<vmem>> -> memref<1x64x128xf32, #tpu.memory_space<vmem>>
        %dma_start3A_640 = tpu.memref_squeeze %dma_start3A_639 : memref<1x64x128xf32, #tpu.memory_space<vmem>> -> memref<64x128xf32, #tpu.memory_space<vmem>>
        %dma_start3A_641 = arith.constant 0 : i32
        %dma_start3A_642 = tpu.memref_slice %arg6[%select_n3A_619, %select_n3A_635, %dma_start3A_641] : memref<2x8x64xi32, #tpu.memory_space<vmem>> -> memref<1x1x64xi32, #tpu.memory_space<vmem>>
        %dma_start3A_643 = tpu.memref_squeeze %dma_start3A_642 : memref<1x1x64xi32, #tpu.memory_space<vmem>> -> memref<64xi32, #tpu.memory_space<vmem>>
        %dma_start3A_644 = arith.constant 0 : i32
        %dma_start3A_645 = arith.constant 0 : i32
        %dma_start3A_646 = tpu.memref_slice %arg2[%dma_start3A_644, %dma_start3A_645] : memref<20480x128xf32, #tpu.memory_space<hbm>> -> memref<20480x128xf32, #tpu.memory_space<hbm>>
        tpu.enqueue_indirect_dma source(%dma_start3A_646 : memref<20480x128xf32, #tpu.memory_space<hbm>>) target(%dma_start3A_640 : memref<64x128xf32, #tpu.memory_space<vmem>>) offsets(%dma_start3A_643 : memref<64xi32, #tpu.memory_space<vmem>>) semaphore(%arg10 : memref<!tpu.dma_semaphore, #tpu.memory_space<semaphore_mem>>)
      } else {
      }
      %dma_wait3A_424 = arith.constant 2 : i32
      %dma_wait3A_425 = arith.constant 0 : i32
      %dma_wait3A_426 = arith.constant 0 : i32
      %dma_wait3A_427 = tpu.memref_slice %arg8[%dma_wait3A_424, %dma_wait3A_425, %dma_wait3A_426] : memref<4x64x128xf32, #tpu.memory_space<vmem>> -> memref<1x64x128xf32, #tpu.memory_space<vmem>>
      %dma_wait3A_428 = tpu.memref_squeeze %dma_wait3A_427 : memref<1x64x128xf32, #tpu.memory_space<vmem>> -> memref<64x128xf32, #tpu.memory_space<vmem>>
      %dma_wait3A_429 = arith.constant 0 : i32
      %dma_wait3A_430 = arith.constant 0 : i32
      %dma_wait3A_431 = tpu.memref_slice %arg2[%dma_wait3A_429, %dma_wait3A_430] : memref<20480x128xf32, #tpu.memory_space<hbm>> -> memref<64x128xf32, #tpu.memory_space<hbm>>
      %dma_wait3A_432 = arith.constant 0 : i32
      %dma_wait3A_433 = arith.constant 0 : i32
      %dma_wait3A_434 = tpu.memref_slice %arg8[%dma_wait3A_424, %dma_wait3A_432, %dma_wait3A_433] : memref<4x64x128xf32, #tpu.memory_space<vmem>> -> memref<1x64x128xf32, #tpu.memory_space<vmem>>
      %dma_wait3A_435 = tpu.memref_squeeze %dma_wait3A_434 : memref<1x64x128xf32, #tpu.memory_space<vmem>> -> memref<64x128xf32, #tpu.memory_space<vmem>>
      %dma_wait3A_436 = arith.constant 0 : i32
      %dma_wait3A_437 = arith.constant 0 : i32
      %dma_wait3A_438 = tpu.memref_slice %arg2[%dma_wait3A_436, %dma_wait3A_437] : memref<20480x128xf32, #tpu.memory_space<hbm>> -> memref<64x128xf32, #tpu.memory_space<hbm>>
      tpu.wait_dma2 semaphore(%arg12 : memref<!tpu.dma_semaphore, #tpu.memory_space<semaphore_mem>>) src(%dma_wait3A_438 : memref<64x128xf32, #tpu.memory_space<hbm>>) dst(%dma_wait3A_435 : memref<64x128xf32, #tpu.memory_space<vmem>>)
      %dma_start3A_439 = arith.constant 2 : i32
      %dma_start3A_440 = arith.constant 0 : i32
      %dma_start3A_441 = arith.constant 0 : i32
      %dma_start3A_442 = tpu.memref_slice %arg8[%dma_start3A_439, %dma_start3A_440, %dma_start3A_441] : memref<4x64x128xf32, #tpu.memory_space<vmem>> -> memref<1x64x128xf32, #tpu.memory_space<vmem>>
      %dma_start3A_443 = tpu.memref_squeeze %dma_start3A_442 : memref<1x64x128xf32, #tpu.memory_space<vmem>> -> memref<64x128xf32, #tpu.memory_space<vmem>>
      %dma_start3A_444 = arith.constant 0 : i32
      %dma_start3A_445 = tpu.memref_slice %arg7[%select_n3A_403, %select_n3A_387, %dma_start3A_444] : memref<2x8x64xi32, #tpu.memory_space<vmem>> -> memref<1x1x64xi32, #tpu.memory_space<vmem>>
      %dma_start3A_446 = tpu.memref_squeeze %dma_start3A_445 : memref<1x1x64xi32, #tpu.memory_space<vmem>> -> memref<64xi32, #tpu.memory_space<vmem>>
      %dma_start3A_447 = arith.constant 0 : i32
      %dma_start3A_448 = arith.constant 0 : i32
      %dma_start3A_449 = tpu.memref_slice %arg9[%dma_start3A_447, %dma_start3A_448] : memref<10240x128xf32, #tpu.memory_space<vmem_shared>> -> memref<10240x128xf32, #tpu.memory_space<vmem_shared>>
      tpu.enqueue_indirect_dma source(%dma_start3A_443 : memref<64x128xf32, #tpu.memory_space<vmem>>) target(%dma_start3A_449 : memref<10240x128xf32, #tpu.memory_space<vmem_shared>>) offsets(%dma_start3A_446 : memref<64xi32, #tpu.memory_space<vmem>>) semaphore(%arg16 : memref<!tpu.dma_semaphore, #tpu.memory_space<semaphore_mem>>) {add = true}
      %eq3A_450 = arith.constant 2 : i32
      %eq3A_451 = arith.cmpi eq, %select_n3A_387, %eq3A_450 : i32
      %ge3A_452 = arith.constant 1 : i32
      %ge3A_453 = arith.cmpi sge, %select_n3A_371, %ge3A_452 : i32
      %lt3A_454 = arith.constant 19 : i32
      %lt3A_455 = arith.cmpi slt, %select_n3A_371, %lt3A_454 : i32
      %and3A_456 = arith.andi %ge3A_453, %lt3A_455 : i1
      %and3A_457 = arith.andi %eq3A_451, %and3A_456 : i1
      %convert_element_type3A_458 = arith.extui %and3A_457 : i1 to i32
      %cond3A_459 = arith.constant 0 : i32
      %cond3A_460 = arith.cmpi ne, %convert_element_type3A_458, %cond3A_459 : i32
      scf.if %cond3A_460 {
        %mul3A_578 = arith.constant 20 : i32
        %mul3A_579 = arith.muli %add3A, %mul3A_578 : i32
        %add3A_580 = arith.addi %mul3A_579, %select_n3A_371 : i32
        %add3A_581 = arith.constant 1 : i32
        %add3A_582 = arith.addi %add3A_580, %add3A_581 : i32
        %sub3A_583 = arith.constant 1 : i32
        %sub3A_584 = arith.subi %sub3A_583, %select_n3A_403 : i32
        %dma_start3A_585 = arith.constant 0 : i32
        %dma_start3A_586 = arith.constant 0 : i32
        %dma_start3A_587 = tpu.memref_slice %arg6[%sub3A_584, %dma_start3A_585, %dma_start3A_586] : memref<2x8x64xi32, #tpu.memory_space<vmem>> -> memref<1x8x64xi32, #tpu.memory_space<vmem>>
        %dma_start3A_588 = tpu.memref_squeeze %dma_start3A_587 : memref<1x8x64xi32, #tpu.memory_space<vmem>> -> memref<8x64xi32, #tpu.memory_space<vmem>>
        %dma_start3A_589 = arith.constant 0 : i32
        %dma_start3A_590 = arith.constant 0 : i32
        %dma_start3A_591 = tpu.memref_slice %arg3[%add3A_582, %dma_start3A_589, %dma_start3A_590] : memref<640x8x64xi32, #tpu.memory_space<hbm>> -> memref<1x8x64xi32, #tpu.memory_space<hbm>>
        %dma_start3A_592 = tpu.memref_squeeze %dma_start3A_591 : memref<1x8x64xi32, #tpu.memory_space<hbm>> -> memref<8x64xi32, #tpu.memory_space<hbm>>
        %dma_start3A_593 = arith.constant 0 : i32
        %dma_start3A_594 = arith.constant 0 : i32
        %dma_start3A_595 = tpu.memref_slice %arg6[%sub3A_584, %dma_start3A_593, %dma_start3A_594] : memref<2x8x64xi32, #tpu.memory_space<vmem>> -> memref<1x8x64xi32, #tpu.memory_space<vmem>>
        %dma_start3A_596 = tpu.memref_squeeze %dma_start3A_595 : memref<1x8x64xi32, #tpu.memory_space<vmem>> -> memref<8x64xi32, #tpu.memory_space<vmem>>
        %dma_start3A_597 = arith.constant 0 : i32
        %dma_start3A_598 = arith.constant 0 : i32
        %dma_start3A_599 = tpu.memref_slice %arg3[%add3A_582, %dma_start3A_597, %dma_start3A_598] : memref<640x8x64xi32, #tpu.memory_space<hbm>> -> memref<1x8x64xi32, #tpu.memory_space<hbm>>
        %dma_start3A_600 = tpu.memref_squeeze %dma_start3A_599 : memref<1x8x64xi32, #tpu.memory_space<hbm>> -> memref<8x64xi32, #tpu.memory_space<hbm>>
        tpu.enqueue_dma source(%dma_start3A_600 : memref<8x64xi32, #tpu.memory_space<hbm>>) target(%dma_start3A_596 : memref<8x64xi32, #tpu.memory_space<vmem>>) target_semaphore(%arg18 : memref<!tpu.dma_semaphore, #tpu.memory_space<semaphore_mem>>)
        %mul3A_601 = arith.constant 20 : i32
        %mul3A_602 = arith.muli %arg1, %mul3A_601 : i32
        %add3A_603 = arith.addi %mul3A_602, %select_n3A_371 : i32
        %add3A_604 = arith.constant 1 : i32
        %add3A_605 = arith.addi %add3A_603, %add3A_604 : i32
        %sub3A_606 = arith.constant 1 : i32
        %sub3A_607 = arith.subi %sub3A_606, %select_n3A_403 : i32
        %dma_start3A_608 = arith.constant 0 : i32
        %dma_start3A_609 = arith.constant 0 : i32
        %dma_start3A_610 = tpu.memref_slice %arg7[%sub3A_607, %dma_start3A_608, %dma_start3A_609] : memref<2x8x64xi32, #tpu.memory_space<vmem>> -> memref<1x8x64xi32, #tpu.memory_space<vmem>>
        %dma_start3A_611 = tpu.memref_squeeze %dma_start3A_610 : memref<1x8x64xi32, #tpu.memory_space<vmem>> -> memref<8x64xi32, #tpu.memory_space<vmem>>
        %dma_start3A_612 = arith.constant 0 : i32
        %dma_start3A_613 = arith.constant 0 : i32
        %dma_start3A_614 = tpu.memref_slice %arg4[%add3A_605, %dma_start3A_612, %dma_start3A_613] : memref<320x8x64xi32, #tpu.memory_space<hbm>> -> memref<1x8x64xi32, #tpu.memory_space<hbm>>
        %dma_start3A_615 = tpu.memref_squeeze %dma_start3A_614 : memref<1x8x64xi32, #tpu.memory_space<hbm>> -> memref<8x64xi32, #tpu.memory_space<hbm>>
        %dma_start3A_616 = arith.constant 0 : i32
        %dma_start3A_617 = arith.constant 0 : i32
        %dma_start3A_618 = tpu.memref_slice %arg7[%sub3A_607, %dma_start3A_616, %dma_start3A_617] : memref<2x8x64xi32, #tpu.memory_space<vmem>> -> memref<1x8x64xi32, #tpu.memory_space<vmem>>
        %dma_start3A_619 = tpu.memref_squeeze %dma_start3A_618 : memref<1x8x64xi32, #tpu.memory_space<vmem>> -> memref<8x64xi32, #tpu.memory_space<vmem>>
        %dma_start3A_620 = arith.constant 0 : i32
        %dma_start3A_621 = arith.constant 0 : i32
        %dma_start3A_622 = tpu.memref_slice %arg4[%add3A_605, %dma_start3A_620, %dma_start3A_621] : memref<320x8x64xi32, #tpu.memory_space<hbm>> -> memref<1x8x64xi32, #tpu.memory_space<hbm>>
        %dma_start3A_623 = tpu.memref_squeeze %dma_start3A_622 : memref<1x8x64xi32, #tpu.memory_space<hbm>> -> memref<8x64xi32, #tpu.memory_space<hbm>>
        tpu.enqueue_dma source(%dma_start3A_623 : memref<8x64xi32, #tpu.memory_space<hbm>>) target(%dma_start3A_619 : memref<8x64xi32, #tpu.memory_space<vmem>>) target_semaphore(%arg18 : memref<!tpu.dma_semaphore, #tpu.memory_space<semaphore_mem>>)
      } else {
      }
      %mul3A_461 = arith.constant 4 : i32
      %mul3A_462 = arith.muli %mul3A_461, %scan3A_122 : i32
      %add3A_463 = arith.constant 3 : i32
      %add3A_464 = arith.addi %mul3A_462, %add3A_463 : i32
      %jit3A_465 = arith.constant 8 : i32
      %div3A_466 = arith.divsi %add3A_464, %jit3A_465 : i32
      %sign3A_467 = arith.constant 0 : i32
      %sign3A_468 = arith.cmpi sgt, %add3A_464, %sign3A_467 : i32
      %sign3A_469 = arith.extui %sign3A_468 : i1 to i32
      %sign3A_470 = arith.constant 0 : i32
      %sign3A_471 = arith.cmpi slt, %add3A_464, %sign3A_470 : i32
      %sign3A_472 = arith.extui %sign3A_471 : i1 to i32
      %sign3A_473 = arith.subi %sign3A_469, %sign3A_472 : i32
      %sign3A_474 = arith.constant 0 : i32
      %sign3A_475 = arith.cmpi sgt, %jit3A_465, %sign3A_474 : i32
      %sign3A_476 = arith.extui %sign3A_475 : i1 to i32
      %sign3A_477 = arith.constant 0 : i32
      %sign3A_478 = arith.cmpi slt, %jit3A_465, %sign3A_477 : i32
      %sign3A_479 = arith.extui %sign3A_478 : i1 to i32
      %sign3A_480 = arith.subi %sign3A_476, %sign3A_479 : i32
      %ne3A_481 = arith.cmpi ne, %sign3A_473, %sign3A_480 : i32
      %rem3A_482 = arith.remsi %add3A_464, %jit3A_465 : i32
      %ne3A_483 = arith.constant 0 : i32
      %ne3A_484 = arith.cmpi ne, %rem3A_482, %ne3A_483 : i32
      %and3A_485 = arith.andi %ne3A_481, %ne3A_484 : i1
      %sub3A_486 = arith.constant 1 : i32
      %sub3A_487 = arith.subi %div3A_466, %sub3A_486 : i32
      %select_n3A_488 = arith.select %and3A_485, %sub3A_487, %div3A_466 : i32
      %jit3A_489 = arith.constant 8 : i32
      %eq3A_490 = arith.constant 0 : i32
      %eq3A_491 = arith.cmpi eq, %jit3A_489, %eq3A_490 : i32
      %jit3A_492 = arith.constant 1 : i32
      %select_n3A_493 = arith.select %eq3A_491, %jit3A_492, %jit3A_489 : i32
      %rem3A_494 = arith.remsi %add3A_464, %select_n3A_493 : i32
      %ne3A_495 = arith.constant 0 : i32
      %ne3A_496 = arith.cmpi ne, %rem3A_494, %ne3A_495 : i32
      %lt3A_497 = arith.constant 0 : i32
      %lt3A_498 = arith.cmpi slt, %rem3A_494, %lt3A_497 : i32
      %lt3A_499 = arith.constant 0 : i32
      %lt3A_500 = arith.cmpi slt, %select_n3A_493, %lt3A_499 : i32
      %ne3A_501 = arith.xori %lt3A_498, %lt3A_500 : i1
      %and3A_502 = arith.andi %ne3A_501, %ne3A_496 : i1
      %add3A_503 = arith.addi %rem3A_494, %select_n3A_493 : i32
      %select_n3A_504 = arith.select %and3A_502, %add3A_503, %rem3A_494 : i32
      %jit3A_505 = arith.constant 2 : i32
      %eq3A_506 = arith.constant 0 : i32
      %eq3A_507 = arith.cmpi eq, %jit3A_505, %eq3A_506 : i32
      %jit3A_508 = arith.constant 1 : i32
      %select_n3A_509 = arith.select %eq3A_507, %jit3A_508, %jit3A_505 : i32
      %rem3A_510 = arith.remsi %select_n3A_488, %select_n3A_509 : i32
      %ne3A_511 = arith.constant 0 : i32
      %ne3A_512 = arith.cmpi ne, %rem3A_510, %ne3A_511 : i32
      %lt3A_513 = arith.constant 0 : i32
      %lt3A_514 = arith.cmpi slt, %rem3A_510, %lt3A_513 : i32
      %lt3A_515 = arith.constant 0 : i32
      %lt3A_516 = arith.cmpi slt, %select_n3A_509, %lt3A_515 : i32
      %ne3A_517 = arith.xori %lt3A_514, %lt3A_516 : i1
      %and3A_518 = arith.andi %ne3A_517, %ne3A_512 : i1
      %add3A_519 = arith.addi %rem3A_510, %select_n3A_509 : i32
      %select_n3A_520 = arith.select %and3A_518, %add3A_519, %rem3A_510 : i32
      %eq3A_521 = arith.constant 6 : i32
      %eq3A_522 = arith.cmpi eq, %select_n3A_504, %eq3A_521 : i32
      %lt3A_523 = arith.constant 19 : i32
      %lt3A_524 = arith.cmpi slt, %select_n3A_488, %lt3A_523 : i32
      %and3A_525 = arith.andi %eq3A_522, %lt3A_524 : i1
      %convert_element_type3A_526 = arith.extui %and3A_525 : i1 to i32
      %cond3A_527 = arith.constant 0 : i32
      %cond3A_528 = arith.cmpi ne, %convert_element_type3A_526, %cond3A_527 : i32
      scf.if %cond3A_528 {
        %dma_wait3A_578 = arith.constant 0 : i32
        %dma_wait3A_579 = arith.constant 0 : i32
        %dma_wait3A_580 = arith.constant 0 : i32
        %dma_wait3A_581 = arith.constant 0 : i32
        %dma_wait3A_582 = tpu.memref_slice %arg6[%dma_wait3A_579, %dma_wait3A_580, %dma_wait3A_581] : memref<2x8x64xi32, #tpu.memory_space<vmem>> -> memref<1x8x64xi32, #tpu.memory_space<vmem>>
        %dma_wait3A_583 = tpu.memref_squeeze %dma_wait3A_582 : memref<1x8x64xi32, #tpu.memory_space<vmem>> -> memref<8x64xi32, #tpu.memory_space<vmem>>
        %dma_wait3A_584 = arith.constant 0 : i32
        %dma_wait3A_585 = arith.constant 0 : i32
        %dma_wait3A_586 = tpu.memref_slice %arg3[%dma_wait3A_578, %dma_wait3A_584, %dma_wait3A_585] : memref<640x8x64xi32, #tpu.memory_space<hbm>> -> memref<1x8x64xi32, #tpu.memory_space<hbm>>
        %dma_wait3A_587 = tpu.memref_squeeze %dma_wait3A_586 : memref<1x8x64xi32, #tpu.memory_space<hbm>> -> memref<8x64xi32, #tpu.memory_space<hbm>>
        %dma_wait3A_588 = arith.constant 0 : i32
        %dma_wait3A_589 = arith.constant 0 : i32
        %dma_wait3A_590 = tpu.memref_slice %arg6[%dma_wait3A_579, %dma_wait3A_588, %dma_wait3A_589] : memref<2x8x64xi32, #tpu.memory_space<vmem>> -> memref<1x8x64xi32, #tpu.memory_space<vmem>>
        %dma_wait3A_591 = tpu.memref_squeeze %dma_wait3A_590 : memref<1x8x64xi32, #tpu.memory_space<vmem>> -> memref<8x64xi32, #tpu.memory_space<vmem>>
        %dma_wait3A_592 = arith.constant 0 : i32
        %dma_wait3A_593 = arith.constant 0 : i32
        %dma_wait3A_594 = tpu.memref_slice %arg3[%dma_wait3A_578, %dma_wait3A_592, %dma_wait3A_593] : memref<640x8x64xi32, #tpu.memory_space<hbm>> -> memref<1x8x64xi32, #tpu.memory_space<hbm>>
        %dma_wait3A_595 = tpu.memref_squeeze %dma_wait3A_594 : memref<1x8x64xi32, #tpu.memory_space<hbm>> -> memref<8x64xi32, #tpu.memory_space<hbm>>
        tpu.wait_dma2 semaphore(%arg18 : memref<!tpu.dma_semaphore, #tpu.memory_space<semaphore_mem>>) src(%dma_wait3A_595 : memref<8x64xi32, #tpu.memory_space<hbm>>) dst(%dma_wait3A_591 : memref<8x64xi32, #tpu.memory_space<vmem>>)
        %dma_wait3A_596 = arith.constant 0 : i32
        %dma_wait3A_597 = arith.constant 0 : i32
        %dma_wait3A_598 = arith.constant 0 : i32
        %dma_wait3A_599 = arith.constant 0 : i32
        %dma_wait3A_600 = tpu.memref_slice %arg7[%dma_wait3A_597, %dma_wait3A_598, %dma_wait3A_599] : memref<2x8x64xi32, #tpu.memory_space<vmem>> -> memref<1x8x64xi32, #tpu.memory_space<vmem>>
        %dma_wait3A_601 = tpu.memref_squeeze %dma_wait3A_600 : memref<1x8x64xi32, #tpu.memory_space<vmem>> -> memref<8x64xi32, #tpu.memory_space<vmem>>
        %dma_wait3A_602 = arith.constant 0 : i32
        %dma_wait3A_603 = arith.constant 0 : i32
        %dma_wait3A_604 = tpu.memref_slice %arg4[%dma_wait3A_596, %dma_wait3A_602, %dma_wait3A_603] : memref<320x8x64xi32, #tpu.memory_space<hbm>> -> memref<1x8x64xi32, #tpu.memory_space<hbm>>
        %dma_wait3A_605 = tpu.memref_squeeze %dma_wait3A_604 : memref<1x8x64xi32, #tpu.memory_space<hbm>> -> memref<8x64xi32, #tpu.memory_space<hbm>>
        %dma_wait3A_606 = arith.constant 0 : i32
        %dma_wait3A_607 = arith.constant 0 : i32
        %dma_wait3A_608 = tpu.memref_slice %arg7[%dma_wait3A_597, %dma_wait3A_606, %dma_wait3A_607] : memref<2x8x64xi32, #tpu.memory_space<vmem>> -> memref<1x8x64xi32, #tpu.memory_space<vmem>>
        %dma_wait3A_609 = tpu.memref_squeeze %dma_wait3A_608 : memref<1x8x64xi32, #tpu.memory_space<vmem>> -> memref<8x64xi32, #tpu.memory_space<vmem>>
        %dma_wait3A_610 = arith.constant 0 : i32
        %dma_wait3A_611 = arith.constant 0 : i32
        %dma_wait3A_612 = tpu.memref_slice %arg4[%dma_wait3A_596, %dma_wait3A_610, %dma_wait3A_611] : memref<320x8x64xi32, #tpu.memory_space<hbm>> -> memref<1x8x64xi32, #tpu.memory_space<hbm>>
        %dma_wait3A_613 = tpu.memref_squeeze %dma_wait3A_612 : memref<1x8x64xi32, #tpu.memory_space<hbm>> -> memref<8x64xi32, #tpu.memory_space<hbm>>
        tpu.wait_dma2 semaphore(%arg18 : memref<!tpu.dma_semaphore, #tpu.memory_space<semaphore_mem>>) src(%dma_wait3A_613 : memref<8x64xi32, #tpu.memory_space<hbm>>) dst(%dma_wait3A_609 : memref<8x64xi32, #tpu.memory_space<vmem>>)
      } else {
      }
      %ge3A_529 = arith.constant 2 : i32
      %ge3A_530 = arith.cmpi sge, %add3A_464, %ge3A_529 : i32
      %convert_element_type3A_531 = arith.extui %ge3A_530 : i1 to i32
      %cond3A_532 = arith.constant 0 : i32
      %cond3A_533 = arith.cmpi ne, %convert_element_type3A_531, %cond3A_532 : i32
      scf.if %cond3A_533 {
        %dma_wait3A_578 = arith.constant 1 : i32
        %dma_wait3A_579 = arith.constant 0 : i32
        %dma_wait3A_580 = arith.constant 0 : i32
        %dma_wait3A_581 = tpu.memref_slice %arg8[%dma_wait3A_578, %dma_wait3A_579, %dma_wait3A_580] : memref<4x64x128xf32, #tpu.memory_space<vmem>> -> memref<1x64x128xf32, #tpu.memory_space<vmem>>
        %dma_wait3A_582 = tpu.memref_squeeze %dma_wait3A_581 : memref<1x64x128xf32, #tpu.memory_space<vmem>> -> memref<64x128xf32, #tpu.memory_space<vmem>>
        %dma_wait3A_583 = arith.constant 0 : i32
        %dma_wait3A_584 = arith.constant 0 : i32
        %dma_wait3A_585 = tpu.memref_slice %arg9[%dma_wait3A_583, %dma_wait3A_584] : memref<10240x128xf32, #tpu.memory_space<vmem_shared>> -> memref<64x128xf32, #tpu.memory_space<vmem_shared>>
        %dma_wait3A_586 = arith.constant 0 : i32
        %dma_wait3A_587 = arith.constant 0 : i32
        %dma_wait3A_588 = tpu.memref_slice %arg9[%dma_wait3A_586, %dma_wait3A_587] : memref<10240x128xf32, #tpu.memory_space<vmem_shared>> -> memref<64x128xf32, #tpu.memory_space<vmem_shared>>
        %dma_wait3A_589 = arith.constant 0 : i32
        %dma_wait3A_590 = arith.constant 0 : i32
        %dma_wait3A_591 = tpu.memref_slice %arg8[%dma_wait3A_578, %dma_wait3A_589, %dma_wait3A_590] : memref<4x64x128xf32, #tpu.memory_space<vmem>> -> memref<1x64x128xf32, #tpu.memory_space<vmem>>
        %dma_wait3A_592 = tpu.memref_squeeze %dma_wait3A_591 : memref<1x64x128xf32, #tpu.memory_space<vmem>> -> memref<64x128xf32, #tpu.memory_space<vmem>>
        tpu.wait_dma2 semaphore(%arg15 : memref<!tpu.dma_semaphore, #tpu.memory_space<semaphore_mem>>) src(%dma_wait3A_592 : memref<64x128xf32, #tpu.memory_space<vmem>>) dst(%dma_wait3A_588 : memref<64x128xf32, #tpu.memory_space<vmem_shared>>)
      } else {
      }
      %add3A_534 = arith.constant 2 : i32
      %add3A_535 = arith.addi %add3A_464, %add3A_534 : i32
      %lt3A_536 = arith.constant 160 : i32
      %lt3A_537 = arith.cmpi slt, %add3A_535, %lt3A_536 : i32
      %convert_element_type3A_538 = arith.extui %lt3A_537 : i1 to i32
      %cond3A_539 = arith.constant 0 : i32
      %cond3A_540 = arith.cmpi ne, %convert_element_type3A_538, %cond3A_539 : i32
      scf.if %cond3A_540 {
        %add3A_578 = arith.constant 2 : i32
        %add3A_579 = arith.addi %add3A_464, %add3A_578 : i32
        %jit3A_580 = arith.constant 8 : i32
        %div3A_581 = arith.divsi %add3A_579, %jit3A_580 : i32
        %sign3A_582 = arith.constant 0 : i32
        %sign3A_583 = arith.cmpi sgt, %add3A_579, %sign3A_582 : i32
        %sign3A_584 = arith.extui %sign3A_583 : i1 to i32
        %sign3A_585 = arith.constant 0 : i32
        %sign3A_586 = arith.cmpi slt, %add3A_579, %sign3A_585 : i32
        %sign3A_587 = arith.extui %sign3A_586 : i1 to i32
        %sign3A_588 = arith.subi %sign3A_584, %sign3A_587 : i32
        %sign3A_589 = arith.constant 0 : i32
        %sign3A_590 = arith.cmpi sgt, %jit3A_580, %sign3A_589 : i32
        %sign3A_591 = arith.extui %sign3A_590 : i1 to i32
        %sign3A_592 = arith.constant 0 : i32
        %sign3A_593 = arith.cmpi slt, %jit3A_580, %sign3A_592 : i32
        %sign3A_594 = arith.extui %sign3A_593 : i1 to i32
        %sign3A_595 = arith.subi %sign3A_591, %sign3A_594 : i32
        %ne3A_596 = arith.cmpi ne, %sign3A_588, %sign3A_595 : i32
        %rem3A_597 = arith.remsi %add3A_579, %jit3A_580 : i32
        %ne3A_598 = arith.constant 0 : i32
        %ne3A_599 = arith.cmpi ne, %rem3A_597, %ne3A_598 : i32
        %and3A_600 = arith.andi %ne3A_596, %ne3A_599 : i1
        %sub3A_601 = arith.constant 1 : i32
        %sub3A_602 = arith.subi %div3A_581, %sub3A_601 : i32
        %select_n3A_603 = arith.select %and3A_600, %sub3A_602, %div3A_581 : i32
        %jit3A_604 = arith.constant 2 : i32
        %eq3A_605 = arith.constant 0 : i32
        %eq3A_606 = arith.cmpi eq, %jit3A_604, %eq3A_605 : i32
        %jit3A_607 = arith.constant 1 : i32
        %select_n3A_608 = arith.select %eq3A_606, %jit3A_607, %jit3A_604 : i32
        %rem3A_609 = arith.remsi %select_n3A_603, %select_n3A_608 : i32
        %ne3A_610 = arith.constant 0 : i32
        %ne3A_611 = arith.cmpi ne, %rem3A_609, %ne3A_610 : i32
        %lt3A_612 = arith.constant 0 : i32
        %lt3A_613 = arith.cmpi slt, %rem3A_609, %lt3A_612 : i32
        %lt3A_614 = arith.constant 0 : i32
        %lt3A_615 = arith.cmpi slt, %select_n3A_608, %lt3A_614 : i32
        %ne3A_616 = arith.xori %lt3A_613, %lt3A_615 : i1
        %and3A_617 = arith.andi %ne3A_616, %ne3A_611 : i1
        %add3A_618 = arith.addi %rem3A_609, %select_n3A_608 : i32
        %select_n3A_619 = arith.select %and3A_617, %add3A_618, %rem3A_609 : i32
        %jit3A_620 = arith.constant 8 : i32
        %eq3A_621 = arith.constant 0 : i32
        %eq3A_622 = arith.cmpi eq, %jit3A_620, %eq3A_621 : i32
        %jit3A_623 = arith.constant 1 : i32
        %select_n3A_624 = arith.select %eq3A_622, %jit3A_623, %jit3A_620 : i32
        %rem3A_625 = arith.remsi %add3A_579, %select_n3A_624 : i32
        %ne3A_626 = arith.constant 0 : i32
        %ne3A_627 = arith.cmpi ne, %rem3A_625, %ne3A_626 : i32
        %lt3A_628 = arith.constant 0 : i32
        %lt3A_629 = arith.cmpi slt, %rem3A_625, %lt3A_628 : i32
        %lt3A_630 = arith.constant 0 : i32
        %lt3A_631 = arith.cmpi slt, %select_n3A_624, %lt3A_630 : i32
        %ne3A_632 = arith.xori %lt3A_629, %lt3A_631 : i1
        %and3A_633 = arith.andi %ne3A_632, %ne3A_627 : i1
        %add3A_634 = arith.addi %rem3A_625, %select_n3A_624 : i32
        %select_n3A_635 = arith.select %and3A_633, %add3A_634, %rem3A_625 : i32
        %dma_start3A_636 = arith.constant 1 : i32
        %dma_start3A_637 = arith.constant 0 : i32
        %dma_start3A_638 = arith.constant 0 : i32
        %dma_start3A_639 = tpu.memref_slice %arg8[%dma_start3A_636, %dma_start3A_637, %dma_start3A_638] : memref<4x64x128xf32, #tpu.memory_space<vmem>> -> memref<1x64x128xf32, #tpu.memory_space<vmem>>
        %dma_start3A_640 = tpu.memref_squeeze %dma_start3A_639 : memref<1x64x128xf32, #tpu.memory_space<vmem>> -> memref<64x128xf32, #tpu.memory_space<vmem>>
        %dma_start3A_641 = arith.constant 0 : i32
        %dma_start3A_642 = tpu.memref_slice %arg6[%select_n3A_619, %select_n3A_635, %dma_start3A_641] : memref<2x8x64xi32, #tpu.memory_space<vmem>> -> memref<1x1x64xi32, #tpu.memory_space<vmem>>
        %dma_start3A_643 = tpu.memref_squeeze %dma_start3A_642 : memref<1x1x64xi32, #tpu.memory_space<vmem>> -> memref<64xi32, #tpu.memory_space<vmem>>
        %dma_start3A_644 = arith.constant 0 : i32
        %dma_start3A_645 = arith.constant 0 : i32
        %dma_start3A_646 = tpu.memref_slice %arg2[%dma_start3A_644, %dma_start3A_645] : memref<20480x128xf32, #tpu.memory_space<hbm>> -> memref<20480x128xf32, #tpu.memory_space<hbm>>
        tpu.enqueue_indirect_dma source(%dma_start3A_646 : memref<20480x128xf32, #tpu.memory_space<hbm>>) target(%dma_start3A_640 : memref<64x128xf32, #tpu.memory_space<vmem>>) offsets(%dma_start3A_643 : memref<64xi32, #tpu.memory_space<vmem>>) semaphore(%arg11 : memref<!tpu.dma_semaphore, #tpu.memory_space<semaphore_mem>>)
      } else {
      }
      %dma_wait3A_541 = arith.constant 3 : i32
      %dma_wait3A_542 = arith.constant 0 : i32
      %dma_wait3A_543 = arith.constant 0 : i32
      %dma_wait3A_544 = tpu.memref_slice %arg8[%dma_wait3A_541, %dma_wait3A_542, %dma_wait3A_543] : memref<4x64x128xf32, #tpu.memory_space<vmem>> -> memref<1x64x128xf32, #tpu.memory_space<vmem>>
      %dma_wait3A_545 = tpu.memref_squeeze %dma_wait3A_544 : memref<1x64x128xf32, #tpu.memory_space<vmem>> -> memref<64x128xf32, #tpu.memory_space<vmem>>
      %dma_wait3A_546 = arith.constant 0 : i32
      %dma_wait3A_547 = arith.constant 0 : i32
      %dma_wait3A_548 = tpu.memref_slice %arg2[%dma_wait3A_546, %dma_wait3A_547] : memref<20480x128xf32, #tpu.memory_space<hbm>> -> memref<64x128xf32, #tpu.memory_space<hbm>>
      %dma_wait3A_549 = arith.constant 0 : i32
      %dma_wait3A_550 = arith.constant 0 : i32
      %dma_wait3A_551 = tpu.memref_slice %arg8[%dma_wait3A_541, %dma_wait3A_549, %dma_wait3A_550] : memref<4x64x128xf32, #tpu.memory_space<vmem>> -> memref<1x64x128xf32, #tpu.memory_space<vmem>>
      %dma_wait3A_552 = tpu.memref_squeeze %dma_wait3A_551 : memref<1x64x128xf32, #tpu.memory_space<vmem>> -> memref<64x128xf32, #tpu.memory_space<vmem>>
      %dma_wait3A_553 = arith.constant 0 : i32
      %dma_wait3A_554 = arith.constant 0 : i32
      %dma_wait3A_555 = tpu.memref_slice %arg2[%dma_wait3A_553, %dma_wait3A_554] : memref<20480x128xf32, #tpu.memory_space<hbm>> -> memref<64x128xf32, #tpu.memory_space<hbm>>
      tpu.wait_dma2 semaphore(%arg13 : memref<!tpu.dma_semaphore, #tpu.memory_space<semaphore_mem>>) src(%dma_wait3A_555 : memref<64x128xf32, #tpu.memory_space<hbm>>) dst(%dma_wait3A_552 : memref<64x128xf32, #tpu.memory_space<vmem>>)
      %dma_start3A_556 = arith.constant 3 : i32
      %dma_start3A_557 = arith.constant 0 : i32
      %dma_start3A_558 = arith.constant 0 : i32
      %dma_start3A_559 = tpu.memref_slice %arg8[%dma_start3A_556, %dma_start3A_557, %dma_start3A_558] : memref<4x64x128xf32, #tpu.memory_space<vmem>> -> memref<1x64x128xf32, #tpu.memory_space<vmem>>
      %dma_start3A_560 = tpu.memref_squeeze %dma_start3A_559 : memref<1x64x128xf32, #tpu.memory_space<vmem>> -> memref<64x128xf32, #tpu.memory_space<vmem>>
      %dma_start3A_561 = arith.constant 0 : i32
      %dma_start3A_562 = tpu.memref_slice %arg7[%select_n3A_520, %select_n3A_504, %dma_start3A_561] : memref<2x8x64xi32, #tpu.memory_space<vmem>> -> memref<1x1x64xi32, #tpu.memory_space<vmem>>
      %dma_start3A_563 = tpu.memref_squeeze %dma_start3A_562 : memref<1x1x64xi32, #tpu.memory_space<vmem>> -> memref<64xi32, #tpu.memory_space<vmem>>
      %dma_start3A_564 = arith.constant 0 : i32
      %dma_start3A_565 = arith.constant 0 : i32
      %dma_start3A_566 = tpu.memref_slice %arg9[%dma_start3A_564, %dma_start3A_565] : memref<10240x128xf32, #tpu.memory_space<vmem_shared>> -> memref<10240x128xf32, #tpu.memory_space<vmem_shared>>
      tpu.enqueue_indirect_dma source(%dma_start3A_560 : memref<64x128xf32, #tpu.memory_space<vmem>>) target(%dma_start3A_566 : memref<10240x128xf32, #tpu.memory_space<vmem_shared>>) offsets(%dma_start3A_563 : memref<64xi32, #tpu.memory_space<vmem>>) semaphore(%arg17 : memref<!tpu.dma_semaphore, #tpu.memory_space<semaphore_mem>>) {add = true}
      %eq3A_567 = arith.constant 2 : i32
      %eq3A_568 = arith.cmpi eq, %select_n3A_504, %eq3A_567 : i32
      %ge3A_569 = arith.constant 1 : i32
      %ge3A_570 = arith.cmpi sge, %select_n3A_488, %ge3A_569 : i32
      %lt3A_571 = arith.constant 19 : i32
      %lt3A_572 = arith.cmpi slt, %select_n3A_488, %lt3A_571 : i32
      %and3A_573 = arith.andi %ge3A_570, %lt3A_572 : i1
      %and3A_574 = arith.andi %eq3A_568, %and3A_573 : i1
      %convert_element_type3A_575 = arith.extui %and3A_574 : i1 to i32
      %cond3A_576 = arith.constant 0 : i32
      %cond3A_577 = arith.cmpi ne, %convert_element_type3A_575, %cond3A_576 : i32
      scf.if %cond3A_577 {
        %mul3A_578 = arith.constant 20 : i32
        %mul3A_579 = arith.muli %add3A, %mul3A_578 : i32
        %add3A_580 = arith.addi %mul3A_579, %select_n3A_488 : i32
        %add3A_581 = arith.constant 1 : i32
        %add3A_582 = arith.addi %add3A_580, %add3A_581 : i32
        %sub3A_583 = arith.constant 1 : i32
        %sub3A_584 = arith.subi %sub3A_583, %select_n3A_520 : i32
        %dma_start3A_585 = arith.constant 0 : i32
        %dma_start3A_586 = arith.constant 0 : i32
        %dma_start3A_587 = tpu.memref_slice %arg6[%sub3A_584, %dma_start3A_585, %dma_start3A_586] : memref<2x8x64xi32, #tpu.memory_space<vmem>> -> memref<1x8x64xi32, #tpu.memory_space<vmem>>
        %dma_start3A_588 = tpu.memref_squeeze %dma_start3A_587 : memref<1x8x64xi32, #tpu.memory_space<vmem>> -> memref<8x64xi32, #tpu.memory_space<vmem>>
        %dma_start3A_589 = arith.constant 0 : i32
        %dma_start3A_590 = arith.constant 0 : i32
        %dma_start3A_591 = tpu.memref_slice %arg3[%add3A_582, %dma_start3A_589, %dma_start3A_590] : memref<640x8x64xi32, #tpu.memory_space<hbm>> -> memref<1x8x64xi32, #tpu.memory_space<hbm>>
        %dma_start3A_592 = tpu.memref_squeeze %dma_start3A_591 : memref<1x8x64xi32, #tpu.memory_space<hbm>> -> memref<8x64xi32, #tpu.memory_space<hbm>>
        %dma_start3A_593 = arith.constant 0 : i32
        %dma_start3A_594 = arith.constant 0 : i32
        %dma_start3A_595 = tpu.memref_slice %arg6[%sub3A_584, %dma_start3A_593, %dma_start3A_594] : memref<2x8x64xi32, #tpu.memory_space<vmem>> -> memref<1x8x64xi32, #tpu.memory_space<vmem>>
        %dma_start3A_596 = tpu.memref_squeeze %dma_start3A_595 : memref<1x8x64xi32, #tpu.memory_space<vmem>> -> memref<8x64xi32, #tpu.memory_space<vmem>>
        %dma_start3A_597 = arith.constant 0 : i32
        %dma_start3A_598 = arith.constant 0 : i32
        %dma_start3A_599 = tpu.memref_slice %arg3[%add3A_582, %dma_start3A_597, %dma_start3A_598] : memref<640x8x64xi32, #tpu.memory_space<hbm>> -> memref<1x8x64xi32, #tpu.memory_space<hbm>>
        %dma_start3A_600 = tpu.memref_squeeze %dma_start3A_599 : memref<1x8x64xi32, #tpu.memory_space<hbm>> -> memref<8x64xi32, #tpu.memory_space<hbm>>
        tpu.enqueue_dma source(%dma_start3A_600 : memref<8x64xi32, #tpu.memory_space<hbm>>) target(%dma_start3A_596 : memref<8x64xi32, #tpu.memory_space<vmem>>) target_semaphore(%arg18 : memref<!tpu.dma_semaphore, #tpu.memory_space<semaphore_mem>>)
        %mul3A_601 = arith.constant 20 : i32
        %mul3A_602 = arith.muli %arg1, %mul3A_601 : i32
        %add3A_603 = arith.addi %mul3A_602, %select_n3A_488 : i32
        %add3A_604 = arith.constant 1 : i32
        %add3A_605 = arith.addi %add3A_603, %add3A_604 : i32
        %sub3A_606 = arith.constant 1 : i32
        %sub3A_607 = arith.subi %sub3A_606, %select_n3A_520 : i32
        %dma_start3A_608 = arith.constant 0 : i32
        %dma_start3A_609 = arith.constant 0 : i32
        %dma_start3A_610 = tpu.memref_slice %arg7[%sub3A_607, %dma_start3A_608, %dma_start3A_609] : memref<2x8x64xi32, #tpu.memory_space<vmem>> -> memref<1x8x64xi32, #tpu.memory_space<vmem>>
        %dma_start3A_611 = tpu.memref_squeeze %dma_start3A_610 : memref<1x8x64xi32, #tpu.memory_space<vmem>> -> memref<8x64xi32, #tpu.memory_space<vmem>>
        %dma_start3A_612 = arith.constant 0 : i32
        %dma_start3A_613 = arith.constant 0 : i32
        %dma_start3A_614 = tpu.memref_slice %arg4[%add3A_605, %dma_start3A_612, %dma_start3A_613] : memref<320x8x64xi32, #tpu.memory_space<hbm>> -> memref<1x8x64xi32, #tpu.memory_space<hbm>>
        %dma_start3A_615 = tpu.memref_squeeze %dma_start3A_614 : memref<1x8x64xi32, #tpu.memory_space<hbm>> -> memref<8x64xi32, #tpu.memory_space<hbm>>
        %dma_start3A_616 = arith.constant 0 : i32
        %dma_start3A_617 = arith.constant 0 : i32
        %dma_start3A_618 = tpu.memref_slice %arg7[%sub3A_607, %dma_start3A_616, %dma_start3A_617] : memref<2x8x64xi32, #tpu.memory_space<vmem>> -> memref<1x8x64xi32, #tpu.memory_space<vmem>>
        %dma_start3A_619 = tpu.memref_squeeze %dma_start3A_618 : memref<1x8x64xi32, #tpu.memory_space<vmem>> -> memref<8x64xi32, #tpu.memory_space<vmem>>
        %dma_start3A_620 = arith.constant 0 : i32
        %dma_start3A_621 = arith.constant 0 : i32
        %dma_start3A_622 = tpu.memref_slice %arg4[%add3A_605, %dma_start3A_620, %dma_start3A_621] : memref<320x8x64xi32, #tpu.memory_space<hbm>> -> memref<1x8x64xi32, #tpu.memory_space<hbm>>
        %dma_start3A_623 = tpu.memref_squeeze %dma_start3A_622 : memref<1x8x64xi32, #tpu.memory_space<hbm>> -> memref<8x64xi32, #tpu.memory_space<hbm>>
        tpu.enqueue_dma source(%dma_start3A_623 : memref<8x64xi32, #tpu.memory_space<hbm>>) target(%dma_start3A_619 : memref<8x64xi32, #tpu.memory_space<vmem>>) target_semaphore(%arg18 : memref<!tpu.dma_semaphore, #tpu.memory_space<semaphore_mem>>)
      } else {
      }
    }
    %scan3A_84 = arith.constant 40 : i32
    %dma_wait3A = arith.constant 2 : i32
    %dma_wait3A_85 = arith.constant 0 : i32
    %dma_wait3A_86 = arith.constant 0 : i32
    %dma_wait3A_87 = tpu.memref_slice %arg8[%dma_wait3A, %dma_wait3A_85, %dma_wait3A_86] : memref<4x64x128xf32, #tpu.memory_space<vmem>> -> memref<1x64x128xf32, #tpu.memory_space<vmem>>
    %dma_wait3A_88 = tpu.memref_squeeze %dma_wait3A_87 : memref<1x64x128xf32, #tpu.memory_space<vmem>> -> memref<64x128xf32, #tpu.memory_space<vmem>>
    %dma_wait3A_89 = arith.constant 0 : i32
    %dma_wait3A_90 = arith.constant 0 : i32
    %dma_wait3A_91 = tpu.memref_slice %arg9[%dma_wait3A_89, %dma_wait3A_90] : memref<10240x128xf32, #tpu.memory_space<vmem_shared>> -> memref<64x128xf32, #tpu.memory_space<vmem_shared>>
    %dma_wait3A_92 = arith.constant 0 : i32
    %dma_wait3A_93 = arith.constant 0 : i32
    %dma_wait3A_94 = tpu.memref_slice %arg9[%dma_wait3A_92, %dma_wait3A_93] : memref<10240x128xf32, #tpu.memory_space<vmem_shared>> -> memref<64x128xf32, #tpu.memory_space<vmem_shared>>
    %dma_wait3A_95 = arith.constant 0 : i32
    %dma_wait3A_96 = arith.constant 0 : i32
    %dma_wait3A_97 = tpu.memref_slice %arg8[%dma_wait3A, %dma_wait3A_95, %dma_wait3A_96] : memref<4x64x128xf32, #tpu.memory_space<vmem>> -> memref<1x64x128xf32, #tpu.memory_space<vmem>>
    %dma_wait3A_98 = tpu.memref_squeeze %dma_wait3A_97 : memref<1x64x128xf32, #tpu.memory_space<vmem>> -> memref<64x128xf32, #tpu.memory_space<vmem>>
    tpu.wait_dma2 semaphore(%arg16 : memref<!tpu.dma_semaphore, #tpu.memory_space<semaphore_mem>>) src(%dma_wait3A_98 : memref<64x128xf32, #tpu.memory_space<vmem>>) dst(%dma_wait3A_94 : memref<64x128xf32, #tpu.memory_space<vmem_shared>>)
    %dma_wait3A_99 = arith.constant 3 : i32
    %dma_wait3A_100 = arith.constant 0 : i32
    %dma_wait3A_101 = arith.constant 0 : i32
    %dma_wait3A_102 = tpu.memref_slice %arg8[%dma_wait3A_99, %dma_wait3A_100, %dma_wait3A_101] : memref<4x64x128xf32, #tpu.memory_space<vmem>> -> memref<1x64x128xf32, #tpu.memory_space<vmem>>
    %dma_wait3A_103 = tpu.memref_squeeze %dma_wait3A_102 : memref<1x64x128xf32, #tpu.memory_space<vmem>> -> memref<64x128xf32, #tpu.memory_space<vmem>>
    %dma_wait3A_104 = arith.constant 0 : i32
    %dma_wait3A_105 = arith.constant 0 : i32
    %dma_wait3A_106 = tpu.memref_slice %arg9[%dma_wait3A_104, %dma_wait3A_105] : memref<10240x128xf32, #tpu.memory_space<vmem_shared>> -> memref<64x128xf32, #tpu.memory_space<vmem_shared>>
    %dma_wait3A_107 = arith.constant 0 : i32
    %dma_wait3A_108 = arith.constant 0 : i32
    %dma_wait3A_109 = tpu.memref_slice %arg9[%dma_wait3A_107, %dma_wait3A_108] : memref<10240x128xf32, #tpu.memory_space<vmem_shared>> -> memref<64x128xf32, #tpu.memory_space<vmem_shared>>
    %dma_wait3A_110 = arith.constant 0 : i32
    %dma_wait3A_111 = arith.constant 0 : i32
    %dma_wait3A_112 = tpu.memref_slice %arg8[%dma_wait3A_99, %dma_wait3A_110, %dma_wait3A_111] : memref<4x64x128xf32, #tpu.memory_space<vmem>> -> memref<1x64x128xf32, #tpu.memory_space<vmem>>
    %dma_wait3A_113 = tpu.memref_squeeze %dma_wait3A_112 : memref<1x64x128xf32, #tpu.memory_space<vmem>> -> memref<64x128xf32, #tpu.memory_space<vmem>>
    tpu.wait_dma2 semaphore(%arg17 : memref<!tpu.dma_semaphore, #tpu.memory_space<semaphore_mem>>) src(%dma_wait3A_113 : memref<64x128xf32, #tpu.memory_space<vmem>>) dst(%dma_wait3A_109 : memref<64x128xf32, #tpu.memory_space<vmem_shared>>)
    %barrier3A_114 = arith.constant 0 : index
    tpu.barrier barrier_id(%barrier3A_114)
    %mul3A_115 = arith.constant 640 : i32
    %mul3A_116 = arith.muli %arg1, %mul3A_115 : i32
    %mul3A_117 = arith.constant 10240 : i32
    %mul3A_118 = arith.muli %arg0, %mul3A_117 : i32
    %mul3A_119 = arith.constant 640 : i32
    %mul3A_120 = arith.muli %arg1, %mul3A_119 : i32
    %add3A_121 = arith.addi %mul3A_118, %mul3A_120 : i32
    "tpu.region"() ({
      %run_scoped3A_122 = tpu.sem_alloc : memref<!tpu.dma_semaphore, #tpu.memory_space<semaphore_mem>>
      %dma_start3A_123 = arith.constant 0 : i32
      %dma_start3A_124 = tpu.memref_slice %arg5[%add3A_121, %dma_start3A_123] : memref<20480x128xf32, #tpu.memory_space<hbm>> -> memref<640x128xf32, #tpu.memory_space<hbm>>
      %dma_start3A_125 = arith.constant 0 : i32
      %dma_start3A_126 = tpu.memref_slice %arg9[%mul3A_116, %dma_start3A_125] : memref<10240x128xf32, #tpu.memory_space<vmem_shared>> -> memref<640x128xf32, #tpu.memory_space<vmem_shared>>
      tpu.enqueue_dma source(%dma_start3A_126 : memref<640x128xf32, #tpu.memory_space<vmem_shared>>) target(%dma_start3A_124 : memref<640x128xf32, #tpu.memory_space<hbm>>) target_semaphore(%run_scoped3A_122 : memref<!tpu.dma_semaphore, #tpu.memory_space<semaphore_mem>>)
      %dma_wait3A_127 = arith.constant 0 : i32
      %dma_wait3A_128 = tpu.memref_slice %arg5[%add3A_121, %dma_wait3A_127] : memref<20480x128xf32, #tpu.memory_space<hbm>> -> memref<640x128xf32, #tpu.memory_space<hbm>>
      %dma_wait3A_129 = arith.constant 0 : i32
      %dma_wait3A_130 = tpu.memref_slice %arg9[%mul3A_116, %dma_wait3A_129] : memref<10240x128xf32, #tpu.memory_space<vmem_shared>> -> memref<640x128xf32, #tpu.memory_space<vmem_shared>>
      tpu.wait_dma2 semaphore(%run_scoped3A_122 : memref<!tpu.dma_semaphore, #tpu.memory_space<semaphore_mem>>) src(%dma_wait3A_130 : memref<640x128xf32, #tpu.memory_space<vmem_shared>>) dst(%dma_wait3A_128 : memref<640x128xf32, #tpu.memory_space<hbm>>)
      tpu.yield
    }) : () -> ()
    return
  }
}

module attributes {stable_mosaic.version = 14 : i64} {
  func.func @_y_body(%arg0: i32, %arg1: i32, %arg2: memref<640x128xf32, #tpu.memory_space<vmem>>, %arg3: memref<640x1xf32, #tpu.memory_space<vmem>>, %arg4: memref<640x1xf32, #tpu.memory_space<vmem>>, %arg5: memref<640x128xf32, #tpu.memory_space<vmem>>) attributes {dimension_semantics = [#tpu.dimension_semantics<arbitrary>, #tpu.dimension_semantics<arbitrary>], iteration_bounds = array<i64: 2, 16>, scalar_prefetch = 0 : i64, scratch_operands = 0 : i64, tpu.core_type = #tpu.core_type<tc>, window_params = [{transform_indices = @transform_0, window_bounds = array<i64: 640, 128>}, {transform_indices = @transform_1, window_bounds = array<i64: 640, 1>}, {transform_indices = @transform_2, window_bounds = array<i64: 640, 1>}, {transform_indices = @transform_3, window_bounds = array<i64: 640, 128>}]} {
    %get3A = arith.constant 0 : index
    %get3A_0 = arith.constant 0 : index
    %get3A_1 = vector.load %arg3[%get3A, %get3A_0] : memref<640x1xf32, #tpu.memory_space<vmem>>, vector<640x1xf32>
    %get3A_2 = arith.constant 0 : index
    %get3A_3 = arith.constant 0 : index
    %get3A_4 = vector.load %arg4[%get3A_2, %get3A_3] : memref<640x1xf32, #tpu.memory_space<vmem>>, vector<640x1xf32>
    %add3A = arith.addf %get3A_1, %get3A_4 : vector<640x1xf32>
    %get3A_5 = arith.constant 0 : index
    %get3A_6 = arith.constant 0 : index
    %get3A_7 = vector.load %arg2[%get3A_5, %get3A_6] : memref<640x128xf32, #tpu.memory_space<vmem>>, vector<640x128xf32>
    %add3A_8 = arith.constant 1.000000e+00 : f32
    %add3A_9 = vector.broadcast %add3A_8 : f32 to vector<640x1xf32>
    %add3A_10 = arith.addf %add3A, %add3A_9 : vector<640x1xf32>
    %rsqrt3A = math.rsqrt %add3A_10 : vector<640x1xf32>
    %mul3A = vector.broadcast %rsqrt3A : vector<640x1xf32> to vector<640x128xf32>
    %mul3A_11 = arith.mulf %get3A_7, %mul3A : vector<640x128xf32>
    %swap3A = arith.constant 0 : index
    %swap3A_12 = arith.constant 0 : index
    %swap3A_13 = vector.load %arg5[%swap3A, %swap3A_12] : memref<640x128xf32, #tpu.memory_space<vmem>>, vector<640x128xf32>
    tpu.vector_store %arg5[%swap3A, %swap3A_12], %mul3A_11 {strides = array<i32>} : memref<640x128xf32, #tpu.memory_space<vmem>>, vector<640x128xf32>,
    return
  }
  func.func @transform_0(%arg0: i32, %arg1: i32) -> (i32, i32) {
    %c0_i32 = arith.constant 0 : i32
    return %arg1, %arg0 : i32, i32
  }
  func.func @transform_1(%arg0: i32, %arg1: i32) -> (i32, i32) {
    %c0_i32 = arith.constant 0 : i32
    %c0_i32_0 = arith.constant 0 : i32
    return %arg1, %c0_i32 : i32, i32
  }
  func.func @transform_2(%arg0: i32, %arg1: i32) -> (i32, i32) {
    %c0_i32 = arith.constant 0 : i32
    %c0_i32_0 = arith.constant 0 : i32
    return %arg1, %c0_i32 : i32, i32
  }
  func.func @transform_3(%arg0: i32, %arg1: i32) -> (i32, i32) {
    %mul3A = arith.constant 16 : i32
    %mul3A_0 = arith.muli %arg0, %mul3A : i32
    %add3A = arith.addi %mul3A_0, %arg1 : i32
    %c0_i32 = arith.constant 0 : i32
    %c0_i32_1 = arith.constant 0 : i32
    return %add3A, %c0_i32 : i32, i32
  }
}

module attributes {stable_mosaic.version = 14 : i64} {
  func.func @_scale_body(%arg0: i32, %arg1: i32, %arg2: memref<640x128xf32, #tpu.memory_space<vmem>>, %arg3: memref<640x1xf32, #tpu.memory_space<vmem>>, %arg4: memref<640x1xf32, #tpu.memory_space<vmem>>, %arg5: memref<640x128xf32, #tpu.memory_space<vmem>>) attributes {dimension_semantics = [#tpu.dimension_semantics<arbitrary>, #tpu.dimension_semantics<arbitrary>], iteration_bounds = array<i64: 2, 16>, scalar_prefetch = 0 : i64, scratch_operands = 0 : i64, tpu.core_type = #tpu.core_type<tc>, window_params = [{transform_indices = @transform_0, window_bounds = array<i64: 640, 128>}, {transform_indices = @transform_1, window_bounds = array<i64: 640, 1>}, {transform_indices = @transform_2, window_bounds = array<i64: 640, 1>}, {transform_indices = @transform_3, window_bounds = array<i64: 640, 128>}]} {
    %get3A = arith.constant 0 : index
    %get3A_0 = arith.constant 0 : index
    %get3A_1 = vector.load %arg3[%get3A, %get3A_0] : memref<640x1xf32, #tpu.memory_space<vmem>>, vector<640x1xf32>
    %get3A_2 = arith.constant 0 : index
    %get3A_3 = arith.constant 0 : index
    %get3A_4 = vector.load %arg4[%get3A_2, %get3A_3] : memref<640x1xf32, #tpu.memory_space<vmem>>, vector<640x1xf32>
    %add3A = arith.addf %get3A_1, %get3A_4 : vector<640x1xf32>
    %get3A_5 = arith.constant 0 : index
    %get3A_6 = arith.constant 0 : index
    %get3A_7 = vector.load %arg2[%get3A_5, %get3A_6] : memref<640x128xf32, #tpu.memory_space<vmem>>, vector<640x128xf32>
    %add3A_8 = arith.constant 1.000000e+00 : f32
    %add3A_9 = vector.broadcast %add3A_8 : f32 to vector<640x1xf32>
    %add3A_10 = arith.addf %add3A, %add3A_9 : vector<640x1xf32>
    %rsqrt3A = math.rsqrt %add3A_10 : vector<640x1xf32>
    %mul3A = vector.broadcast %rsqrt3A : vector<640x1xf32> to vector<640x128xf32>
    %mul3A_11 = arith.mulf %get3A_7, %mul3A : vector<640x128xf32>
    %swap3A = arith.constant 0 : index
    %swap3A_12 = arith.constant 0 : index
    %swap3A_13 = vector.load %arg5[%swap3A, %swap3A_12] : memref<640x128xf32, #tpu.memory_space<vmem>>, vector<640x128xf32>
    tpu.vector_store %arg5[%swap3A, %swap3A_12], %mul3A_11 {strides = array<i32>} : memref<640x128xf32, #tpu.memory_space<vmem>>, vector<640x128xf32>,
    return
  }
  func.func @transform_0(%arg0: i32, %arg1: i32) -> (i32, i32) {
    %mul3A = arith.constant 16 : i32
    %mul3A_0 = arith.muli %arg0, %mul3A : i32
    %add3A = arith.addi %mul3A_0, %arg1 : i32
    %c0_i32 = arith.constant 0 : i32
    %c0_i32_1 = arith.constant 0 : i32
    return %add3A, %c0_i32 : i32, i32
  }
  func.func @transform_1(%arg0: i32, %arg1: i32) -> (i32, i32) {
    %c0_i32 = arith.constant 0 : i32
    %c0_i32_0 = arith.constant 0 : i32
    return %arg1, %c0_i32 : i32, i32
  }
  func.func @transform_2(%arg0: i32, %arg1: i32) -> (i32, i32) {
    %c0_i32 = arith.constant 0 : i32
    %c0_i32_0 = arith.constant 0 : i32
    return %arg1, %c0_i32 : i32, i32
  }
  func.func @transform_3(%arg0: i32, %arg1: i32) -> (i32, i32) {
    %c0_i32 = arith.constant 0 : i32
    return %arg1, %arg0 : i32, i32
  }
}

</mosaic_0001>

<sc_bundles>
// kernel: kernel.6.cloned.1.call-start
scs
__scs_entry_jumppad:
0x0: {  	(pc) =	sbr.rel $0x88, $3  }
0x1: {  	(tag) =	ssettag $0x0;
	lr =	simm.s32 $0x1  }
0x2: {  	[smem:$0x3F9F] =	sst lr;
	_ =	strace $0xD0000000  }
0x3: {  	_ = 	snop  }
0x4: {  	_ = 	snop  }
0x5: {  	_ = 	snop  }
0x6: {  	_ = 	snop  }
0x7: {  	_ = 	snop  }
__scs_overlays_trampoline_lowered:
0x8: {  	[smem:$0x3FAE] =	sst s0  }
0x9: {  	[smem:$0x3FAF] =	sst s1  }
0xa: {  	[smem:$0x3FB0] =	sst s2  }
0xb: {  	[smem:$0x3FB1] =	sst s3  }
0xc: {  	[smem:$0x3FB2] =	sst s4  }
0xd: {  	[smem:$0x3FB3] =	sst s5  }
0xe: {  	[smem:$0x3FB4] =	sst s6  }
0xf: {  	[smem:$0x3FB5] =	sst s7  }
0x10: {  	[smem:$0x3FB6] =	sst s8  }
0x11: {  	[smem:$0x3FB7] =	sst s9;
	s0 =	simm.s32 @!p0 $0x0  }
0x12: {  	s1 =	sld [smem:$0x3F9D];
	s0 =	simm.s32 @p0 $0x1  }
0x13: {  	[smem:$0x3FB8] =	sst s0;
	s0 =	simm.s32 @!p1 $0x0  }
0x14: {  	s2 =	sld [smem:$0x3F9C];
	s0 =	simm.s32 @p1 $0x1  }
0x15: {  	[smem:$0x3FB9] =	sst s0;
	s0 =	simm.s32 @!p2 $0x0  }
0x16: {  	s3 =	sld [smem:$0x3FDB];
	s0 =	simm.s32 @p2 $0x1  }
0x17: {  	s4 =	simm.s32 $0x1BF5;
	[smem:$0x3FBB] =	sst s0  }
0x18: {  	s0 =	sld [smem:$0x3F9E];
	_ =	swait.ge [sflag:s4], $0x0  }
0x19: {  	s7 =	sld [smem:$0x3F9F]  }
0x1a: {  	s8 =	sadd.s32 $0xFFFFE003, lr  }
0x1b: {  	s9 =	sadd.s32 $0xFFFFFEF7, lr;
	s5 =	simm.s32 $0xFFFFFFFF;
	p2 =	slt.u32 s8, $0xFFFFF086  }
0x1c: {  	p1 =	slt.u32 s9, $0xF7A;
	s5 =	simm.s32 @!p2 $0x0  }
0x1d: {  	s5 =	simm.s32 @p1 $0x1;
	p0 =	seq.s32 s7, s2  }
0x1e: {  	s7 =	smul.u32 @!p0 $0xF7A, s2;
	p2 =	seq.s32 @!p0 s5, $0x0  }
0x1f: {  	s9 =	smul.u32 $0xF7A, s1;
	s8 =	simm.s32 @!p0 $0x1BF5;
	p2 =	por !p2, p0  }
0x20: {  	[sflag:s8] =	ssyncset.s32 @!p0 $0xFFFFF086;
	s6 =	sadd.s32 @!p0 s3, s7;
	s7 =	simm.s32 @!p0 $0x108  }
0x21: {  	s3 =	sadd.s32 s3, s9;
	s6 =	sadd.s32 @!p0 $0x88, s6;
	s7 =	simm.s32 @p2 $0x1082  }
0x22: {  	[simem:s7], [sflag:s8] =	dma.local @!p0 [hbm:s6], $0xF7A  }
0x23: {  	s9 =	sor.u32 $0xD0000000, s2;
	s6 =	simm.s32 $0x108;
	_ =	swait.ge @!p0 [sflag:s8], $0x0  }
0x24: {  	s3 =	sadd.s32 $0x88, s3;
	s6 =	simm.s32 @!p1 $0x1082;
	[sflag:s4] =	ssyncset.s32 $0xFFFFF086  }
0x25: {  	[simem:s6], [sflag:s4] =	dma.local [hbm:s3], $0xF7A  }
0x26: {  	[smem:$0x3F9F] =	sst s1;
	(tag) =	ssettag s2;
	_ =	strace s9  }
0x27: {  	s1 =	sld [smem:$0x3FAF]  }
0x28: {  	s2 =	sld [smem:$0x3FB0]  }
0x29: {  	s4 =	sld [smem:$0x3FB2]  }
0x2a: {  	p0 =	seq.s32 s5, $0x0;
	s5 =	sld [smem:$0x3FB3]  }
0x2b: {  	s6 =	sld [smem:$0x3FB4]  }
0x2c: {  	s7 =	sld [smem:$0x3FB5]  }
0x2d: {  	s3 =	simm.s32 $0x108;
	s8 =	sld [smem:$0x3FB6]  }
0x2e: {  	s3 =	simm.s32 @!p0 $0x1082;
	s9 =	sld [smem:$0x3FB7]  }
0x2f: {  	lr =	sadd.s32 s0, s3;
	s0 =	sld [smem:$0x3FAE]  }
0x30: {  	s3 =	sld [smem:$0x3FB1]  }
0x31: {  	[smem:$0x3FBA] =	sst s10  }
0x32: {  	s10 =	sld [smem:$0x3FB8];
	_ =	sdelay $0x3  }
0x33: {  	p0 =	seq.s32 s10, $0x1;
	s10 =	sld [smem:$0x3FBA];
	_ =	sdelay $0x3  }
0x34: {  	[smem:$0x3FBA] =	sst s10  }
0x35: {  	s10 =	sld [smem:$0x3FB9];
	_ =	sdelay $0x3  }
0x36: {  	p1 =	seq.s32 s10, $0x1;
	s10 =	sld [smem:$0x3FBA];
	_ =	sdelay $0x3  }
0x37: {  	[smem:$0x3FBA] =	sst s10  }
0x38: {  	s10 =	sld [smem:$0x3FBB]  }
0x39: {  	_ = 	snop;
	(pc) =	sbr.ind lr, $3  }
0x3a: {  	_ = 	snop  }
0x3b: {  	_ = 	snop  }
0x3c: {  	p2 =	seq.s32 s10, $0x1;
	s10 =	sld [smem:$0x3FBA]  }
0x3d: {  	_ =	shalt  }
0x3e: {  	_ =	shalt  }
0x3f: {  	_ =	shalt  }
0x40: {  	_ =	shalt  }
0x41: {  	_ =	shalt  }
0x42: {  	_ =	shalt  }
0x43: {  	_ =	shalt  }
0x44: {  	_ =	shalt  }
0x45: {  	_ =	shalt  }
0x46: {  	_ =	shalt  }
0x47: {  	_ =	shalt  }
0x48: {  	_ =	shalt  }
0x49: {  	_ =	shalt  }
0x4a: {  	_ =	shalt  }
0x4b: {  	_ =	shalt  }
0x4c: {  	_ =	shalt  }
0x4d: {  	_ =	shalt  }
0x4e: {  	_ =	shalt  }
0x4f: {  	_ =	shalt  }
0x50: {  	_ =	shalt  }
0x51: {  	_ =	shalt  }
0x52: {  	_ =	shalt  }
0x53: {  	_ =	shalt  }
0x54: {  	_ =	shalt  }
0x55: {  	_ =	shalt  }
0x56: {  	_ =	shalt  }
0x57: {  	_ =	shalt  }
0x58: {  	_ =	shalt  }
0x59: {  	_ =	shalt  }
0x5a: {  	_ =	shalt  }
0x5b: {  	_ =	shalt  }
0x5c: {  	_ =	shalt  }
0x5d: {  	_ =	shalt  }
0x5e: {  	_ =	shalt  }
0x5f: {  	_ =	shalt  }
0x60: {  	_ =	shalt  }
0x61: {  	_ =	shalt  }
0x62: {  	_ =	shalt  }
0x63: {  	_ =	shalt  }
0x64: {  	_ =	shalt  }
0x65: {  	_ =	shalt  }
0x66: {  	_ =	shalt  }
0x67: {  	_ =	shalt  }
0x68: {  	_ =	shalt  }
0x69: {  	_ =	shalt  }
0x6a: {  	_ =	shalt  }
0x6b: {  	_ =	shalt  }
0x6c: {  	_ =	shalt  }
0x6d: {  	_ =	shalt  }
0x6e: {  	_ =	shalt  }
0x6f: {  	_ =	shalt  }
0x70: {  	_ =	shalt  }
0x71: {  	_ =	shalt  }
0x72: {  	_ =	shalt  }
0x73: {  	_ =	shalt  }
0x74: {  	_ =	shalt  }
0x75: {  	_ =	shalt  }
0x76: {  	_ =	shalt  }
0x77: {  	_ =	shalt  }
0x78: {  	_ =	shalt  }
0x79: {  	_ =	shalt  }
0x7a: {  	_ =	shalt  }
0x7b: {  	_ =	shalt  }
0x7c: {  	_ =	shalt  }
0x7d: {  	_ =	shalt  }
0x7e: {  	_ =	shalt  }
0x7f: {  	_ =	shalt  }
0x80: {  	_ =	shalt  }
0x81: {  	_ =	shalt  }
0x82: {  	_ =	shalt  }
0x83: {  	_ =	shalt  }
0x84: {  	_ =	shalt  }
0x85: {  	_ =	shalt  }
0x86: {  	_ =	shalt  }
0x87: {  	_ =	shalt  }
.Lfunc_end0:
.L_simem_size_0:
called_computation_lowered:
.L_overlay_start_0:
0x88: {  	s2 =	sld [smem:$0x3FD9]  }
0x89: {  	s3 =	sld [smem:$0x3FFE];
	_ =	sdelay $0x1  }
0x8a: {  	s1 =	srdreg.scid  }
0x8b: {  	s0 =	sand.u32 $0x1, s1  }
0x8c: {  	s16 =	sshll.u32 s0, $0xA;
	s2 =	sadd.s32 s3, s2  }
0x8d: {  	s2 =	sadd.s32 s2, s16  }
0x8e: {  	[smem:$0x3FC6] =	sst s2  }
0x8f: {  	_ = 	snop  }
0x90: {  	(tm) =	ssettm $0x1  }
0x91: {  	s17 =	sld [smem:$0x3FFB];
	_ =	sdelay $0x3  }
0x92: {  	_ =	strace s17  }
0x93: {  	s2 =	sld [smem:$0x3FFC];
	_ =	sdelay $0x3  }
0x94: {  	_ =	strace s2  }
0x95: {  	s2 =	sld [smem:$0x3FFD];
	_ =	sdelay $0x3  }
0x96: {  	_ =	strace s2  }
0x97: {  	_ =	strace $0x8FFFFFFF  }
0x98: {  	s18 =	sld [smem:$0x3FDB];
	_ =	sdelay $0x1  }
0x99: {  	s19 =	simm.s32 $_scs_section_size  }
0x9a: {  	s4 =	simm.s32 $_size__tile_overlayer_lowered;
	s5 =	simm.s32 $_tile_overlayer_lowered  }
0x9b: {  	s22 =	simm.s32 $0x1BFF;
	s21 =	sshll.u32 s5, $0x1;
	s2 =	sadd.s32 s19, s18  }
0x9c: {  	s6 =	simm.s32 $0x0;
	s20 =	sshll.u32 s4, $0x1;
	s4 =	sadd.s32 s21, s2  }
0x9d: {  	[timem:s6], [sflag:s22] =	dma.local [hbm:s4], s20  }
0x9e: {  	_ =	swait.ge [sflag:s22], s20  }
0x9f: {  	s3 =	ssub.s32 $0x0, s20;
	[sflag:s22] =	ssyncset.done $0x0  }
0xa0: {  	[sflag:s22] =	ssyncadd.s32 s3;
	_ =	sdelay $0x1  }
0xa1: {  	s23 =	simm.s32 $0x1B8B  }
0xa2: {  	_ =	swait.ge [sflag:s23], $0x1  }
0xa3: {  	[sflag:s23] =	ssyncset.done $0x0  }
0xa4: {  	s25 =	simm.s32 $0x1B8E;
	s24 =	sld [smem:$0x3FFE];
	[sflag:s23] =	ssyncadd.s32 $0xFFFFFFFF  }
0xa5: {  	s26 =	simm.s32 $execute0_lowered;
	[smem:$0x3FD2] =	sst s25  }
0xa6: {  	s4 =	sshll.u32 s26, $0x1;
	_ =	strace $0x80000046;
	[dreg:$0x1] =	wrdreg $0xFFFFFFFF  }
0xa7: {  	s28 =	simm.s32 $_size_execute0_lowered;
	s2 =	sadd.s32 s2, s4;
	[dreg:$0x0] =	wrdreg $0x0  }
0xa8: {  	s4 =	sshll.u32 s28, $0x1;
	[dreg:$0x2] =	wrdreg s2  }
0xa9: {  	[dreg:$0x3] =	wrdreg s4  }
0xaa: {  	[dreg:$0x4] =	wrdreg $0xC0  }
0xab: {  	_ =	task [dreg:s6], $0x5FFFF  }
0xac: {  	[dreg:$0x1] =	wrdreg $0xFFFFFFFF  }
0xad: {  	[dreg:$0x0] =	wrdreg $0x60  }
0xae: {  	[dreg:$0x2] =	wrdreg s24  }
0xaf: {  	[dreg:$0x3] =	wrdreg $0x14800  }
0xb0: {  	[dreg:$0x4] =	wrdreg $0x9  }
0xb1: {  	_ =	task.clear_ibuf [dreg:s6], $0x5FFFF;
	_ =	strace $0x90000046  }
0xb2: {  	s29 =	simm.s32 $0x9;
	_ =	strace $0x80000048  }
0xb3: {  	_ =	swait.ge [sflag:s29], $0x1  }
0xb4: {  	[sflag:s29] =	ssyncadd.s32 $0xFFFFFFFF  }
0xb5: {  	_ =	strace $0x90000048  }
0xb6: {  	_ =	sfence  }
0xb7: {  	s30 =	sld [smem:$0x0];
	_ =	sdelay $0x2  }
0xb8: {  	s31 =	sshll.u32 s1, $0xD;
	s1 =	sshrl.u32 s1, $0x2  }
0xb9: {  	s3 =	sand.u32 $0x4000, s31;
	s1 =	sadd.s32 s1, s30  }
0xba: {  	s0 =	sor.u32 s3, s0;
	s1 =	sshll.u32 s1, $0x11  }
0xbb: {  	s0 =	sor.u32 s1, s0  }
0xbc: {  	s0 =	sadd.s32 $0x8F2B, s0  }
0xbd: {  	[sflag:s0] =	ssyncadd.remote.s32 $0x1  }
0xbe: {  	_ =	sfence.sel $0xFFFF  }
0xbf: {  	[dreg:$0x0] =	wrdreg $0xFFFFFFFF;
	(pc) =	sbr.abs _section_cstart, $3  }
0xc0: {  	[dreg:$0x1] =	wrdreg $0xFFFFFFFF  }
0xc1: {  	_ =	task.clear_ibuf [dreg:s6], $0x2FFFF;
	_ =	strace $0x9FFFFFFF  }
0xc2: {  	(tm) =	ssettm $0x7FFFFFFF  }
0xc3: {  	_ =	shalt  }
tec
execute0_lowered:
.L_overlay_start_1:
0x0: {  	(tag) =	ssettag $0x1  }
0x1: {  	s6 =	rddreg [dreg:$0x0]  }
0x2: {  	s2 =	rddreg [dreg:$0x1];
	s4 =	srdreg.scid  }
0x3: {  	s0 =	stileid.u32;
	s3 =	simm.s32 $0x0;
	s17 =	simm.s32 $0x1000  }
0x4: {  	s16 =	simm.s32 $0x400;
	s18 =	simm.s32 $0x1080;
	s19 =	simm.s32 $0x1100  }
0x5: {  	s31 =	simm.s32 $0x1180;
	s20 =	simm.s32 $0x2;
	s21 =	simm.s32 $0x3  }
0x6: {  	s22 =	simm.s32 $0x4;
	s23 =	simm.s32 $0x0;
	s7 =	sand.u32 $0x1, s4  }
0x7: {  	s8 =	smul.u32 $0x280, s0;
	[smem:$0x7FF] =	sst s3;
	s4 =	sadd.s32 $0x6200, s6  }
0x8: {  	s9 =	smul.u32 $0x2800, s7;
	_ =	strace $0x80000047;
	[dreg:$0x3] =	wrdreg s17  }
0x9: {  	s5 =	sshll.u32 s7, $0x4;
	s7 =	ssub.s32 $0x2, s7;
	[dreg:$0x4] =	wrdreg s18  }
0xa: {  	s17 =	simm.s32 $0xC00;
	s18 =	simm.s32 $0x80;
	[dreg:$0x5] =	wrdreg s19  }
0xb: {  	[dreg:$0x7] =	wrdreg s31;
	s19 =	simm.s32 $0x1;
	s10 =	sor.u32 s0, s5  }
0xc: {  	s5 =	sadd.s32 $0x1200, s6;
	s9 =	sadd.s32 s8, s9;
	s11 =	smul.u32 $0x5, s10  }
0xd: {  	s26 =	sshrl.u32 s7, $0x1;
	s12 =	smul.u32 $0x1400, s10;
	s9 =	sshrl.u32 s9, $0x3  }
0xe: {  	s28 =	smul.u32 $0x280, s10;
	s14 =	ssub.s32 s7, s26;
	s13 =	sadd.s32 s9, s6  }
0xf: {  	s6 =	sadd.s32 s8, s2;
	s29 =	sshrl.u32 s12, $0x3;
	[dreg:$0x6] =	wrdreg s11  }
0x10: {  	s7 =	sadd.s32 s4, s28;
	s8 =	sadd.s32 s5, s28;
	s12 =	smax.u32 s14, $0x1  }
0x11: {  	s14 =	simm.s32 $0x6;
	s30 =	sadd.s32 $0x80, s29;
	s11 =	sadd.s32 $0xB200, s13  }
0x12: {  	v0 =	vimm.f32 $0.0e+00;
	v1 =	vimm.f32 $1.000000000e+00;
	s13 =	simm.s32 $0x1200;
	s9 =	sadd.s32 s4, s30;
	s10 =	sadd.s32 s5, s30  }
.LBB2_1:
0x13: {  	[tilespmem:$0x1200] =	vst v0  }
0x14: {  	[tilespmem:$0x1210] =	vst v0  }
0x15: {  	[tilespmem:$0x1220] =	vst v0  }
0x16: {  	[tilespmem:$0x1230] =	vst v0  }
0x17: {  	[tilespmem:$0x1240] =	vst v0  }
0x18: {  	[tilespmem:$0x1250] =	vst v0  }
0x19: {  	[tilespmem:$0x1260] =	vst v0  }
0x1a: {  	[tilespmem:$0x1270] =	vst v0  }
0x1b: {  	[tilespmem:$0x1280] =	vst v0  }
0x1c: {  	[tilespmem:$0x1290] =	vst v0  }
0x1d: {  	[tilespmem:$0x12A0] =	vst v0  }
0x1e: {  	[tilespmem:$0x12B0] =	vst v0  }
0x1f: {  	[tilespmem:$0x12C0] =	vst v0  }
0x20: {  	[tilespmem:$0x12D0] =	vst v0  }
0x21: {  	[tilespmem:$0x12E0] =	vst v0  }
0x22: {  	[tilespmem:$0x12F0] =	vst v0  }
0x23: {  	[tilespmem:$0x1300] =	vst v0  }
0x24: {  	[tilespmem:$0x1310] =	vst v0  }
0x25: {  	[tilespmem:$0x1320] =	vst v0  }
0x26: {  	[tilespmem:$0x1330] =	vst v0  }
0x27: {  	[tilespmem:$0x1340] =	vst v0  }
0x28: {  	[tilespmem:$0x1350] =	vst v0  }
0x29: {  	[tilespmem:$0x1360] =	vst v0  }
0x2a: {  	[tilespmem:$0x1370] =	vst v0  }
0x2b: {  	[tilespmem:$0x1380] =	vst v0  }
0x2c: {  	[tilespmem:$0x1390] =	vst v0  }
0x2d: {  	[tilespmem:$0x13A0] =	vst v0  }
0x2e: {  	[tilespmem:$0x13B0] =	vst v0  }
0x2f: {  	[tilespmem:$0x13C0] =	vst v0  }
0x30: {  	[tilespmem:$0x13D0] =	vst v0  }
0x31: {  	[tilespmem:$0x13E0] =	vst v0  }
0x32: {  	[tilespmem:$0x13F0] =	vst v0  }
0x33: {  	[tilespmem:$0x1400] =	vst v0  }
0x34: {  	[tilespmem:$0x1410] =	vst v0  }
0x35: {  	[tilespmem:$0x1420] =	vst v0  }
0x36: {  	[tilespmem:$0x1430] =	vst v0  }
0x37: {  	[tilespmem:$0x1440] =	vst v0  }
0x38: {  	[tilespmem:$0x1450] =	vst v0  }
0x39: {  	[tilespmem:$0x1460] =	vst v0  }
0x3a: {  	[tilespmem:$0x1470] =	vst v0  }
0x3b: {  	[spmem:s6] =	stream.linear.scatter [tilespmem:s13], [sflag:$0x6], $0x280, $0x38;
	[tilespmem:$0x1700] =	vst v63  }
0x3c: {  	_ =	swait.ge [sflag:s14], $0x280  }
0x3d: {  	[sflag:s14] =	ssyncset.done $0x0  }
0x3e: {  	[sflag:s14] =	ssyncadd.s32 $0xFFFFFD80  }
0x3f: {  	[bflag:$0x0] =	sbarrier.arrive $0xFFFF  }
0x40: {  	[tilespmem:s3], [sflag:$0x6] =	stream.linear.gather [hbm4b:s7+s3], $0x400, $0x38;
	[tilespmem:$0x1700] =	vst v63  }
0x41: {  	_ =	swait.ge [sflag:s14], $0x400  }
0x42: {  	[sflag:s14] =	ssyncset.done $0x0  }
0x43: {  	s0 =	simm.s32 $0x800;
	[sflag:s14] =	ssyncadd.s32 $0xFFFFFC00  }
0x44: {  	[tilespmem:s0], [sflag:$0x6] =	stream.linear.gather [hbm4b:s8+s3], $0x400, $0x38;
	[tilespmem:$0x1700] =	vst v63  }
0x45: {  	_ =	swait.ge [sflag:s14], $0x400  }
0x46: {  	p0 =	por $0x1, $0x1;
	[sflag:s14] =	ssyncset.done $0x0  }
0x47: {  	p0 =	por p0, p0;
	[sflag:s14] =	ssyncadd.s32 $0xFFFFFC00  }
0x48: {  	[tilespmem:s16], [sflag:$0x5] =	stream.linear.gather [hbm4b:s9+s3], $0x400, $0x38;
	[tilespmem:$0x1700] =	vst v63  }
0x49: {  	s24 =	simm.s32 @!p0 $0x1  }
0x4a: {  	[tilespmem:s17], [sflag:$0x5] =	stream.linear.gather [hbm4b:s10+s3], $0x400, $0x38;
	[tilespmem:$0x1700] =	vst v63  }
0x4b: {  	_ =	swait.ge @!p0 [sflag:s24], $0x80  }
0x4c: {  	[sflag:s24] =	ssyncset.done @!p0 $0x0  }
0x4d: {  	s0 =	sand.u32 $0x600, s3;
	[sflag:s24] =	ssyncadd.s32 @!p0 $0xFFFFFF80  }
0x4e: {  	v2 =	vld [tilespmem:s0+$0x800];
	_ =	sdelay $0x4  }
0x4f: {  	vm0 =	veq.s32 v2, $0x2710  }
0x50: {  	v2 =	vsel vm0, $0x0, v1  }
0x51: {  	[tilespmem:$0x1000] =	vst v2  }
0x52: {  	v2 =	vld [tilespmem:s0+$0x810];
	_ =	sdelay $0x4  }
0x53: {  	vm9 =	veq.s32 v2, $0x2710  }
0x54: {  	v2 =	vsel vm9, $0x0, v1  }
0x55: {  	[tilespmem:$0x1010] =	vst v2  }
0x56: {  	v2 =	vld [tilespmem:s0+$0x820];
	_ =	sdelay $0x4  }
0x57: {  	vm10 =	veq.s32 v2, $0x2710  }
0x58: {  	v2 =	vsel vm10, $0x0, v1  }
0x59: {  	[tilespmem:$0x1020] =	vst v2  }
0x5a: {  	v2 =	vld [tilespmem:s0+$0x830];
	_ =	sdelay $0x4  }
0x5b: {  	vm11 =	veq.s32 v2, $0x2710  }
0x5c: {  	v2 =	vsel vm11, $0x0, v1  }
0x5d: {  	[tilespmem:$0x1030] =	vst v2  }
0x5e: {  	v2 =	vld [tilespmem:s0+$0x840];
	_ =	sdelay $0x4  }
0x5f: {  	vm12 =	veq.s32 v2, $0x2710  }
0x60: {  	v2 =	vsel vm12, $0x0, v1  }
0x61: {  	[tilespmem:$0x1040] =	vst v2  }
0x62: {  	v2 =	vld [tilespmem:s0+$0x850];
	_ =	sdelay $0x4  }
0x63: {  	vm13 =	veq.s32 v2, $0x2710  }
0x64: {  	v2 =	vsel vm13, $0x0, v1  }
0x65: {  	[tilespmem:$0x1050] =	vst v2  }
0x66: {  	v2 =	vld [tilespmem:s0+$0x860];
	_ =	sdelay $0x4  }
0x67: {  	vm14 =	veq.s32 v2, $0x2710  }
0x68: {  	v2 =	vsel vm14, $0x0, v1  }
0x69: {  	[tilespmem:$0x1060] =	vst v2  }
0x6a: {  	v2 =	vld [tilespmem:s0+$0x870];
	_ =	sdelay $0x4  }
0x6b: {  	vm15 =	veq.s32 v2, $0x2710  }
0x6c: {  	v2 =	vsel vm15, $0x0, v1  }
0x6d: {  	s26 =	simm.s32 @!p0 $0x2;
	s25 =	rddreg [dreg:$0x3];
	[tilespmem:$0x1070] =	vst v2  }
0x6e: {  	[spmem:s2] =	stream.indirect.scatter.add.f32 [tilespmem:s25], [sflag:$0x1], $0x1, s0, s18, $0xb8;
	[tilespmem:$0x1700] =	vst v63  }
0x6f: {  	_ =	swait.ge @!p0 [sflag:s26], $0x80  }
0x70: {  	[sflag:s26] =	ssyncset.done @!p0 $0x0  }
0x71: {  	s1 =	sor.u32 $0x880, s0;
	[sflag:s26] =	ssyncadd.s32 @!p0 $0xFFFFFF80  }
0x72: {  	v2 =	vld [tilespmem:s1+$0x0];
	_ =	sdelay $0x4  }
0x73: {  	vm4 =	veq.s32 v2, $0x2710  }
0x74: {  	v2 =	vsel vm4, $0x0, v1  }
0x75: {  	[tilespmem:$0x1080] =	vst v2  }
0x76: {  	v2 =	vld [tilespmem:s0+$0x890];
	_ =	sdelay $0x4  }
0x77: {  	vm5 =	veq.s32 v2, $0x2710  }
0x78: {  	v2 =	vsel vm5, $0x0, v1  }
0x79: {  	[tilespmem:$0x1090] =	vst v2  }
0x7a: {  	v2 =	vld [tilespmem:s0+$0x8A0];
	_ =	sdelay $0x4  }
0x7b: {  	vm6 =	veq.s32 v2, $0x2710  }
0x7c: {  	v2 =	vsel vm6, $0x0, v1  }
0x7d: {  	[tilespmem:$0x10A0] =	vst v2  }
0x7e: {  	v2 =	vld [tilespmem:s0+$0x8B0];
	_ =	sdelay $0x4  }
0x7f: {  	vm7 =	veq.s32 v2, $0x2710  }
0x80: {  	v2 =	vsel vm7, $0x0, v1  }
0x81: {  	[tilespmem:$0x10B0] =	vst v2  }
0x82: {  	v2 =	vld [tilespmem:s0+$0x8C0];
	_ =	sdelay $0x4  }
0x83: {  	vm8 =	veq.s32 v2, $0x2710  }
0x84: {  	v2 =	vsel vm8, $0x0, v1  }
0x85: {  	[tilespmem:$0x10C0] =	vst v2  }
0x86: {  	v2 =	vld [tilespmem:s0+$0x8D0];
	_ =	sdelay $0x4  }
0x87: {  	vm9 =	veq.s32 v2, $0x2710  }
0x88: {  	v2 =	vsel vm9, $0x0, v1  }
0x89: {  	[tilespmem:$0x10D0] =	vst v2  }
0x8a: {  	v2 =	vld [tilespmem:s0+$0x8E0];
	_ =	sdelay $0x4  }
0x8b: {  	vm10 =	veq.s32 v2, $0x2710  }
0x8c: {  	v2 =	vsel vm10, $0x0, v1  }
0x8d: {  	[tilespmem:$0x10E0] =	vst v2  }
0x8e: {  	v2 =	vld [tilespmem:s0+$0x8F0];
	_ =	sdelay $0x4  }
0x8f: {  	vm11 =	veq.s32 v2, $0x2710  }
0x90: {  	p1 =	por $0x0, $0x0;
	s28 =	simm.s32 @!p0 $0x3;
	v2 =	vsel vm11, $0x0, v1  }
0x91: {  	s24 =	sor.u32 $0x80, s0;
	s15 =	rddreg [dreg:$0x4];
	s26 =	sand.u32 $0x4, s3;
	[tilespmem:$0x10F0] =	vst v2  }
0x92: {  	[spmem:s2] =	stream.indirect.scatter.add.f32 [tilespmem:s15], [sflag:$0x2], $0x1, s24, s18, $0xb8;
	[tilespmem:$0x1700] =	vst v63  }
0x93: {  	p2 =	seq.s32 @!p1 s26, $0x0;
	_ =	swait.ge @!p0 [sflag:s28], $0x80  }
0x94: {  	p1 =	por p2, p1;
	[sflag:s28] =	ssyncset.done @!p0 $0x0  }
0x95: {  	s25 =	simm.s32 @!p1 $0x5;
	[sflag:s28] =	ssyncadd.s32 @!p0 $0xFFFFFF80  }
0x96: {  	_ =	swait.ge @!p1 [sflag:s25], $0x400  }
0x97: {  	[sflag:s25] =	ssyncset.done @!p1 $0x0  }
0x98: {  	[sflag:s25] =	ssyncadd.s32 @!p1 $0xFFFFFC00  }
0x99: {  	s24 =	sshll.u32 s26, $0x7;
	s28 =	sand.u32 $0x400, s3;
	_ =	swait.ge @!p1 [sflag:s25], $0x400  }
0x9a: {  	s28 =	sor.u32 s24, s28;
	[sflag:s25] =	ssyncset.done @!p1 $0x0  }
0x9b: {  	s29 =	sor.u32 $0x900, s28;
	[sflag:s25] =	ssyncadd.s32 @!p1 $0xFFFFFC00  }
0x9c: {  	v2 =	vld [tilespmem:s29+$0x0];
	_ =	sdelay $0x4  }
0x9d: {  	vm12 =	veq.s32 v2, $0x2710  }
0x9e: {  	v2 =	vsel vm12, $0x0, v1  }
0x9f: {  	[tilespmem:$0x1100] =	vst v2  }
0xa0: {  	v2 =	vld [tilespmem:s28+$0x910];
	_ =	sdelay $0x4  }
0xa1: {  	vm13 =	veq.s32 v2, $0x2710  }
0xa2: {  	v2 =	vsel vm13, $0x0, v1  }
0xa3: {  	[tilespmem:$0x1110] =	vst v2  }
0xa4: {  	v2 =	vld [tilespmem:s28+$0x920];
	_ =	sdelay $0x4  }
0xa5: {  	vm14 =	veq.s32 v2, $0x2710  }
0xa6: {  	v2 =	vsel vm14, $0x0, v1  }
0xa7: {  	[tilespmem:$0x1120] =	vst v2  }
0xa8: {  	v2 =	vld [tilespmem:s28+$0x930];
	_ =	sdelay $0x4  }
0xa9: {  	vm15 =	veq.s32 v2, $0x2710  }
0xaa: {  	v2 =	vsel vm15, $0x0, v1  }
0xab: {  	[tilespmem:$0x1130] =	vst v2  }
0xac: {  	v2 =	vld [tilespmem:s28+$0x940];
	_ =	sdelay $0x4  }
0xad: {  	vm4 =	veq.s32 v2, $0x2710  }
0xae: {  	v2 =	vsel vm4, $0x0, v1  }
0xaf: {  	[tilespmem:$0x1140] =	vst v2  }
0xb0: {  	v2 =	vld [tilespmem:s28+$0x950];
	_ =	sdelay $0x4  }
0xb1: {  	vm5 =	veq.s32 v2, $0x2710  }
0xb2: {  	v2 =	vsel vm5, $0x0, v1  }
0xb3: {  	[tilespmem:$0x1150] =	vst v2  }
0xb4: {  	v2 =	vld [tilespmem:s28+$0x960];
	_ =	sdelay $0x4  }
0xb5: {  	vm6 =	veq.s32 v2, $0x2710  }
0xb6: {  	v2 =	vsel vm6, $0x0, v1  }
0xb7: {  	[tilespmem:$0x1160] =	vst v2  }
0xb8: {  	v2 =	vld [tilespmem:s28+$0x970];
	_ =	sdelay $0x4  }
0xb9: {  	p1 =	sne.s32 @!p0 s26, $0x0;
	vm7 =	veq.s32 v2, $0x2710  }
0xba: {  	s1 =	sor.u32 $0x100, s28;
	p2 =	por p1, p0;
	v2 =	vsel vm7, $0x0, v1  }
0xbb: {  	s0 =	rddreg [dreg:$0x5];
	p2 =	por @!p2 $0x1, $0x1;
	s28 =	simm.s32 @!p0 $0x4;
	[tilespmem:$0x1170] =	vst v2  }
0xbc: {  	[spmem:s2] =	stream.indirect.scatter.add.f32 [tilespmem:s0], [sflag:$0x3], $0x1, s1, s18, $0xb8;
	[tilespmem:$0x1700] =	vst v63  }
0xbd: {  	s15 =	simm.s32 $0x0;
	p1 =	por @!p0 p2, p1;
	_ =	swait.ge @!p0 [sflag:s28], $0x80  }
0xbe: {  	s26 =	sand.u32 $0x1, s15;
	p1 =	por p1, p0;
	s25 =	rddreg [dreg:$0x6]  }
0xbf: {  	s29 =	sshll.u32 @!p1 s26, $0xA;
	s25 =	sadd.s32 @!p1 $0x0, s25  }
0xc0: {  	s26 =	sshll.u32 s26, $0xA;
	s30 =	simm.s32 @!p1 $0x0;
	s25 =	sshll.u32 @!p1 s25, $0x7  }
0xc1: {  	s29 =	sxor.u32 @!p1 $0x400, s29;
	[sflag:s28] =	ssyncset.done @!p0 $0x0;
	s25 =	sadd.s32 @!p1 $0x80, s25  }
0xc2: {  	s24 =	sor.u32 s26, s24;
	[sflag:s28] =	ssyncadd.s32 @!p0 $0xFFFFFF80;
	s28 =	sadd.s32 @!p1 s4, s25  }
0xc3: {  	[tilespmem:s29], [sflag:$0x5] =	stream.linear.gather @!p1 [hbm4b:s28+s30], $0x400, $0x38;
	[tilespmem:$0x1700] =	vst v63  }
0xc4: {  	s25 =	sadd.s32 @!p1 s5, s25;
	s28 =	sor.u32 @!p1 $0x800, s29;
	s29 =	sor.u32 $0x980, s24  }
0xc5: {  	[tilespmem:s28], [sflag:$0x5] =	stream.linear.gather @!p1 [hbm4b:s25+s30], $0x400, $0x38;
	[tilespmem:$0x1700] =	vst v63  }
0xc6: {  	v2 =	vld [tilespmem:s29+$0x0];
	_ =	sdelay $0x4  }
0xc7: {  	vm8 =	veq.s32 v2, $0x2710  }
0xc8: {  	v2 =	vsel vm8, $0x0, v1  }
0xc9: {  	[tilespmem:$0x1180] =	vst v2  }
0xca: {  	v2 =	vld [tilespmem:s24+$0x990];
	_ =	sdelay $0x4  }
0xcb: {  	vm9 =	veq.s32 v2, $0x2710  }
0xcc: {  	v2 =	vsel vm9, $0x0, v1  }
0xcd: {  	[tilespmem:$0x1190] =	vst v2  }
0xce: {  	v2 =	vld [tilespmem:s24+$0x9A0];
	_ =	sdelay $0x4  }
0xcf: {  	vm10 =	veq.s32 v2, $0x2710  }
0xd0: {  	v2 =	vsel vm10, $0x0, v1  }
0xd1: {  	[tilespmem:$0x11A0] =	vst v2  }
0xd2: {  	v2 =	vld [tilespmem:s24+$0x9B0];
	_ =	sdelay $0x4  }
0xd3: {  	vm11 =	veq.s32 v2, $0x2710  }
0xd4: {  	v2 =	vsel vm11, $0x0, v1  }
0xd5: {  	[tilespmem:$0x11B0] =	vst v2  }
0xd6: {  	v2 =	vld [tilespmem:s24+$0x9C0];
	_ =	sdelay $0x4  }
0xd7: {  	vm12 =	veq.s32 v2, $0x2710  }
0xd8: {  	v2 =	vsel vm12, $0x0, v1  }
0xd9: {  	[tilespmem:$0x11C0] =	vst v2  }
0xda: {  	v2 =	vld [tilespmem:s24+$0x9D0];
	_ =	sdelay $0x4  }
0xdb: {  	vm13 =	veq.s32 v2, $0x2710  }
0xdc: {  	v2 =	vsel vm13, $0x0, v1  }
0xdd: {  	[tilespmem:$0x11D0] =	vst v2  }
0xde: {  	v2 =	vld [tilespmem:s24+$0x9E0];
	_ =	sdelay $0x4  }
0xdf: {  	vm14 =	veq.s32 v2, $0x2710  }
0xe0: {  	v2 =	vsel vm14, $0x0, v1  }
0xe1: {  	[tilespmem:$0x11E0] =	vst v2  }
0xe2: {  	v2 =	vld [tilespmem:s24+$0x9F0];
	_ =	sdelay $0x3  }
0xe3: {  	p6 =	por $0x0, $0x0;
	s26 =	simm.s32 $0x4  }
0xe4: {  	s31 =	sor.u32 $0x180, s24;
	p0 =	por p6, p6;
	s28 =	simm.s32 $0x8;
	vm15 =	veq.s32 v2, $0x2710  }
0xe5: {  	s30 =	rddreg [dreg:$0x7];
	s25 =	simm.s32 $0x200;
	s24 =	simm.s32 $0x1;
	v2 =	vsel vm15, $0x0, v1  }
.LBB2_2:
0xe6: {  	s0 =	simm.s32 @!p0 $0x1;
	[tilespmem:$0x11F0] =	vst v2  }
0xe7: {  	[spmem:s2] =	stream.indirect.scatter.add.f32 [tilespmem:s30], [sflag:$0x4], $0x1, s31, s18, $0xb8;
	[tilespmem:$0x1700] =	vst v63  }
0xe8: {  	_ =	swait.ge @!p0 [sflag:s0], $0x80  }
0xe9: {  	[sflag:s0] =	ssyncset.done @!p0 $0x0  }
0xea: {  	s30 =	sand.u32 $0x600, s25;
	[sflag:s0] =	ssyncadd.s32 @!p0 $0xFFFFFF80  }
0xeb: {  	v2 =	vld [tilespmem:s30+$0x800];
	_ =	sdelay $0x4  }
0xec: {  	vm0 =	veq.s32 v2, $0x2710  }
0xed: {  	v2 =	vsel vm0, $0x0, v1  }
0xee: {  	[tilespmem:$0x1000] =	vst v2  }
0xef: {  	v2 =	vld [tilespmem:s30+$0x810];
	_ =	sdelay $0x4  }
0xf0: {  	vm9 =	veq.s32 v2, $0x2710  }
0xf1: {  	v2 =	vsel vm9, $0x0, v1  }
0xf2: {  	[tilespmem:$0x1010] =	vst v2  }
0xf3: {  	v2 =	vld [tilespmem:s30+$0x820];
	_ =	sdelay $0x4  }
0xf4: {  	vm10 =	veq.s32 v2, $0x2710  }
0xf5: {  	v2 =	vsel vm10, $0x0, v1  }
0xf6: {  	[tilespmem:$0x1020] =	vst v2  }
0xf7: {  	v2 =	vld [tilespmem:s30+$0x830];
	_ =	sdelay $0x4  }
0xf8: {  	vm11 =	veq.s32 v2, $0x2710  }
0xf9: {  	v2 =	vsel vm11, $0x0, v1  }
0xfa: {  	[tilespmem:$0x1030] =	vst v2  }
0xfb: {  	v2 =	vld [tilespmem:s30+$0x840];
	_ =	sdelay $0x4  }
0xfc: {  	vm12 =	veq.s32 v2, $0x2710  }
0xfd: {  	v2 =	vsel vm12, $0x0, v1  }
0xfe: {  	[tilespmem:$0x1040] =	vst v2  }
0xff: {  	v2 =	vld [tilespmem:s30+$0x850];
	_ =	sdelay $0x4  }
0x100: {  	vm13 =	veq.s32 v2, $0x2710  }
0x101: {  	v2 =	vsel vm13, $0x0, v1  }
0x102: {  	[tilespmem:$0x1050] =	vst v2  }
0x103: {  	v2 =	vld [tilespmem:s30+$0x860];
	_ =	sdelay $0x4  }
0x104: {  	vm14 =	veq.s32 v2, $0x2710  }
0x105: {  	v2 =	vsel vm14, $0x0, v1  }
0x106: {  	[tilespmem:$0x1060] =	vst v2  }
0x107: {  	v2 =	vld [tilespmem:s30+$0x870];
	_ =	sdelay $0x4  }
0x108: {  	vm15 =	veq.s32 v2, $0x2710  }
0x109: {  	v2 =	vsel vm15, $0x0, v1  }
0x10a: {  	s31 =	simm.s32 @!p0 $0x2;
	s1 =	rddreg [dreg:$0x3];
	[tilespmem:$0x1070] =	vst v2  }
0x10b: {  	[spmem:s2] =	stream.indirect.scatter.add.f32 [tilespmem:s1], [sflag:$0x1], $0x1, s30, s18, $0xb8;
	[tilespmem:$0x1700] =	vst v63  }
0x10c: {  	_ =	swait.ge @!p0 [sflag:s31], $0x80  }
0x10d: {  	[sflag:s31] =	ssyncset.done @!p0 $0x0  }
0x10e: {  	s15 =	sor.u32 $0x880, s30;
	[sflag:s31] =	ssyncadd.s32 @!p0 $0xFFFFFF80  }
0x10f: {  	v2 =	vld [tilespmem:s15+$0x0];
	_ =	sdelay $0x4  }
0x110: {  	vm4 =	veq.s32 v2, $0x2710  }
0x111: {  	v2 =	vsel vm4, $0x0, v1  }
0x112: {  	[tilespmem:$0x1080] =	vst v2  }
0x113: {  	v2 =	vld [tilespmem:s30+$0x890];
	_ =	sdelay $0x4  }
0x114: {  	vm5 =	veq.s32 v2, $0x2710  }
0x115: {  	v2 =	vsel vm5, $0x0, v1  }
0x116: {  	[tilespmem:$0x1090] =	vst v2  }
0x117: {  	v2 =	vld [tilespmem:s30+$0x8A0];
	_ =	sdelay $0x4  }
0x118: {  	vm6 =	veq.s32 v2, $0x2710  }
0x119: {  	v2 =	vsel vm6, $0x0, v1  }
0x11a: {  	[tilespmem:$0x10A0] =	vst v2  }
0x11b: {  	v2 =	vld [tilespmem:s30+$0x8B0];
	_ =	sdelay $0x4  }
0x11c: {  	vm7 =	veq.s32 v2, $0x2710  }
0x11d: {  	v2 =	vsel vm7, $0x0, v1  }
0x11e: {  	[tilespmem:$0x10B0] =	vst v2  }
0x11f: {  	v2 =	vld [tilespmem:s30+$0x8C0];
	_ =	sdelay $0x4  }
0x120: {  	vm8 =	veq.s32 v2, $0x2710  }
0x121: {  	v2 =	vsel vm8, $0x0, v1  }
0x122: {  	[tilespmem:$0x10C0] =	vst v2  }
0x123: {  	v2 =	vld [tilespmem:s30+$0x8D0];
	_ =	sdelay $0x4  }
0x124: {  	vm9 =	veq.s32 v2, $0x2710  }
0x125: {  	v2 =	vsel vm9, $0x0, v1  }
0x126: {  	[tilespmem:$0x10D0] =	vst v2  }
0x127: {  	v2 =	vld [tilespmem:s30+$0x8E0];
	_ =	sdelay $0x4  }
0x128: {  	vm10 =	veq.s32 v2, $0x2710  }
0x129: {  	v2 =	vsel vm10, $0x0, v1  }
0x12a: {  	[tilespmem:$0x10E0] =	vst v2  }
0x12b: {  	v2 =	vld [tilespmem:s30+$0x8F0];
	_ =	sdelay $0x4  }
0x12c: {  	vm11 =	veq.s32 v2, $0x2710  }
0x12d: {  	s26 =	sand.u32 $0x4, s26;
	p3 =	sgt.u32 s24, $0x7;
	v2 =	vsel vm11, $0x0, v1  }
0x12e: {  	s1 =	simm.s32 @!p0 $0x3;
	s0 =	rddreg [dreg:$0x4];
	s30 =	sor.u32 $0x80, s30;
	[tilespmem:$0x10F0] =	vst v2  }
0x12f: {  	[spmem:s2] =	stream.indirect.scatter.add.f32 [tilespmem:s0], [sflag:$0x2], $0x1, s30, s18, $0xb8;
	[tilespmem:$0x1700] =	vst v63  }
0x130: {  	p4 =	seq.s32 @!p3 s26, $0x0;
	_ =	swait.ge @!p0 [sflag:s1], $0x80  }
0x131: {  	p4 =	por p4, p3;
	[sflag:s1] =	ssyncset.done @!p0 $0x0  }
0x132: {  	s0 =	simm.s32 @!p4 $0x5;
	[sflag:s1] =	ssyncadd.s32 @!p0 $0xFFFFFF80  }
0x133: {  	p3 =	sne.s32 @!p0 s26, $0x0;
	_ =	swait.ge @!p4 [sflag:s0], $0x400  }
0x134: {  	s29 =	smov.u32 s28;
	p5 =	por p3, p0;
	[sflag:s0] =	ssyncset.done @!p4 $0x0  }
0x135: {  	s31 =	sshrl.u32 s24, $0x1;
	s30 =	sshll.u32 s26, $0x7;
	[sflag:s0] =	ssyncadd.s32 @!p4 $0xFFFFFC00  }
0x136: {  	s26 =	smov.u32 s29;
	s29 =	sand.u32 $0x400, s25;
	_ =	swait.ge @!p4 [sflag:s0], $0x400  }
0x137: {  	s15 =	sadd.s32 @!p0 $0xFFFFFFFF, s31;
	s1 =	sor.u32 s30, s29;
	[sflag:s0] =	ssyncset.done @!p4 $0x0  }
0x138: {  	p5 =	sgt.u32 @!p5 s15, $0x2;
	s15 =	sor.u32 $0x900, s1;
	[sflag:s0] =	ssyncadd.s32 @!p4 $0xFFFFFC00  }
0x139: {  	v2 =	vld [tilespmem:s15+$0x0];
	_ =	sdelay $0x4  }
0x13a: {  	vm12 =	veq.s32 v2, $0x2710  }
0x13b: {  	v2 =	vsel vm12, $0x0, v1  }
0x13c: {  	[tilespmem:$0x1100] =	vst v2  }
0x13d: {  	v2 =	vld [tilespmem:s1+$0x910];
	_ =	sdelay $0x4  }
0x13e: {  	vm13 =	veq.s32 v2, $0x2710  }
0x13f: {  	v2 =	vsel vm13, $0x0, v1  }
0x140: {  	[tilespmem:$0x1110] =	vst v2  }
0x141: {  	v2 =	vld [tilespmem:s1+$0x920];
	_ =	sdelay $0x4  }
0x142: {  	vm14 =	veq.s32 v2, $0x2710  }
0x143: {  	v2 =	vsel vm14, $0x0, v1  }
0x144: {  	[tilespmem:$0x1120] =	vst v2  }
0x145: {  	v2 =	vld [tilespmem:s1+$0x930];
	_ =	sdelay $0x4  }
0x146: {  	vm15 =	veq.s32 v2, $0x2710  }
0x147: {  	v2 =	vsel vm15, $0x0, v1  }
0x148: {  	[tilespmem:$0x1130] =	vst v2  }
0x149: {  	v2 =	vld [tilespmem:s1+$0x940];
	_ =	sdelay $0x4  }
0x14a: {  	vm4 =	veq.s32 v2, $0x2710  }
0x14b: {  	v2 =	vsel vm4, $0x0, v1  }
0x14c: {  	[tilespmem:$0x1140] =	vst v2  }
0x14d: {  	v2 =	vld [tilespmem:s1+$0x950];
	_ =	sdelay $0x4  }
0x14e: {  	vm5 =	veq.s32 v2, $0x2710  }
0x14f: {  	v2 =	vsel vm5, $0x0, v1  }
0x150: {  	[tilespmem:$0x1150] =	vst v2  }
0x151: {  	v2 =	vld [tilespmem:s1+$0x960];
	_ =	sdelay $0x4  }
0x152: {  	vm6 =	veq.s32 v2, $0x2710  }
0x153: {  	v2 =	vsel vm6, $0x0, v1  }
0x154: {  	[tilespmem:$0x1160] =	vst v2  }
0x155: {  	v2 =	vld [tilespmem:s1+$0x970];
	_ =	sdelay $0x4  }
0x156: {  	vm7 =	veq.s32 v2, $0x2710  }
0x157: {  	v2 =	vsel vm7, $0x0, v1  }
0x158: {  	s0 =	rddreg [dreg:$0x5];
	s15 =	simm.s32 @!p0 $0x4;
	s1 =	sor.u32 $0x100, s1;
	[tilespmem:$0x1170] =	vst v2  }
0x159: {  	[spmem:s2] =	stream.indirect.scatter.add.f32 [tilespmem:s0], [sflag:$0x3], $0x1, s1, s18, $0xb8;
	[tilespmem:$0x1700] =	vst v63  }
0x15a: {  	p3 =	por @!p0 p5, p3;
	_ =	swait.ge @!p0 [sflag:s15], $0x80  }
0x15b: {  	p3 =	por p3, p0;
	s0 =	rddreg [dreg:$0x6]  }
0x15c: {  	s1 =	sand.u32 $0x1, s31;
	s0 =	sadd.s32 @!p3 s0, s31  }
0x15d: {  	s29 =	sshll.u32 @!p3 s1, $0xA;
	s1 =	sshll.u32 s1, $0xA;
	s0 =	sshll.u32 @!p3 s0, $0x7  }
0x15e: {  	[sflag:s15] =	ssyncset.done @!p0 $0x0;
	s29 =	sxor.u32 @!p3 $0x400, s29;
	s0 =	sadd.s32 @!p3 $0x80, s0  }
0x15f: {  	[sflag:s15] =	ssyncadd.s32 @!p0 $0xFFFFFF80;
	s31 =	simm.s32 @!p3 $0x0;
	s15 =	sadd.s32 @!p3 s4, s0  }
0x160: {  	[tilespmem:s29], [sflag:$0x5] =	stream.linear.gather @!p3 [hbm4b:s15+s31], $0x400, $0x38;
	[tilespmem:$0x1700] =	vst v63  }
0x161: {  	s1 =	sor.u32 s1, s30;
	s0 =	sadd.s32 @!p3 s5, s0;
	s15 =	sor.u32 @!p3 $0x800, s29  }
0x162: {  	[tilespmem:s15], [sflag:$0x5] =	stream.linear.gather @!p3 [hbm4b:s0+s31], $0x400, $0x38;
	[tilespmem:$0x1700] =	vst v63  }
0x163: {  	s15 =	sor.u32 $0x980, s1  }
0x164: {  	v2 =	vld [tilespmem:s15+$0x0];
	_ =	sdelay $0x4  }
0x165: {  	vm8 =	veq.s32 v2, $0x2710  }
0x166: {  	v2 =	vsel vm8, $0x0, v1  }
0x167: {  	[tilespmem:$0x1180] =	vst v2  }
0x168: {  	v2 =	vld [tilespmem:s1+$0x990];
	_ =	sdelay $0x4  }
0x169: {  	vm9 =	veq.s32 v2, $0x2710  }
0x16a: {  	v2 =	vsel vm9, $0x0, v1  }
0x16b: {  	[tilespmem:$0x1190] =	vst v2  }
0x16c: {  	v2 =	vld [tilespmem:s1+$0x9A0];
	_ =	sdelay $0x4  }
0x16d: {  	vm10 =	veq.s32 v2, $0x2710  }
0x16e: {  	v2 =	vsel vm10, $0x0, v1  }
0x16f: {  	[tilespmem:$0x11A0] =	vst v2  }
0x170: {  	v2 =	vld [tilespmem:s1+$0x9B0];
	_ =	sdelay $0x4  }
0x171: {  	vm11 =	veq.s32 v2, $0x2710  }
0x172: {  	v2 =	vsel vm11, $0x0, v1  }
0x173: {  	[tilespmem:$0x11B0] =	vst v2  }
0x174: {  	v2 =	vld [tilespmem:s1+$0x9C0];
	_ =	sdelay $0x4  }
0x175: {  	vm12 =	veq.s32 v2, $0x2710  }
0x176: {  	v2 =	vsel vm12, $0x0, v1  }
0x177: {  	[tilespmem:$0x11C0] =	vst v2  }
0x178: {  	v2 =	vld [tilespmem:s1+$0x9D0];
	_ =	sdelay $0x4  }
0x179: {  	vm13 =	veq.s32 v2, $0x2710  }
0x17a: {  	v2 =	vsel vm13, $0x0, v1  }
0x17b: {  	[tilespmem:$0x11D0] =	vst v2  }
0x17c: {  	v2 =	vld [tilespmem:s1+$0x9E0];
	_ =	sdelay $0x4  }
0x17d: {  	vm14 =	veq.s32 v2, $0x2710  }
0x17e: {  	v2 =	vsel vm14, $0x0, v1  }
0x17f: {  	[tilespmem:$0x11E0] =	vst v2  }
0x180: {  	p2 =	seq.s32 s28, $0x0;
	s28 =	sadd.s32 $0x4, s28;
	v2 =	vld [tilespmem:s1+$0x9F0]  }
0x181: {  	p1 =	sne.s32 s28, $0x28  }
.Ltmp0:
0x182: {  	_ = 	snop;
	(pc) =	sbr.rel @p1 .LBB2_2-.Ltmp0, $3  }
0x183: {  	_ =	sdelay $0x1  }
0x184: {  	s24 =	sadd.s32 $0x1, s24;
	s25 =	sadd.s32 $0x200, s25;
	vm15 =	veq.s32 v2, $0x2710  }
0x185: {  	s30 =	rddreg [dreg:$0x7];
	p0 =	por p2, p2;
	s31 =	sor.u32 $0x180, s1;
	v2 =	vsel vm15, $0x0, v1  }
0x186: {  	s0 =	simm.s32 @!p0 $0x1;
	[tilespmem:$0x11F0] =	vst v2  }
0x187: {  	[spmem:s2] =	stream.indirect.scatter.add.f32 [tilespmem:s30], [sflag:$0x4], $0x1, s31, s18, $0xb8;
	[tilespmem:$0x1700] =	vst v63  }
0x188: {  	_ =	swait.ge @!p0 [sflag:s0], $0x80  }
0x189: {  	[sflag:s0] =	ssyncset.done @!p0 $0x0  }
0x18a: {  	s28 =	sand.u32 $0x600, s25;
	[sflag:s0] =	ssyncadd.s32 @!p0 $0xFFFFFF80  }
0x18b: {  	v2 =	vld [tilespmem:s28+$0x800];
	_ =	sdelay $0x4  }
0x18c: {  	vm0 =	veq.s32 v2, $0x2710  }
0x18d: {  	v2 =	vsel vm0, $0x0, v1  }
0x18e: {  	[tilespmem:$0x1000] =	vst v2  }
0x18f: {  	v2 =	vld [tilespmem:s28+$0x810];
	_ =	sdelay $0x4  }
0x190: {  	vm9 =	veq.s32 v2, $0x2710  }
0x191: {  	v2 =	vsel vm9, $0x0, v1  }
0x192: {  	[tilespmem:$0x1010] =	vst v2  }
0x193: {  	v2 =	vld [tilespmem:s28+$0x820];
	_ =	sdelay $0x4  }
0x194: {  	vm10 =	veq.s32 v2, $0x2710  }
0x195: {  	v2 =	vsel vm10, $0x0, v1  }
0x196: {  	[tilespmem:$0x1020] =	vst v2  }
0x197: {  	v2 =	vld [tilespmem:s28+$0x830];
	_ =	sdelay $0x4  }
0x198: {  	vm11 =	veq.s32 v2, $0x2710  }
0x199: {  	v2 =	vsel vm11, $0x0, v1  }
0x19a: {  	[tilespmem:$0x1030] =	vst v2  }
0x19b: {  	v2 =	vld [tilespmem:s28+$0x840];
	_ =	sdelay $0x4  }
0x19c: {  	vm12 =	veq.s32 v2, $0x2710  }
0x19d: {  	v2 =	vsel vm12, $0x0, v1  }
0x19e: {  	[tilespmem:$0x1040] =	vst v2  }
0x19f: {  	v2 =	vld [tilespmem:s28+$0x850];
	_ =	sdelay $0x4  }
0x1a0: {  	vm13 =	veq.s32 v2, $0x2710  }
0x1a1: {  	v2 =	vsel vm13, $0x0, v1  }
0x1a2: {  	[tilespmem:$0x1050] =	vst v2  }
0x1a3: {  	v2 =	vld [tilespmem:s28+$0x860];
	_ =	sdelay $0x4  }
0x1a4: {  	vm14 =	veq.s32 v2, $0x2710  }
0x1a5: {  	v2 =	vsel vm14, $0x0, v1  }
0x1a6: {  	[tilespmem:$0x1060] =	vst v2  }
0x1a7: {  	v2 =	vld [tilespmem:s28+$0x870];
	_ =	sdelay $0x4  }
0x1a8: {  	vm15 =	veq.s32 v2, $0x2710  }
0x1a9: {  	v2 =	vsel vm15, $0x0, v1  }
0x1aa: {  	s1 =	simm.s32 @!p0 $0x2;
	s31 =	rddreg [dreg:$0x3];
	[tilespmem:$0x1070] =	vst v2  }
0x1ab: {  	[spmem:s2] =	stream.indirect.scatter.add.f32 [tilespmem:s31], [sflag:$0x1], $0x1, s28, s18, $0xb8;
	[tilespmem:$0x1700] =	vst v63  }
0x1ac: {  	_ =	swait.ge @!p0 [sflag:s1], $0x80  }
0x1ad: {  	[sflag:s1] =	ssyncset.done @!p0 $0x0  }
0x1ae: {  	s15 =	sor.u32 $0x880, s28;
	[sflag:s1] =	ssyncadd.s32 @!p0 $0xFFFFFF80  }
0x1af: {  	v2 =	vld [tilespmem:s15+$0x0];
	_ =	sdelay $0x4  }
0x1b0: {  	vm4 =	veq.s32 v2, $0x2710  }
0x1b1: {  	v2 =	vsel vm4, $0x0, v1  }
0x1b2: {  	[tilespmem:$0x1080] =	vst v2  }
0x1b3: {  	v2 =	vld [tilespmem:s28+$0x890];
	_ =	sdelay $0x4  }
0x1b4: {  	vm5 =	veq.s32 v2, $0x2710  }
0x1b5: {  	v2 =	vsel vm5, $0x0, v1  }
0x1b6: {  	[tilespmem:$0x1090] =	vst v2  }
0x1b7: {  	v2 =	vld [tilespmem:s28+$0x8A0];
	_ =	sdelay $0x4  }
0x1b8: {  	vm6 =	veq.s32 v2, $0x2710  }
0x1b9: {  	v2 =	vsel vm6, $0x0, v1  }
0x1ba: {  	[tilespmem:$0x10A0] =	vst v2  }
0x1bb: {  	v2 =	vld [tilespmem:s28+$0x8B0];
	_ =	sdelay $0x4  }
0x1bc: {  	vm7 =	veq.s32 v2, $0x2710  }
0x1bd: {  	v2 =	vsel vm7, $0x0, v1  }
0x1be: {  	[tilespmem:$0x10B0] =	vst v2  }
0x1bf: {  	v2 =	vld [tilespmem:s28+$0x8C0];
	_ =	sdelay $0x4  }
0x1c0: {  	vm8 =	veq.s32 v2, $0x2710  }
0x1c1: {  	v2 =	vsel vm8, $0x0, v1  }
0x1c2: {  	[tilespmem:$0x10C0] =	vst v2  }
0x1c3: {  	v2 =	vld [tilespmem:s28+$0x8D0];
	_ =	sdelay $0x4  }
0x1c4: {  	vm9 =	veq.s32 v2, $0x2710  }
0x1c5: {  	v2 =	vsel vm9, $0x0, v1  }
0x1c6: {  	[tilespmem:$0x10D0] =	vst v2  }
0x1c7: {  	v2 =	vld [tilespmem:s28+$0x8E0];
	_ =	sdelay $0x4  }
0x1c8: {  	vm10 =	veq.s32 v2, $0x2710  }
0x1c9: {  	v2 =	vsel vm10, $0x0, v1  }
0x1ca: {  	[tilespmem:$0x10E0] =	vst v2  }
0x1cb: {  	v2 =	vld [tilespmem:s28+$0x8F0];
	_ =	sdelay $0x4  }
0x1cc: {  	vm11 =	veq.s32 v2, $0x2710  }
0x1cd: {  	p1 =	sgt.u32 s24, $0x7;
	s29 =	rddreg [dreg:$0x4];
	v2 =	vsel vm11, $0x0, v1  }
0x1ce: {  	s1 =	sand.u32 $0x4, s26;
	s26 =	simm.s32 @!p0 $0x3;
	s15 =	sor.u32 $0x80, s28;
	[tilespmem:$0x10F0] =	vst v2  }
0x1cf: {  	[spmem:s2] =	stream.indirect.scatter.add.f32 [tilespmem:s29], [sflag:$0x2], $0x1, s15, s18, $0xb8;
	[tilespmem:$0x1700] =	vst v63  }
0x1d0: {  	p2 =	seq.s32 @!p1 s1, $0x0;
	_ =	swait.ge @!p0 [sflag:s26], $0x80  }
0x1d1: {  	p1 =	por p2, p1;
	[sflag:s26] =	ssyncset.done @!p0 $0x0  }
0x1d2: {  	s0 =	simm.s32 @!p1 $0x5;
	[sflag:s26] =	ssyncadd.s32 @!p0 $0xFFFFFF80  }
0x1d3: {  	_ =	swait.ge @!p1 [sflag:s0], $0x400  }
0x1d4: {  	[sflag:s0] =	ssyncset.done @!p1 $0x0  }
0x1d5: {  	[sflag:s0] =	ssyncadd.s32 @!p1 $0xFFFFFC00  }
0x1d6: {  	s31 =	sand.u32 $0x400, s25;
	s30 =	sshll.u32 s1, $0x7;
	_ =	swait.ge @!p1 [sflag:s0], $0x400  }
0x1d7: {  	s15 =	sor.u32 s30, s31;
	[sflag:s0] =	ssyncset.done @!p1 $0x0  }
0x1d8: {  	s25 =	sor.u32 $0x900, s15;
	[sflag:s0] =	ssyncadd.s32 @!p1 $0xFFFFFC00  }
0x1d9: {  	v2 =	vld [tilespmem:s25+$0x0];
	_ =	sdelay $0x4  }
0x1da: {  	vm12 =	veq.s32 v2, $0x2710  }
0x1db: {  	v2 =	vsel vm12, $0x0, v1  }
0x1dc: {  	[tilespmem:$0x1100] =	vst v2  }
0x1dd: {  	v2 =	vld [tilespmem:s15+$0x910];
	_ =	sdelay $0x4  }
0x1de: {  	vm13 =	veq.s32 v2, $0x2710  }
0x1df: {  	v2 =	vsel vm13, $0x0, v1  }
0x1e0: {  	[tilespmem:$0x1110] =	vst v2  }
0x1e1: {  	v2 =	vld [tilespmem:s15+$0x920];
	_ =	sdelay $0x4  }
0x1e2: {  	vm14 =	veq.s32 v2, $0x2710  }
0x1e3: {  	v2 =	vsel vm14, $0x0, v1  }
0x1e4: {  	[tilespmem:$0x1120] =	vst v2  }
0x1e5: {  	v2 =	vld [tilespmem:s15+$0x930];
	_ =	sdelay $0x4  }
0x1e6: {  	vm15 =	veq.s32 v2, $0x2710  }
0x1e7: {  	v2 =	vsel vm15, $0x0, v1  }
0x1e8: {  	[tilespmem:$0x1130] =	vst v2  }
0x1e9: {  	v2 =	vld [tilespmem:s15+$0x940];
	_ =	sdelay $0x4  }
0x1ea: {  	vm4 =	veq.s32 v2, $0x2710  }
0x1eb: {  	v2 =	vsel vm4, $0x0, v1  }
0x1ec: {  	[tilespmem:$0x1140] =	vst v2  }
0x1ed: {  	v2 =	vld [tilespmem:s15+$0x950];
	_ =	sdelay $0x4  }
0x1ee: {  	vm5 =	veq.s32 v2, $0x2710  }
0x1ef: {  	v2 =	vsel vm5, $0x0, v1  }
0x1f0: {  	[tilespmem:$0x1150] =	vst v2  }
0x1f1: {  	v2 =	vld [tilespmem:s15+$0x960];
	_ =	sdelay $0x4  }
0x1f2: {  	vm6 =	veq.s32 v2, $0x2710  }
0x1f3: {  	v2 =	vsel vm6, $0x0, v1  }
0x1f4: {  	[tilespmem:$0x1160] =	vst v2  }
0x1f5: {  	v2 =	vld [tilespmem:s15+$0x970];
	_ =	sdelay $0x4  }
0x1f6: {  	s24 =	sshrl.u32 s24, $0x1;
	p1 =	sne.s32 @!p0 s1, $0x0;
	vm7 =	veq.s32 v2, $0x2710  }
0x1f7: {  	s29 =	sor.u32 $0x100, s15;
	s0 =	sadd.s32 @!p0 $0xFFFFFFFF, s24;
	p2 =	por p1, p0;
	v2 =	vsel vm7, $0x0, v1  }
0x1f8: {  	s28 =	rddreg [dreg:$0x5];
	p2 =	sgt.u32 @!p2 s0, $0x2;
	s15 =	simm.s32 @!p0 $0x4;
	[tilespmem:$0x1170] =	vst v2  }
0x1f9: {  	[spmem:s2] =	stream.indirect.scatter.add.f32 [tilespmem:s28], [sflag:$0x3], $0x1, s29, s18, $0xb8;
	[tilespmem:$0x1700] =	vst v63  }
0x1fa: {  	p1 =	por @!p0 p2, p1;
	_ =	swait.ge @!p0 [sflag:s15], $0x80  }
0x1fb: {  	p1 =	por p1, p0;
	s0 =	rddreg [dreg:$0x6]  }
0x1fc: {  	s1 =	sand.u32 $0x1, s24;
	s25 =	simm.s32 @!p1 $0x0;
	s0 =	sadd.s32 @!p1 s0, s24  }
0x1fd: {  	[sflag:s15] =	ssyncset.done @!p0 $0x0;
	s24 =	sshll.u32 @!p1 s1, $0xA;
	s0 =	sshll.u32 @!p1 s0, $0x7  }
0x1fe: {  	s1 =	sshll.u32 s1, $0xA;
	[sflag:s15] =	ssyncadd.s32 @!p0 $0xFFFFFF80;
	s0 =	sadd.s32 @!p1 $0x80, s0  }
0x1ff: {  	s24 =	sxor.u32 @!p1 $0x400, s24;
	s1 =	sor.u32 s1, s30;
	s15 =	sadd.s32 @!p1 s4, s0  }
0x200: {  	[tilespmem:s24], [sflag:$0x5] =	stream.linear.gather @!p1 [hbm4b:s15+s25], $0x400, $0x38;
	[tilespmem:$0x1700] =	vst v63  }
0x201: {  	s30 =	sor.u32 $0x980, s1;
	s0 =	sadd.s32 @!p1 s5, s0;
	s15 =	sor.u32 @!p1 $0x800, s24  }
0x202: {  	[tilespmem:s15], [sflag:$0x5] =	stream.linear.gather @!p1 [hbm4b:s0+s25], $0x400, $0x38;
	[tilespmem:$0x1700] =	vst v63  }
0x203: {  	v2 =	vld [tilespmem:s30+$0x0];
	_ =	sdelay $0x4  }
0x204: {  	vm8 =	veq.s32 v2, $0x2710  }
0x205: {  	v2 =	vsel vm8, $0x0, v1  }
0x206: {  	[tilespmem:$0x1180] =	vst v2  }
0x207: {  	v2 =	vld [tilespmem:s1+$0x990];
	_ =	sdelay $0x4  }
0x208: {  	vm9 =	veq.s32 v2, $0x2710  }
0x209: {  	v2 =	vsel vm9, $0x0, v1  }
0x20a: {  	[tilespmem:$0x1190] =	vst v2  }
0x20b: {  	v2 =	vld [tilespmem:s1+$0x9A0];
	_ =	sdelay $0x4  }
0x20c: {  	vm10 =	veq.s32 v2, $0x2710  }
0x20d: {  	v2 =	vsel vm10, $0x0, v1  }
0x20e: {  	[tilespmem:$0x11A0] =	vst v2  }
0x20f: {  	v2 =	vld [tilespmem:s1+$0x9B0];
	_ =	sdelay $0x4  }
0x210: {  	vm11 =	veq.s32 v2, $0x2710  }
0x211: {  	v2 =	vsel vm11, $0x0, v1  }
0x212: {  	[tilespmem:$0x11B0] =	vst v2  }
0x213: {  	v2 =	vld [tilespmem:s1+$0x9C0];
	_ =	sdelay $0x4  }
0x214: {  	vm12 =	veq.s32 v2, $0x2710  }
0x215: {  	v2 =	vsel vm12, $0x0, v1  }
0x216: {  	[tilespmem:$0x11C0] =	vst v2  }
0x217: {  	v2 =	vld [tilespmem:s1+$0x9D0];
	_ =	sdelay $0x4  }
0x218: {  	vm13 =	veq.s32 v2, $0x2710  }
0x219: {  	v2 =	vsel vm13, $0x0, v1  }
0x21a: {  	[tilespmem:$0x11D0] =	vst v2  }
0x21b: {  	v2 =	vld [tilespmem:s1+$0x9E0];
	_ =	sdelay $0x4  }
0x21c: {  	vm14 =	veq.s32 v2, $0x2710  }
0x21d: {  	v2 =	vsel vm14, $0x0, v1  }
0x21e: {  	[tilespmem:$0x11E0] =	vst v2  }
0x21f: {  	v2 =	vld [tilespmem:s1+$0x9F0];
	_ =	sdelay $0x4  }
0x220: {  	vm15 =	veq.s32 v2, $0x2710  }
0x221: {  	v2 =	vsel vm15, $0x0, v1  }
0x222: {  	s31 =	rddreg [dreg:$0x7];
	s1 =	sor.u32 $0x180, s1;
	[tilespmem:$0x11F0] =	vst v2  }
0x223: {  	[spmem:s2] =	stream.indirect.scatter.add.f32 [tilespmem:s31], [sflag:$0x4], $0x1, s1, s18, $0xb8;
	[tilespmem:$0x1700] =	vst v63  }
0x224: {  	_ =	swait.ge [sflag:s19], $0x80  }
0x225: {  	[sflag:s19] =	ssyncset.done $0x0  }
0x226: {  	[sflag:s19] =	ssyncadd.s32 $0xFFFFFF80  }
0x227: {  	_ =	swait.ge [sflag:s20], $0x80  }
0x228: {  	[sflag:s20] =	ssyncset.done $0x0  }
0x229: {  	[sflag:s20] =	ssyncadd.s32 $0xFFFFFF80  }
0x22a: {  	_ =	swait.ge [sflag:s21], $0x80  }
0x22b: {  	[sflag:s21] =	ssyncset.done $0x0  }
0x22c: {  	[sflag:s21] =	ssyncadd.s32 $0xFFFFFF80  }
0x22d: {  	_ =	swait.ge [sflag:s22], $0x80  }
0x22e: {  	[sflag:s22] =	ssyncset.done $0x0  }
0x22f: {  	[sflag:s22] =	ssyncadd.s32 $0xFFFFFF80  }
0x230: {  	[bflag:$0x0] =	sbarrier.arrive $0xFFFF  }
0x231: {  	[tilespmem:s13], [sflag:$0x6] =	stream.linear.gather [spmem:s6], $0x280, $0x38;
	[tilespmem:$0x1700] =	vst v63  }
0x232: {  	s23 =	sadd.s32 $0x1, s23;
	_ =	swait.ge [sflag:s14], $0x280  }
0x233: {  	p0 =	sne.s32 s23, s12;
	[sflag:s14] =	ssyncset.done $0x0  }
.Ltmp1:
0x234: {  	[sflag:s14] =	ssyncadd.s32 $0xFFFFFD80;
	(pc) =	sbr.rel @p0 .LBB2_1-.Ltmp1, $4  }
0x235: {  	[hbm4b:s11+s3] =	stream.linear.scatter [tilespmem:s13], [sflag:$0x6], $0x280, $0x38;
	[tilespmem:$0x1700] =	vst v63  }
0x236: {  	_ =	swait.ge [sflag:s14], $0x280  }
0x237: {  	[sflag:s14] =	ssyncset.done $0x0  }
0x238: {  	[sflag:s14] =	ssyncadd.s32 $0xFFFFFD80  }
0x239: {  	_ =	sfence.sel $0x180000  }
0x23a: {  	[bflag:$0x0] =	sbarrier.arrive $0xFFFF  }
0x23b: {  	_ =	strace $0x90000047  }
0x23c: {  	s0 =	stileid.u32;
	[bflag:$0x2] =	sbarrier.arrive $0xFFFF  }
0x23d: {  	p0 =	sne.s32 s0, $0x0;
	s0 =	rddreg [dreg:$0x2]  }
0x23e: {  	s0 =	sadd.s32 @!p0 $0x100000, s0  }
0x23f: {  	[sflag:s0] =	ssyncadd.tile.s32 @!p0 $0x1;
	_ =	shalt  }
.Lfunc_end2:
_tile_overlayer_lowered:
.L_overlay_start_2:
0x240: {  	(tag) =	ssettag $0x2  }
0x241: {  	s0 =	rddreg [dreg:$0x0];
	s2 =	stileid.u32  }
0x242: {  	s1 =	rddreg [dreg:$0x1];
	p0 =	sne.s32 s2, $0x0  }
0x243: {  	s3 =	rddreg [dreg:$0x2];
	[bflag:$0x3] =	sbarrier.arrive $0xFFFF;
	s2 =	simm.s32 @!p0 $0x1C06  }
0x244: {  	[timem:s3], [sflag:s2] =	dma.local @!p0 [hbm:s0], s1  }
0x245: {  	s0 =	simm.s32 @!p0 $0x6  }
0x246: {  	_ =	swait.ge @!p0 [sflag:s0], s1  }
0x247: {  	s1 =	ssub.s32 @!p0 $0x0, s1;
	[sflag:s0] =	ssyncset.done @!p0 $0x0  }
0x248: {  	[sflag:s0] =	ssyncadd.s32 @!p0 s1  }
0x249: {  	[bflag:$0x3] =	sbarrier.arrive $0xFFFF  }
0x24a: {  	_ =	shalt  }

// kernel: kernel.9.cloned.1.call-start
scs
__scs_entry_jumppad:
0x0: {  	(pc) =	sbr.rel $0x88, $3  }
0x1: {  	(tag) =	ssettag $0x0;
	lr =	simm.s32 $0x1  }
0x2: {  	[smem:$0x3F9F] =	sst lr;
	_ =	strace $0xD0000000  }
0x3: {  	_ = 	snop  }
0x4: {  	_ = 	snop  }
0x5: {  	_ = 	snop  }
0x6: {  	_ = 	snop  }
0x7: {  	_ = 	snop  }
__scs_overlays_trampoline_lowered:
0x8: {  	[smem:$0x3FAE] =	sst s0  }
0x9: {  	[smem:$0x3FAF] =	sst s1  }
0xa: {  	[smem:$0x3FB0] =	sst s2  }
0xb: {  	[smem:$0x3FB1] =	sst s3  }
0xc: {  	[smem:$0x3FB2] =	sst s4  }
0xd: {  	[smem:$0x3FB3] =	sst s5  }
0xe: {  	[smem:$0x3FB4] =	sst s6  }
0xf: {  	[smem:$0x3FB5] =	sst s7  }
0x10: {  	[smem:$0x3FB6] =	sst s8  }
0x11: {  	[smem:$0x3FB7] =	sst s9;
	s0 =	simm.s32 @!p0 $0x0  }
0x12: {  	s1 =	sld [smem:$0x3F9D];
	s0 =	simm.s32 @p0 $0x1  }
0x13: {  	[smem:$0x3FB8] =	sst s0;
	s0 =	simm.s32 @!p1 $0x0  }
0x14: {  	s2 =	sld [smem:$0x3F9C];
	s0 =	simm.s32 @p1 $0x1  }
0x15: {  	[smem:$0x3FB9] =	sst s0;
	s0 =	simm.s32 @!p2 $0x0  }
0x16: {  	s3 =	sld [smem:$0x3FDB];
	s0 =	simm.s32 @p2 $0x1  }
0x17: {  	s4 =	simm.s32 $0x1BF5;
	[smem:$0x3FBB] =	sst s0  }
0x18: {  	s0 =	sld [smem:$0x3F9E];
	_ =	swait.ge [sflag:s4], $0x0  }
0x19: {  	s7 =	sld [smem:$0x3F9F]  }
0x1a: {  	s8 =	sadd.s32 $0xFFFFE003, lr  }
0x1b: {  	s9 =	sadd.s32 $0xFFFFFEF7, lr;
	s5 =	simm.s32 $0xFFFFFFFF;
	p2 =	slt.u32 s8, $0xFFFFF086  }
0x1c: {  	p1 =	slt.u32 s9, $0xF7A;
	s5 =	simm.s32 @!p2 $0x0  }
0x1d: {  	s5 =	simm.s32 @p1 $0x1;
	p0 =	seq.s32 s7, s2  }
0x1e: {  	s7 =	smul.u32 @!p0 $0xF7A, s2;
	p2 =	seq.s32 @!p0 s5, $0x0  }
0x1f: {  	s9 =	smul.u32 $0xF7A, s1;
	s8 =	simm.s32 @!p0 $0x1BF5;
	p2 =	por !p2, p0  }
0x20: {  	[sflag:s8] =	ssyncset.s32 @!p0 $0xFFFFF086;
	s6 =	sadd.s32 @!p0 s3, s7;
	s7 =	simm.s32 @!p0 $0x108  }
0x21: {  	s3 =	sadd.s32 s3, s9;
	s6 =	sadd.s32 @!p0 $0x88, s6;
	s7 =	simm.s32 @p2 $0x1082  }
0x22: {  	[simem:s7], [sflag:s8] =	dma.local @!p0 [hbm:s6], $0xF7A  }
0x23: {  	s9 =	sor.u32 $0xD0000000, s2;
	s6 =	simm.s32 $0x108;
	_ =	swait.ge @!p0 [sflag:s8], $0x0  }
0x24: {  	s3 =	sadd.s32 $0x88, s3;
	s6 =	simm.s32 @!p1 $0x1082;
	[sflag:s4] =	ssyncset.s32 $0xFFFFF086  }
0x25: {  	[simem:s6], [sflag:s4] =	dma.local [hbm:s3], $0xF7A  }
0x26: {  	[smem:$0x3F9F] =	sst s1;
	(tag) =	ssettag s2;
	_ =	strace s9  }
0x27: {  	s1 =	sld [smem:$0x3FAF]  }
0x28: {  	s2 =	sld [smem:$0x3FB0]  }
0x29: {  	s4 =	sld [smem:$0x3FB2]  }
0x2a: {  	p0 =	seq.s32 s5, $0x0;
	s5 =	sld [smem:$0x3FB3]  }
0x2b: {  	s6 =	sld [smem:$0x3FB4]  }
0x2c: {  	s7 =	sld [smem:$0x3FB5]  }
0x2d: {  	s3 =	simm.s32 $0x108;
	s8 =	sld [smem:$0x3FB6]  }
0x2e: {  	s3 =	simm.s32 @!p0 $0x1082;
	s9 =	sld [smem:$0x3FB7]  }
0x2f: {  	lr =	sadd.s32 s0, s3;
	s0 =	sld [smem:$0x3FAE]  }
0x30: {  	s3 =	sld [smem:$0x3FB1]  }
0x31: {  	[smem:$0x3FBA] =	sst s10  }
0x32: {  	s10 =	sld [smem:$0x3FB8];
	_ =	sdelay $0x3  }
0x33: {  	p0 =	seq.s32 s10, $0x1;
	s10 =	sld [smem:$0x3FBA];
	_ =	sdelay $0x3  }
0x34: {  	[smem:$0x3FBA] =	sst s10  }
0x35: {  	s10 =	sld [smem:$0x3FB9];
	_ =	sdelay $0x3  }
0x36: {  	p1 =	seq.s32 s10, $0x1;
	s10 =	sld [smem:$0x3FBA];
	_ =	sdelay $0x3  }
0x37: {  	[smem:$0x3FBA] =	sst s10  }
0x38: {  	s10 =	sld [smem:$0x3FBB]  }
0x39: {  	_ = 	snop;
	(pc) =	sbr.ind lr, $3  }
0x3a: {  	_ = 	snop  }
0x3b: {  	_ = 	snop  }
0x3c: {  	p2 =	seq.s32 s10, $0x1;
	s10 =	sld [smem:$0x3FBA]  }
0x3d: {  	_ =	shalt  }
0x3e: {  	_ =	shalt  }
0x3f: {  	_ =	shalt  }
0x40: {  	_ =	shalt  }
0x41: {  	_ =	shalt  }
0x42: {  	_ =	shalt  }
0x43: {  	_ =	shalt  }
0x44: {  	_ =	shalt  }
0x45: {  	_ =	shalt  }
0x46: {  	_ =	shalt  }
0x47: {  	_ =	shalt  }
0x48: {  	_ =	shalt  }
0x49: {  	_ =	shalt  }
0x4a: {  	_ =	shalt  }
0x4b: {  	_ =	shalt  }
0x4c: {  	_ =	shalt  }
0x4d: {  	_ =	shalt  }
0x4e: {  	_ =	shalt  }
0x4f: {  	_ =	shalt  }
0x50: {  	_ =	shalt  }
0x51: {  	_ =	shalt  }
0x52: {  	_ =	shalt  }
0x53: {  	_ =	shalt  }
0x54: {  	_ =	shalt  }
0x55: {  	_ =	shalt  }
0x56: {  	_ =	shalt  }
0x57: {  	_ =	shalt  }
0x58: {  	_ =	shalt  }
0x59: {  	_ =	shalt  }
0x5a: {  	_ =	shalt  }
0x5b: {  	_ =	shalt  }
0x5c: {  	_ =	shalt  }
0x5d: {  	_ =	shalt  }
0x5e: {  	_ =	shalt  }
0x5f: {  	_ =	shalt  }
0x60: {  	_ =	shalt  }
0x61: {  	_ =	shalt  }
0x62: {  	_ =	shalt  }
0x63: {  	_ =	shalt  }
0x64: {  	_ =	shalt  }
0x65: {  	_ =	shalt  }
0x66: {  	_ =	shalt  }
0x67: {  	_ =	shalt  }
0x68: {  	_ =	shalt  }
0x69: {  	_ =	shalt  }
0x6a: {  	_ =	shalt  }
0x6b: {  	_ =	shalt  }
0x6c: {  	_ =	shalt  }
0x6d: {  	_ =	shalt  }
0x6e: {  	_ =	shalt  }
0x6f: {  	_ =	shalt  }
0x70: {  	_ =	shalt  }
0x71: {  	_ =	shalt  }
0x72: {  	_ =	shalt  }
0x73: {  	_ =	shalt  }
0x74: {  	_ =	shalt  }
0x75: {  	_ =	shalt  }
0x76: {  	_ =	shalt  }
0x77: {  	_ =	shalt  }
0x78: {  	_ =	shalt  }
0x79: {  	_ =	shalt  }
0x7a: {  	_ =	shalt  }
0x7b: {  	_ =	shalt  }
0x7c: {  	_ =	shalt  }
0x7d: {  	_ =	shalt  }
0x7e: {  	_ =	shalt  }
0x7f: {  	_ =	shalt  }
0x80: {  	_ =	shalt  }
0x81: {  	_ =	shalt  }
0x82: {  	_ =	shalt  }
0x83: {  	_ =	shalt  }
0x84: {  	_ =	shalt  }
0x85: {  	_ =	shalt  }
0x86: {  	_ =	shalt  }
0x87: {  	_ =	shalt  }
.Lfunc_end0:
.L_simem_size_0:
called_computation.1_lowered:
.L_overlay_start_0:
0x88: {  	s2 =	sld [smem:$0x3FD9]  }
0x89: {  	s3 =	sld [smem:$0x3FFE];
	_ =	sdelay $0x1  }
0x8a: {  	s1 =	srdreg.scid  }
0x8b: {  	s0 =	sand.u32 $0x1, s1  }
0x8c: {  	s17 =	sshll.u32 s0, $0xA;
	s2 =	sadd.s32 s3, s2  }
0x8d: {  	s2 =	sadd.s32 s2, s17  }
0x8e: {  	[smem:$0x3FC6] =	sst s2  }
0x8f: {  	_ = 	snop  }
0x90: {  	s2 =	sld [smem:$0x3FD0];
	(tm) =	ssettm $0x1  }
0x91: {  	s18 =	sld [smem:$0x3FFB];
	_ =	sdelay $0x3  }
0x92: {  	_ =	strace s18  }
0x93: {  	s3 =	sld [smem:$0x3FFC];
	_ =	sdelay $0x3  }
0x94: {  	_ =	strace s3  }
0x95: {  	s3 =	sld [smem:$0x3FFD];
	_ =	sdelay $0x3  }
0x96: {  	_ =	strace s3  }
0x97: {  	_ =	strace $0x8FFFFFFF  }
0x98: {  	s19 =	sld [smem:$0x3FDB];
	_ =	sdelay $0x1  }
0x99: {  	s4 =	simm.s32 $_scs_section_size  }
0x9a: {  	s5 =	simm.s32 $_size__tile_overlayer_lowered;
	s6 =	simm.s32 $_tile_overlayer_lowered  }
0x9b: {  	s22 =	simm.s32 $0x1BFF;
	s21 =	sshll.u32 s6, $0x1;
	s3 =	sadd.s32 s4, s19  }
0x9c: {  	s7 =	simm.s32 $0x0;
	s20 =	sshll.u32 s5, $0x1;
	s5 =	sadd.s32 s21, s3  }
0x9d: {  	[timem:s7], [sflag:s22] =	dma.local [hbm:s5], s20  }
0x9e: {  	_ =	swait.ge [sflag:s22], s20  }
0x9f: {  	s4 =	ssub.s32 $0x0, s20;
	[sflag:s22] =	ssyncset.done $0x0  }
0xa0: {  	[sflag:s22] =	ssyncadd.s32 s4;
	_ =	sdelay $0x1  }
0xa1: {  	s23 =	simm.s32 $0x1B8B  }
0xa2: {  	_ =	swait.ge [sflag:s23], $0x1  }
0xa3: {  	[sflag:s23] =	ssyncset.done $0x0  }
0xa4: {  	s25 =	simm.s32 $0x1B8E;
	s24 =	sld [smem:$0x3FFE];
	[sflag:s23] =	ssyncadd.s32 $0xFFFFFFFF  }
0xa5: {  	s26 =	simm.s32 $execute0_lowered;
	[smem:$0x3FD2] =	sst s25  }
0xa6: {  	s5 =	sshll.u32 s26, $0x1;
	_ =	strace $0x80000049;
	[dreg:$0x1] =	wrdreg $0xFFFFFFFF  }
0xa7: {  	s28 =	simm.s32 $_size_execute0_lowered;
	s3 =	sadd.s32 s3, s5;
	[dreg:$0x0] =	wrdreg $0x0  }
0xa8: {  	s5 =	sshll.u32 s28, $0x1;
	[dreg:$0x2] =	wrdreg s3  }
0xa9: {  	[dreg:$0x3] =	wrdreg s5  }
0xaa: {  	[dreg:$0x4] =	wrdreg $0xC0  }
0xab: {  	_ =	task [dreg:s7], $0x5FFFF  }
0xac: {  	[dreg:$0x1] =	wrdreg $0xFFFFFFFF  }
0xad: {  	[dreg:$0x0] =	wrdreg $0x60  }
0xae: {  	[dreg:$0x2] =	wrdreg s24  }
0xaf: {  	[dreg:$0x3] =	wrdreg s2  }
0xb0: {  	[dreg:$0x4] =	wrdreg $0x90000  }
0xb1: {  	[dreg:$0x5] =	wrdreg $0x9  }
0xb2: {  	_ =	task.clear_ibuf [dreg:s7], $0x6FFFF;
	_ =	strace $0x90000049  }
0xb3: {  	s29 =	simm.s32 $0x9;
	_ =	strace $0x8000004B  }
0xb4: {  	_ =	swait.ge [sflag:s29], $0x1  }
0xb5: {  	[sflag:s29] =	ssyncadd.s32 $0xFFFFFFFF  }
0xb6: {  	_ =	strace $0x9000004B  }
0xb7: {  	_ =	sfence  }
0xb8: {  	s30 =	sld [smem:$0x0];
	_ =	sdelay $0x2  }
0xb9: {  	s31 =	sshll.u32 s1, $0xD;
	s1 =	sshrl.u32 s1, $0x2  }
0xba: {  	s3 =	sand.u32 $0x4000, s31;
	s1 =	sadd.s32 s1, s30  }
0xbb: {  	s0 =	sor.u32 s3, s0;
	s1 =	sshll.u32 s1, $0x11  }
0xbc: {  	s0 =	sor.u32 s1, s0  }
0xbd: {  	s0 =	sadd.s32 $0x8F2B, s0  }
0xbe: {  	[sflag:s0] =	ssyncadd.remote.s32 $0x1  }
0xbf: {  	_ =	sfence.sel $0xFFFF  }
0xc0: {  	[dreg:$0x0] =	wrdreg $0xFFFFFFFF;
	(pc) =	sbr.abs _section_cstart, $3  }
0xc1: {  	[dreg:$0x1] =	wrdreg $0xFFFFFFFF  }
0xc2: {  	_ =	task.clear_ibuf [dreg:s7], $0x2FFFF;
	_ =	strace $0x9FFFFFFF  }
0xc3: {  	(tm) =	ssettm $0x7FFFFFFF  }
tec
execute0_lowered:
.L_overlay_start_1:
0x0: {  	(tag) =	ssettag $0x1  }
0x1: {  	s0 =	rddreg [dreg:$0x0]  }
0x2: {  	s1 =	rddreg [dreg:$0x1];
	s14 =	stileid.u32  }
0x3: {  	s3 =	srdreg.scid;
	s2 =	rddreg [dreg:$0x2];
	s16 =	simm.s32 $0xA  }
0x4: {  	s28 =	simm.s32 $0x2;
	s29 =	simm.s32 $0x5;
	s5 =	smul.u32 $0xA00, s14  }
0x5: {  	s30 =	simm.s32 $0x3;
	s31 =	simm.s32 $0x6;
	s8 =	smul.u32 $0x280, s14  }
0x6: {  	s6 =	sand.u32 $0x1, s3;
	s3 =	simm.s32 $0x0;
	s10 =	smul.u32 $0x50000, s14  }
0x7: {  	s4 =	sadd.s32 $0x15C00, s0;
	s18 =	smul.u32 $0x14, s14;
	s20 =	sshll.u32 s14, $0x6  }
0x8: {  	s7 =	smul.u32 $0x2800, s6;
	[smem:$0x7FF] =	sst s3;
	s17 =	sshll.u32 s6, $0x4  }
0x9: {  	s6 =	ssub.s32 $0x2, s6;
	_ =	strace $0x8000004A;
	s9 =	sadd.s32 s5, s0  }
0xa: {  	s13 =	sshrl.u32 s6, $0x1;
	s10 =	sshrl.u32 s10, $0x2;
	[dreg:$0x5] =	wrdreg s18  }
0xb: {  	s18 =	simm.s32 $0x0;
	s7 =	sadd.s32 s8, s7;
	s8 =	sor.u32 s14, s17  }
0xc: {  	s15 =	sadd.s32 s10, s2;
	s22 =	sadd.s32 $0xBC00, s9;
	s10 =	sadd.s32 $0xBC80, s0  }
0xd: {  	s13 =	ssub.s32 s6, s13;
	[dreg:$0x8] =	wrdreg s22;
	s24 =	sadd.s32 s5, s10  }
0xe: {  	s7 =	sshll.u32 s7, $0x4;
	s26 =	smax.u32 s13, $0x1;
	[dreg:$0xa] =	wrdreg s24  }
0xf: {  	s12 =	smul.u32 $0x14, s8;
	s5 =	sshrl.u32 s15, $0x3;
	[dreg:$0xc] =	wrdreg s26  }
0x10: {  	s8 =	smul.u32 $0xA00, s8;
	s19 =	sadd.s32 s4, s7;
	[dreg:$0xd] =	wrdreg s5  }
0x11: {  	s6 =	sor.u32 $0x1C0A, s20;
	s9 =	sadd.s32 $0x80, s1;
	[dreg:$0x6] =	wrdreg s19  }
0x12: {  	s20 =	simm.s32 $0x40;
	[dreg:$0x4] =	wrdreg s12;
	s21 =	sadd.s32 s1, s8  }
0x13: {  	s11 =	sadd.s32 s7, s0;
	s23 =	sadd.s32 s8, s9;
	[dreg:$0x7] =	wrdreg s21  }
0x14: {  	s24 =	simm.s32 $0x5000;
	s25 =	sadd.s32 $0x65C00, s11;
	[dreg:$0x9] =	wrdreg s23  }
0x15: {  	s26 =	simm.s32 $0x7000;
	s1 =	simm.s32 $0x4;
	[dreg:$0xb] =	wrdreg s25  }
0x16: {  	s21 =	simm.s32 $0x1000;
	s23 =	simm.s32 $0x3000;
	s25 =	simm.s32 $0x1  }
.LBB2_1:
0x17: {  	s0 =	rddreg [dreg:$0x6]  }
0x18: {  	[spmem:s5], [sflag:s6] =	dma.local [hbm:s0], $0x2800  }
0x19: {  	_ =	swait.ge [sflag:s16], $0x2800  }
0x1a: {  	[sflag:s16] =	ssyncset.done $0x0  }
0x1b: {  	[sflag:s16] =	ssyncadd.s32 $0xFFFFD800  }
0x1c: {  	[bflag:$0x0] =	sbarrier.arrive $0xFFFF  }
0x1d: {  	s8 =	rddreg [dreg:$0x7]  }
0x1e: {  	[tilespmem:s3], [sflag:$0xA] =	stream.linear.gather [hbm4b:s8+s3], $0x400, $0x38;
	[tilespmem:$0x1D000] =	vst v63  }
0x1f: {  	_ =	swait.ge [sflag:s16], $0x400  }
0x20: {  	[sflag:s16] =	ssyncset.done $0x0  }
0x21: {  	s12 =	simm.s32 $0x800;
	s11 =	rddreg [dreg:$0x8];
	[sflag:s16] =	ssyncadd.s32 $0xFFFFFC00  }
0x22: {  	[tilespmem:s12], [sflag:$0xA] =	stream.linear.gather [hbm4b:s11+s3], $0x400, $0x38;
	[tilespmem:$0x1D000] =	vst v63  }
0x23: {  	_ =	swait.ge [sflag:s16], $0x400  }
0x24: {  	[sflag:s16] =	ssyncset.done $0x0  }
0x25: {  	s14 =	simm.s32 $0x400;
	s13 =	rddreg [dreg:$0x9];
	[sflag:s16] =	ssyncadd.s32 $0xFFFFFC00  }
0x26: {  	[tilespmem:s14], [sflag:$0x9] =	stream.linear.gather [hbm4b:s13+s3], $0x400, $0x38;
	[tilespmem:$0x1D000] =	vst v63  }
0x27: {  	s19 =	simm.s32 $0xC00;
	s17 =	rddreg [dreg:$0xa]  }
0x28: {  	[tilespmem:s19], [sflag:$0x9] =	stream.linear.gather [hbm4b:s17+s3], $0x400, $0x38;
	[tilespmem:$0x1D000] =	vst v63  }
0x29: {  	p0 =	por $0x1, $0x1  }
0x2a: {  	[tilespmem:s21], [sflag:$0x1] =	stream.indirect.gather [hbm4b:s4+s20], $0x80, s3, s20, $0xb8;
	[tilespmem:$0x1D000] =	vst v63  }
0x2b: {  	s22 =	simm.s32 $0x80;
	s5 =	simm.s32 @!p0 $0x7  }
0x2c: {  	[tilespmem:s23], [sflag:$0x2] =	stream.indirect.gather [hbm4b:s4+s20], $0x80, s22, s20, $0xb8;
	[tilespmem:$0x1D000] =	vst v63  }
0x2d: {  	s7 =	simm.s32 $0x0;
	s8 =	simm.s32 $0x100;
	_ =	swait.ge @!p0 [sflag:s5], $0x2000  }
0x2e: {  	s8 =	sand.u32 $0x300, s8;
	s11 =	sand.u32 $0x400, s7;
	[sflag:s5] =	ssyncset.done @!p0 $0x0  }
0x2f: {  	s8 =	sor.u32 s8, s11;
	[sflag:s5] =	ssyncadd.s32 @!p0 $0xFFFFE000  }
0x30: {  	[tilespmem:s24], [sflag:$0x3] =	stream.indirect.gather [hbm4b:s4+s20], $0x80, s8, s20, $0xb8;
	[tilespmem:$0x1D000] =	vst v63  }
0x31: {  	s15 =	smov.u32 s6;
	_ =	swait.ge [sflag:s25], $0x2000  }
0x32: {  	s7 =	sand.u32 $0x200, s7;
	s0 =	sor.u32 $0x800, s11;
	[sflag:s25] =	ssyncset.done $0x0  }
0x33: {  	s12 =	simm.s32 @!p0 $0x8;
	s6 =	sor.u32 s7, s0;
	[sflag:s25] =	ssyncadd.s32 $0xFFFFE000  }
0x34: {  	[spmem:s2] =	stream.indirect.scatter.add.f32 [tilespmem:s21], [sflag:$0x5], $0x80, s6, s20, $0xb8;
	[tilespmem:$0x1D000] =	vst v63  }
0x35: {  	_ =	swait.ge @!p0 [sflag:s12], $0x2000  }
0x36: {  	p1 =	por $0x0, $0x0;
	s7 =	sor.u32 $0x180, s7;
	[sflag:s12] =	ssyncset.done @!p0 $0x0  }
0x37: {  	s11 =	sadd.s32 s7, s11;
	s13 =	sand.u32 $0x6, s28;
	[sflag:s12] =	ssyncadd.s32 @!p0 $0xFFFFE000  }
0x38: {  	[tilespmem:s26], [sflag:$0x4] =	stream.indirect.gather [hbm4b:s4+s20], $0x80, s11, s20, $0xb8;
	[tilespmem:$0x1D000] =	vst v63  }
0x39: {  	p0 =	sne.s32 @!p1 s13, $0x6;
	_ =	swait.ge [sflag:s28], $0x2000  }
0x3a: {  	p0 =	por p0, p1;
	[sflag:s28] =	ssyncset.done $0x0  }
0x3b: {  	s8 =	sadd.s32 $0x80, s6;
	s11 =	simm.s32 @!p0 $0x9;
	[sflag:s28] =	ssyncadd.s32 $0xFFFFE000  }
0x3c: {  	[spmem:s2] =	stream.indirect.scatter.add.f32 [tilespmem:s23], [sflag:$0x6], $0x80, s8, s20, $0xb8;
	[tilespmem:$0x1D000] =	vst v63  }
0x3d: {  	_ =	swait.ge @!p0 [sflag:s11], $0x400  }
0x3e: {  	[sflag:s11] =	ssyncset.done @!p0 $0x0  }
0x3f: {  	s14 =	simm.s32 $0x0;
	s19 =	sadd.s32 s7, s0;
	[sflag:s11] =	ssyncadd.s32 @!p0 $0xFFFFFC00  }
0x40: {  	s17 =	sshll.u32 s13, $0x7;
	s5 =	sand.u32 $0x1, s14;
	_ =	swait.ge @!p0 [sflag:s11], $0x400  }
0x41: {  	s22 =	sshll.u32 s5, $0xA;
	p1 =	por $0x0, $0x0;
	[sflag:s11] =	ssyncset.done @!p0 $0x0  }
0x42: {  	s12 =	simm.s32 @!p1 $0x1000;
	[sflag:s11] =	ssyncadd.s32 @!p0 $0xFFFFFC00;
	p0 =	por $0x1, $0x1  }
0x43: {  	s8 =	simm.s32 @!p1 $0x200;
	_ =	swait.ge [sflag:s29], $0x2000;
	p2 =	sne.s32 @!p0 s13, $0x2  }
0x44: {  	s8 =	sand.u32 @!p1 $0x600, s8;
	[sflag:s29] =	ssyncset.done $0x0;
	p0 =	por p2, p0  }
0x45: {  	s11 =	simm.s32 @!p1 $0x40;
	[sflag:s29] =	ssyncadd.s32 $0xFFFFE000;
	s5 =	sshll.u32 @!p0 s5, $0xA  }
0x46: {  	[tilespmem:s12], [sflag:$0x1] =	stream.indirect.gather @!p1 [hbm4b:s4+s11], $0x80, s8, s11, $0xb8;
	[tilespmem:$0x1D000] =	vst v63  }
0x47: {  	s8 =	sor.u32 s17, s22;
	s12 =	simm.s32 $0x280;
	_ =	swait.ge [sflag:s30], $0x2000  }
0x48: {  	s5 =	sxor.u32 @!p0 $0x400, s5;
	s8 =	sor.u32 $0x800, s8;
	s7 =	rddreg [dreg:$0x4]  }
0x49: {  	s13 =	rddreg [dreg:$0x5];
	[sflag:s30] =	ssyncset.done $0x0;
	s7 =	sadd.s32 @!p0 $0x0, s7  }
0x4a: {  	[sflag:s30] =	ssyncadd.s32 $0xFFFFE000;
	s13 =	sadd.s32 @!p0 $0x0, s13;
	s7 =	sshll.u32 @!p0 s7, $0x7  }
0x4b: {  	[spmem:s2] =	stream.indirect.scatter.add.f32 [tilespmem:s24], [sflag:$0x7], $0x80, s8, s20, $0xb8;
	[tilespmem:$0x1D000] =	vst v63  }
0x4c: {  	s8 =	simm.s32 @!p0 $0x0;
	s13 =	sshll.u32 @!p0 s13, $0x7;
	s7 =	sadd.s32 @!p0 s7, s9  }
0x4d: {  	[tilespmem:s5], [sflag:$0x9] =	stream.linear.gather @!p0 [hbm4b:s7+s8], $0x400, $0x38;
	[tilespmem:$0x1D000] =	vst v63  }
0x4e: {  	s22 =	simm.s32 $0x480;
	s5 =	sor.u32 @!p0 $0x800, s5;
	s7 =	sadd.s32 @!p0 s13, s10  }
0x4f: {  	[tilespmem:s5], [sflag:$0x9] =	stream.linear.gather @!p0 [hbm4b:s7+s8], $0x400, $0x38;
	[tilespmem:$0x1D000] =	vst v63  }
0x50: {  	s12 =	sand.u32 @!p1 $0x680, s12;
	s13 =	simm.s32 @!p1 $0x3000;
	_ =	swait.ge [sflag:s31], $0x2000  }
0x51: {  	s5 =	simm.s32 $0x6;
	s7 =	simm.s32 $0x1;
	[sflag:s31] =	ssyncset.done $0x0  }
.LBB2_2:
0x52: {  	[sflag:s31] =	ssyncadd.s32 $0xFFFFE000  }
0x53: {  	[tilespmem:s13], [sflag:$0x2] =	stream.indirect.gather @!p1 [hbm4b:s4+s11], $0x80, s12, s11, $0xb8;
	[tilespmem:$0x1D000] =	vst v63  }
0x54: {  	_ =	swait.ge [sflag:s1], $0x2000  }
0x55: {  	p2 =	seq.s32 s22, $0x280;
	[sflag:s1] =	ssyncset.done $0x0  }
0x56: {  	s8 =	smov.u32 s22;
	s11 =	simm.s32 @!p2 $0x7;
	[sflag:s1] =	ssyncadd.s32 $0xFFFFE000  }
0x57: {  	[spmem:s2] =	stream.indirect.scatter.add.f32 [tilespmem:s26], [sflag:$0x8], $0x80, s19, s20, $0xb8;
	[tilespmem:$0x1D000] =	vst v63  }
0x58: {  	s0 =	sadd.s32 $0xFFFFFD80, s8;
	s6 =	sadd.s32 $0xFFFFFE80, s8;
	_ =	swait.ge @!p2 [sflag:s11], $0x2000  }
0x59: {  	s14 =	sand.u32 $0x400, s0;
	s13 =	sand.u32 $0x300, s6;
	[sflag:s11] =	ssyncset.done @!p2 $0x0  }
0x5a: {  	s0 =	sand.u32 $0x200, s0;
	s13 =	sor.u32 s13, s14;
	[sflag:s11] =	ssyncadd.s32 @!p2 $0xFFFFE000  }
0x5b: {  	[tilespmem:s24], [sflag:$0x3] =	stream.indirect.gather [hbm4b:s4+s20], $0x80, s13, s20, $0xb8;
	[tilespmem:$0x1D000] =	vst v63  }
0x5c: {  	s17 =	sor.u32 $0x800, s14;
	s11 =	sor.u32 $0x180, s0;
	_ =	swait.ge [sflag:s25], $0x2000  }
0x5d: {  	s6 =	sor.u32 s0, s17;
	s14 =	sadd.s32 s11, s14;
	[sflag:s25] =	ssyncset.done $0x0  }
0x5e: {  	s19 =	sadd.s32 s11, s17;
	s11 =	simm.s32 @!p2 $0x8;
	[sflag:s25] =	ssyncadd.s32 $0xFFFFE000  }
0x5f: {  	[spmem:s2] =	stream.indirect.scatter.add.f32 [tilespmem:s21], [sflag:$0x5], $0x80, s6, s20, $0xb8;
	[tilespmem:$0x1D000] =	vst v63  }
0x60: {  	_ =	swait.ge @!p2 [sflag:s11], $0x2000  }
0x61: {  	p1 =	sgt.u32 s7, $0x25;
	s0 =	sand.u32 $0x6, s5;
	[sflag:s11] =	ssyncset.done @!p2 $0x0  }
0x62: {  	p3 =	sne.s32 @!p1 s0, $0x6;
	[sflag:s11] =	ssyncadd.s32 @!p2 $0xFFFFE000  }
0x63: {  	[tilespmem:s26], [sflag:$0x4] =	stream.indirect.gather [hbm4b:s4+s20], $0x80, s14, s20, $0xb8;
	[tilespmem:$0x1D000] =	vst v63  }
0x64: {  	s12 =	sshrl.u32 s7, $0x1;
	p1 =	por p3, p1;
	_ =	swait.ge [sflag:s28], $0x2000  }
0x65: {  	s17 =	sadd.s32 $0xFFFFFFFF, s12;
	s13 =	simm.s32 @!p1 $0x9;
	[sflag:s28] =	ssyncset.done $0x0  }
0x66: {  	p2 =	sgt.u32 s17, $0x11;
	s17 =	sadd.s32 $0x80, s6;
	[sflag:s28] =	ssyncadd.s32 $0xFFFFE000  }
0x67: {  	[spmem:s2] =	stream.indirect.scatter.add.f32 [tilespmem:s23], [sflag:$0x6], $0x80, s17, s20, $0xb8;
	[tilespmem:$0x1D000] =	vst v63  }
0x68: {  	_ =	swait.ge @!p1 [sflag:s13], $0x400  }
0x69: {  	[sflag:s13] =	ssyncset.done @!p1 $0x0  }
0x6a: {  	[sflag:s13] =	ssyncadd.s32 @!p1 $0xFFFFFC00  }
0x6b: {  	_ =	swait.ge @!p1 [sflag:s13], $0x400  }
0x6c: {  	s22 =	sadd.s32 $0x200, s22;
	[sflag:s13] =	ssyncset.done @!p1 $0x0  }
0x6d: {  	p0 =	sne.s32 s22, $0x5280;
	[sflag:s13] =	ssyncadd.s32 @!p1 $0xFFFFFC00  }
0x6e: {  	p3 =	sne.s32 @!p2 s0, $0x2;
	p1 =	seq.s32 s8, $0x5080;
	_ =	swait.ge [sflag:s29], $0x2000  }
0x6f: {  	s11 =	sadd.s32 @!p1 $0xFFFFFF80, s8;
	s13 =	simm.s32 @!p1 $0x1000;
	[sflag:s29] =	ssyncset.done $0x0  }
0x70: {  	s14 =	sand.u32 @!p1 $0x600, s11;
	s11 =	simm.s32 @!p1 $0x40;
	[sflag:s29] =	ssyncadd.s32 $0xFFFFE000  }
0x71: {  	[tilespmem:s13], [sflag:$0x1] =	stream.indirect.gather @!p1 [hbm4b:s4+s11], $0x80, s14, s11, $0xb8;
	[tilespmem:$0x1D000] =	vst v63  }
0x72: {  	p2 =	por p3, p2;
	s14 =	sand.u32 $0x1, s12;
	_ =	swait.ge [sflag:s30], $0x2000  }
0x73: {  	s0 =	sshll.u32 s0, $0x7;
	s17 =	sshll.u32 @!p2 s14, $0xA;
	s13 =	rddreg [dreg:$0x4]  }
0x74: {  	s14 =	sshll.u32 s14, $0xA;
	[sflag:s30] =	ssyncset.done $0x0;
	s6 =	rddreg [dreg:$0x5]  }
0x75: {  	s0 =	sor.u32 s0, s14;
	s14 =	sxor.u32 @!p2 $0x400, s17;
	s13 =	sadd.s32 @!p2 s13, s12  }
0x76: {  	[sflag:s30] =	ssyncadd.s32 $0xFFFFE000;
	s0 =	sor.u32 $0x800, s0;
	s13 =	sshll.u32 @!p2 s13, $0x7  }
0x77: {  	[spmem:s2] =	stream.indirect.scatter.add.f32 [tilespmem:s24], [sflag:$0x7], $0x80, s0, s20, $0xb8;
	[tilespmem:$0x1D000] =	vst v63  }
0x78: {  	s6 =	sadd.s32 @!p2 s6, s12;
	s12 =	simm.s32 @!p2 $0x0;
	s0 =	sadd.s32 @!p2 s13, s9  }
0x79: {  	[tilespmem:s14], [sflag:$0x9] =	stream.linear.gather @!p2 [hbm4b:s0+s12], $0x400, $0x38;
	[tilespmem:$0x1D000] =	vst v63  }
.Ltmp0:
0x7a: {  	s6 =	sshll.u32 @!p2 s6, $0x7;
	(pc) =	sbr.rel @p0 .LBB2_2-.Ltmp0, $4  }
0x7b: {  	s6 =	sadd.s32 @!p2 s6, s10;
	s0 =	sor.u32 @!p2 $0x800, s14  }
0x7c: {  	[tilespmem:s0], [sflag:$0x9] =	stream.linear.gather @!p2 [hbm4b:s6+s12], $0x400, $0x38;
	[tilespmem:$0x1D000] =	vst v63  }
0x7d: {  	s7 =	sadd.s32 $0x1, s7;
	s5 =	sadd.s32 $0x4, s5;
	_ =	swait.ge [sflag:s31], $0x2000  }
0x7e: {  	s13 =	simm.s32 @!p1 $0x3000;
	s12 =	sand.u32 @!p1 $0x680, s8;
	[sflag:s31] =	ssyncset.done $0x0  }
0x7f: {  	[sflag:s31] =	ssyncadd.s32 $0xFFFFE000  }
0x80: {  	[tilespmem:s13], [sflag:$0x2] =	stream.indirect.gather @!p1 [hbm4b:s4+s11], $0x80, s12, s11, $0xb8;
	[tilespmem:$0x1D000] =	vst v63  }
0x81: {  	_ =	swait.ge [sflag:s1], $0x2000  }
0x82: {  	[sflag:s1] =	ssyncset.done $0x0  }
0x83: {  	s0 =	simm.s32 $0x7;
	[sflag:s1] =	ssyncadd.s32 $0xFFFFE000  }
0x84: {  	[spmem:s2] =	stream.indirect.scatter.add.f32 [tilespmem:s26], [sflag:$0x8], $0x80, s19, s20, $0xb8;
	[tilespmem:$0x1D000] =	vst v63  }
0x85: {  	_ =	swait.ge [sflag:s0], $0x2000  }
0x86: {  	[sflag:s0] =	ssyncset.done $0x0  }
0x87: {  	s17 =	simm.s32 $0x8;
	[sflag:s0] =	ssyncadd.s32 $0xFFFFE000  }
0x88: {  	_ =	swait.ge [sflag:s17], $0x2000  }
0x89: {  	[sflag:s17] =	ssyncset.done $0x0  }
0x8a: {  	[sflag:s17] =	ssyncadd.s32 $0xFFFFE000  }
0x8b: {  	[bflag:$0x0] =	sbarrier.arrive $0xFFFF  }
0x8c: {  	s19 =	rddreg [dreg:$0xb]  }
0x8d: {  	s5 =	rddreg [dreg:$0xd]  }
0x8e: {  	[hbm:s19], [sflag:s15] =	dma.local [spmem:s5], $0x2800  }
0x8f: {  	_ =	swait.ge [sflag:s16], $0x2800  }
0x90: {  	s18 =	sadd.s32 $0x1, s18;
	s22 =	rddreg [dreg:$0xc]  }
0x91: {  	p0 =	sne.s32 s18, s22  }
.Ltmp1:
0x92: {  	_ = 	snop;
	(pc) =	sbr.rel @p0 .LBB2_1-.Ltmp1, $3  }
0x93: {  	_ =	sdelay $0x1  }
0x94: {  	[sflag:s16] =	ssyncset.done $0x0  }
0x95: {  	s6 =	smov.u32 s15;
	[sflag:s16] =	ssyncadd.s32 $0xFFFFD800  }
0x96: {  	_ =	sfence.sel $0x180000  }
0x97: {  	[bflag:$0x0] =	sbarrier.arrive $0xFFFF  }
0x98: {  	_ =	strace $0x9000004A  }
0x99: {  	s0 =	stileid.u32;
	[bflag:$0x2] =	sbarrier.arrive $0xFFFF  }
0x9a: {  	p0 =	sne.s32 s0, $0x0;
	s0 =	rddreg [dreg:$0x3]  }
0x9b: {  	s0 =	sadd.s32 @!p0 $0x100000, s0  }
0x9c: {  	[sflag:s0] =	ssyncadd.tile.s32 @!p0 $0x1;
	_ =	shalt  }
.Lfunc_end2:
_tile_overlayer_lowered:
.L_overlay_start_2:
0x9d: {  	(tag) =	ssettag $0x2  }
0x9e: {  	s0 =	rddreg [dreg:$0x0];
	s2 =	stileid.u32  }
0x9f: {  	s1 =	rddreg [dreg:$0x1];
	p0 =	sne.s32 s2, $0x0  }
0xa0: {  	s3 =	rddreg [dreg:$0x2];
	[bflag:$0x3] =	sbarrier.arrive $0xFFFF;
	s2 =	simm.s32 @!p0 $0x1C0A  }
0xa1: {  	[timem:s3], [sflag:s2] =	dma.local @!p0 [hbm:s0], s1  }
0xa2: {  	s0 =	simm.s32 @!p0 $0xA  }
0xa3: {  	_ =	swait.ge @!p0 [sflag:s0], s1  }
0xa4: {  	s1 =	ssub.s32 @!p0 $0x0, s1;
	[sflag:s0] =	ssyncset.done @!p0 $0x0  }
0xa5: {  	[sflag:s0] =	ssyncadd.s32 @!p0 s1  }
0xa6: {  	[bflag:$0x3] =	sbarrier.arrive $0xFFFF  }
0xa7: {  	_ =	shalt  }

</sc_bundles>
